<compile_context>
chip_gen: v7x
topology: tpu7x:2x2x1
jax: 0.10.2.dev20260603
libtpu: 0.0.44.dev20260713+nightly
codegen_flags: <defaults>
</compile_context>

<pallas_src>
import functools

import jax
import jax.numpy as jnp
import numpy as np
from jax import lax
from jax.experimental import pallas as pl
from jax.experimental.pallas import tpu as pltpu
from jax.experimental.pallas import tpu_sc as plsc

B = 50
NPS = 500
N = B * NPS
HID = 128
A = 20
NSPLIT = 13000
NACC = 13056
RPT = NACC // 16
TRASH = NACC - NSPLIT
CH = 96
SUPC = 8
CPT = 416
NSUP = CPT // SUPC
NCHUNK = 16 * CPT
E2 = NCHUNK * CH
E_REAL = 2 * 300000 + N

_mesh = plsc.VectorSubcoreMesh(core_axis_name="c", subcore_axis_name="s")



def _sc_agg_body(h_hbm, srcs, dsts, zeros, out, src_v, dst_v, rows_v, acc,
                 sem0, sem1):
    c = lax.axis_index("c")
    s = lax.axis_index("s")
    rowbase = s * RPT
    pltpu.sync_copy(zeros.at[pl.ds(rowbase, RPT)], acc.at[pl.ds(rowbase, RPT)])
    plsc.subcore_barrier()
    chunk_base = s * CPT

    def super_step(g, carry):
        pltpu.sync_copy(srcs.at[pl.ds(chunk_base + g * SUPC, SUPC)], src_v)
        pltpu.sync_copy(dsts.at[c, pl.ds(chunk_base + g * SUPC, SUPC)], dst_v)
        sems = (sem0, sem1)
        cps = [pltpu.make_async_copy(h_hbm.at[src_v.at[j]],
                                     rows_v.at[j % 2], sems[j % 2])
               for j in range(SUPC)]
        cps[0].start()
        for j in range(SUPC):
            if j + 1 < SUPC:
                cps[j + 1].start()
            cps[j].wait()
            pltpu.sync_copy(rows_v.at[j % 2], acc.at[dst_v.at[j]], add=True)
        return carry

    lax.fori_loop(0, NSUP, super_step, 0)
    plsc.subcore_barrier()
    pltpu.sync_copy(acc.at[pl.ds(rowbase, RPT)], out.at[c, pl.ds(rowbase, RPT)])


_sc_agg = pl.kernel(
    _sc_agg_body,
    out_type=jax.ShapeDtypeStruct((2, NACC, HID), jnp.int32),
    mesh=_mesh,
    scratch_types=[
        pltpu.VMEM((SUPC, CH), jnp.int32),
        pltpu.VMEM((SUPC, CH), jnp.int32),
        pltpu.VMEM((2, CH, HID), jnp.int32),
        pltpu.VMEM_SHARED((NACC, HID), jnp.int32),
        pltpu.SemaphoreType.DMA,
        pltpu.SemaphoreType.DMA,
    ],
)



R = 1000
NB = N // R
NB0 = NSPLIT // R


def _half_map(i):
    h = i // NB0
    return (h, i - NB0 * h, 0)


def _tc_a_body(h_ref, agg_ref, rec_ref, w1_ref, b1_ref, z_ref, ps_ref, pq_ref):
    h = h_ref[...]
    a = agg_ref[0].astype(jnp.float32)
    rec = rec_ref[0, :, 0:1]
    z = jnp.dot(h + a * rec, w1_ref[...], preferred_element_type=jnp.float32)
    z = z + b1_ref[...]
    z_ref[...] = z
    ps_ref[0, 0, :] = jnp.sum(z, axis=0)
    pq_ref[0, 0, :] = jnp.sum(z * z, axis=0)


def _tc_a(h, agg, rec, w1, b1):
    return pl.pallas_call(
        _tc_a_body,
        grid=(NB,),
        in_specs=[
            pl.BlockSpec((R, HID), lambda i: (i, 0)),
            pl.BlockSpec((1, R, HID), _half_map),
            pl.BlockSpec((1, R, HID), _half_map),
            pl.BlockSpec((HID, HID), lambda i: (0, 0)),
            pl.BlockSpec((1, HID), lambda i: (0, 0)),
        ],
        out_specs=[
            pl.BlockSpec((R, HID), lambda i: (i, 0)),
            pl.BlockSpec((1, 1, HID), lambda i: (i, 0, 0)),
            pl.BlockSpec((1, 1, HID), lambda i: (i, 0, 0)),
        ],
        out_shape=[
            jax.ShapeDtypeStruct((N, HID), jnp.float32),
            jax.ShapeDtypeStruct((NB, 1, HID), jnp.float32),
            jax.ShapeDtypeStruct((NB, 1, HID), jnp.float32),
        ],
    )(h, agg, rec, w1, b1)


def _tc_b_body(z_ref, ps_ref, pq_ref, g_ref, be_ref, w2_ref, b2_ref, np_ref,
               *out_refs, emit_h):
    z = z_ref[...]
    mu = jnp.sum(ps_ref[...], axis=0) / float(N)
    var = jnp.sum(pq_ref[...], axis=0) / float(N) - mu * mu
    sd = jnp.sqrt(var + 1e-5)
    zn = (z - mu) / sd * g_ref[...] + be_ref[...]
    zr = jnp.maximum(zn, 0.0)
    h2 = jnp.dot(zr, w2_ref[...], preferred_element_type=jnp.float32)
    h2 = h2 + b2_ref[...]
    out_refs[0][...] = np_ref[...] + h2
    if emit_h:
        out_refs[1][...] = h2


def _tc_b(z, ps, pq, g, be, w2, b2, np_old, emit_h):
    n_out = 2 if emit_h else 1
    return pl.pallas_call(
        functools.partial(_tc_b_body, emit_h=emit_h),
        grid=(NB,),
        in_specs=[
            pl.BlockSpec((R, HID), lambda i: (i, 0)),
            pl.BlockSpec((NB, 1, HID), lambda i: (0, 0, 0)),
            pl.BlockSpec((NB, 1, HID), lambda i: (0, 0, 0)),
            pl.BlockSpec((1, HID), lambda i: (0, 0)),
            pl.BlockSpec((1, HID), lambda i: (0, 0)),
            pl.BlockSpec((HID, HID), lambda i: (0, 0)),
            pl.BlockSpec((1, HID), lambda i: (0, 0)),
            pl.BlockSpec((R, HID), lambda i: (i, 0)),
        ],
        out_specs=[pl.BlockSpec((R, HID), lambda i: (i, 0))] * n_out,
        out_shape=[jax.ShapeDtypeStruct((N, HID), jnp.float32)] * n_out,
    )(z, ps, pq, g, be, w2, b2, np_old)


def _gumbel_at(p_u32):
    def rotl(x, d):
        return (x << np.uint32(d)) | lax.shift_right_logical(x, np.uint32(32 - d))

    k0, k1 = np.uint32(0), np.uint32(42)
    ks = [k0, k1, np.uint32(k0 ^ k1 ^ np.uint32(0x1BD11BDA))]
    r1 = (13, 15, 26, 6)
    r2 = (17, 29, 16, 24)
    x0 = jnp.zeros_like(p_u32) + ks[0]
    x1 = p_u32 + ks[1]
    for i, rots in enumerate((r1, r2, r1, r2, r1)):
        for r in rots:
            x0 = x0 + x1
            x1 = rotl(x1, r)
            x1 = x1 ^ x0
        x0 = x0 + ks[(i + 1) % 3]
        x1 = x1 + ks[(i + 2) % 3] + np.uint32(i + 1)
    bits = x0 ^ x1
    fl = lax.bitcast_convert_type(
        lax.shift_right_logical(bits, np.uint32(9)) | np.uint32(0x3F800000),
        jnp.float32) - 1.0
    tiny = np.float32(np.finfo(np.float32).tiny)
    u = jnp.maximum(fl * (np.float32(1.0) - tiny) + tiny, tiny)
    return -jnp.log(-jnp.log(u))


def _tc_cd_body(np_ref, wa0l, wa0h, ba0, wb0, bb0, wa1, ba1, wb1, bb1,
                wa2, ba2, wb2, bb2, rs_ref, cs_ref, rl_ref, cl_ref,
                samp_ref, lp_ref):
    npb = np_ref[0]
    gp = jnp.sum(npb, axis=0, keepdims=True) / float(NPS)
    t = jnp.tanh(jnp.dot(npb, wa0l[...]) + jnp.dot(gp, wa0h[...]) + ba0[...])
    nea = jnp.dot(t, wb0[...]) + bb0[...]
    t = jnp.tanh(jnp.dot(nea, wa1[...]) + ba1[...])
    nea = jnp.dot(t, wb1[...]) + bb1[...]
    t = jnp.tanh(jnp.dot(nea, wa2[...]) + ba2[...])
    nea = jnp.dot(t, wb2[...]) + bb2[...]

    r = rs_ref[0]
    c = cs_ref[0]
    score = lax.dot_general(nea, nea, (((1,), (1,)), ((), ())),
                            preferred_element_type=jnp.float32)
    ohr = (lax.broadcasted_iota(jnp.int32, (A, NPS), 1) == r).astype(jnp.float32)
    ohc = (lax.broadcasted_iota(jnp.int32, (A, NPS), 1) == c).astype(jnp.float32)
    rsc = jnp.dot(ohr, score, preferred_element_type=jnp.float32,
                  precision=lax.Precision.HIGHEST)
    s = jnp.sum(rsc * ohc, axis=1, keepdims=True)
    f = r * NPS + c
    fl = rl_ref[0] * NPS + cl_ref[0]
    dup_pair = (f == fl) & (lax.broadcasted_iota(jnp.int32, (A, A), 0)
                            > lax.broadcasted_iota(jnp.int32, (A, A), 1))
    keep = jnp.sum(dup_pair.astype(jnp.int32), axis=1, keepdims=True) == 0

    b = pl.program_id(0)
    pg = (b * (NPS * NPS) + f).astype(jnp.uint32)
    gum = _gumbel_at(pg)

    neg = jnp.float32(-jnp.inf)
    smask = jnp.where(keep, s, neg)
    tot = jnp.where(keep, s + gum, neg)
    m = jnp.max(smask, keepdims=True)
    lse = m + jnp.log(jnp.sum(jnp.where(keep, jnp.exp(s - m), 0.0),
                              keepdims=True))
    wmax = jnp.max(tot, keepdims=True)
    fwin = jnp.min(jnp.where(tot == wmax, f, 2 ** 30), keepdims=True)
    swin = jnp.sum(jnp.where((f == fwin) & keep, s, 0.0), keepdims=True)
    samp_ref[0] = jnp.concatenate([fwin // NPS, fwin % NPS], axis=1)
    lp_ref[0] = swin - lse


def _tc_cd(np3, pol, rs, cs, rl, cl):
    wa0, ba0, wb0, bb0 = pol[0]
    wa1, ba1, wb1, bb1 = pol[1]
    wa2, ba2, wb2, bb2 = pol[2]

    def full(shape):
        nz = len(shape)
        return pl.BlockSpec(shape, lambda i, _n=nz: (0,) * _n)

    return pl.pallas_call(
        _tc_cd_body,
        grid=(B,),
        in_specs=[
            pl.BlockSpec((1, NPS, HID), lambda i: (i, 0, 0)),
            full((HID, HID)), full((HID, HID)), full((1, HID)),
            full((HID, HID)), full((1, HID)),
            full((HID, HID)), full((1, HID)),
            full((HID, HID)), full((1, HID)),
            full((HID, HID)), full((1, HID)),
            full((HID, HID)), full((1, HID)),
            pl.BlockSpec((1, A, 1), lambda i: (i, 0, 0)),
            pl.BlockSpec((1, A, 1), lambda i: (i, 0, 0)),
            pl.BlockSpec((1, 1, A), lambda i: (i, 0, 0)),
            pl.BlockSpec((1, 1, A), lambda i: (i, 0, 0)),
        ],
        out_specs=[
            pl.BlockSpec((1, 1, 2), lambda i: (i, 0, 0)),
            pl.BlockSpec((1, 1, 1), lambda i: (i, 0, 0)),
        ],
        out_shape=[
            jax.ShapeDtypeStruct((B, 1, 2), jnp.int32),
            jax.ShapeDtypeStruct((B, 1, 1), jnp.float32),
        ],
    )(np3, wa0[:HID], wa0[HID:], ba0, wb0, bb0, wa1, ba1, wb1, bb1,
      wa2, ba2, wb2, bb2, rs, cs, rl, cl)



def kernel(x, edge_index_pc, edge_index_mc, batch, feasible_actions, params):
    del batch
    ei = jnp.concatenate([edge_index_pc, edge_index_mc], axis=1)
    loops = jnp.arange(N, dtype=ei.dtype)
    src = jnp.concatenate([ei[0], loops]).astype(jnp.int32)
    dst = jnp.concatenate([ei[1], loops]).astype(jnp.int32)
    n_pad = E2 - E_REAL
    pad_ids = jnp.arange(n_pad, dtype=jnp.int32)
    src_full = jnp.concatenate([src, pad_ids % N])
    dst_full = jnp.concatenate([dst, N + pad_ids % TRASH])
    eid = jnp.arange(E2, dtype=jnp.int32) % TRASH
    d0 = jnp.where(dst_full < NSPLIT, dst_full, NSPLIT + eid)
    d1 = jnp.where(dst_full >= NSPLIT, dst_full - NSPLIT,
                   (N - NSPLIT) + eid)
    srcs2 = src_full.reshape(NCHUNK, CH)
    dsts2 = jnp.stack([d0, d1]).reshape(2, NCHUNK, CH)

    zeros = jnp.zeros((NACC, HID), jnp.int32)
    ones_table = jnp.ones((N, HID), jnp.int32)

    deg = _sc_agg(ones_table, srcs2, dsts2, zeros)
    srcs2 = srcs2 + deg[0, 0, 0] * 0
    degf = jnp.maximum(deg.astype(jnp.float32), 1.0)
    degmax = jnp.maximum(
        jnp.max(deg[0, :NSPLIT, 0]), jnp.max(deg[1, :N - NSPLIT, 0]))
    lgd = jnp.ceil(jnp.log2(degmax.astype(jnp.float32)))

    h = x
    node_pool = jnp.zeros((N, HID), jnp.float32)
    n_layers = len(params["gin"])
    for li, p in enumerate(params["gin"]):
        mh = jnp.maximum(jnp.max(jnp.abs(h)), 1e-30)
        k = jnp.clip(30.0 - lgd - jnp.ceil(jnp.log2(mh)), 0.0, 30.0)
        h_enc = jnp.round(h * jnp.exp2(k)).astype(jnp.int32)
        agg = _sc_agg(h_enc, srcs2, dsts2, zeros)
        rec = jnp.exp2(-k) / degf
        z, ps, pq = _tc_a(h, agg, rec, p["W1"], p["b1"].reshape(1, HID))
        emit_h = li < n_layers - 1
        outs = _tc_b(z, ps, pq, p["gamma"].reshape(1, HID),
                     p["beta"].reshape(1, HID), p["W2"],
                     p["b2"].reshape(1, HID), node_pool, emit_h)
        node_pool = outs[0]
        if emit_h:
            h = outs[1]

    pol = [(p["Wa"], p["ba"].reshape(1, HID), p["Wb"], p["bb"].reshape(1, HID))
           for p in params["policy"]]
    fa = feasible_actions.astype(jnp.int32)
    rs = fa[:, :, 0].reshape(B, A, 1)
    cs = fa[:, :, 1].reshape(B, A, 1)
    rl = fa[:, :, 0].reshape(B, 1, A)
    cl = fa[:, :, 1].reshape(B, 1, A)
    samp3, lp3 = _tc_cd(node_pool.reshape(B, NPS, HID), pol, rs, cs, rl, cl)
    return samp3.reshape(B, 2), lp3.reshape(B, 1)

# --- scband reference (transcript-rebuilt; emitter-appended) ---
"""Pipeline reference for scband-actor-59614146068989 (READ-ONLY COPY).

The authoritative reference and input builder live on the scoring server;
editing this copy changes nothing except your own understanding.
"""

import jax, jax.numpy as jnp
import numpy as np

B = 50
NPS = 500
N = B * NPS
IN_DIM = 128
HID = 128
E_PC = 300000
E_MC = 300000
A = 20
L_GIN = 4
L_POL = 3


def _init_params(key):
    keys = jax.random.split(key, 2 * L_GIN + 2 * L_POL)
    ki = 0

    def lin(k, i, o):
        return jax.random.normal(k, (i, o), jnp.float32) / np.sqrt(i)

    gin = []
    for l in range(L_GIN):
        ind = IN_DIM if l == 0 else HID
        W1 = lin(keys[ki], ind, HID); ki += 1
        W2 = lin(keys[ki], HID, HID); ki += 1
        gin.append({"W1": W1, "b1": jnp.zeros(HID, jnp.float32),
                    "gamma": jnp.ones(HID, jnp.float32), "beta": jnp.zeros(HID, jnp.float32),
                    "W2": W2, "b2": jnp.zeros(HID, jnp.float32)})
    pol = []
    for l in range(L_POL):
        ind = 2 * HID if l == 0 else HID
        Wa = lin(keys[ki], ind, HID); ki += 1
        Wb = lin(keys[ki], HID, HID); ki += 1
        pol.append({"Wa": Wa, "ba": jnp.zeros(HID, jnp.float32),
                    "Wb": Wb, "bb": jnp.zeros(HID, jnp.float32)})
    return {"gin": gin, "policy": pol}


def setup_inputs(seed: int = 0):
    key = jax.random.key(seed)
    k = jax.random.split(key, 5)
    x = jax.random.normal(k[0], (N, IN_DIM), jnp.float32)
    edge_index_pc = jax.random.randint(k[1], (2, E_PC), 0, N)
    edge_index_mc = jax.random.randint(k[2], (2, E_MC), 0, N)
    batch = jnp.repeat(jnp.arange(B, dtype=jnp.int32), NPS)
    feasible_actions = jax.random.randint(k[3], (B, A, 2), 0, NPS)
    params = _init_params(k[4])
    return {"x": x, "edge_index_pc": edge_index_pc, "edge_index_mc": edge_index_mc,
            "batch": batch, "feasible_actions": feasible_actions, "params": params}


def _forward(x, params, edge_index_pc, edge_index_mc, batch, feasible_actions):
    # Actor: add_self_loops(cat([edge_index_pc, edge_index_mc]))
    ei = jnp.concatenate([edge_index_pc, edge_index_mc], axis=1)
    loops = jnp.arange(N, dtype=ei.dtype)
    src = jnp.concatenate([ei[0], loops])
    dst = jnp.concatenate([ei[1], loops])
    # mean-aggregation degree (flow source_to_target: aggregate at dst)
    deg = jnp.maximum(jnp.zeros((N,), jnp.float32).at[dst].add(1.0), 1.0)[:, None]
    counts = jnp.maximum(jnp.zeros((B,), jnp.float32).at[batch].add(1.0), 1.0)[:, None]
    h = x
    node_pool = jnp.zeros((N, HID), jnp.float32)
    gpool = jnp.zeros((B, HID), jnp.float32)
    for p in params["gin"]:
        # GINConv(eps=0, aggr='mean'): nn(x_i + mean_j x_j)
        agg = jnp.zeros((N, h.shape[1]), jnp.float32).at[dst].add(h[src]) / deg
        z = (h + agg) @ p["W1"] + p["b1"]
        # BatchNorm1d in training mode: batch statistics
        mu = jnp.mean(z, axis=0)
        var = jnp.var(z, axis=0)
        z = (z - mu) / jnp.sqrt(var + 1e-5) * p["gamma"] + p["beta"]
        z = jax.nn.relu(z)
        h = z @ p["W2"] + p["b2"]
        node_pool = node_pool + h
        gpool = gpool + jnp.zeros((B, HID), jnp.float32).at[batch].add(h) / counts
    # node_embed augmented with repeat_interleaved graph embedding
    nea = jnp.concatenate([node_pool, jnp.repeat(gpool, NPS, axis=0)], axis=-1).reshape(B, NPS, 2 * HID)
    for p in params["policy"]:
        nea = jnp.tanh(nea @ p["Wa"] + p["ba"]) @ p["Wb"] + p["bb"]
    score = jnp.einsum("bnd,bmd->bnm", nea, nea)
    rows = (feasible_actions[:, :, 0] + (jnp.arange(B, dtype=feasible_actions.dtype) * NPS)[:, None]).reshape(-1)
    cols = feasible_actions[:, :, 1].reshape(-1)
    mask = jnp.ones((B * NPS, NPS), bool).at[rows, cols].set(False).reshape(B, NPS, NPS)
    score = jnp.where(mask, -jnp.inf, score)
    flat = score.reshape(B, 1, NPS * NPS)
    logp = jax.nn.log_softmax(flat, axis=-1)
    actions_id = jax.random.categorical(jax.random.key(42), flat, axis=-1)  # [B, 1]
    log_prob = jnp.take_along_axis(logp, actions_id[:, :, None], axis=-1)[:, :, 0]  # [B, 1]
    sampled = jnp.stack([actions_id[:, 0] // NPS, actions_id[:, 0] % NPS], axis=-1)
    return sampled, log_prob


def reference(x, edge_index_pc, edge_index_mc, batch, feasible_actions, params):
    return _forward(x, params, edge_index_pc, edge_index_mc, batch, feasible_actions)

if __name__ == "__main__":
    import jax
    _d = setup_inputs()
    print(jax.jit(kernel)(*tuple(_d.values())))

</pallas_src>

<mosaic_0001>
#map = affine_map<(d0, d1) -> (0, 0)>
#map1 = affine_map<(d0, d1) -> (0, 0, 0)>
module attributes {stable_mosaic.version = 14 : i64} {
  func.func @_sc_agg_body(%arg0: i32, %arg1: i32, %arg2: memref<25000x128xi32, #tpu.memory_space<hbm>>, %arg3: memref<6656x96xi32, #tpu.memory_space<hbm>>, %arg4: memref<2x6656x96xi32, #tpu.memory_space<hbm>>, %arg5: memref<13056x128xi32, #tpu.memory_space<hbm>>, %arg6: memref<2x13056x128xi32, #tpu.memory_space<hbm>>, %arg7: memref<8x96xi32, #tpu.memory_space<vmem>>, %arg8: memref<8x96xi32, #tpu.memory_space<vmem>>, %arg9: memref<2x96x128xi32, #tpu.memory_space<vmem>>, %arg10: memref<13056x128xi32, #tpu.memory_space<vmem_shared>>, %arg11: memref<!tpu.dma_semaphore, #tpu.memory_space<semaphore_mem>>, %arg12: memref<!tpu.dma_semaphore, #tpu.memory_space<semaphore_mem>>) attributes {dimension_semantics = [#tpu.dimension_semantics<core_parallel>, #tpu.dimension_semantics<subcore_parallel>], iteration_bounds = array<i64: 2, 16>, scalar_prefetch = 0 : i64, scratch_operands = 6 : i64, tpu.core_type = #tpu.core_type<sc_vector_subcore>, window_params = [{transform_indices = #map}, {transform_indices = #map}, {transform_indices = #map1}, {transform_indices = #map}, {transform_indices = #map1}]} {
    %mul3A = arith.constant 816 : i32
    %mul3A_0 = arith.muli %arg1, %mul3A : i32
    "tpu.region"() ({
      %run_scoped3A = tpu.sem_alloc : memref<!tpu.dma_semaphore, #tpu.memory_space<semaphore_mem>>
      %dma_start3A = arith.constant 0 : i32
      %dma_start3A_9 = tpu.memref_slice %arg10[%mul3A_0, %dma_start3A] : memref<13056x128xi32, #tpu.memory_space<vmem_shared>> -> memref<816x128xi32, #tpu.memory_space<vmem_shared>>
      %dma_start3A_10 = arith.constant 0 : i32
      %dma_start3A_11 = tpu.memref_slice %arg5[%mul3A_0, %dma_start3A_10] : memref<13056x128xi32, #tpu.memory_space<hbm>> -> memref<816x128xi32, #tpu.memory_space<hbm>>
      tpu.enqueue_dma source(%dma_start3A_11 : memref<816x128xi32, #tpu.memory_space<hbm>>) target(%dma_start3A_9 : memref<816x128xi32, #tpu.memory_space<vmem_shared>>) target_semaphore(%run_scoped3A : memref<!tpu.dma_semaphore, #tpu.memory_space<semaphore_mem>>)
      %dma_wait3A = arith.constant 0 : i32
      %dma_wait3A_12 = tpu.memref_slice %arg10[%mul3A_0, %dma_wait3A] : memref<13056x128xi32, #tpu.memory_space<vmem_shared>> -> memref<816x128xi32, #tpu.memory_space<vmem_shared>>
      %dma_wait3A_13 = arith.constant 0 : i32
      %dma_wait3A_14 = tpu.memref_slice %arg5[%mul3A_0, %dma_wait3A_13] : memref<13056x128xi32, #tpu.memory_space<hbm>> -> memref<816x128xi32, #tpu.memory_space<hbm>>
      tpu.wait_dma2 semaphore(%run_scoped3A : memref<!tpu.dma_semaphore, #tpu.memory_space<semaphore_mem>>) src(%dma_wait3A_14 : memref<816x128xi32, #tpu.memory_space<hbm>>) dst(%dma_wait3A_12 : memref<816x128xi32, #tpu.memory_space<vmem_shared>>)
      tpu.yield
    }) : () -> ()
    %barrier3A = arith.constant 0 : index
    tpu.barrier barrier_id(%barrier3A)
    %mul3A_1 = arith.constant 416 : i32
    %mul3A_2 = arith.muli %arg1, %mul3A_1 : i32
    %scan3A = arith.constant 0 : i32
    %scan3A_3 = arith.constant 0 : i32
    %scan3A_4 = arith.constant 52 : i32
    %scan3A_5 = arith.addi %scan3A_3, %scan3A_4 : i32
    %scan3A_6 = arith.constant 1 : i32
    scf.for %scan3A_9 = %scan3A_3 to %scan3A_5 step %scan3A_6  : i32 {
      %mul3A_10 = arith.constant 8 : i32
      %mul3A_11 = arith.muli %scan3A_9, %mul3A_10 : i32
      %add3A = arith.addi %mul3A_2, %mul3A_11 : i32
      "tpu.region"() ({
        %run_scoped3A_220 = tpu.sem_alloc : memref<!tpu.dma_semaphore, #tpu.memory_space<semaphore_mem>>
        %dma_start3A_221 = arith.constant 0 : i32
        %dma_start3A_222 = tpu.memref_slice %arg3[%add3A, %dma_start3A_221] : memref<6656x96xi32, #tpu.memory_space<hbm>> -> memref<8x96xi32, #tpu.memory_space<hbm>>
        %dma_start3A_223 = arith.constant 0 : i32
        %dma_start3A_224 = tpu.memref_slice %arg3[%add3A, %dma_start3A_223] : memref<6656x96xi32, #tpu.memory_space<hbm>> -> memref<8x96xi32, #tpu.memory_space<hbm>>
        tpu.enqueue_dma source(%dma_start3A_224 : memref<8x96xi32, #tpu.memory_space<hbm>>) target(%arg7 : memref<8x96xi32, #tpu.memory_space<vmem>>) target_semaphore(%run_scoped3A_220 : memref<!tpu.dma_semaphore, #tpu.memory_space<semaphore_mem>>)
        %dma_wait3A_225 = arith.constant 0 : i32
        %dma_wait3A_226 = tpu.memref_slice %arg3[%add3A, %dma_wait3A_225] : memref<6656x96xi32, #tpu.memory_space<hbm>> -> memref<8x96xi32, #tpu.memory_space<hbm>>
        %dma_wait3A_227 = arith.constant 0 : i32
        %dma_wait3A_228 = tpu.memref_slice %arg3[%add3A, %dma_wait3A_227] : memref<6656x96xi32, #tpu.memory_space<hbm>> -> memref<8x96xi32, #tpu.memory_space<hbm>>
        tpu.wait_dma2 semaphore(%run_scoped3A_220 : memref<!tpu.dma_semaphore, #tpu.memory_space<semaphore_mem>>) src(%dma_wait3A_228 : memref<8x96xi32, #tpu.memory_space<hbm>>) dst(%arg7 : memref<8x96xi32, #tpu.memory_space<vmem>>)
        tpu.yield
      }) : () -> ()
      %mul3A_12 = arith.constant 8 : i32
      %mul3A_13 = arith.muli %scan3A_9, %mul3A_12 : i32
      %add3A_14 = arith.addi %mul3A_2, %mul3A_13 : i32
      "tpu.region"() ({
        %run_scoped3A_220 = tpu.sem_alloc : memref<!tpu.dma_semaphore, #tpu.memory_space<semaphore_mem>>
        %dma_start3A_221 = arith.constant 0 : i32
        %dma_start3A_222 = tpu.memref_slice %arg4[%arg0, %add3A_14, %dma_start3A_221] : memref<2x6656x96xi32, #tpu.memory_space<hbm>> -> memref<1x8x96xi32, #tpu.memory_space<hbm>>
        %dma_start3A_223 = tpu.memref_squeeze %dma_start3A_222 : memref<1x8x96xi32, #tpu.memory_space<hbm>> -> memref<8x96xi32, #tpu.memory_space<hbm>>
        %dma_start3A_224 = arith.constant 0 : i32
        %dma_start3A_225 = tpu.memref_slice %arg4[%arg0, %add3A_14, %dma_start3A_224] : memref<2x6656x96xi32, #tpu.memory_space<hbm>> -> memref<1x8x96xi32, #tpu.memory_space<hbm>>
        %dma_start3A_226 = tpu.memref_squeeze %dma_start3A_225 : memref<1x8x96xi32, #tpu.memory_space<hbm>> -> memref<8x96xi32, #tpu.memory_space<hbm>>
        tpu.enqueue_dma source(%dma_start3A_226 : memref<8x96xi32, #tpu.memory_space<hbm>>) target(%arg8 : memref<8x96xi32, #tpu.memory_space<vmem>>) target_semaphore(%run_scoped3A_220 : memref<!tpu.dma_semaphore, #tpu.memory_space<semaphore_mem>>)
        %dma_wait3A_227 = arith.constant 0 : i32
        %dma_wait3A_228 = tpu.memref_slice %arg4[%arg0, %add3A_14, %dma_wait3A_227] : memref<2x6656x96xi32, #tpu.memory_space<hbm>> -> memref<1x8x96xi32, #tpu.memory_space<hbm>>
        %dma_wait3A_229 = tpu.memref_squeeze %dma_wait3A_228 : memref<1x8x96xi32, #tpu.memory_space<hbm>> -> memref<8x96xi32, #tpu.memory_space<hbm>>
        %dma_wait3A_230 = arith.constant 0 : i32
        %dma_wait3A_231 = tpu.memref_slice %arg4[%arg0, %add3A_14, %dma_wait3A_230] : memref<2x6656x96xi32, #tpu.memory_space<hbm>> -> memref<1x8x96xi32, #tpu.memory_space<hbm>>
        %dma_wait3A_232 = tpu.memref_squeeze %dma_wait3A_231 : memref<1x8x96xi32, #tpu.memory_space<hbm>> -> memref<8x96xi32, #tpu.memory_space<hbm>>
        tpu.wait_dma2 semaphore(%run_scoped3A_220 : memref<!tpu.dma_semaphore, #tpu.memory_space<semaphore_mem>>) src(%dma_wait3A_232 : memref<8x96xi32, #tpu.memory_space<hbm>>) dst(%arg8 : memref<8x96xi32, #tpu.memory_space<vmem>>)
        tpu.yield
      }) : () -> ()
      %dma_start3A = arith.constant 0 : i32
      %dma_start3A_15 = arith.constant 0 : i32
      %dma_start3A_16 = arith.constant 0 : i32
      %dma_start3A_17 = arith.constant 0 : i32
      %dma_start3A_18 = tpu.memref_slice %arg9[%dma_start3A_15, %dma_start3A_16, %dma_start3A_17] : memref<2x96x128xi32, #tpu.memory_space<vmem>> -> memref<1x96x128xi32, #tpu.memory_space<vmem>>
      %dma_start3A_19 = tpu.memref_squeeze %dma_start3A_18 : memref<1x96x128xi32, #tpu.memory_space<vmem>> -> memref<96x128xi32, #tpu.memory_space<vmem>>
      %dma_start3A_20 = arith.constant 0 : i32
      %dma_start3A_21 = tpu.memref_slice %arg7[%dma_start3A, %dma_start3A_20] : memref<8x96xi32, #tpu.memory_space<vmem>> -> memref<1x96xi32, #tpu.memory_space<vmem>>
      %dma_start3A_22 = tpu.memref_squeeze %dma_start3A_21 : memref<1x96xi32, #tpu.memory_space<vmem>> -> memref<96xi32, #tpu.memory_space<vmem>>
      %dma_start3A_23 = arith.constant 0 : i32
      %dma_start3A_24 = arith.constant 0 : i32
      %dma_start3A_25 = tpu.memref_slice %arg2[%dma_start3A_23, %dma_start3A_24] : memref<25000x128xi32, #tpu.memory_space<hbm>> -> memref<25000x128xi32, #tpu.memory_space<hbm>>
      tpu.enqueue_indirect_dma source(%dma_start3A_25 : memref<25000x128xi32, #tpu.memory_space<hbm>>) target(%dma_start3A_19 : memref<96x128xi32, #tpu.memory_space<vmem>>) offsets(%dma_start3A_22 : memref<96xi32, #tpu.memory_space<vmem>>) semaphore(%arg11 : memref<!tpu.dma_semaphore, #tpu.memory_space<semaphore_mem>>)
      %dma_start3A_26 = arith.constant 1 : i32
      %dma_start3A_27 = arith.constant 1 : i32
      %dma_start3A_28 = arith.constant 0 : i32
      %dma_start3A_29 = arith.constant 0 : i32
      %dma_start3A_30 = tpu.memref_slice %arg9[%dma_start3A_27, %dma_start3A_28, %dma_start3A_29] : memref<2x96x128xi32, #tpu.memory_space<vmem>> -> memref<1x96x128xi32, #tpu.memory_space<vmem>>
      %dma_start3A_31 = tpu.memref_squeeze %dma_start3A_30 : memref<1x96x128xi32, #tpu.memory_space<vmem>> -> memref<96x128xi32, #tpu.memory_space<vmem>>
      %dma_start3A_32 = arith.constant 0 : i32
      %dma_start3A_33 = tpu.memref_slice %arg7[%dma_start3A_26, %dma_start3A_32] : memref<8x96xi32, #tpu.memory_space<vmem>> -> memref<1x96xi32, #tpu.memory_space<vmem>>
      %dma_start3A_34 = tpu.memref_squeeze %dma_start3A_33 : memref<1x96xi32, #tpu.memory_space<vmem>> -> memref<96xi32, #tpu.memory_space<vmem>>
      %dma_start3A_35 = arith.constant 0 : i32
      %dma_start3A_36 = arith.constant 0 : i32
      %dma_start3A_37 = tpu.memref_slice %arg2[%dma_start3A_35, %dma_start3A_36] : memref<25000x128xi32, #tpu.memory_space<hbm>> -> memref<25000x128xi32, #tpu.memory_space<hbm>>
      tpu.enqueue_indirect_dma source(%dma_start3A_37 : memref<25000x128xi32, #tpu.memory_space<hbm>>) target(%dma_start3A_31 : memref<96x128xi32, #tpu.memory_space<vmem>>) offsets(%dma_start3A_34 : memref<96xi32, #tpu.memory_space<vmem>>) semaphore(%arg12 : memref<!tpu.dma_semaphore, #tpu.memory_space<semaphore_mem>>)
      %dma_wait3A = arith.constant 0 : i32
      %dma_wait3A_38 = arith.constant 0 : i32
      %dma_wait3A_39 = arith.constant 0 : i32
      %dma_wait3A_40 = arith.constant 0 : i32
      %dma_wait3A_41 = tpu.memref_slice %arg9[%dma_wait3A_38, %dma_wait3A_39, %dma_wait3A_40] : memref<2x96x128xi32, #tpu.memory_space<vmem>> -> memref<1x96x128xi32, #tpu.memory_space<vmem>>
      %dma_wait3A_42 = tpu.memref_squeeze %dma_wait3A_41 : memref<1x96x128xi32, #tpu.memory_space<vmem>> -> memref<96x128xi32, #tpu.memory_space<vmem>>
      %dma_wait3A_43 = arith.constant 0 : i32
      %dma_wait3A_44 = tpu.memref_slice %arg7[%dma_wait3A, %dma_wait3A_43] : memref<8x96xi32, #tpu.memory_space<vmem>> -> memref<1x96xi32, #tpu.memory_space<vmem>>
      %dma_wait3A_45 = tpu.memref_squeeze %dma_wait3A_44 : memref<1x96xi32, #tpu.memory_space<vmem>> -> memref<96xi32, #tpu.memory_space<vmem>>
      %dma_wait3A_46 = arith.constant 0 : i32
      %dma_wait3A_47 = arith.constant 0 : i32
      %dma_wait3A_48 = tpu.memref_slice %arg2[%dma_wait3A_46, %dma_wait3A_47] : memref<25000x128xi32, #tpu.memory_space<hbm>> -> memref<25000x128xi32, #tpu.memory_space<hbm>>
      tpu.wait_indirect_dma semaphore(%arg11 : memref<!tpu.dma_semaphore, #tpu.memory_space<semaphore_mem>>) src(%dma_wait3A_48 : memref<25000x128xi32, #tpu.memory_space<hbm>>) dst(%dma_wait3A_42 : memref<96x128xi32, #tpu.memory_space<vmem>>)
      %run_scoped3A = arith.constant 0 : i32
      %run_scoped3A_49 = arith.constant 0 : i32
      "tpu.region"() ({
        %run_scoped3A_220 = tpu.sem_alloc : memref<!tpu.dma_semaphore, #tpu.memory_space<semaphore_mem>>
        %dma_start3A_221 = arith.constant 0 : i32
        %dma_start3A_222 = arith.constant 0 : i32
        %dma_start3A_223 = tpu.memref_slice %arg9[%run_scoped3A, %dma_start3A_221, %dma_start3A_222] : memref<2x96x128xi32, #tpu.memory_space<vmem>> -> memref<1x96x128xi32, #tpu.memory_space<vmem>>
        %dma_start3A_224 = tpu.memref_squeeze %dma_start3A_223 : memref<1x96x128xi32, #tpu.memory_space<vmem>> -> memref<96x128xi32, #tpu.memory_space<vmem>>
        %dma_start3A_225 = arith.constant 0 : i32
        %dma_start3A_226 = tpu.memref_slice %arg8[%run_scoped3A_49, %dma_start3A_225] : memref<8x96xi32, #tpu.memory_space<vmem>> -> memref<1x96xi32, #tpu.memory_space<vmem>>
        %dma_start3A_227 = tpu.memref_squeeze %dma_start3A_226 : memref<1x96xi32, #tpu.memory_space<vmem>> -> memref<96xi32, #tpu.memory_space<vmem>>
        %dma_start3A_228 = arith.constant 0 : i32
        %dma_start3A_229 = arith.constant 0 : i32
        %dma_start3A_230 = tpu.memref_slice %arg10[%dma_start3A_228, %dma_start3A_229] : memref<13056x128xi32, #tpu.memory_space<vmem_shared>> -> memref<13056x128xi32, #tpu.memory_space<vmem_shared>>
        tpu.enqueue_indirect_dma source(%dma_start3A_224 : memref<96x128xi32, #tpu.memory_space<vmem>>) target(%dma_start3A_230 : memref<13056x128xi32, #tpu.memory_space<vmem_shared>>) offsets(%dma_start3A_227 : memref<96xi32, #tpu.memory_space<vmem>>) semaphore(%run_scoped3A_220 : memref<!tpu.dma_semaphore, #tpu.memory_space<semaphore_mem>>) {add = true}
        %dma_wait3A_231 = arith.constant 0 : i32
        %dma_wait3A_232 = arith.constant 0 : i32
        %dma_wait3A_233 = tpu.memref_slice %arg9[%run_scoped3A, %dma_wait3A_231, %dma_wait3A_232] : memref<2x96x128xi32, #tpu.memory_space<vmem>> -> memref<1x96x128xi32, #tpu.memory_space<vmem>>
        %dma_wait3A_234 = tpu.memref_squeeze %dma_wait3A_233 : memref<1x96x128xi32, #tpu.memory_space<vmem>> -> memref<96x128xi32, #tpu.memory_space<vmem>>
        %dma_wait3A_235 = arith.constant 0 : i32
        %dma_wait3A_236 = tpu.memref_slice %arg8[%run_scoped3A_49, %dma_wait3A_235] : memref<8x96xi32, #tpu.memory_space<vmem>> -> memref<1x96xi32, #tpu.memory_space<vmem>>
        %dma_wait3A_237 = tpu.memref_squeeze %dma_wait3A_236 : memref<1x96xi32, #tpu.memory_space<vmem>> -> memref<96xi32, #tpu.memory_space<vmem>>
        %dma_wait3A_238 = arith.constant 0 : i32
        %dma_wait3A_239 = arith.constant 0 : i32
        %dma_wait3A_240 = tpu.memref_slice %arg10[%dma_wait3A_238, %dma_wait3A_239] : memref<13056x128xi32, #tpu.memory_space<vmem_shared>> -> memref<13056x128xi32, #tpu.memory_space<vmem_shared>>
        tpu.wait_indirect_dma semaphore(%run_scoped3A_220 : memref<!tpu.dma_semaphore, #tpu.memory_space<semaphore_mem>>) src(%dma_wait3A_234 : memref<96x128xi32, #tpu.memory_space<vmem>>) dst(%dma_wait3A_240 : memref<13056x128xi32, #tpu.memory_space<vmem_shared>>)
        tpu.yield
      }) : () -> ()
      %dma_start3A_50 = arith.constant 2 : i32
      %dma_start3A_51 = arith.constant 0 : i32
      %dma_start3A_52 = arith.constant 0 : i32
      %dma_start3A_53 = arith.constant 0 : i32
      %dma_start3A_54 = tpu.memref_slice %arg9[%dma_start3A_51, %dma_start3A_52, %dma_start3A_53] : memref<2x96x128xi32, #tpu.memory_space<vmem>> -> memref<1x96x128xi32, #tpu.memory_space<vmem>>
      %dma_start3A_55 = tpu.memref_squeeze %dma_start3A_54 : memref<1x96x128xi32, #tpu.memory_space<vmem>> -> memref<96x128xi32, #tpu.memory_space<vmem>>
      %dma_start3A_56 = arith.constant 0 : i32
      %dma_start3A_57 = tpu.memref_slice %arg7[%dma_start3A_50, %dma_start3A_56] : memref<8x96xi32, #tpu.memory_space<vmem>> -> memref<1x96xi32, #tpu.memory_space<vmem>>
      %dma_start3A_58 = tpu.memref_squeeze %dma_start3A_57 : memref<1x96xi32, #tpu.memory_space<vmem>> -> memref<96xi32, #tpu.memory_space<vmem>>
      %dma_start3A_59 = arith.constant 0 : i32
      %dma_start3A_60 = arith.constant 0 : i32
      %dma_start3A_61 = tpu.memref_slice %arg2[%dma_start3A_59, %dma_start3A_60] : memref<25000x128xi32, #tpu.memory_space<hbm>> -> memref<25000x128xi32, #tpu.memory_space<hbm>>
      tpu.enqueue_indirect_dma source(%dma_start3A_61 : memref<25000x128xi32, #tpu.memory_space<hbm>>) target(%dma_start3A_55 : memref<96x128xi32, #tpu.memory_space<vmem>>) offsets(%dma_start3A_58 : memref<96xi32, #tpu.memory_space<vmem>>) semaphore(%arg11 : memref<!tpu.dma_semaphore, #tpu.memory_space<semaphore_mem>>)
      %dma_wait3A_62 = arith.constant 1 : i32
      %dma_wait3A_63 = arith.constant 1 : i32
      %dma_wait3A_64 = arith.constant 0 : i32
      %dma_wait3A_65 = arith.constant 0 : i32
      %dma_wait3A_66 = tpu.memref_slice %arg9[%dma_wait3A_63, %dma_wait3A_64, %dma_wait3A_65] : memref<2x96x128xi32, #tpu.memory_space<vmem>> -> memref<1x96x128xi32, #tpu.memory_space<vmem>>
      %dma_wait3A_67 = tpu.memref_squeeze %dma_wait3A_66 : memref<1x96x128xi32, #tpu.memory_space<vmem>> -> memref<96x128xi32, #tpu.memory_space<vmem>>
      %dma_wait3A_68 = arith.constant 0 : i32
      %dma_wait3A_69 = tpu.memref_slice %arg7[%dma_wait3A_62, %dma_wait3A_68] : memref<8x96xi32, #tpu.memory_space<vmem>> -> memref<1x96xi32, #tpu.memory_space<vmem>>
      %dma_wait3A_70 = tpu.memref_squeeze %dma_wait3A_69 : memref<1x96xi32, #tpu.memory_space<vmem>> -> memref<96xi32, #tpu.memory_space<vmem>>
      %dma_wait3A_71 = arith.constant 0 : i32
      %dma_wait3A_72 = arith.constant 0 : i32
      %dma_wait3A_73 = tpu.memref_slice %arg2[%dma_wait3A_71, %dma_wait3A_72] : memref<25000x128xi32, #tpu.memory_space<hbm>> -> memref<25000x128xi32, #tpu.memory_space<hbm>>
      tpu.wait_indirect_dma semaphore(%arg12 : memref<!tpu.dma_semaphore, #tpu.memory_space<semaphore_mem>>) src(%dma_wait3A_73 : memref<25000x128xi32, #tpu.memory_space<hbm>>) dst(%dma_wait3A_67 : memref<96x128xi32, #tpu.memory_space<vmem>>)
      %run_scoped3A_74 = arith.constant 1 : i32
      %run_scoped3A_75 = arith.constant 1 : i32
      "tpu.region"() ({
        %run_scoped3A_220 = tpu.sem_alloc : memref<!tpu.dma_semaphore, #tpu.memory_space<semaphore_mem>>
        %dma_start3A_221 = arith.constant 0 : i32
        %dma_start3A_222 = arith.constant 0 : i32
        %dma_start3A_223 = tpu.memref_slice %arg9[%run_scoped3A_74, %dma_start3A_221, %dma_start3A_222] : memref<2x96x128xi32, #tpu.memory_space<vmem>> -> memref<1x96x128xi32, #tpu.memory_space<vmem>>
        %dma_start3A_224 = tpu.memref_squeeze %dma_start3A_223 : memref<1x96x128xi32, #tpu.memory_space<vmem>> -> memref<96x128xi32, #tpu.memory_space<vmem>>
        %dma_start3A_225 = arith.constant 0 : i32
        %dma_start3A_226 = tpu.memref_slice %arg8[%run_scoped3A_75, %dma_start3A_225] : memref<8x96xi32, #tpu.memory_space<vmem>> -> memref<1x96xi32, #tpu.memory_space<vmem>>
        %dma_start3A_227 = tpu.memref_squeeze %dma_start3A_226 : memref<1x96xi32, #tpu.memory_space<vmem>> -> memref<96xi32, #tpu.memory_space<vmem>>
        %dma_start3A_228 = arith.constant 0 : i32
        %dma_start3A_229 = arith.constant 0 : i32
        %dma_start3A_230 = tpu.memref_slice %arg10[%dma_start3A_228, %dma_start3A_229] : memref<13056x128xi32, #tpu.memory_space<vmem_shared>> -> memref<13056x128xi32, #tpu.memory_space<vmem_shared>>
        tpu.enqueue_indirect_dma source(%dma_start3A_224 : memref<96x128xi32, #tpu.memory_space<vmem>>) target(%dma_start3A_230 : memref<13056x128xi32, #tpu.memory_space<vmem_shared>>) offsets(%dma_start3A_227 : memref<96xi32, #tpu.memory_space<vmem>>) semaphore(%run_scoped3A_220 : memref<!tpu.dma_semaphore, #tpu.memory_space<semaphore_mem>>) {add = true}
        %dma_wait3A_231 = arith.constant 0 : i32
        %dma_wait3A_232 = arith.constant 0 : i32
        %dma_wait3A_233 = tpu.memref_slice %arg9[%run_scoped3A_74, %dma_wait3A_231, %dma_wait3A_232] : memref<2x96x128xi32, #tpu.memory_space<vmem>> -> memref<1x96x128xi32, #tpu.memory_space<vmem>>
        %dma_wait3A_234 = tpu.memref_squeeze %dma_wait3A_233 : memref<1x96x128xi32, #tpu.memory_space<vmem>> -> memref<96x128xi32, #tpu.memory_space<vmem>>
        %dma_wait3A_235 = arith.constant 0 : i32
        %dma_wait3A_236 = tpu.memref_slice %arg8[%run_scoped3A_75, %dma_wait3A_235] : memref<8x96xi32, #tpu.memory_space<vmem>> -> memref<1x96xi32, #tpu.memory_space<vmem>>
        %dma_wait3A_237 = tpu.memref_squeeze %dma_wait3A_236 : memref<1x96xi32, #tpu.memory_space<vmem>> -> memref<96xi32, #tpu.memory_space<vmem>>
        %dma_wait3A_238 = arith.constant 0 : i32
        %dma_wait3A_239 = arith.constant 0 : i32
        %dma_wait3A_240 = tpu.memref_slice %arg10[%dma_wait3A_238, %dma_wait3A_239] : memref<13056x128xi32, #tpu.memory_space<vmem_shared>> -> memref<13056x128xi32, #tpu.memory_space<vmem_shared>>
        tpu.wait_indirect_dma semaphore(%run_scoped3A_220 : memref<!tpu.dma_semaphore, #tpu.memory_space<semaphore_mem>>) src(%dma_wait3A_234 : memref<96x128xi32, #tpu.memory_space<vmem>>) dst(%dma_wait3A_240 : memref<13056x128xi32, #tpu.memory_space<vmem_shared>>)
        tpu.yield
      }) : () -> ()
      %dma_start3A_76 = arith.constant 3 : i32
      %dma_start3A_77 = arith.constant 1 : i32
      %dma_start3A_78 = arith.constant 0 : i32
      %dma_start3A_79 = arith.constant 0 : i32
      %dma_start3A_80 = tpu.memref_slice %arg9[%dma_start3A_77, %dma_start3A_78, %dma_start3A_79] : memref<2x96x128xi32, #tpu.memory_space<vmem>> -> memref<1x96x128xi32, #tpu.memory_space<vmem>>
      %dma_start3A_81 = tpu.memref_squeeze %dma_start3A_80 : memref<1x96x128xi32, #tpu.memory_space<vmem>> -> memref<96x128xi32, #tpu.memory_space<vmem>>
      %dma_start3A_82 = arith.constant 0 : i32
      %dma_start3A_83 = tpu.memref_slice %arg7[%dma_start3A_76, %dma_start3A_82] : memref<8x96xi32, #tpu.memory_space<vmem>> -> memref<1x96xi32, #tpu.memory_space<vmem>>
      %dma_start3A_84 = tpu.memref_squeeze %dma_start3A_83 : memref<1x96xi32, #tpu.memory_space<vmem>> -> memref<96xi32, #tpu.memory_space<vmem>>
      %dma_start3A_85 = arith.constant 0 : i32
      %dma_start3A_86 = arith.constant 0 : i32
      %dma_start3A_87 = tpu.memref_slice %arg2[%dma_start3A_85, %dma_start3A_86] : memref<25000x128xi32, #tpu.memory_space<hbm>> -> memref<25000x128xi32, #tpu.memory_space<hbm>>
      tpu.enqueue_indirect_dma source(%dma_start3A_87 : memref<25000x128xi32, #tpu.memory_space<hbm>>) target(%dma_start3A_81 : memref<96x128xi32, #tpu.memory_space<vmem>>) offsets(%dma_start3A_84 : memref<96xi32, #tpu.memory_space<vmem>>) semaphore(%arg12 : memref<!tpu.dma_semaphore, #tpu.memory_space<semaphore_mem>>)
      %dma_wait3A_88 = arith.constant 2 : i32
      %dma_wait3A_89 = arith.constant 0 : i32
      %dma_wait3A_90 = arith.constant 0 : i32
      %dma_wait3A_91 = arith.constant 0 : i32
      %dma_wait3A_92 = tpu.memref_slice %arg9[%dma_wait3A_89, %dma_wait3A_90, %dma_wait3A_91] : memref<2x96x128xi32, #tpu.memory_space<vmem>> -> memref<1x96x128xi32, #tpu.memory_space<vmem>>
      %dma_wait3A_93 = tpu.memref_squeeze %dma_wait3A_92 : memref<1x96x128xi32, #tpu.memory_space<vmem>> -> memref<96x128xi32, #tpu.memory_space<vmem>>
      %dma_wait3A_94 = arith.constant 0 : i32
      %dma_wait3A_95 = tpu.memref_slice %arg7[%dma_wait3A_88, %dma_wait3A_94] : memref<8x96xi32, #tpu.memory_space<vmem>> -> memref<1x96xi32, #tpu.memory_space<vmem>>
      %dma_wait3A_96 = tpu.memref_squeeze %dma_wait3A_95 : memref<1x96xi32, #tpu.memory_space<vmem>> -> memref<96xi32, #tpu.memory_space<vmem>>
      %dma_wait3A_97 = arith.constant 0 : i32
      %dma_wait3A_98 = arith.constant 0 : i32
      %dma_wait3A_99 = tpu.memref_slice %arg2[%dma_wait3A_97, %dma_wait3A_98] : memref<25000x128xi32, #tpu.memory_space<hbm>> -> memref<25000x128xi32, #tpu.memory_space<hbm>>
      tpu.wait_indirect_dma semaphore(%arg11 : memref<!tpu.dma_semaphore, #tpu.memory_space<semaphore_mem>>) src(%dma_wait3A_99 : memref<25000x128xi32, #tpu.memory_space<hbm>>) dst(%dma_wait3A_93 : memref<96x128xi32, #tpu.memory_space<vmem>>)
      %run_scoped3A_100 = arith.constant 0 : i32
      %run_scoped3A_101 = arith.constant 2 : i32
      "tpu.region"() ({
        %run_scoped3A_220 = tpu.sem_alloc : memref<!tpu.dma_semaphore, #tpu.memory_space<semaphore_mem>>
        %dma_start3A_221 = arith.constant 0 : i32
        %dma_start3A_222 = arith.constant 0 : i32
        %dma_start3A_223 = tpu.memref_slice %arg9[%run_scoped3A_100, %dma_start3A_221, %dma_start3A_222] : memref<2x96x128xi32, #tpu.memory_space<vmem>> -> memref<1x96x128xi32, #tpu.memory_space<vmem>>
        %dma_start3A_224 = tpu.memref_squeeze %dma_start3A_223 : memref<1x96x128xi32, #tpu.memory_space<vmem>> -> memref<96x128xi32, #tpu.memory_space<vmem>>
        %dma_start3A_225 = arith.constant 0 : i32
        %dma_start3A_226 = tpu.memref_slice %arg8[%run_scoped3A_101, %dma_start3A_225] : memref<8x96xi32, #tpu.memory_space<vmem>> -> memref<1x96xi32, #tpu.memory_space<vmem>>
        %dma_start3A_227 = tpu.memref_squeeze %dma_start3A_226 : memref<1x96xi32, #tpu.memory_space<vmem>> -> memref<96xi32, #tpu.memory_space<vmem>>
        %dma_start3A_228 = arith.constant 0 : i32
        %dma_start3A_229 = arith.constant 0 : i32
        %dma_start3A_230 = tpu.memref_slice %arg10[%dma_start3A_228, %dma_start3A_229] : memref<13056x128xi32, #tpu.memory_space<vmem_shared>> -> memref<13056x128xi32, #tpu.memory_space<vmem_shared>>
        tpu.enqueue_indirect_dma source(%dma_start3A_224 : memref<96x128xi32, #tpu.memory_space<vmem>>) target(%dma_start3A_230 : memref<13056x128xi32, #tpu.memory_space<vmem_shared>>) offsets(%dma_start3A_227 : memref<96xi32, #tpu.memory_space<vmem>>) semaphore(%run_scoped3A_220 : memref<!tpu.dma_semaphore, #tpu.memory_space<semaphore_mem>>) {add = true}
        %dma_wait3A_231 = arith.constant 0 : i32
        %dma_wait3A_232 = arith.constant 0 : i32
        %dma_wait3A_233 = tpu.memref_slice %arg9[%run_scoped3A_100, %dma_wait3A_231, %dma_wait3A_232] : memref<2x96x128xi32, #tpu.memory_space<vmem>> -> memref<1x96x128xi32, #tpu.memory_space<vmem>>
        %dma_wait3A_234 = tpu.memref_squeeze %dma_wait3A_233 : memref<1x96x128xi32, #tpu.memory_space<vmem>> -> memref<96x128xi32, #tpu.memory_space<vmem>>
        %dma_wait3A_235 = arith.constant 0 : i32
        %dma_wait3A_236 = tpu.memref_slice %arg8[%run_scoped3A_101, %dma_wait3A_235] : memref<8x96xi32, #tpu.memory_space<vmem>> -> memref<1x96xi32, #tpu.memory_space<vmem>>
        %dma_wait3A_237 = tpu.memref_squeeze %dma_wait3A_236 : memref<1x96xi32, #tpu.memory_space<vmem>> -> memref<96xi32, #tpu.memory_space<vmem>>
        %dma_wait3A_238 = arith.constant 0 : i32
        %dma_wait3A_239 = arith.constant 0 : i32
        %dma_wait3A_240 = tpu.memref_slice %arg10[%dma_wait3A_238, %dma_wait3A_239] : memref<13056x128xi32, #tpu.memory_space<vmem_shared>> -> memref<13056x128xi32, #tpu.memory_space<vmem_shared>>
        tpu.wait_indirect_dma semaphore(%run_scoped3A_220 : memref<!tpu.dma_semaphore, #tpu.memory_space<semaphore_mem>>) src(%dma_wait3A_234 : memref<96x128xi32, #tpu.memory_space<vmem>>) dst(%dma_wait3A_240 : memref<13056x128xi32, #tpu.memory_space<vmem_shared>>)
        tpu.yield
      }) : () -> ()
      %dma_start3A_102 = arith.constant 4 : i32
      %dma_start3A_103 = arith.constant 0 : i32
      %dma_start3A_104 = arith.constant 0 : i32
      %dma_start3A_105 = arith.constant 0 : i32
      %dma_start3A_106 = tpu.memref_slice %arg9[%dma_start3A_103, %dma_start3A_104, %dma_start3A_105] : memref<2x96x128xi32, #tpu.memory_space<vmem>> -> memref<1x96x128xi32, #tpu.memory_space<vmem>>
      %dma_start3A_107 = tpu.memref_squeeze %dma_start3A_106 : memref<1x96x128xi32, #tpu.memory_space<vmem>> -> memref<96x128xi32, #tpu.memory_space<vmem>>
      %dma_start3A_108 = arith.constant 0 : i32
      %dma_start3A_109 = tpu.memref_slice %arg7[%dma_start3A_102, %dma_start3A_108] : memref<8x96xi32, #tpu.memory_space<vmem>> -> memref<1x96xi32, #tpu.memory_space<vmem>>
      %dma_start3A_110 = tpu.memref_squeeze %dma_start3A_109 : memref<1x96xi32, #tpu.memory_space<vmem>> -> memref<96xi32, #tpu.memory_space<vmem>>
      %dma_start3A_111 = arith.constant 0 : i32
      %dma_start3A_112 = arith.constant 0 : i32
      %dma_start3A_113 = tpu.memref_slice %arg2[%dma_start3A_111, %dma_start3A_112] : memref<25000x128xi32, #tpu.memory_space<hbm>> -> memref<25000x128xi32, #tpu.memory_space<hbm>>
      tpu.enqueue_indirect_dma source(%dma_start3A_113 : memref<25000x128xi32, #tpu.memory_space<hbm>>) target(%dma_start3A_107 : memref<96x128xi32, #tpu.memory_space<vmem>>) offsets(%dma_start3A_110 : memref<96xi32, #tpu.memory_space<vmem>>) semaphore(%arg11 : memref<!tpu.dma_semaphore, #tpu.memory_space<semaphore_mem>>)
      %dma_wait3A_114 = arith.constant 3 : i32
      %dma_wait3A_115 = arith.constant 1 : i32
      %dma_wait3A_116 = arith.constant 0 : i32
      %dma_wait3A_117 = arith.constant 0 : i32
      %dma_wait3A_118 = tpu.memref_slice %arg9[%dma_wait3A_115, %dma_wait3A_116, %dma_wait3A_117] : memref<2x96x128xi32, #tpu.memory_space<vmem>> -> memref<1x96x128xi32, #tpu.memory_space<vmem>>
      %dma_wait3A_119 = tpu.memref_squeeze %dma_wait3A_118 : memref<1x96x128xi32, #tpu.memory_space<vmem>> -> memref<96x128xi32, #tpu.memory_space<vmem>>
      %dma_wait3A_120 = arith.constant 0 : i32
      %dma_wait3A_121 = tpu.memref_slice %arg7[%dma_wait3A_114, %dma_wait3A_120] : memref<8x96xi32, #tpu.memory_space<vmem>> -> memref<1x96xi32, #tpu.memory_space<vmem>>
      %dma_wait3A_122 = tpu.memref_squeeze %dma_wait3A_121 : memref<1x96xi32, #tpu.memory_space<vmem>> -> memref<96xi32, #tpu.memory_space<vmem>>
      %dma_wait3A_123 = arith.constant 0 : i32
      %dma_wait3A_124 = arith.constant 0 : i32
      %dma_wait3A_125 = tpu.memref_slice %arg2[%dma_wait3A_123, %dma_wait3A_124] : memref<25000x128xi32, #tpu.memory_space<hbm>> -> memref<25000x128xi32, #tpu.memory_space<hbm>>
      tpu.wait_indirect_dma semaphore(%arg12 : memref<!tpu.dma_semaphore, #tpu.memory_space<semaphore_mem>>) src(%dma_wait3A_125 : memref<25000x128xi32, #tpu.memory_space<hbm>>) dst(%dma_wait3A_119 : memref<96x128xi32, #tpu.memory_space<vmem>>)
      %run_scoped3A_126 = arith.constant 1 : i32
      %run_scoped3A_127 = arith.constant 3 : i32
      "tpu.region"() ({
        %run_scoped3A_220 = tpu.sem_alloc : memref<!tpu.dma_semaphore, #tpu.memory_space<semaphore_mem>>
        %dma_start3A_221 = arith.constant 0 : i32
        %dma_start3A_222 = arith.constant 0 : i32
        %dma_start3A_223 = tpu.memref_slice %arg9[%run_scoped3A_126, %dma_start3A_221, %dma_start3A_222] : memref<2x96x128xi32, #tpu.memory_space<vmem>> -> memref<1x96x128xi32, #tpu.memory_space<vmem>>
        %dma_start3A_224 = tpu.memref_squeeze %dma_start3A_223 : memref<1x96x128xi32, #tpu.memory_space<vmem>> -> memref<96x128xi32, #tpu.memory_space<vmem>>
        %dma_start3A_225 = arith.constant 0 : i32
        %dma_start3A_226 = tpu.memref_slice %arg8[%run_scoped3A_127, %dma_start3A_225] : memref<8x96xi32, #tpu.memory_space<vmem>> -> memref<1x96xi32, #tpu.memory_space<vmem>>
        %dma_start3A_227 = tpu.memref_squeeze %dma_start3A_226 : memref<1x96xi32, #tpu.memory_space<vmem>> -> memref<96xi32, #tpu.memory_space<vmem>>
        %dma_start3A_228 = arith.constant 0 : i32
        %dma_start3A_229 = arith.constant 0 : i32
        %dma_start3A_230 = tpu.memref_slice %arg10[%dma_start3A_228, %dma_start3A_229] : memref<13056x128xi32, #tpu.memory_space<vmem_shared>> -> memref<13056x128xi32, #tpu.memory_space<vmem_shared>>
        tpu.enqueue_indirect_dma source(%dma_start3A_224 : memref<96x128xi32, #tpu.memory_space<vmem>>) target(%dma_start3A_230 : memref<13056x128xi32, #tpu.memory_space<vmem_shared>>) offsets(%dma_start3A_227 : memref<96xi32, #tpu.memory_space<vmem>>) semaphore(%run_scoped3A_220 : memref<!tpu.dma_semaphore, #tpu.memory_space<semaphore_mem>>) {add = true}
        %dma_wait3A_231 = arith.constant 0 : i32
        %dma_wait3A_232 = arith.constant 0 : i32
        %dma_wait3A_233 = tpu.memref_slice %arg9[%run_scoped3A_126, %dma_wait3A_231, %dma_wait3A_232] : memref<2x96x128xi32, #tpu.memory_space<vmem>> -> memref<1x96x128xi32, #tpu.memory_space<vmem>>
        %dma_wait3A_234 = tpu.memref_squeeze %dma_wait3A_233 : memref<1x96x128xi32, #tpu.memory_space<vmem>> -> memref<96x128xi32, #tpu.memory_space<vmem>>
        %dma_wait3A_235 = arith.constant 0 : i32
        %dma_wait3A_236 = tpu.memref_slice %arg8[%run_scoped3A_127, %dma_wait3A_235] : memref<8x96xi32, #tpu.memory_space<vmem>> -> memref<1x96xi32, #tpu.memory_space<vmem>>
        %dma_wait3A_237 = tpu.memref_squeeze %dma_wait3A_236 : memref<1x96xi32, #tpu.memory_space<vmem>> -> memref<96xi32, #tpu.memory_space<vmem>>
        %dma_wait3A_238 = arith.constant 0 : i32
        %dma_wait3A_239 = arith.constant 0 : i32
        %dma_wait3A_240 = tpu.memref_slice %arg10[%dma_wait3A_238, %dma_wait3A_239] : memref<13056x128xi32, #tpu.memory_space<vmem_shared>> -> memref<13056x128xi32, #tpu.memory_space<vmem_shared>>
        tpu.wait_indirect_dma semaphore(%run_scoped3A_220 : memref<!tpu.dma_semaphore, #tpu.memory_space<semaphore_mem>>) src(%dma_wait3A_234 : memref<96x128xi32, #tpu.memory_space<vmem>>) dst(%dma_wait3A_240 : memref<13056x128xi32, #tpu.memory_space<vmem_shared>>)
        tpu.yield
      }) : () -> ()
      %dma_start3A_128 = arith.constant 5 : i32
      %dma_start3A_129 = arith.constant 1 : i32
      %dma_start3A_130 = arith.constant 0 : i32
      %dma_start3A_131 = arith.constant 0 : i32
      %dma_start3A_132 = tpu.memref_slice %arg9[%dma_start3A_129, %dma_start3A_130, %dma_start3A_131] : memref<2x96x128xi32, #tpu.memory_space<vmem>> -> memref<1x96x128xi32, #tpu.memory_space<vmem>>
      %dma_start3A_133 = tpu.memref_squeeze %dma_start3A_132 : memref<1x96x128xi32, #tpu.memory_space<vmem>> -> memref<96x128xi32, #tpu.memory_space<vmem>>
      %dma_start3A_134 = arith.constant 0 : i32
      %dma_start3A_135 = tpu.memref_slice %arg7[%dma_start3A_128, %dma_start3A_134] : memref<8x96xi32, #tpu.memory_space<vmem>> -> memref<1x96xi32, #tpu.memory_space<vmem>>
      %dma_start3A_136 = tpu.memref_squeeze %dma_start3A_135 : memref<1x96xi32, #tpu.memory_space<vmem>> -> memref<96xi32, #tpu.memory_space<vmem>>
      %dma_start3A_137 = arith.constant 0 : i32
      %dma_start3A_138 = arith.constant 0 : i32
      %dma_start3A_139 = tpu.memref_slice %arg2[%dma_start3A_137, %dma_start3A_138] : memref<25000x128xi32, #tpu.memory_space<hbm>> -> memref<25000x128xi32, #tpu.memory_space<hbm>>
      tpu.enqueue_indirect_dma source(%dma_start3A_139 : memref<25000x128xi32, #tpu.memory_space<hbm>>) target(%dma_start3A_133 : memref<96x128xi32, #tpu.memory_space<vmem>>) offsets(%dma_start3A_136 : memref<96xi32, #tpu.memory_space<vmem>>) semaphore(%arg12 : memref<!tpu.dma_semaphore, #tpu.memory_space<semaphore_mem>>)
      %dma_wait3A_140 = arith.constant 4 : i32
      %dma_wait3A_141 = arith.constant 0 : i32
      %dma_wait3A_142 = arith.constant 0 : i32
      %dma_wait3A_143 = arith.constant 0 : i32
      %dma_wait3A_144 = tpu.memref_slice %arg9[%dma_wait3A_141, %dma_wait3A_142, %dma_wait3A_143] : memref<2x96x128xi32, #tpu.memory_space<vmem>> -> memref<1x96x128xi32, #tpu.memory_space<vmem>>
      %dma_wait3A_145 = tpu.memref_squeeze %dma_wait3A_144 : memref<1x96x128xi32, #tpu.memory_space<vmem>> -> memref<96x128xi32, #tpu.memory_space<vmem>>
      %dma_wait3A_146 = arith.constant 0 : i32
      %dma_wait3A_147 = tpu.memref_slice %arg7[%dma_wait3A_140, %dma_wait3A_146] : memref<8x96xi32, #tpu.memory_space<vmem>> -> memref<1x96xi32, #tpu.memory_space<vmem>>
      %dma_wait3A_148 = tpu.memref_squeeze %dma_wait3A_147 : memref<1x96xi32, #tpu.memory_space<vmem>> -> memref<96xi32, #tpu.memory_space<vmem>>
      %dma_wait3A_149 = arith.constant 0 : i32
      %dma_wait3A_150 = arith.constant 0 : i32
      %dma_wait3A_151 = tpu.memref_slice %arg2[%dma_wait3A_149, %dma_wait3A_150] : memref<25000x128xi32, #tpu.memory_space<hbm>> -> memref<25000x128xi32, #tpu.memory_space<hbm>>
      tpu.wait_indirect_dma semaphore(%arg11 : memref<!tpu.dma_semaphore, #tpu.memory_space<semaphore_mem>>) src(%dma_wait3A_151 : memref<25000x128xi32, #tpu.memory_space<hbm>>) dst(%dma_wait3A_145 : memref<96x128xi32, #tpu.memory_space<vmem>>)
      %run_scoped3A_152 = arith.constant 0 : i32
      %run_scoped3A_153 = arith.constant 4 : i32
      "tpu.region"() ({
        %run_scoped3A_220 = tpu.sem_alloc : memref<!tpu.dma_semaphore, #tpu.memory_space<semaphore_mem>>
        %dma_start3A_221 = arith.constant 0 : i32
        %dma_start3A_222 = arith.constant 0 : i32
        %dma_start3A_223 = tpu.memref_slice %arg9[%run_scoped3A_152, %dma_start3A_221, %dma_start3A_222] : memref<2x96x128xi32, #tpu.memory_space<vmem>> -> memref<1x96x128xi32, #tpu.memory_space<vmem>>
        %dma_start3A_224 = tpu.memref_squeeze %dma_start3A_223 : memref<1x96x128xi32, #tpu.memory_space<vmem>> -> memref<96x128xi32, #tpu.memory_space<vmem>>
        %dma_start3A_225 = arith.constant 0 : i32
        %dma_start3A_226 = tpu.memref_slice %arg8[%run_scoped3A_153, %dma_start3A_225] : memref<8x96xi32, #tpu.memory_space<vmem>> -> memref<1x96xi32, #tpu.memory_space<vmem>>
        %dma_start3A_227 = tpu.memref_squeeze %dma_start3A_226 : memref<1x96xi32, #tpu.memory_space<vmem>> -> memref<96xi32, #tpu.memory_space<vmem>>
        %dma_start3A_228 = arith.constant 0 : i32
        %dma_start3A_229 = arith.constant 0 : i32
        %dma_start3A_230 = tpu.memref_slice %arg10[%dma_start3A_228, %dma_start3A_229] : memref<13056x128xi32, #tpu.memory_space<vmem_shared>> -> memref<13056x128xi32, #tpu.memory_space<vmem_shared>>
        tpu.enqueue_indirect_dma source(%dma_start3A_224 : memref<96x128xi32, #tpu.memory_space<vmem>>) target(%dma_start3A_230 : memref<13056x128xi32, #tpu.memory_space<vmem_shared>>) offsets(%dma_start3A_227 : memref<96xi32, #tpu.memory_space<vmem>>) semaphore(%run_scoped3A_220 : memref<!tpu.dma_semaphore, #tpu.memory_space<semaphore_mem>>) {add = true}
        %dma_wait3A_231 = arith.constant 0 : i32
        %dma_wait3A_232 = arith.constant 0 : i32
        %dma_wait3A_233 = tpu.memref_slice %arg9[%run_scoped3A_152, %dma_wait3A_231, %dma_wait3A_232] : memref<2x96x128xi32, #tpu.memory_space<vmem>> -> memref<1x96x128xi32, #tpu.memory_space<vmem>>
        %dma_wait3A_234 = tpu.memref_squeeze %dma_wait3A_233 : memref<1x96x128xi32, #tpu.memory_space<vmem>> -> memref<96x128xi32, #tpu.memory_space<vmem>>
        %dma_wait3A_235 = arith.constant 0 : i32
        %dma_wait3A_236 = tpu.memref_slice %arg8[%run_scoped3A_153, %dma_wait3A_235] : memref<8x96xi32, #tpu.memory_space<vmem>> -> memref<1x96xi32, #tpu.memory_space<vmem>>
        %dma_wait3A_237 = tpu.memref_squeeze %dma_wait3A_236 : memref<1x96xi32, #tpu.memory_space<vmem>> -> memref<96xi32, #tpu.memory_space<vmem>>
        %dma_wait3A_238 = arith.constant 0 : i32
        %dma_wait3A_239 = arith.constant 0 : i32
        %dma_wait3A_240 = tpu.memref_slice %arg10[%dma_wait3A_238, %dma_wait3A_239] : memref<13056x128xi32, #tpu.memory_space<vmem_shared>> -> memref<13056x128xi32, #tpu.memory_space<vmem_shared>>
        tpu.wait_indirect_dma semaphore(%run_scoped3A_220 : memref<!tpu.dma_semaphore, #tpu.memory_space<semaphore_mem>>) src(%dma_wait3A_234 : memref<96x128xi32, #tpu.memory_space<vmem>>) dst(%dma_wait3A_240 : memref<13056x128xi32, #tpu.memory_space<vmem_shared>>)
        tpu.yield
      }) : () -> ()
      %dma_start3A_154 = arith.constant 6 : i32
      %dma_start3A_155 = arith.constant 0 : i32
      %dma_start3A_156 = arith.constant 0 : i32
      %dma_start3A_157 = arith.constant 0 : i32
      %dma_start3A_158 = tpu.memref_slice %arg9[%dma_start3A_155, %dma_start3A_156, %dma_start3A_157] : memref<2x96x128xi32, #tpu.memory_space<vmem>> -> memref<1x96x128xi32, #tpu.memory_space<vmem>>
      %dma_start3A_159 = tpu.memref_squeeze %dma_start3A_158 : memref<1x96x128xi32, #tpu.memory_space<vmem>> -> memref<96x128xi32, #tpu.memory_space<vmem>>
      %dma_start3A_160 = arith.constant 0 : i32
      %dma_start3A_161 = tpu.memref_slice %arg7[%dma_start3A_154, %dma_start3A_160] : memref<8x96xi32, #tpu.memory_space<vmem>> -> memref<1x96xi32, #tpu.memory_space<vmem>>
      %dma_start3A_162 = tpu.memref_squeeze %dma_start3A_161 : memref<1x96xi32, #tpu.memory_space<vmem>> -> memref<96xi32, #tpu.memory_space<vmem>>
      %dma_start3A_163 = arith.constant 0 : i32
      %dma_start3A_164 = arith.constant 0 : i32
      %dma_start3A_165 = tpu.memref_slice %arg2[%dma_start3A_163, %dma_start3A_164] : memref<25000x128xi32, #tpu.memory_space<hbm>> -> memref<25000x128xi32, #tpu.memory_space<hbm>>
      tpu.enqueue_indirect_dma source(%dma_start3A_165 : memref<25000x128xi32, #tpu.memory_space<hbm>>) target(%dma_start3A_159 : memref<96x128xi32, #tpu.memory_space<vmem>>) offsets(%dma_start3A_162 : memref<96xi32, #tpu.memory_space<vmem>>) semaphore(%arg11 : memref<!tpu.dma_semaphore, #tpu.memory_space<semaphore_mem>>)
      %dma_wait3A_166 = arith.constant 5 : i32
      %dma_wait3A_167 = arith.constant 1 : i32
      %dma_wait3A_168 = arith.constant 0 : i32
      %dma_wait3A_169 = arith.constant 0 : i32
      %dma_wait3A_170 = tpu.memref_slice %arg9[%dma_wait3A_167, %dma_wait3A_168, %dma_wait3A_169] : memref<2x96x128xi32, #tpu.memory_space<vmem>> -> memref<1x96x128xi32, #tpu.memory_space<vmem>>
      %dma_wait3A_171 = tpu.memref_squeeze %dma_wait3A_170 : memref<1x96x128xi32, #tpu.memory_space<vmem>> -> memref<96x128xi32, #tpu.memory_space<vmem>>
      %dma_wait3A_172 = arith.constant 0 : i32
      %dma_wait3A_173 = tpu.memref_slice %arg7[%dma_wait3A_166, %dma_wait3A_172] : memref<8x96xi32, #tpu.memory_space<vmem>> -> memref<1x96xi32, #tpu.memory_space<vmem>>
      %dma_wait3A_174 = tpu.memref_squeeze %dma_wait3A_173 : memref<1x96xi32, #tpu.memory_space<vmem>> -> memref<96xi32, #tpu.memory_space<vmem>>
      %dma_wait3A_175 = arith.constant 0 : i32
      %dma_wait3A_176 = arith.constant 0 : i32
      %dma_wait3A_177 = tpu.memref_slice %arg2[%dma_wait3A_175, %dma_wait3A_176] : memref<25000x128xi32, #tpu.memory_space<hbm>> -> memref<25000x128xi32, #tpu.memory_space<hbm>>
      tpu.wait_indirect_dma semaphore(%arg12 : memref<!tpu.dma_semaphore, #tpu.memory_space<semaphore_mem>>) src(%dma_wait3A_177 : memref<25000x128xi32, #tpu.memory_space<hbm>>) dst(%dma_wait3A_171 : memref<96x128xi32, #tpu.memory_space<vmem>>)
      %run_scoped3A_178 = arith.constant 1 : i32
      %run_scoped3A_179 = arith.constant 5 : i32
      "tpu.region"() ({
        %run_scoped3A_220 = tpu.sem_alloc : memref<!tpu.dma_semaphore, #tpu.memory_space<semaphore_mem>>
        %dma_start3A_221 = arith.constant 0 : i32
        %dma_start3A_222 = arith.constant 0 : i32
        %dma_start3A_223 = tpu.memref_slice %arg9[%run_scoped3A_178, %dma_start3A_221, %dma_start3A_222] : memref<2x96x128xi32, #tpu.memory_space<vmem>> -> memref<1x96x128xi32, #tpu.memory_space<vmem>>
        %dma_start3A_224 = tpu.memref_squeeze %dma_start3A_223 : memref<1x96x128xi32, #tpu.memory_space<vmem>> -> memref<96x128xi32, #tpu.memory_space<vmem>>
        %dma_start3A_225 = arith.constant 0 : i32
        %dma_start3A_226 = tpu.memref_slice %arg8[%run_scoped3A_179, %dma_start3A_225] : memref<8x96xi32, #tpu.memory_space<vmem>> -> memref<1x96xi32, #tpu.memory_space<vmem>>
        %dma_start3A_227 = tpu.memref_squeeze %dma_start3A_226 : memref<1x96xi32, #tpu.memory_space<vmem>> -> memref<96xi32, #tpu.memory_space<vmem>>
        %dma_start3A_228 = arith.constant 0 : i32
        %dma_start3A_229 = arith.constant 0 : i32
        %dma_start3A_230 = tpu.memref_slice %arg10[%dma_start3A_228, %dma_start3A_229] : memref<13056x128xi32, #tpu.memory_space<vmem_shared>> -> memref<13056x128xi32, #tpu.memory_space<vmem_shared>>
        tpu.enqueue_indirect_dma source(%dma_start3A_224 : memref<96x128xi32, #tpu.memory_space<vmem>>) target(%dma_start3A_230 : memref<13056x128xi32, #tpu.memory_space<vmem_shared>>) offsets(%dma_start3A_227 : memref<96xi32, #tpu.memory_space<vmem>>) semaphore(%run_scoped3A_220 : memref<!tpu.dma_semaphore, #tpu.memory_space<semaphore_mem>>) {add = true}
        %dma_wait3A_231 = arith.constant 0 : i32
        %dma_wait3A_232 = arith.constant 0 : i32
        %dma_wait3A_233 = tpu.memref_slice %arg9[%run_scoped3A_178, %dma_wait3A_231, %dma_wait3A_232] : memref<2x96x128xi32, #tpu.memory_space<vmem>> -> memref<1x96x128xi32, #tpu.memory_space<vmem>>
        %dma_wait3A_234 = tpu.memref_squeeze %dma_wait3A_233 : memref<1x96x128xi32, #tpu.memory_space<vmem>> -> memref<96x128xi32, #tpu.memory_space<vmem>>
        %dma_wait3A_235 = arith.constant 0 : i32
        %dma_wait3A_236 = tpu.memref_slice %arg8[%run_scoped3A_179, %dma_wait3A_235] : memref<8x96xi32, #tpu.memory_space<vmem>> -> memref<1x96xi32, #tpu.memory_space<vmem>>
        %dma_wait3A_237 = tpu.memref_squeeze %dma_wait3A_236 : memref<1x96xi32, #tpu.memory_space<vmem>> -> memref<96xi32, #tpu.memory_space<vmem>>
        %dma_wait3A_238 = arith.constant 0 : i32
        %dma_wait3A_239 = arith.constant 0 : i32
        %dma_wait3A_240 = tpu.memref_slice %arg10[%dma_wait3A_238, %dma_wait3A_239] : memref<13056x128xi32, #tpu.memory_space<vmem_shared>> -> memref<13056x128xi32, #tpu.memory_space<vmem_shared>>
        tpu.wait_indirect_dma semaphore(%run_scoped3A_220 : memref<!tpu.dma_semaphore, #tpu.memory_space<semaphore_mem>>) src(%dma_wait3A_234 : memref<96x128xi32, #tpu.memory_space<vmem>>) dst(%dma_wait3A_240 : memref<13056x128xi32, #tpu.memory_space<vmem_shared>>)
        tpu.yield
      }) : () -> ()
      %dma_start3A_180 = arith.constant 7 : i32
      %dma_start3A_181 = arith.constant 1 : i32
      %dma_start3A_182 = arith.constant 0 : i32
      %dma_start3A_183 = arith.constant 0 : i32
      %dma_start3A_184 = tpu.memref_slice %arg9[%dma_start3A_181, %dma_start3A_182, %dma_start3A_183] : memref<2x96x128xi32, #tpu.memory_space<vmem>> -> memref<1x96x128xi32, #tpu.memory_space<vmem>>
      %dma_start3A_185 = tpu.memref_squeeze %dma_start3A_184 : memref<1x96x128xi32, #tpu.memory_space<vmem>> -> memref<96x128xi32, #tpu.memory_space<vmem>>
      %dma_start3A_186 = arith.constant 0 : i32
      %dma_start3A_187 = tpu.memref_slice %arg7[%dma_start3A_180, %dma_start3A_186] : memref<8x96xi32, #tpu.memory_space<vmem>> -> memref<1x96xi32, #tpu.memory_space<vmem>>
      %dma_start3A_188 = tpu.memref_squeeze %dma_start3A_187 : memref<1x96xi32, #tpu.memory_space<vmem>> -> memref<96xi32, #tpu.memory_space<vmem>>
      %dma_start3A_189 = arith.constant 0 : i32
      %dma_start3A_190 = arith.constant 0 : i32
      %dma_start3A_191 = tpu.memref_slice %arg2[%dma_start3A_189, %dma_start3A_190] : memref<25000x128xi32, #tpu.memory_space<hbm>> -> memref<25000x128xi32, #tpu.memory_space<hbm>>
      tpu.enqueue_indirect_dma source(%dma_start3A_191 : memref<25000x128xi32, #tpu.memory_space<hbm>>) target(%dma_start3A_185 : memref<96x128xi32, #tpu.memory_space<vmem>>) offsets(%dma_start3A_188 : memref<96xi32, #tpu.memory_space<vmem>>) semaphore(%arg12 : memref<!tpu.dma_semaphore, #tpu.memory_space<semaphore_mem>>)
      %dma_wait3A_192 = arith.constant 6 : i32
      %dma_wait3A_193 = arith.constant 0 : i32
      %dma_wait3A_194 = arith.constant 0 : i32
      %dma_wait3A_195 = arith.constant 0 : i32
      %dma_wait3A_196 = tpu.memref_slice %arg9[%dma_wait3A_193, %dma_wait3A_194, %dma_wait3A_195] : memref<2x96x128xi32, #tpu.memory_space<vmem>> -> memref<1x96x128xi32, #tpu.memory_space<vmem>>
      %dma_wait3A_197 = tpu.memref_squeeze %dma_wait3A_196 : memref<1x96x128xi32, #tpu.memory_space<vmem>> -> memref<96x128xi32, #tpu.memory_space<vmem>>
      %dma_wait3A_198 = arith.constant 0 : i32
      %dma_wait3A_199 = tpu.memref_slice %arg7[%dma_wait3A_192, %dma_wait3A_198] : memref<8x96xi32, #tpu.memory_space<vmem>> -> memref<1x96xi32, #tpu.memory_space<vmem>>
      %dma_wait3A_200 = tpu.memref_squeeze %dma_wait3A_199 : memref<1x96xi32, #tpu.memory_space<vmem>> -> memref<96xi32, #tpu.memory_space<vmem>>
      %dma_wait3A_201 = arith.constant 0 : i32
      %dma_wait3A_202 = arith.constant 0 : i32
      %dma_wait3A_203 = tpu.memref_slice %arg2[%dma_wait3A_201, %dma_wait3A_202] : memref<25000x128xi32, #tpu.memory_space<hbm>> -> memref<25000x128xi32, #tpu.memory_space<hbm>>
      tpu.wait_indirect_dma semaphore(%arg11 : memref<!tpu.dma_semaphore, #tpu.memory_space<semaphore_mem>>) src(%dma_wait3A_203 : memref<25000x128xi32, #tpu.memory_space<hbm>>) dst(%dma_wait3A_197 : memref<96x128xi32, #tpu.memory_space<vmem>>)
      %run_scoped3A_204 = arith.constant 0 : i32
      %run_scoped3A_205 = arith.constant 6 : i32
      "tpu.region"() ({
        %run_scoped3A_220 = tpu.sem_alloc : memref<!tpu.dma_semaphore, #tpu.memory_space<semaphore_mem>>
        %dma_start3A_221 = arith.constant 0 : i32
        %dma_start3A_222 = arith.constant 0 : i32
        %dma_start3A_223 = tpu.memref_slice %arg9[%run_scoped3A_204, %dma_start3A_221, %dma_start3A_222] : memref<2x96x128xi32, #tpu.memory_space<vmem>> -> memref<1x96x128xi32, #tpu.memory_space<vmem>>
        %dma_start3A_224 = tpu.memref_squeeze %dma_start3A_223 : memref<1x96x128xi32, #tpu.memory_space<vmem>> -> memref<96x128xi32, #tpu.memory_space<vmem>>
        %dma_start3A_225 = arith.constant 0 : i32
        %dma_start3A_226 = tpu.memref_slice %arg8[%run_scoped3A_205, %dma_start3A_225] : memref<8x96xi32, #tpu.memory_space<vmem>> -> memref<1x96xi32, #tpu.memory_space<vmem>>
        %dma_start3A_227 = tpu.memref_squeeze %dma_start3A_226 : memref<1x96xi32, #tpu.memory_space<vmem>> -> memref<96xi32, #tpu.memory_space<vmem>>
        %dma_start3A_228 = arith.constant 0 : i32
        %dma_start3A_229 = arith.constant 0 : i32
        %dma_start3A_230 = tpu.memref_slice %arg10[%dma_start3A_228, %dma_start3A_229] : memref<13056x128xi32, #tpu.memory_space<vmem_shared>> -> memref<13056x128xi32, #tpu.memory_space<vmem_shared>>
        tpu.enqueue_indirect_dma source(%dma_start3A_224 : memref<96x128xi32, #tpu.memory_space<vmem>>) target(%dma_start3A_230 : memref<13056x128xi32, #tpu.memory_space<vmem_shared>>) offsets(%dma_start3A_227 : memref<96xi32, #tpu.memory_space<vmem>>) semaphore(%run_scoped3A_220 : memref<!tpu.dma_semaphore, #tpu.memory_space<semaphore_mem>>) {add = true}
        %dma_wait3A_231 = arith.constant 0 : i32
        %dma_wait3A_232 = arith.constant 0 : i32
        %dma_wait3A_233 = tpu.memref_slice %arg9[%run_scoped3A_204, %dma_wait3A_231, %dma_wait3A_232] : memref<2x96x128xi32, #tpu.memory_space<vmem>> -> memref<1x96x128xi32, #tpu.memory_space<vmem>>
        %dma_wait3A_234 = tpu.memref_squeeze %dma_wait3A_233 : memref<1x96x128xi32, #tpu.memory_space<vmem>> -> memref<96x128xi32, #tpu.memory_space<vmem>>
        %dma_wait3A_235 = arith.constant 0 : i32
        %dma_wait3A_236 = tpu.memref_slice %arg8[%run_scoped3A_205, %dma_wait3A_235] : memref<8x96xi32, #tpu.memory_space<vmem>> -> memref<1x96xi32, #tpu.memory_space<vmem>>
        %dma_wait3A_237 = tpu.memref_squeeze %dma_wait3A_236 : memref<1x96xi32, #tpu.memory_space<vmem>> -> memref<96xi32, #tpu.memory_space<vmem>>
        %dma_wait3A_238 = arith.constant 0 : i32
        %dma_wait3A_239 = arith.constant 0 : i32
        %dma_wait3A_240 = tpu.memref_slice %arg10[%dma_wait3A_238, %dma_wait3A_239] : memref<13056x128xi32, #tpu.memory_space<vmem_shared>> -> memref<13056x128xi32, #tpu.memory_space<vmem_shared>>
        tpu.wait_indirect_dma semaphore(%run_scoped3A_220 : memref<!tpu.dma_semaphore, #tpu.memory_space<semaphore_mem>>) src(%dma_wait3A_234 : memref<96x128xi32, #tpu.memory_space<vmem>>) dst(%dma_wait3A_240 : memref<13056x128xi32, #tpu.memory_space<vmem_shared>>)
        tpu.yield
      }) : () -> ()
      %dma_wait3A_206 = arith.constant 7 : i32
      %dma_wait3A_207 = arith.constant 1 : i32
      %dma_wait3A_208 = arith.constant 0 : i32
      %dma_wait3A_209 = arith.constant 0 : i32
      %dma_wait3A_210 = tpu.memref_slice %arg9[%dma_wait3A_207, %dma_wait3A_208, %dma_wait3A_209] : memref<2x96x128xi32, #tpu.memory_space<vmem>> -> memref<1x96x128xi32, #tpu.memory_space<vmem>>
      %dma_wait3A_211 = tpu.memref_squeeze %dma_wait3A_210 : memref<1x96x128xi32, #tpu.memory_space<vmem>> -> memref<96x128xi32, #tpu.memory_space<vmem>>
      %dma_wait3A_212 = arith.constant 0 : i32
      %dma_wait3A_213 = tpu.memref_slice %arg7[%dma_wait3A_206, %dma_wait3A_212] : memref<8x96xi32, #tpu.memory_space<vmem>> -> memref<1x96xi32, #tpu.memory_space<vmem>>
      %dma_wait3A_214 = tpu.memref_squeeze %dma_wait3A_213 : memref<1x96xi32, #tpu.memory_space<vmem>> -> memref<96xi32, #tpu.memory_space<vmem>>
      %dma_wait3A_215 = arith.constant 0 : i32
      %dma_wait3A_216 = arith.constant 0 : i32
      %dma_wait3A_217 = tpu.memref_slice %arg2[%dma_wait3A_215, %dma_wait3A_216] : memref<25000x128xi32, #tpu.memory_space<hbm>> -> memref<25000x128xi32, #tpu.memory_space<hbm>>
      tpu.wait_indirect_dma semaphore(%arg12 : memref<!tpu.dma_semaphore, #tpu.memory_space<semaphore_mem>>) src(%dma_wait3A_217 : memref<25000x128xi32, #tpu.memory_space<hbm>>) dst(%dma_wait3A_211 : memref<96x128xi32, #tpu.memory_space<vmem>>)
      %run_scoped3A_218 = arith.constant 1 : i32
      %run_scoped3A_219 = arith.constant 7 : i32
      "tpu.region"() ({
        %run_scoped3A_220 = tpu.sem_alloc : memref<!tpu.dma_semaphore, #tpu.memory_space<semaphore_mem>>
        %dma_start3A_221 = arith.constant 0 : i32
        %dma_start3A_222 = arith.constant 0 : i32
        %dma_start3A_223 = tpu.memref_slice %arg9[%run_scoped3A_218, %dma_start3A_221, %dma_start3A_222] : memref<2x96x128xi32, #tpu.memory_space<vmem>> -> memref<1x96x128xi32, #tpu.memory_space<vmem>>
        %dma_start3A_224 = tpu.memref_squeeze %dma_start3A_223 : memref<1x96x128xi32, #tpu.memory_space<vmem>> -> memref<96x128xi32, #tpu.memory_space<vmem>>
        %dma_start3A_225 = arith.constant 0 : i32
        %dma_start3A_226 = tpu.memref_slice %arg8[%run_scoped3A_219, %dma_start3A_225] : memref<8x96xi32, #tpu.memory_space<vmem>> -> memref<1x96xi32, #tpu.memory_space<vmem>>
        %dma_start3A_227 = tpu.memref_squeeze %dma_start3A_226 : memref<1x96xi32, #tpu.memory_space<vmem>> -> memref<96xi32, #tpu.memory_space<vmem>>
        %dma_start3A_228 = arith.constant 0 : i32
        %dma_start3A_229 = arith.constant 0 : i32
        %dma_start3A_230 = tpu.memref_slice %arg10[%dma_start3A_228, %dma_start3A_229] : memref<13056x128xi32, #tpu.memory_space<vmem_shared>> -> memref<13056x128xi32, #tpu.memory_space<vmem_shared>>
        tpu.enqueue_indirect_dma source(%dma_start3A_224 : memref<96x128xi32, #tpu.memory_space<vmem>>) target(%dma_start3A_230 : memref<13056x128xi32, #tpu.memory_space<vmem_shared>>) offsets(%dma_start3A_227 : memref<96xi32, #tpu.memory_space<vmem>>) semaphore(%run_scoped3A_220 : memref<!tpu.dma_semaphore, #tpu.memory_space<semaphore_mem>>) {add = true}
        %dma_wait3A_231 = arith.constant 0 : i32
        %dma_wait3A_232 = arith.constant 0 : i32
        %dma_wait3A_233 = tpu.memref_slice %arg9[%run_scoped3A_218, %dma_wait3A_231, %dma_wait3A_232] : memref<2x96x128xi32, #tpu.memory_space<vmem>> -> memref<1x96x128xi32, #tpu.memory_space<vmem>>
        %dma_wait3A_234 = tpu.memref_squeeze %dma_wait3A_233 : memref<1x96x128xi32, #tpu.memory_space<vmem>> -> memref<96x128xi32, #tpu.memory_space<vmem>>
        %dma_wait3A_235 = arith.constant 0 : i32
        %dma_wait3A_236 = tpu.memref_slice %arg8[%run_scoped3A_219, %dma_wait3A_235] : memref<8x96xi32, #tpu.memory_space<vmem>> -> memref<1x96xi32, #tpu.memory_space<vmem>>
        %dma_wait3A_237 = tpu.memref_squeeze %dma_wait3A_236 : memref<1x96xi32, #tpu.memory_space<vmem>> -> memref<96xi32, #tpu.memory_space<vmem>>
        %dma_wait3A_238 = arith.constant 0 : i32
        %dma_wait3A_239 = arith.constant 0 : i32
        %dma_wait3A_240 = tpu.memref_slice %arg10[%dma_wait3A_238, %dma_wait3A_239] : memref<13056x128xi32, #tpu.memory_space<vmem_shared>> -> memref<13056x128xi32, #tpu.memory_space<vmem_shared>>
        tpu.wait_indirect_dma semaphore(%run_scoped3A_220 : memref<!tpu.dma_semaphore, #tpu.memory_space<semaphore_mem>>) src(%dma_wait3A_234 : memref<96x128xi32, #tpu.memory_space<vmem>>) dst(%dma_wait3A_240 : memref<13056x128xi32, #tpu.memory_space<vmem_shared>>)
        tpu.yield
      }) : () -> ()
    }
    %scan3A_7 = arith.constant 52 : i32
    %barrier3A_8 = arith.constant 0 : index
    tpu.barrier barrier_id(%barrier3A_8)
    "tpu.region"() ({
      %run_scoped3A = tpu.sem_alloc : memref<!tpu.dma_semaphore, #tpu.memory_space<semaphore_mem>>
      %dma_start3A = arith.constant 0 : i32
      %dma_start3A_9 = tpu.memref_slice %arg6[%arg0, %mul3A_0, %dma_start3A] : memref<2x13056x128xi32, #tpu.memory_space<hbm>> -> memref<1x816x128xi32, #tpu.memory_space<hbm>>
      %dma_start3A_10 = tpu.memref_squeeze %dma_start3A_9 : memref<1x816x128xi32, #tpu.memory_space<hbm>> -> memref<816x128xi32, #tpu.memory_space<hbm>>
      %dma_start3A_11 = arith.constant 0 : i32
      %dma_start3A_12 = tpu.memref_slice %arg10[%mul3A_0, %dma_start3A_11] : memref<13056x128xi32, #tpu.memory_space<vmem_shared>> -> memref<816x128xi32, #tpu.memory_space<vmem_shared>>
      tpu.enqueue_dma source(%dma_start3A_12 : memref<816x128xi32, #tpu.memory_space<vmem_shared>>) target(%dma_start3A_10 : memref<816x128xi32, #tpu.memory_space<hbm>>) target_semaphore(%run_scoped3A : memref<!tpu.dma_semaphore, #tpu.memory_space<semaphore_mem>>)
      %dma_wait3A = arith.constant 0 : i32
      %dma_wait3A_13 = tpu.memref_slice %arg6[%arg0, %mul3A_0, %dma_wait3A] : memref<2x13056x128xi32, #tpu.memory_space<hbm>> -> memref<1x816x128xi32, #tpu.memory_space<hbm>>
      %dma_wait3A_14 = tpu.memref_squeeze %dma_wait3A_13 : memref<1x816x128xi32, #tpu.memory_space<hbm>> -> memref<816x128xi32, #tpu.memory_space<hbm>>
      %dma_wait3A_15 = arith.constant 0 : i32
      %dma_wait3A_16 = tpu.memref_slice %arg10[%mul3A_0, %dma_wait3A_15] : memref<13056x128xi32, #tpu.memory_space<vmem_shared>> -> memref<816x128xi32, #tpu.memory_space<vmem_shared>>
      tpu.wait_dma2 semaphore(%run_scoped3A : memref<!tpu.dma_semaphore, #tpu.memory_space<semaphore_mem>>) src(%dma_wait3A_16 : memref<816x128xi32, #tpu.memory_space<vmem_shared>>) dst(%dma_wait3A_14 : memref<816x128xi32, #tpu.memory_space<hbm>>)
      tpu.yield
    }) : () -> ()
    return
  }
}

#map = affine_map<(d0, d1) -> (0, 0)>
#map1 = affine_map<(d0, d1) -> (0, 0, 0)>
module attributes {stable_mosaic.version = 14 : i64} {
  func.func @_sc_agg_body(%arg0: i32, %arg1: i32, %arg2: memref<25000x128xi32, #tpu.memory_space<hbm>>, %arg3: memref<6656x96xi32, #tpu.memory_space<hbm>>, %arg4: memref<2x6656x96xi32, #tpu.memory_space<hbm>>, %arg5: memref<13056x128xi32, #tpu.memory_space<hbm>>, %arg6: memref<2x13056x128xi32, #tpu.memory_space<hbm>>, %arg7: memref<8x96xi32, #tpu.memory_space<vmem>>, %arg8: memref<8x96xi32, #tpu.memory_space<vmem>>, %arg9: memref<2x96x128xi32, #tpu.memory_space<vmem>>, %arg10: memref<13056x128xi32, #tpu.memory_space<vmem_shared>>, %arg11: memref<!tpu.dma_semaphore, #tpu.memory_space<semaphore_mem>>, %arg12: memref<!tpu.dma_semaphore, #tpu.memory_space<semaphore_mem>>) attributes {dimension_semantics = [#tpu.dimension_semantics<core_parallel>, #tpu.dimension_semantics<subcore_parallel>], iteration_bounds = array<i64: 2, 16>, scalar_prefetch = 0 : i64, scratch_operands = 6 : i64, tpu.core_type = #tpu.core_type<sc_vector_subcore>, window_params = [{transform_indices = #map}, {transform_indices = #map}, {transform_indices = #map1}, {transform_indices = #map}, {transform_indices = #map1}]} {
    %mul3A = arith.constant 816 : i32
    %mul3A_0 = arith.muli %arg1, %mul3A : i32
    "tpu.region"() ({
      %run_scoped3A = tpu.sem_alloc : memref<!tpu.dma_semaphore, #tpu.memory_space<semaphore_mem>>
      %dma_start3A = arith.constant 0 : i32
      %dma_start3A_9 = tpu.memref_slice %arg10[%mul3A_0, %dma_start3A] : memref<13056x128xi32, #tpu.memory_space<vmem_shared>> -> memref<816x128xi32, #tpu.memory_space<vmem_shared>>
      %dma_start3A_10 = arith.constant 0 : i32
      %dma_start3A_11 = tpu.memref_slice %arg5[%mul3A_0, %dma_start3A_10] : memref<13056x128xi32, #tpu.memory_space<hbm>> -> memref<816x128xi32, #tpu.memory_space<hbm>>
      tpu.enqueue_dma source(%dma_start3A_11 : memref<816x128xi32, #tpu.memory_space<hbm>>) target(%dma_start3A_9 : memref<816x128xi32, #tpu.memory_space<vmem_shared>>) target_semaphore(%run_scoped3A : memref<!tpu.dma_semaphore, #tpu.memory_space<semaphore_mem>>)
      %dma_wait3A = arith.constant 0 : i32
      %dma_wait3A_12 = tpu.memref_slice %arg10[%mul3A_0, %dma_wait3A] : memref<13056x128xi32, #tpu.memory_space<vmem_shared>> -> memref<816x128xi32, #tpu.memory_space<vmem_shared>>
      %dma_wait3A_13 = arith.constant 0 : i32
      %dma_wait3A_14 = tpu.memref_slice %arg5[%mul3A_0, %dma_wait3A_13] : memref<13056x128xi32, #tpu.memory_space<hbm>> -> memref<816x128xi32, #tpu.memory_space<hbm>>
      tpu.wait_dma2 semaphore(%run_scoped3A : memref<!tpu.dma_semaphore, #tpu.memory_space<semaphore_mem>>) src(%dma_wait3A_14 : memref<816x128xi32, #tpu.memory_space<hbm>>) dst(%dma_wait3A_12 : memref<816x128xi32, #tpu.memory_space<vmem_shared>>)
      tpu.yield
    }) : () -> ()
    %barrier3A = arith.constant 0 : index
    tpu.barrier barrier_id(%barrier3A)
    %mul3A_1 = arith.constant 416 : i32
    %mul3A_2 = arith.muli %arg1, %mul3A_1 : i32
    %scan3A = arith.constant 0 : i32
    %scan3A_3 = arith.constant 0 : i32
    %scan3A_4 = arith.constant 52 : i32
    %scan3A_5 = arith.addi %scan3A_3, %scan3A_4 : i32
    %scan3A_6 = arith.constant 1 : i32
    scf.for %scan3A_9 = %scan3A_3 to %scan3A_5 step %scan3A_6  : i32 {
      %mul3A_10 = arith.constant 8 : i32
      %mul3A_11 = arith.muli %scan3A_9, %mul3A_10 : i32
      %add3A = arith.addi %mul3A_2, %mul3A_11 : i32
      "tpu.region"() ({
        %run_scoped3A_220 = tpu.sem_alloc : memref<!tpu.dma_semaphore, #tpu.memory_space<semaphore_mem>>
        %dma_start3A_221 = arith.constant 0 : i32
        %dma_start3A_222 = tpu.memref_slice %arg3[%add3A, %dma_start3A_221] : memref<6656x96xi32, #tpu.memory_space<hbm>> -> memref<8x96xi32, #tpu.memory_space<hbm>>
        %dma_start3A_223 = arith.constant 0 : i32
        %dma_start3A_224 = tpu.memref_slice %arg3[%add3A, %dma_start3A_223] : memref<6656x96xi32, #tpu.memory_space<hbm>> -> memref<8x96xi32, #tpu.memory_space<hbm>>
        tpu.enqueue_dma source(%dma_start3A_224 : memref<8x96xi32, #tpu.memory_space<hbm>>) target(%arg7 : memref<8x96xi32, #tpu.memory_space<vmem>>) target_semaphore(%run_scoped3A_220 : memref<!tpu.dma_semaphore, #tpu.memory_space<semaphore_mem>>)
        %dma_wait3A_225 = arith.constant 0 : i32
        %dma_wait3A_226 = tpu.memref_slice %arg3[%add3A, %dma_wait3A_225] : memref<6656x96xi32, #tpu.memory_space<hbm>> -> memref<8x96xi32, #tpu.memory_space<hbm>>
        %dma_wait3A_227 = arith.constant 0 : i32
        %dma_wait3A_228 = tpu.memref_slice %arg3[%add3A, %dma_wait3A_227] : memref<6656x96xi32, #tpu.memory_space<hbm>> -> memref<8x96xi32, #tpu.memory_space<hbm>>
        tpu.wait_dma2 semaphore(%run_scoped3A_220 : memref<!tpu.dma_semaphore, #tpu.memory_space<semaphore_mem>>) src(%dma_wait3A_228 : memref<8x96xi32, #tpu.memory_space<hbm>>) dst(%arg7 : memref<8x96xi32, #tpu.memory_space<vmem>>)
        tpu.yield
      }) : () -> ()
      %mul3A_12 = arith.constant 8 : i32
      %mul3A_13 = arith.muli %scan3A_9, %mul3A_12 : i32
      %add3A_14 = arith.addi %mul3A_2, %mul3A_13 : i32
      "tpu.region"() ({
        %run_scoped3A_220 = tpu.sem_alloc : memref<!tpu.dma_semaphore, #tpu.memory_space<semaphore_mem>>
        %dma_start3A_221 = arith.constant 0 : i32
        %dma_start3A_222 = tpu.memref_slice %arg4[%arg0, %add3A_14, %dma_start3A_221] : memref<2x6656x96xi32, #tpu.memory_space<hbm>> -> memref<1x8x96xi32, #tpu.memory_space<hbm>>
        %dma_start3A_223 = tpu.memref_squeeze %dma_start3A_222 : memref<1x8x96xi32, #tpu.memory_space<hbm>> -> memref<8x96xi32, #tpu.memory_space<hbm>>
        %dma_start3A_224 = arith.constant 0 : i32
        %dma_start3A_225 = tpu.memref_slice %arg4[%arg0, %add3A_14, %dma_start3A_224] : memref<2x6656x96xi32, #tpu.memory_space<hbm>> -> memref<1x8x96xi32, #tpu.memory_space<hbm>>
        %dma_start3A_226 = tpu.memref_squeeze %dma_start3A_225 : memref<1x8x96xi32, #tpu.memory_space<hbm>> -> memref<8x96xi32, #tpu.memory_space<hbm>>
        tpu.enqueue_dma source(%dma_start3A_226 : memref<8x96xi32, #tpu.memory_space<hbm>>) target(%arg8 : memref<8x96xi32, #tpu.memory_space<vmem>>) target_semaphore(%run_scoped3A_220 : memref<!tpu.dma_semaphore, #tpu.memory_space<semaphore_mem>>)
        %dma_wait3A_227 = arith.constant 0 : i32
        %dma_wait3A_228 = tpu.memref_slice %arg4[%arg0, %add3A_14, %dma_wait3A_227] : memref<2x6656x96xi32, #tpu.memory_space<hbm>> -> memref<1x8x96xi32, #tpu.memory_space<hbm>>
        %dma_wait3A_229 = tpu.memref_squeeze %dma_wait3A_228 : memref<1x8x96xi32, #tpu.memory_space<hbm>> -> memref<8x96xi32, #tpu.memory_space<hbm>>
        %dma_wait3A_230 = arith.constant 0 : i32
        %dma_wait3A_231 = tpu.memref_slice %arg4[%arg0, %add3A_14, %dma_wait3A_230] : memref<2x6656x96xi32, #tpu.memory_space<hbm>> -> memref<1x8x96xi32, #tpu.memory_space<hbm>>
        %dma_wait3A_232 = tpu.memref_squeeze %dma_wait3A_231 : memref<1x8x96xi32, #tpu.memory_space<hbm>> -> memref<8x96xi32, #tpu.memory_space<hbm>>
        tpu.wait_dma2 semaphore(%run_scoped3A_220 : memref<!tpu.dma_semaphore, #tpu.memory_space<semaphore_mem>>) src(%dma_wait3A_232 : memref<8x96xi32, #tpu.memory_space<hbm>>) dst(%arg8 : memref<8x96xi32, #tpu.memory_space<vmem>>)
        tpu.yield
      }) : () -> ()
      %dma_start3A = arith.constant 0 : i32
      %dma_start3A_15 = arith.constant 0 : i32
      %dma_start3A_16 = arith.constant 0 : i32
      %dma_start3A_17 = arith.constant 0 : i32
      %dma_start3A_18 = tpu.memref_slice %arg9[%dma_start3A_15, %dma_start3A_16, %dma_start3A_17] : memref<2x96x128xi32, #tpu.memory_space<vmem>> -> memref<1x96x128xi32, #tpu.memory_space<vmem>>
      %dma_start3A_19 = tpu.memref_squeeze %dma_start3A_18 : memref<1x96x128xi32, #tpu.memory_space<vmem>> -> memref<96x128xi32, #tpu.memory_space<vmem>>
      %dma_start3A_20 = arith.constant 0 : i32
      %dma_start3A_21 = tpu.memref_slice %arg7[%dma_start3A, %dma_start3A_20] : memref<8x96xi32, #tpu.memory_space<vmem>> -> memref<1x96xi32, #tpu.memory_space<vmem>>
      %dma_start3A_22 = tpu.memref_squeeze %dma_start3A_21 : memref<1x96xi32, #tpu.memory_space<vmem>> -> memref<96xi32, #tpu.memory_space<vmem>>
      %dma_start3A_23 = arith.constant 0 : i32
      %dma_start3A_24 = arith.constant 0 : i32
      %dma_start3A_25 = tpu.memref_slice %arg2[%dma_start3A_23, %dma_start3A_24] : memref<25000x128xi32, #tpu.memory_space<hbm>> -> memref<25000x128xi32, #tpu.memory_space<hbm>>
      tpu.enqueue_indirect_dma source(%dma_start3A_25 : memref<25000x128xi32, #tpu.memory_space<hbm>>) target(%dma_start3A_19 : memref<96x128xi32, #tpu.memory_space<vmem>>) offsets(%dma_start3A_22 : memref<96xi32, #tpu.memory_space<vmem>>) semaphore(%arg11 : memref<!tpu.dma_semaphore, #tpu.memory_space<semaphore_mem>>)
      %dma_start3A_26 = arith.constant 1 : i32
      %dma_start3A_27 = arith.constant 1 : i32
      %dma_start3A_28 = arith.constant 0 : i32
      %dma_start3A_29 = arith.constant 0 : i32
      %dma_start3A_30 = tpu.memref_slice %arg9[%dma_start3A_27, %dma_start3A_28, %dma_start3A_29] : memref<2x96x128xi32, #tpu.memory_space<vmem>> -> memref<1x96x128xi32, #tpu.memory_space<vmem>>
      %dma_start3A_31 = tpu.memref_squeeze %dma_start3A_30 : memref<1x96x128xi32, #tpu.memory_space<vmem>> -> memref<96x128xi32, #tpu.memory_space<vmem>>
      %dma_start3A_32 = arith.constant 0 : i32
      %dma_start3A_33 = tpu.memref_slice %arg7[%dma_start3A_26, %dma_start3A_32] : memref<8x96xi32, #tpu.memory_space<vmem>> -> memref<1x96xi32, #tpu.memory_space<vmem>>
      %dma_start3A_34 = tpu.memref_squeeze %dma_start3A_33 : memref<1x96xi32, #tpu.memory_space<vmem>> -> memref<96xi32, #tpu.memory_space<vmem>>
      %dma_start3A_35 = arith.constant 0 : i32
      %dma_start3A_36 = arith.constant 0 : i32
      %dma_start3A_37 = tpu.memref_slice %arg2[%dma_start3A_35, %dma_start3A_36] : memref<25000x128xi32, #tpu.memory_space<hbm>> -> memref<25000x128xi32, #tpu.memory_space<hbm>>
      tpu.enqueue_indirect_dma source(%dma_start3A_37 : memref<25000x128xi32, #tpu.memory_space<hbm>>) target(%dma_start3A_31 : memref<96x128xi32, #tpu.memory_space<vmem>>) offsets(%dma_start3A_34 : memref<96xi32, #tpu.memory_space<vmem>>) semaphore(%arg12 : memref<!tpu.dma_semaphore, #tpu.memory_space<semaphore_mem>>)
      %dma_wait3A = arith.constant 0 : i32
      %dma_wait3A_38 = arith.constant 0 : i32
      %dma_wait3A_39 = arith.constant 0 : i32
      %dma_wait3A_40 = arith.constant 0 : i32
      %dma_wait3A_41 = tpu.memref_slice %arg9[%dma_wait3A_38, %dma_wait3A_39, %dma_wait3A_40] : memref<2x96x128xi32, #tpu.memory_space<vmem>> -> memref<1x96x128xi32, #tpu.memory_space<vmem>>
      %dma_wait3A_42 = tpu.memref_squeeze %dma_wait3A_41 : memref<1x96x128xi32, #tpu.memory_space<vmem>> -> memref<96x128xi32, #tpu.memory_space<vmem>>
      %dma_wait3A_43 = arith.constant 0 : i32
      %dma_wait3A_44 = tpu.memref_slice %arg7[%dma_wait3A, %dma_wait3A_43] : memref<8x96xi32, #tpu.memory_space<vmem>> -> memref<1x96xi32, #tpu.memory_space<vmem>>
      %dma_wait3A_45 = tpu.memref_squeeze %dma_wait3A_44 : memref<1x96xi32, #tpu.memory_space<vmem>> -> memref<96xi32, #tpu.memory_space<vmem>>
      %dma_wait3A_46 = arith.constant 0 : i32
      %dma_wait3A_47 = arith.constant 0 : i32
      %dma_wait3A_48 = tpu.memref_slice %arg2[%dma_wait3A_46, %dma_wait3A_47] : memref<25000x128xi32, #tpu.memory_space<hbm>> -> memref<25000x128xi32, #tpu.memory_space<hbm>>
      tpu.wait_indirect_dma semaphore(%arg11 : memref<!tpu.dma_semaphore, #tpu.memory_space<semaphore_mem>>) src(%dma_wait3A_48 : memref<25000x128xi32, #tpu.memory_space<hbm>>) dst(%dma_wait3A_42 : memref<96x128xi32, #tpu.memory_space<vmem>>)
      %run_scoped3A = arith.constant 0 : i32
      %run_scoped3A_49 = arith.constant 0 : i32
      "tpu.region"() ({
        %run_scoped3A_220 = tpu.sem_alloc : memref<!tpu.dma_semaphore, #tpu.memory_space<semaphore_mem>>
        %dma_start3A_221 = arith.constant 0 : i32
        %dma_start3A_222 = arith.constant 0 : i32
        %dma_start3A_223 = tpu.memref_slice %arg9[%run_scoped3A, %dma_start3A_221, %dma_start3A_222] : memref<2x96x128xi32, #tpu.memory_space<vmem>> -> memref<1x96x128xi32, #tpu.memory_space<vmem>>
        %dma_start3A_224 = tpu.memref_squeeze %dma_start3A_223 : memref<1x96x128xi32, #tpu.memory_space<vmem>> -> memref<96x128xi32, #tpu.memory_space<vmem>>
        %dma_start3A_225 = arith.constant 0 : i32
        %dma_start3A_226 = tpu.memref_slice %arg8[%run_scoped3A_49, %dma_start3A_225] : memref<8x96xi32, #tpu.memory_space<vmem>> -> memref<1x96xi32, #tpu.memory_space<vmem>>
        %dma_start3A_227 = tpu.memref_squeeze %dma_start3A_226 : memref<1x96xi32, #tpu.memory_space<vmem>> -> memref<96xi32, #tpu.memory_space<vmem>>
        %dma_start3A_228 = arith.constant 0 : i32
        %dma_start3A_229 = arith.constant 0 : i32
        %dma_start3A_230 = tpu.memref_slice %arg10[%dma_start3A_228, %dma_start3A_229] : memref<13056x128xi32, #tpu.memory_space<vmem_shared>> -> memref<13056x128xi32, #tpu.memory_space<vmem_shared>>
        tpu.enqueue_indirect_dma source(%dma_start3A_224 : memref<96x128xi32, #tpu.memory_space<vmem>>) target(%dma_start3A_230 : memref<13056x128xi32, #tpu.memory_space<vmem_shared>>) offsets(%dma_start3A_227 : memref<96xi32, #tpu.memory_space<vmem>>) semaphore(%run_scoped3A_220 : memref<!tpu.dma_semaphore, #tpu.memory_space<semaphore_mem>>) {add = true}
        %dma_wait3A_231 = arith.constant 0 : i32
        %dma_wait3A_232 = arith.constant 0 : i32
        %dma_wait3A_233 = tpu.memref_slice %arg9[%run_scoped3A, %dma_wait3A_231, %dma_wait3A_232] : memref<2x96x128xi32, #tpu.memory_space<vmem>> -> memref<1x96x128xi32, #tpu.memory_space<vmem>>
        %dma_wait3A_234 = tpu.memref_squeeze %dma_wait3A_233 : memref<1x96x128xi32, #tpu.memory_space<vmem>> -> memref<96x128xi32, #tpu.memory_space<vmem>>
        %dma_wait3A_235 = arith.constant 0 : i32
        %dma_wait3A_236 = tpu.memref_slice %arg8[%run_scoped3A_49, %dma_wait3A_235] : memref<8x96xi32, #tpu.memory_space<vmem>> -> memref<1x96xi32, #tpu.memory_space<vmem>>
        %dma_wait3A_237 = tpu.memref_squeeze %dma_wait3A_236 : memref<1x96xi32, #tpu.memory_space<vmem>> -> memref<96xi32, #tpu.memory_space<vmem>>
        %dma_wait3A_238 = arith.constant 0 : i32
        %dma_wait3A_239 = arith.constant 0 : i32
        %dma_wait3A_240 = tpu.memref_slice %arg10[%dma_wait3A_238, %dma_wait3A_239] : memref<13056x128xi32, #tpu.memory_space<vmem_shared>> -> memref<13056x128xi32, #tpu.memory_space<vmem_shared>>
        tpu.wait_indirect_dma semaphore(%run_scoped3A_220 : memref<!tpu.dma_semaphore, #tpu.memory_space<semaphore_mem>>) src(%dma_wait3A_234 : memref<96x128xi32, #tpu.memory_space<vmem>>) dst(%dma_wait3A_240 : memref<13056x128xi32, #tpu.memory_space<vmem_shared>>)
        tpu.yield
      }) : () -> ()
      %dma_start3A_50 = arith.constant 2 : i32
      %dma_start3A_51 = arith.constant 0 : i32
      %dma_start3A_52 = arith.constant 0 : i32
      %dma_start3A_53 = arith.constant 0 : i32
      %dma_start3A_54 = tpu.memref_slice %arg9[%dma_start3A_51, %dma_start3A_52, %dma_start3A_53] : memref<2x96x128xi32, #tpu.memory_space<vmem>> -> memref<1x96x128xi32, #tpu.memory_space<vmem>>
      %dma_start3A_55 = tpu.memref_squeeze %dma_start3A_54 : memref<1x96x128xi32, #tpu.memory_space<vmem>> -> memref<96x128xi32, #tpu.memory_space<vmem>>
      %dma_start3A_56 = arith.constant 0 : i32
      %dma_start3A_57 = tpu.memref_slice %arg7[%dma_start3A_50, %dma_start3A_56] : memref<8x96xi32, #tpu.memory_space<vmem>> -> memref<1x96xi32, #tpu.memory_space<vmem>>
      %dma_start3A_58 = tpu.memref_squeeze %dma_start3A_57 : memref<1x96xi32, #tpu.memory_space<vmem>> -> memref<96xi32, #tpu.memory_space<vmem>>
      %dma_start3A_59 = arith.constant 0 : i32
      %dma_start3A_60 = arith.constant 0 : i32
      %dma_start3A_61 = tpu.memref_slice %arg2[%dma_start3A_59, %dma_start3A_60] : memref<25000x128xi32, #tpu.memory_space<hbm>> -> memref<25000x128xi32, #tpu.memory_space<hbm>>
      tpu.enqueue_indirect_dma source(%dma_start3A_61 : memref<25000x128xi32, #tpu.memory_space<hbm>>) target(%dma_start3A_55 : memref<96x128xi32, #tpu.memory_space<vmem>>) offsets(%dma_start3A_58 : memref<96xi32, #tpu.memory_space<vmem>>) semaphore(%arg11 : memref<!tpu.dma_semaphore, #tpu.memory_space<semaphore_mem>>)
      %dma_wait3A_62 = arith.constant 1 : i32
      %dma_wait3A_63 = arith.constant 1 : i32
      %dma_wait3A_64 = arith.constant 0 : i32
      %dma_wait3A_65 = arith.constant 0 : i32
      %dma_wait3A_66 = tpu.memref_slice %arg9[%dma_wait3A_63, %dma_wait3A_64, %dma_wait3A_65] : memref<2x96x128xi32, #tpu.memory_space<vmem>> -> memref<1x96x128xi32, #tpu.memory_space<vmem>>
      %dma_wait3A_67 = tpu.memref_squeeze %dma_wait3A_66 : memref<1x96x128xi32, #tpu.memory_space<vmem>> -> memref<96x128xi32, #tpu.memory_space<vmem>>
      %dma_wait3A_68 = arith.constant 0 : i32
      %dma_wait3A_69 = tpu.memref_slice %arg7[%dma_wait3A_62, %dma_wait3A_68] : memref<8x96xi32, #tpu.memory_space<vmem>> -> memref<1x96xi32, #tpu.memory_space<vmem>>
      %dma_wait3A_70 = tpu.memref_squeeze %dma_wait3A_69 : memref<1x96xi32, #tpu.memory_space<vmem>> -> memref<96xi32, #tpu.memory_space<vmem>>
      %dma_wait3A_71 = arith.constant 0 : i32
      %dma_wait3A_72 = arith.constant 0 : i32
      %dma_wait3A_73 = tpu.memref_slice %arg2[%dma_wait3A_71, %dma_wait3A_72] : memref<25000x128xi32, #tpu.memory_space<hbm>> -> memref<25000x128xi32, #tpu.memory_space<hbm>>
      tpu.wait_indirect_dma semaphore(%arg12 : memref<!tpu.dma_semaphore, #tpu.memory_space<semaphore_mem>>) src(%dma_wait3A_73 : memref<25000x128xi32, #tpu.memory_space<hbm>>) dst(%dma_wait3A_67 : memref<96x128xi32, #tpu.memory_space<vmem>>)
      %run_scoped3A_74 = arith.constant 1 : i32
      %run_scoped3A_75 = arith.constant 1 : i32
      "tpu.region"() ({
        %run_scoped3A_220 = tpu.sem_alloc : memref<!tpu.dma_semaphore, #tpu.memory_space<semaphore_mem>>
        %dma_start3A_221 = arith.constant 0 : i32
        %dma_start3A_222 = arith.constant 0 : i32
        %dma_start3A_223 = tpu.memref_slice %arg9[%run_scoped3A_74, %dma_start3A_221, %dma_start3A_222] : memref<2x96x128xi32, #tpu.memory_space<vmem>> -> memref<1x96x128xi32, #tpu.memory_space<vmem>>
        %dma_start3A_224 = tpu.memref_squeeze %dma_start3A_223 : memref<1x96x128xi32, #tpu.memory_space<vmem>> -> memref<96x128xi32, #tpu.memory_space<vmem>>
        %dma_start3A_225 = arith.constant 0 : i32
        %dma_start3A_226 = tpu.memref_slice %arg8[%run_scoped3A_75, %dma_start3A_225] : memref<8x96xi32, #tpu.memory_space<vmem>> -> memref<1x96xi32, #tpu.memory_space<vmem>>
        %dma_start3A_227 = tpu.memref_squeeze %dma_start3A_226 : memref<1x96xi32, #tpu.memory_space<vmem>> -> memref<96xi32, #tpu.memory_space<vmem>>
        %dma_start3A_228 = arith.constant 0 : i32
        %dma_start3A_229 = arith.constant 0 : i32
        %dma_start3A_230 = tpu.memref_slice %arg10[%dma_start3A_228, %dma_start3A_229] : memref<13056x128xi32, #tpu.memory_space<vmem_shared>> -> memref<13056x128xi32, #tpu.memory_space<vmem_shared>>
        tpu.enqueue_indirect_dma source(%dma_start3A_224 : memref<96x128xi32, #tpu.memory_space<vmem>>) target(%dma_start3A_230 : memref<13056x128xi32, #tpu.memory_space<vmem_shared>>) offsets(%dma_start3A_227 : memref<96xi32, #tpu.memory_space<vmem>>) semaphore(%run_scoped3A_220 : memref<!tpu.dma_semaphore, #tpu.memory_space<semaphore_mem>>) {add = true}
        %dma_wait3A_231 = arith.constant 0 : i32
        %dma_wait3A_232 = arith.constant 0 : i32
        %dma_wait3A_233 = tpu.memref_slice %arg9[%run_scoped3A_74, %dma_wait3A_231, %dma_wait3A_232] : memref<2x96x128xi32, #tpu.memory_space<vmem>> -> memref<1x96x128xi32, #tpu.memory_space<vmem>>
        %dma_wait3A_234 = tpu.memref_squeeze %dma_wait3A_233 : memref<1x96x128xi32, #tpu.memory_space<vmem>> -> memref<96x128xi32, #tpu.memory_space<vmem>>
        %dma_wait3A_235 = arith.constant 0 : i32
        %dma_wait3A_236 = tpu.memref_slice %arg8[%run_scoped3A_75, %dma_wait3A_235] : memref<8x96xi32, #tpu.memory_space<vmem>> -> memref<1x96xi32, #tpu.memory_space<vmem>>
        %dma_wait3A_237 = tpu.memref_squeeze %dma_wait3A_236 : memref<1x96xi32, #tpu.memory_space<vmem>> -> memref<96xi32, #tpu.memory_space<vmem>>
        %dma_wait3A_238 = arith.constant 0 : i32
        %dma_wait3A_239 = arith.constant 0 : i32
        %dma_wait3A_240 = tpu.memref_slice %arg10[%dma_wait3A_238, %dma_wait3A_239] : memref<13056x128xi32, #tpu.memory_space<vmem_shared>> -> memref<13056x128xi32, #tpu.memory_space<vmem_shared>>
        tpu.wait_indirect_dma semaphore(%run_scoped3A_220 : memref<!tpu.dma_semaphore, #tpu.memory_space<semaphore_mem>>) src(%dma_wait3A_234 : memref<96x128xi32, #tpu.memory_space<vmem>>) dst(%dma_wait3A_240 : memref<13056x128xi32, #tpu.memory_space<vmem_shared>>)
        tpu.yield
      }) : () -> ()
      %dma_start3A_76 = arith.constant 3 : i32
      %dma_start3A_77 = arith.constant 1 : i32
      %dma_start3A_78 = arith.constant 0 : i32
      %dma_start3A_79 = arith.constant 0 : i32
      %dma_start3A_80 = tpu.memref_slice %arg9[%dma_start3A_77, %dma_start3A_78, %dma_start3A_79] : memref<2x96x128xi32, #tpu.memory_space<vmem>> -> memref<1x96x128xi32, #tpu.memory_space<vmem>>
      %dma_start3A_81 = tpu.memref_squeeze %dma_start3A_80 : memref<1x96x128xi32, #tpu.memory_space<vmem>> -> memref<96x128xi32, #tpu.memory_space<vmem>>
      %dma_start3A_82 = arith.constant 0 : i32
      %dma_start3A_83 = tpu.memref_slice %arg7[%dma_start3A_76, %dma_start3A_82] : memref<8x96xi32, #tpu.memory_space<vmem>> -> memref<1x96xi32, #tpu.memory_space<vmem>>
      %dma_start3A_84 = tpu.memref_squeeze %dma_start3A_83 : memref<1x96xi32, #tpu.memory_space<vmem>> -> memref<96xi32, #tpu.memory_space<vmem>>
      %dma_start3A_85 = arith.constant 0 : i32
      %dma_start3A_86 = arith.constant 0 : i32
      %dma_start3A_87 = tpu.memref_slice %arg2[%dma_start3A_85, %dma_start3A_86] : memref<25000x128xi32, #tpu.memory_space<hbm>> -> memref<25000x128xi32, #tpu.memory_space<hbm>>
      tpu.enqueue_indirect_dma source(%dma_start3A_87 : memref<25000x128xi32, #tpu.memory_space<hbm>>) target(%dma_start3A_81 : memref<96x128xi32, #tpu.memory_space<vmem>>) offsets(%dma_start3A_84 : memref<96xi32, #tpu.memory_space<vmem>>) semaphore(%arg12 : memref<!tpu.dma_semaphore, #tpu.memory_space<semaphore_mem>>)
      %dma_wait3A_88 = arith.constant 2 : i32
      %dma_wait3A_89 = arith.constant 0 : i32
      %dma_wait3A_90 = arith.constant 0 : i32
      %dma_wait3A_91 = arith.constant 0 : i32
      %dma_wait3A_92 = tpu.memref_slice %arg9[%dma_wait3A_89, %dma_wait3A_90, %dma_wait3A_91] : memref<2x96x128xi32, #tpu.memory_space<vmem>> -> memref<1x96x128xi32, #tpu.memory_space<vmem>>
      %dma_wait3A_93 = tpu.memref_squeeze %dma_wait3A_92 : memref<1x96x128xi32, #tpu.memory_space<vmem>> -> memref<96x128xi32, #tpu.memory_space<vmem>>
      %dma_wait3A_94 = arith.constant 0 : i32
      %dma_wait3A_95 = tpu.memref_slice %arg7[%dma_wait3A_88, %dma_wait3A_94] : memref<8x96xi32, #tpu.memory_space<vmem>> -> memref<1x96xi32, #tpu.memory_space<vmem>>
      %dma_wait3A_96 = tpu.memref_squeeze %dma_wait3A_95 : memref<1x96xi32, #tpu.memory_space<vmem>> -> memref<96xi32, #tpu.memory_space<vmem>>
      %dma_wait3A_97 = arith.constant 0 : i32
      %dma_wait3A_98 = arith.constant 0 : i32
      %dma_wait3A_99 = tpu.memref_slice %arg2[%dma_wait3A_97, %dma_wait3A_98] : memref<25000x128xi32, #tpu.memory_space<hbm>> -> memref<25000x128xi32, #tpu.memory_space<hbm>>
      tpu.wait_indirect_dma semaphore(%arg11 : memref<!tpu.dma_semaphore, #tpu.memory_space<semaphore_mem>>) src(%dma_wait3A_99 : memref<25000x128xi32, #tpu.memory_space<hbm>>) dst(%dma_wait3A_93 : memref<96x128xi32, #tpu.memory_space<vmem>>)
      %run_scoped3A_100 = arith.constant 0 : i32
      %run_scoped3A_101 = arith.constant 2 : i32
      "tpu.region"() ({
        %run_scoped3A_220 = tpu.sem_alloc : memref<!tpu.dma_semaphore, #tpu.memory_space<semaphore_mem>>
        %dma_start3A_221 = arith.constant 0 : i32
        %dma_start3A_222 = arith.constant 0 : i32
        %dma_start3A_223 = tpu.memref_slice %arg9[%run_scoped3A_100, %dma_start3A_221, %dma_start3A_222] : memref<2x96x128xi32, #tpu.memory_space<vmem>> -> memref<1x96x128xi32, #tpu.memory_space<vmem>>
        %dma_start3A_224 = tpu.memref_squeeze %dma_start3A_223 : memref<1x96x128xi32, #tpu.memory_space<vmem>> -> memref<96x128xi32, #tpu.memory_space<vmem>>
        %dma_start3A_225 = arith.constant 0 : i32
        %dma_start3A_226 = tpu.memref_slice %arg8[%run_scoped3A_101, %dma_start3A_225] : memref<8x96xi32, #tpu.memory_space<vmem>> -> memref<1x96xi32, #tpu.memory_space<vmem>>
        %dma_start3A_227 = tpu.memref_squeeze %dma_start3A_226 : memref<1x96xi32, #tpu.memory_space<vmem>> -> memref<96xi32, #tpu.memory_space<vmem>>
        %dma_start3A_228 = arith.constant 0 : i32
        %dma_start3A_229 = arith.constant 0 : i32
        %dma_start3A_230 = tpu.memref_slice %arg10[%dma_start3A_228, %dma_start3A_229] : memref<13056x128xi32, #tpu.memory_space<vmem_shared>> -> memref<13056x128xi32, #tpu.memory_space<vmem_shared>>
        tpu.enqueue_indirect_dma source(%dma_start3A_224 : memref<96x128xi32, #tpu.memory_space<vmem>>) target(%dma_start3A_230 : memref<13056x128xi32, #tpu.memory_space<vmem_shared>>) offsets(%dma_start3A_227 : memref<96xi32, #tpu.memory_space<vmem>>) semaphore(%run_scoped3A_220 : memref<!tpu.dma_semaphore, #tpu.memory_space<semaphore_mem>>) {add = true}
        %dma_wait3A_231 = arith.constant 0 : i32
        %dma_wait3A_232 = arith.constant 0 : i32
        %dma_wait3A_233 = tpu.memref_slice %arg9[%run_scoped3A_100, %dma_wait3A_231, %dma_wait3A_232] : memref<2x96x128xi32, #tpu.memory_space<vmem>> -> memref<1x96x128xi32, #tpu.memory_space<vmem>>
        %dma_wait3A_234 = tpu.memref_squeeze %dma_wait3A_233 : memref<1x96x128xi32, #tpu.memory_space<vmem>> -> memref<96x128xi32, #tpu.memory_space<vmem>>
        %dma_wait3A_235 = arith.constant 0 : i32
        %dma_wait3A_236 = tpu.memref_slice %arg8[%run_scoped3A_101, %dma_wait3A_235] : memref<8x96xi32, #tpu.memory_space<vmem>> -> memref<1x96xi32, #tpu.memory_space<vmem>>
        %dma_wait3A_237 = tpu.memref_squeeze %dma_wait3A_236 : memref<1x96xi32, #tpu.memory_space<vmem>> -> memref<96xi32, #tpu.memory_space<vmem>>
        %dma_wait3A_238 = arith.constant 0 : i32
        %dma_wait3A_239 = arith.constant 0 : i32
        %dma_wait3A_240 = tpu.memref_slice %arg10[%dma_wait3A_238, %dma_wait3A_239] : memref<13056x128xi32, #tpu.memory_space<vmem_shared>> -> memref<13056x128xi32, #tpu.memory_space<vmem_shared>>
        tpu.wait_indirect_dma semaphore(%run_scoped3A_220 : memref<!tpu.dma_semaphore, #tpu.memory_space<semaphore_mem>>) src(%dma_wait3A_234 : memref<96x128xi32, #tpu.memory_space<vmem>>) dst(%dma_wait3A_240 : memref<13056x128xi32, #tpu.memory_space<vmem_shared>>)
        tpu.yield
      }) : () -> ()
      %dma_start3A_102 = arith.constant 4 : i32
      %dma_start3A_103 = arith.constant 0 : i32
      %dma_start3A_104 = arith.constant 0 : i32
      %dma_start3A_105 = arith.constant 0 : i32
      %dma_start3A_106 = tpu.memref_slice %arg9[%dma_start3A_103, %dma_start3A_104, %dma_start3A_105] : memref<2x96x128xi32, #tpu.memory_space<vmem>> -> memref<1x96x128xi32, #tpu.memory_space<vmem>>
      %dma_start3A_107 = tpu.memref_squeeze %dma_start3A_106 : memref<1x96x128xi32, #tpu.memory_space<vmem>> -> memref<96x128xi32, #tpu.memory_space<vmem>>
      %dma_start3A_108 = arith.constant 0 : i32
      %dma_start3A_109 = tpu.memref_slice %arg7[%dma_start3A_102, %dma_start3A_108] : memref<8x96xi32, #tpu.memory_space<vmem>> -> memref<1x96xi32, #tpu.memory_space<vmem>>
      %dma_start3A_110 = tpu.memref_squeeze %dma_start3A_109 : memref<1x96xi32, #tpu.memory_space<vmem>> -> memref<96xi32, #tpu.memory_space<vmem>>
      %dma_start3A_111 = arith.constant 0 : i32
      %dma_start3A_112 = arith.constant 0 : i32
      %dma_start3A_113 = tpu.memref_slice %arg2[%dma_start3A_111, %dma_start3A_112] : memref<25000x128xi32, #tpu.memory_space<hbm>> -> memref<25000x128xi32, #tpu.memory_space<hbm>>
      tpu.enqueue_indirect_dma source(%dma_start3A_113 : memref<25000x128xi32, #tpu.memory_space<hbm>>) target(%dma_start3A_107 : memref<96x128xi32, #tpu.memory_space<vmem>>) offsets(%dma_start3A_110 : memref<96xi32, #tpu.memory_space<vmem>>) semaphore(%arg11 : memref<!tpu.dma_semaphore, #tpu.memory_space<semaphore_mem>>)
      %dma_wait3A_114 = arith.constant 3 : i32
      %dma_wait3A_115 = arith.constant 1 : i32
      %dma_wait3A_116 = arith.constant 0 : i32
      %dma_wait3A_117 = arith.constant 0 : i32
      %dma_wait3A_118 = tpu.memref_slice %arg9[%dma_wait3A_115, %dma_wait3A_116, %dma_wait3A_117] : memref<2x96x128xi32, #tpu.memory_space<vmem>> -> memref<1x96x128xi32, #tpu.memory_space<vmem>>
      %dma_wait3A_119 = tpu.memref_squeeze %dma_wait3A_118 : memref<1x96x128xi32, #tpu.memory_space<vmem>> -> memref<96x128xi32, #tpu.memory_space<vmem>>
      %dma_wait3A_120 = arith.constant 0 : i32
      %dma_wait3A_121 = tpu.memref_slice %arg7[%dma_wait3A_114, %dma_wait3A_120] : memref<8x96xi32, #tpu.memory_space<vmem>> -> memref<1x96xi32, #tpu.memory_space<vmem>>
      %dma_wait3A_122 = tpu.memref_squeeze %dma_wait3A_121 : memref<1x96xi32, #tpu.memory_space<vmem>> -> memref<96xi32, #tpu.memory_space<vmem>>
      %dma_wait3A_123 = arith.constant 0 : i32
      %dma_wait3A_124 = arith.constant 0 : i32
      %dma_wait3A_125 = tpu.memref_slice %arg2[%dma_wait3A_123, %dma_wait3A_124] : memref<25000x128xi32, #tpu.memory_space<hbm>> -> memref<25000x128xi32, #tpu.memory_space<hbm>>
      tpu.wait_indirect_dma semaphore(%arg12 : memref<!tpu.dma_semaphore, #tpu.memory_space<semaphore_mem>>) src(%dma_wait3A_125 : memref<25000x128xi32, #tpu.memory_space<hbm>>) dst(%dma_wait3A_119 : memref<96x128xi32, #tpu.memory_space<vmem>>)
      %run_scoped3A_126 = arith.constant 1 : i32
      %run_scoped3A_127 = arith.constant 3 : i32
      "tpu.region"() ({
        %run_scoped3A_220 = tpu.sem_alloc : memref<!tpu.dma_semaphore, #tpu.memory_space<semaphore_mem>>
        %dma_start3A_221 = arith.constant 0 : i32
        %dma_start3A_222 = arith.constant 0 : i32
        %dma_start3A_223 = tpu.memref_slice %arg9[%run_scoped3A_126, %dma_start3A_221, %dma_start3A_222] : memref<2x96x128xi32, #tpu.memory_space<vmem>> -> memref<1x96x128xi32, #tpu.memory_space<vmem>>
        %dma_start3A_224 = tpu.memref_squeeze %dma_start3A_223 : memref<1x96x128xi32, #tpu.memory_space<vmem>> -> memref<96x128xi32, #tpu.memory_space<vmem>>
        %dma_start3A_225 = arith.constant 0 : i32
        %dma_start3A_226 = tpu.memref_slice %arg8[%run_scoped3A_127, %dma_start3A_225] : memref<8x96xi32, #tpu.memory_space<vmem>> -> memref<1x96xi32, #tpu.memory_space<vmem>>
        %dma_start3A_227 = tpu.memref_squeeze %dma_start3A_226 : memref<1x96xi32, #tpu.memory_space<vmem>> -> memref<96xi32, #tpu.memory_space<vmem>>
        %dma_start3A_228 = arith.constant 0 : i32
        %dma_start3A_229 = arith.constant 0 : i32
        %dma_start3A_230 = tpu.memref_slice %arg10[%dma_start3A_228, %dma_start3A_229] : memref<13056x128xi32, #tpu.memory_space<vmem_shared>> -> memref<13056x128xi32, #tpu.memory_space<vmem_shared>>
        tpu.enqueue_indirect_dma source(%dma_start3A_224 : memref<96x128xi32, #tpu.memory_space<vmem>>) target(%dma_start3A_230 : memref<13056x128xi32, #tpu.memory_space<vmem_shared>>) offsets(%dma_start3A_227 : memref<96xi32, #tpu.memory_space<vmem>>) semaphore(%run_scoped3A_220 : memref<!tpu.dma_semaphore, #tpu.memory_space<semaphore_mem>>) {add = true}
        %dma_wait3A_231 = arith.constant 0 : i32
        %dma_wait3A_232 = arith.constant 0 : i32
        %dma_wait3A_233 = tpu.memref_slice %arg9[%run_scoped3A_126, %dma_wait3A_231, %dma_wait3A_232] : memref<2x96x128xi32, #tpu.memory_space<vmem>> -> memref<1x96x128xi32, #tpu.memory_space<vmem>>
        %dma_wait3A_234 = tpu.memref_squeeze %dma_wait3A_233 : memref<1x96x128xi32, #tpu.memory_space<vmem>> -> memref<96x128xi32, #tpu.memory_space<vmem>>
        %dma_wait3A_235 = arith.constant 0 : i32
        %dma_wait3A_236 = tpu.memref_slice %arg8[%run_scoped3A_127, %dma_wait3A_235] : memref<8x96xi32, #tpu.memory_space<vmem>> -> memref<1x96xi32, #tpu.memory_space<vmem>>
        %dma_wait3A_237 = tpu.memref_squeeze %dma_wait3A_236 : memref<1x96xi32, #tpu.memory_space<vmem>> -> memref<96xi32, #tpu.memory_space<vmem>>
        %dma_wait3A_238 = arith.constant 0 : i32
        %dma_wait3A_239 = arith.constant 0 : i32
        %dma_wait3A_240 = tpu.memref_slice %arg10[%dma_wait3A_238, %dma_wait3A_239] : memref<13056x128xi32, #tpu.memory_space<vmem_shared>> -> memref<13056x128xi32, #tpu.memory_space<vmem_shared>>
        tpu.wait_indirect_dma semaphore(%run_scoped3A_220 : memref<!tpu.dma_semaphore, #tpu.memory_space<semaphore_mem>>) src(%dma_wait3A_234 : memref<96x128xi32, #tpu.memory_space<vmem>>) dst(%dma_wait3A_240 : memref<13056x128xi32, #tpu.memory_space<vmem_shared>>)
        tpu.yield
      }) : () -> ()
      %dma_start3A_128 = arith.constant 5 : i32
      %dma_start3A_129 = arith.constant 1 : i32
      %dma_start3A_130 = arith.constant 0 : i32
      %dma_start3A_131 = arith.constant 0 : i32
      %dma_start3A_132 = tpu.memref_slice %arg9[%dma_start3A_129, %dma_start3A_130, %dma_start3A_131] : memref<2x96x128xi32, #tpu.memory_space<vmem>> -> memref<1x96x128xi32, #tpu.memory_space<vmem>>
      %dma_start3A_133 = tpu.memref_squeeze %dma_start3A_132 : memref<1x96x128xi32, #tpu.memory_space<vmem>> -> memref<96x128xi32, #tpu.memory_space<vmem>>
      %dma_start3A_134 = arith.constant 0 : i32
      %dma_start3A_135 = tpu.memref_slice %arg7[%dma_start3A_128, %dma_start3A_134] : memref<8x96xi32, #tpu.memory_space<vmem>> -> memref<1x96xi32, #tpu.memory_space<vmem>>
      %dma_start3A_136 = tpu.memref_squeeze %dma_start3A_135 : memref<1x96xi32, #tpu.memory_space<vmem>> -> memref<96xi32, #tpu.memory_space<vmem>>
      %dma_start3A_137 = arith.constant 0 : i32
      %dma_start3A_138 = arith.constant 0 : i32
      %dma_start3A_139 = tpu.memref_slice %arg2[%dma_start3A_137, %dma_start3A_138] : memref<25000x128xi32, #tpu.memory_space<hbm>> -> memref<25000x128xi32, #tpu.memory_space<hbm>>
      tpu.enqueue_indirect_dma source(%dma_start3A_139 : memref<25000x128xi32, #tpu.memory_space<hbm>>) target(%dma_start3A_133 : memref<96x128xi32, #tpu.memory_space<vmem>>) offsets(%dma_start3A_136 : memref<96xi32, #tpu.memory_space<vmem>>) semaphore(%arg12 : memref<!tpu.dma_semaphore, #tpu.memory_space<semaphore_mem>>)
      %dma_wait3A_140 = arith.constant 4 : i32
      %dma_wait3A_141 = arith.constant 0 : i32
      %dma_wait3A_142 = arith.constant 0 : i32
      %dma_wait3A_143 = arith.constant 0 : i32
      %dma_wait3A_144 = tpu.memref_slice %arg9[%dma_wait3A_141, %dma_wait3A_142, %dma_wait3A_143] : memref<2x96x128xi32, #tpu.memory_space<vmem>> -> memref<1x96x128xi32, #tpu.memory_space<vmem>>
      %dma_wait3A_145 = tpu.memref_squeeze %dma_wait3A_144 : memref<1x96x128xi32, #tpu.memory_space<vmem>> -> memref<96x128xi32, #tpu.memory_space<vmem>>
      %dma_wait3A_146 = arith.constant 0 : i32
      %dma_wait3A_147 = tpu.memref_slice %arg7[%dma_wait3A_140, %dma_wait3A_146] : memref<8x96xi32, #tpu.memory_space<vmem>> -> memref<1x96xi32, #tpu.memory_space<vmem>>
      %dma_wait3A_148 = tpu.memref_squeeze %dma_wait3A_147 : memref<1x96xi32, #tpu.memory_space<vmem>> -> memref<96xi32, #tpu.memory_space<vmem>>
      %dma_wait3A_149 = arith.constant 0 : i32
      %dma_wait3A_150 = arith.constant 0 : i32
      %dma_wait3A_151 = tpu.memref_slice %arg2[%dma_wait3A_149, %dma_wait3A_150] : memref<25000x128xi32, #tpu.memory_space<hbm>> -> memref<25000x128xi32, #tpu.memory_space<hbm>>
      tpu.wait_indirect_dma semaphore(%arg11 : memref<!tpu.dma_semaphore, #tpu.memory_space<semaphore_mem>>) src(%dma_wait3A_151 : memref<25000x128xi32, #tpu.memory_space<hbm>>) dst(%dma_wait3A_145 : memref<96x128xi32, #tpu.memory_space<vmem>>)
      %run_scoped3A_152 = arith.constant 0 : i32
      %run_scoped3A_153 = arith.constant 4 : i32
      "tpu.region"() ({
        %run_scoped3A_220 = tpu.sem_alloc : memref<!tpu.dma_semaphore, #tpu.memory_space<semaphore_mem>>
        %dma_start3A_221 = arith.constant 0 : i32
        %dma_start3A_222 = arith.constant 0 : i32
        %dma_start3A_223 = tpu.memref_slice %arg9[%run_scoped3A_152, %dma_start3A_221, %dma_start3A_222] : memref<2x96x128xi32, #tpu.memory_space<vmem>> -> memref<1x96x128xi32, #tpu.memory_space<vmem>>
        %dma_start3A_224 = tpu.memref_squeeze %dma_start3A_223 : memref<1x96x128xi32, #tpu.memory_space<vmem>> -> memref<96x128xi32, #tpu.memory_space<vmem>>
        %dma_start3A_225 = arith.constant 0 : i32
        %dma_start3A_226 = tpu.memref_slice %arg8[%run_scoped3A_153, %dma_start3A_225] : memref<8x96xi32, #tpu.memory_space<vmem>> -> memref<1x96xi32, #tpu.memory_space<vmem>>
        %dma_start3A_227 = tpu.memref_squeeze %dma_start3A_226 : memref<1x96xi32, #tpu.memory_space<vmem>> -> memref<96xi32, #tpu.memory_space<vmem>>
        %dma_start3A_228 = arith.constant 0 : i32
        %dma_start3A_229 = arith.constant 0 : i32
        %dma_start3A_230 = tpu.memref_slice %arg10[%dma_start3A_228, %dma_start3A_229] : memref<13056x128xi32, #tpu.memory_space<vmem_shared>> -> memref<13056x128xi32, #tpu.memory_space<vmem_shared>>
        tpu.enqueue_indirect_dma source(%dma_start3A_224 : memref<96x128xi32, #tpu.memory_space<vmem>>) target(%dma_start3A_230 : memref<13056x128xi32, #tpu.memory_space<vmem_shared>>) offsets(%dma_start3A_227 : memref<96xi32, #tpu.memory_space<vmem>>) semaphore(%run_scoped3A_220 : memref<!tpu.dma_semaphore, #tpu.memory_space<semaphore_mem>>) {add = true}
        %dma_wait3A_231 = arith.constant 0 : i32
        %dma_wait3A_232 = arith.constant 0 : i32
        %dma_wait3A_233 = tpu.memref_slice %arg9[%run_scoped3A_152, %dma_wait3A_231, %dma_wait3A_232] : memref<2x96x128xi32, #tpu.memory_space<vmem>> -> memref<1x96x128xi32, #tpu.memory_space<vmem>>
        %dma_wait3A_234 = tpu.memref_squeeze %dma_wait3A_233 : memref<1x96x128xi32, #tpu.memory_space<vmem>> -> memref<96x128xi32, #tpu.memory_space<vmem>>
        %dma_wait3A_235 = arith.constant 0 : i32
        %dma_wait3A_236 = tpu.memref_slice %arg8[%run_scoped3A_153, %dma_wait3A_235] : memref<8x96xi32, #tpu.memory_space<vmem>> -> memref<1x96xi32, #tpu.memory_space<vmem>>
        %dma_wait3A_237 = tpu.memref_squeeze %dma_wait3A_236 : memref<1x96xi32, #tpu.memory_space<vmem>> -> memref<96xi32, #tpu.memory_space<vmem>>
        %dma_wait3A_238 = arith.constant 0 : i32
        %dma_wait3A_239 = arith.constant 0 : i32
        %dma_wait3A_240 = tpu.memref_slice %arg10[%dma_wait3A_238, %dma_wait3A_239] : memref<13056x128xi32, #tpu.memory_space<vmem_shared>> -> memref<13056x128xi32, #tpu.memory_space<vmem_shared>>
        tpu.wait_indirect_dma semaphore(%run_scoped3A_220 : memref<!tpu.dma_semaphore, #tpu.memory_space<semaphore_mem>>) src(%dma_wait3A_234 : memref<96x128xi32, #tpu.memory_space<vmem>>) dst(%dma_wait3A_240 : memref<13056x128xi32, #tpu.memory_space<vmem_shared>>)
        tpu.yield
      }) : () -> ()
      %dma_start3A_154 = arith.constant 6 : i32
      %dma_start3A_155 = arith.constant 0 : i32
      %dma_start3A_156 = arith.constant 0 : i32
      %dma_start3A_157 = arith.constant 0 : i32
      %dma_start3A_158 = tpu.memref_slice %arg9[%dma_start3A_155, %dma_start3A_156, %dma_start3A_157] : memref<2x96x128xi32, #tpu.memory_space<vmem>> -> memref<1x96x128xi32, #tpu.memory_space<vmem>>
      %dma_start3A_159 = tpu.memref_squeeze %dma_start3A_158 : memref<1x96x128xi32, #tpu.memory_space<vmem>> -> memref<96x128xi32, #tpu.memory_space<vmem>>
      %dma_start3A_160 = arith.constant 0 : i32
      %dma_start3A_161 = tpu.memref_slice %arg7[%dma_start3A_154, %dma_start3A_160] : memref<8x96xi32, #tpu.memory_space<vmem>> -> memref<1x96xi32, #tpu.memory_space<vmem>>
      %dma_start3A_162 = tpu.memref_squeeze %dma_start3A_161 : memref<1x96xi32, #tpu.memory_space<vmem>> -> memref<96xi32, #tpu.memory_space<vmem>>
      %dma_start3A_163 = arith.constant 0 : i32
      %dma_start3A_164 = arith.constant 0 : i32
      %dma_start3A_165 = tpu.memref_slice %arg2[%dma_start3A_163, %dma_start3A_164] : memref<25000x128xi32, #tpu.memory_space<hbm>> -> memref<25000x128xi32, #tpu.memory_space<hbm>>
      tpu.enqueue_indirect_dma source(%dma_start3A_165 : memref<25000x128xi32, #tpu.memory_space<hbm>>) target(%dma_start3A_159 : memref<96x128xi32, #tpu.memory_space<vmem>>) offsets(%dma_start3A_162 : memref<96xi32, #tpu.memory_space<vmem>>) semaphore(%arg11 : memref<!tpu.dma_semaphore, #tpu.memory_space<semaphore_mem>>)
      %dma_wait3A_166 = arith.constant 5 : i32
      %dma_wait3A_167 = arith.constant 1 : i32
      %dma_wait3A_168 = arith.constant 0 : i32
      %dma_wait3A_169 = arith.constant 0 : i32
      %dma_wait3A_170 = tpu.memref_slice %arg9[%dma_wait3A_167, %dma_wait3A_168, %dma_wait3A_169] : memref<2x96x128xi32, #tpu.memory_space<vmem>> -> memref<1x96x128xi32, #tpu.memory_space<vmem>>
      %dma_wait3A_171 = tpu.memref_squeeze %dma_wait3A_170 : memref<1x96x128xi32, #tpu.memory_space<vmem>> -> memref<96x128xi32, #tpu.memory_space<vmem>>
      %dma_wait3A_172 = arith.constant 0 : i32
      %dma_wait3A_173 = tpu.memref_slice %arg7[%dma_wait3A_166, %dma_wait3A_172] : memref<8x96xi32, #tpu.memory_space<vmem>> -> memref<1x96xi32, #tpu.memory_space<vmem>>
      %dma_wait3A_174 = tpu.memref_squeeze %dma_wait3A_173 : memref<1x96xi32, #tpu.memory_space<vmem>> -> memref<96xi32, #tpu.memory_space<vmem>>
      %dma_wait3A_175 = arith.constant 0 : i32
      %dma_wait3A_176 = arith.constant 0 : i32
      %dma_wait3A_177 = tpu.memref_slice %arg2[%dma_wait3A_175, %dma_wait3A_176] : memref<25000x128xi32, #tpu.memory_space<hbm>> -> memref<25000x128xi32, #tpu.memory_space<hbm>>
      tpu.wait_indirect_dma semaphore(%arg12 : memref<!tpu.dma_semaphore, #tpu.memory_space<semaphore_mem>>) src(%dma_wait3A_177 : memref<25000x128xi32, #tpu.memory_space<hbm>>) dst(%dma_wait3A_171 : memref<96x128xi32, #tpu.memory_space<vmem>>)
      %run_scoped3A_178 = arith.constant 1 : i32
      %run_scoped3A_179 = arith.constant 5 : i32
      "tpu.region"() ({
        %run_scoped3A_220 = tpu.sem_alloc : memref<!tpu.dma_semaphore, #tpu.memory_space<semaphore_mem>>
        %dma_start3A_221 = arith.constant 0 : i32
        %dma_start3A_222 = arith.constant 0 : i32
        %dma_start3A_223 = tpu.memref_slice %arg9[%run_scoped3A_178, %dma_start3A_221, %dma_start3A_222] : memref<2x96x128xi32, #tpu.memory_space<vmem>> -> memref<1x96x128xi32, #tpu.memory_space<vmem>>
        %dma_start3A_224 = tpu.memref_squeeze %dma_start3A_223 : memref<1x96x128xi32, #tpu.memory_space<vmem>> -> memref<96x128xi32, #tpu.memory_space<vmem>>
        %dma_start3A_225 = arith.constant 0 : i32
        %dma_start3A_226 = tpu.memref_slice %arg8[%run_scoped3A_179, %dma_start3A_225] : memref<8x96xi32, #tpu.memory_space<vmem>> -> memref<1x96xi32, #tpu.memory_space<vmem>>
        %dma_start3A_227 = tpu.memref_squeeze %dma_start3A_226 : memref<1x96xi32, #tpu.memory_space<vmem>> -> memref<96xi32, #tpu.memory_space<vmem>>
        %dma_start3A_228 = arith.constant 0 : i32
        %dma_start3A_229 = arith.constant 0 : i32
        %dma_start3A_230 = tpu.memref_slice %arg10[%dma_start3A_228, %dma_start3A_229] : memref<13056x128xi32, #tpu.memory_space<vmem_shared>> -> memref<13056x128xi32, #tpu.memory_space<vmem_shared>>
        tpu.enqueue_indirect_dma source(%dma_start3A_224 : memref<96x128xi32, #tpu.memory_space<vmem>>) target(%dma_start3A_230 : memref<13056x128xi32, #tpu.memory_space<vmem_shared>>) offsets(%dma_start3A_227 : memref<96xi32, #tpu.memory_space<vmem>>) semaphore(%run_scoped3A_220 : memref<!tpu.dma_semaphore, #tpu.memory_space<semaphore_mem>>) {add = true}
        %dma_wait3A_231 = arith.constant 0 : i32
        %dma_wait3A_232 = arith.constant 0 : i32
        %dma_wait3A_233 = tpu.memref_slice %arg9[%run_scoped3A_178, %dma_wait3A_231, %dma_wait3A_232] : memref<2x96x128xi32, #tpu.memory_space<vmem>> -> memref<1x96x128xi32, #tpu.memory_space<vmem>>
        %dma_wait3A_234 = tpu.memref_squeeze %dma_wait3A_233 : memref<1x96x128xi32, #tpu.memory_space<vmem>> -> memref<96x128xi32, #tpu.memory_space<vmem>>
        %dma_wait3A_235 = arith.constant 0 : i32
        %dma_wait3A_236 = tpu.memref_slice %arg8[%run_scoped3A_179, %dma_wait3A_235] : memref<8x96xi32, #tpu.memory_space<vmem>> -> memref<1x96xi32, #tpu.memory_space<vmem>>
        %dma_wait3A_237 = tpu.memref_squeeze %dma_wait3A_236 : memref<1x96xi32, #tpu.memory_space<vmem>> -> memref<96xi32, #tpu.memory_space<vmem>>
        %dma_wait3A_238 = arith.constant 0 : i32
        %dma_wait3A_239 = arith.constant 0 : i32
        %dma_wait3A_240 = tpu.memref_slice %arg10[%dma_wait3A_238, %dma_wait3A_239] : memref<13056x128xi32, #tpu.memory_space<vmem_shared>> -> memref<13056x128xi32, #tpu.memory_space<vmem_shared>>
        tpu.wait_indirect_dma semaphore(%run_scoped3A_220 : memref<!tpu.dma_semaphore, #tpu.memory_space<semaphore_mem>>) src(%dma_wait3A_234 : memref<96x128xi32, #tpu.memory_space<vmem>>) dst(%dma_wait3A_240 : memref<13056x128xi32, #tpu.memory_space<vmem_shared>>)
        tpu.yield
      }) : () -> ()
      %dma_start3A_180 = arith.constant 7 : i32
      %dma_start3A_181 = arith.constant 1 : i32
      %dma_start3A_182 = arith.constant 0 : i32
      %dma_start3A_183 = arith.constant 0 : i32
      %dma_start3A_184 = tpu.memref_slice %arg9[%dma_start3A_181, %dma_start3A_182, %dma_start3A_183] : memref<2x96x128xi32, #tpu.memory_space<vmem>> -> memref<1x96x128xi32, #tpu.memory_space<vmem>>
      %dma_start3A_185 = tpu.memref_squeeze %dma_start3A_184 : memref<1x96x128xi32, #tpu.memory_space<vmem>> -> memref<96x128xi32, #tpu.memory_space<vmem>>
      %dma_start3A_186 = arith.constant 0 : i32
      %dma_start3A_187 = tpu.memref_slice %arg7[%dma_start3A_180, %dma_start3A_186] : memref<8x96xi32, #tpu.memory_space<vmem>> -> memref<1x96xi32, #tpu.memory_space<vmem>>
      %dma_start3A_188 = tpu.memref_squeeze %dma_start3A_187 : memref<1x96xi32, #tpu.memory_space<vmem>> -> memref<96xi32, #tpu.memory_space<vmem>>
      %dma_start3A_189 = arith.constant 0 : i32
      %dma_start3A_190 = arith.constant 0 : i32
      %dma_start3A_191 = tpu.memref_slice %arg2[%dma_start3A_189, %dma_start3A_190] : memref<25000x128xi32, #tpu.memory_space<hbm>> -> memref<25000x128xi32, #tpu.memory_space<hbm>>
      tpu.enqueue_indirect_dma source(%dma_start3A_191 : memref<25000x128xi32, #tpu.memory_space<hbm>>) target(%dma_start3A_185 : memref<96x128xi32, #tpu.memory_space<vmem>>) offsets(%dma_start3A_188 : memref<96xi32, #tpu.memory_space<vmem>>) semaphore(%arg12 : memref<!tpu.dma_semaphore, #tpu.memory_space<semaphore_mem>>)
      %dma_wait3A_192 = arith.constant 6 : i32
      %dma_wait3A_193 = arith.constant 0 : i32
      %dma_wait3A_194 = arith.constant 0 : i32
      %dma_wait3A_195 = arith.constant 0 : i32
      %dma_wait3A_196 = tpu.memref_slice %arg9[%dma_wait3A_193, %dma_wait3A_194, %dma_wait3A_195] : memref<2x96x128xi32, #tpu.memory_space<vmem>> -> memref<1x96x128xi32, #tpu.memory_space<vmem>>
      %dma_wait3A_197 = tpu.memref_squeeze %dma_wait3A_196 : memref<1x96x128xi32, #tpu.memory_space<vmem>> -> memref<96x128xi32, #tpu.memory_space<vmem>>
      %dma_wait3A_198 = arith.constant 0 : i32
      %dma_wait3A_199 = tpu.memref_slice %arg7[%dma_wait3A_192, %dma_wait3A_198] : memref<8x96xi32, #tpu.memory_space<vmem>> -> memref<1x96xi32, #tpu.memory_space<vmem>>
      %dma_wait3A_200 = tpu.memref_squeeze %dma_wait3A_199 : memref<1x96xi32, #tpu.memory_space<vmem>> -> memref<96xi32, #tpu.memory_space<vmem>>
      %dma_wait3A_201 = arith.constant 0 : i32
      %dma_wait3A_202 = arith.constant 0 : i32
      %dma_wait3A_203 = tpu.memref_slice %arg2[%dma_wait3A_201, %dma_wait3A_202] : memref<25000x128xi32, #tpu.memory_space<hbm>> -> memref<25000x128xi32, #tpu.memory_space<hbm>>
      tpu.wait_indirect_dma semaphore(%arg11 : memref<!tpu.dma_semaphore, #tpu.memory_space<semaphore_mem>>) src(%dma_wait3A_203 : memref<25000x128xi32, #tpu.memory_space<hbm>>) dst(%dma_wait3A_197 : memref<96x128xi32, #tpu.memory_space<vmem>>)
      %run_scoped3A_204 = arith.constant 0 : i32
      %run_scoped3A_205 = arith.constant 6 : i32
      "tpu.region"() ({
        %run_scoped3A_220 = tpu.sem_alloc : memref<!tpu.dma_semaphore, #tpu.memory_space<semaphore_mem>>
        %dma_start3A_221 = arith.constant 0 : i32
        %dma_start3A_222 = arith.constant 0 : i32
        %dma_start3A_223 = tpu.memref_slice %arg9[%run_scoped3A_204, %dma_start3A_221, %dma_start3A_222] : memref<2x96x128xi32, #tpu.memory_space<vmem>> -> memref<1x96x128xi32, #tpu.memory_space<vmem>>
        %dma_start3A_224 = tpu.memref_squeeze %dma_start3A_223 : memref<1x96x128xi32, #tpu.memory_space<vmem>> -> memref<96x128xi32, #tpu.memory_space<vmem>>
        %dma_start3A_225 = arith.constant 0 : i32
        %dma_start3A_226 = tpu.memref_slice %arg8[%run_scoped3A_205, %dma_start3A_225] : memref<8x96xi32, #tpu.memory_space<vmem>> -> memref<1x96xi32, #tpu.memory_space<vmem>>
        %dma_start3A_227 = tpu.memref_squeeze %dma_start3A_226 : memref<1x96xi32, #tpu.memory_space<vmem>> -> memref<96xi32, #tpu.memory_space<vmem>>
        %dma_start3A_228 = arith.constant 0 : i32
        %dma_start3A_229 = arith.constant 0 : i32
        %dma_start3A_230 = tpu.memref_slice %arg10[%dma_start3A_228, %dma_start3A_229] : memref<13056x128xi32, #tpu.memory_space<vmem_shared>> -> memref<13056x128xi32, #tpu.memory_space<vmem_shared>>
        tpu.enqueue_indirect_dma source(%dma_start3A_224 : memref<96x128xi32, #tpu.memory_space<vmem>>) target(%dma_start3A_230 : memref<13056x128xi32, #tpu.memory_space<vmem_shared>>) offsets(%dma_start3A_227 : memref<96xi32, #tpu.memory_space<vmem>>) semaphore(%run_scoped3A_220 : memref<!tpu.dma_semaphore, #tpu.memory_space<semaphore_mem>>) {add = true}
        %dma_wait3A_231 = arith.constant 0 : i32
        %dma_wait3A_232 = arith.constant 0 : i32
        %dma_wait3A_233 = tpu.memref_slice %arg9[%run_scoped3A_204, %dma_wait3A_231, %dma_wait3A_232] : memref<2x96x128xi32, #tpu.memory_space<vmem>> -> memref<1x96x128xi32, #tpu.memory_space<vmem>>
        %dma_wait3A_234 = tpu.memref_squeeze %dma_wait3A_233 : memref<1x96x128xi32, #tpu.memory_space<vmem>> -> memref<96x128xi32, #tpu.memory_space<vmem>>
        %dma_wait3A_235 = arith.constant 0 : i32
        %dma_wait3A_236 = tpu.memref_slice %arg8[%run_scoped3A_205, %dma_wait3A_235] : memref<8x96xi32, #tpu.memory_space<vmem>> -> memref<1x96xi32, #tpu.memory_space<vmem>>
        %dma_wait3A_237 = tpu.memref_squeeze %dma_wait3A_236 : memref<1x96xi32, #tpu.memory_space<vmem>> -> memref<96xi32, #tpu.memory_space<vmem>>
        %dma_wait3A_238 = arith.constant 0 : i32
        %dma_wait3A_239 = arith.constant 0 : i32
        %dma_wait3A_240 = tpu.memref_slice %arg10[%dma_wait3A_238, %dma_wait3A_239] : memref<13056x128xi32, #tpu.memory_space<vmem_shared>> -> memref<13056x128xi32, #tpu.memory_space<vmem_shared>>
        tpu.wait_indirect_dma semaphore(%run_scoped3A_220 : memref<!tpu.dma_semaphore, #tpu.memory_space<semaphore_mem>>) src(%dma_wait3A_234 : memref<96x128xi32, #tpu.memory_space<vmem>>) dst(%dma_wait3A_240 : memref<13056x128xi32, #tpu.memory_space<vmem_shared>>)
        tpu.yield
      }) : () -> ()
      %dma_wait3A_206 = arith.constant 7 : i32
      %dma_wait3A_207 = arith.constant 1 : i32
      %dma_wait3A_208 = arith.constant 0 : i32
      %dma_wait3A_209 = arith.constant 0 : i32
      %dma_wait3A_210 = tpu.memref_slice %arg9[%dma_wait3A_207, %dma_wait3A_208, %dma_wait3A_209] : memref<2x96x128xi32, #tpu.memory_space<vmem>> -> memref<1x96x128xi32, #tpu.memory_space<vmem>>
      %dma_wait3A_211 = tpu.memref_squeeze %dma_wait3A_210 : memref<1x96x128xi32, #tpu.memory_space<vmem>> -> memref<96x128xi32, #tpu.memory_space<vmem>>
      %dma_wait3A_212 = arith.constant 0 : i32
      %dma_wait3A_213 = tpu.memref_slice %arg7[%dma_wait3A_206, %dma_wait3A_212] : memref<8x96xi32, #tpu.memory_space<vmem>> -> memref<1x96xi32, #tpu.memory_space<vmem>>
      %dma_wait3A_214 = tpu.memref_squeeze %dma_wait3A_213 : memref<1x96xi32, #tpu.memory_space<vmem>> -> memref<96xi32, #tpu.memory_space<vmem>>
      %dma_wait3A_215 = arith.constant 0 : i32
      %dma_wait3A_216 = arith.constant 0 : i32
      %dma_wait3A_217 = tpu.memref_slice %arg2[%dma_wait3A_215, %dma_wait3A_216] : memref<25000x128xi32, #tpu.memory_space<hbm>> -> memref<25000x128xi32, #tpu.memory_space<hbm>>
      tpu.wait_indirect_dma semaphore(%arg12 : memref<!tpu.dma_semaphore, #tpu.memory_space<semaphore_mem>>) src(%dma_wait3A_217 : memref<25000x128xi32, #tpu.memory_space<hbm>>) dst(%dma_wait3A_211 : memref<96x128xi32, #tpu.memory_space<vmem>>)
      %run_scoped3A_218 = arith.constant 1 : i32
      %run_scoped3A_219 = arith.constant 7 : i32
      "tpu.region"() ({
        %run_scoped3A_220 = tpu.sem_alloc : memref<!tpu.dma_semaphore, #tpu.memory_space<semaphore_mem>>
        %dma_start3A_221 = arith.constant 0 : i32
        %dma_start3A_222 = arith.constant 0 : i32
        %dma_start3A_223 = tpu.memref_slice %arg9[%run_scoped3A_218, %dma_start3A_221, %dma_start3A_222] : memref<2x96x128xi32, #tpu.memory_space<vmem>> -> memref<1x96x128xi32, #tpu.memory_space<vmem>>
        %dma_start3A_224 = tpu.memref_squeeze %dma_start3A_223 : memref<1x96x128xi32, #tpu.memory_space<vmem>> -> memref<96x128xi32, #tpu.memory_space<vmem>>
        %dma_start3A_225 = arith.constant 0 : i32
        %dma_start3A_226 = tpu.memref_slice %arg8[%run_scoped3A_219, %dma_start3A_225] : memref<8x96xi32, #tpu.memory_space<vmem>> -> memref<1x96xi32, #tpu.memory_space<vmem>>
        %dma_start3A_227 = tpu.memref_squeeze %dma_start3A_226 : memref<1x96xi32, #tpu.memory_space<vmem>> -> memref<96xi32, #tpu.memory_space<vmem>>
        %dma_start3A_228 = arith.constant 0 : i32
        %dma_start3A_229 = arith.constant 0 : i32
        %dma_start3A_230 = tpu.memref_slice %arg10[%dma_start3A_228, %dma_start3A_229] : memref<13056x128xi32, #tpu.memory_space<vmem_shared>> -> memref<13056x128xi32, #tpu.memory_space<vmem_shared>>
        tpu.enqueue_indirect_dma source(%dma_start3A_224 : memref<96x128xi32, #tpu.memory_space<vmem>>) target(%dma_start3A_230 : memref<13056x128xi32, #tpu.memory_space<vmem_shared>>) offsets(%dma_start3A_227 : memref<96xi32, #tpu.memory_space<vmem>>) semaphore(%run_scoped3A_220 : memref<!tpu.dma_semaphore, #tpu.memory_space<semaphore_mem>>) {add = true}
        %dma_wait3A_231 = arith.constant 0 : i32
        %dma_wait3A_232 = arith.constant 0 : i32
        %dma_wait3A_233 = tpu.memref_slice %arg9[%run_scoped3A_218, %dma_wait3A_231, %dma_wait3A_232] : memref<2x96x128xi32, #tpu.memory_space<vmem>> -> memref<1x96x128xi32, #tpu.memory_space<vmem>>
        %dma_wait3A_234 = tpu.memref_squeeze %dma_wait3A_233 : memref<1x96x128xi32, #tpu.memory_space<vmem>> -> memref<96x128xi32, #tpu.memory_space<vmem>>
        %dma_wait3A_235 = arith.constant 0 : i32
        %dma_wait3A_236 = tpu.memref_slice %arg8[%run_scoped3A_219, %dma_wait3A_235] : memref<8x96xi32, #tpu.memory_space<vmem>> -> memref<1x96xi32, #tpu.memory_space<vmem>>
        %dma_wait3A_237 = tpu.memref_squeeze %dma_wait3A_236 : memref<1x96xi32, #tpu.memory_space<vmem>> -> memref<96xi32, #tpu.memory_space<vmem>>
        %dma_wait3A_238 = arith.constant 0 : i32
        %dma_wait3A_239 = arith.constant 0 : i32
        %dma_wait3A_240 = tpu.memref_slice %arg10[%dma_wait3A_238, %dma_wait3A_239] : memref<13056x128xi32, #tpu.memory_space<vmem_shared>> -> memref<13056x128xi32, #tpu.memory_space<vmem_shared>>
        tpu.wait_indirect_dma semaphore(%run_scoped3A_220 : memref<!tpu.dma_semaphore, #tpu.memory_space<semaphore_mem>>) src(%dma_wait3A_234 : memref<96x128xi32, #tpu.memory_space<vmem>>) dst(%dma_wait3A_240 : memref<13056x128xi32, #tpu.memory_space<vmem_shared>>)
        tpu.yield
      }) : () -> ()
    }
    %scan3A_7 = arith.constant 52 : i32
    %barrier3A_8 = arith.constant 0 : index
    tpu.barrier barrier_id(%barrier3A_8)
    "tpu.region"() ({
      %run_scoped3A = tpu.sem_alloc : memref<!tpu.dma_semaphore, #tpu.memory_space<semaphore_mem>>
      %dma_start3A = arith.constant 0 : i32
      %dma_start3A_9 = tpu.memref_slice %arg6[%arg0, %mul3A_0, %dma_start3A] : memref<2x13056x128xi32, #tpu.memory_space<hbm>> -> memref<1x816x128xi32, #tpu.memory_space<hbm>>
      %dma_start3A_10 = tpu.memref_squeeze %dma_start3A_9 : memref<1x816x128xi32, #tpu.memory_space<hbm>> -> memref<816x128xi32, #tpu.memory_space<hbm>>
      %dma_start3A_11 = arith.constant 0 : i32
      %dma_start3A_12 = tpu.memref_slice %arg10[%mul3A_0, %dma_start3A_11] : memref<13056x128xi32, #tpu.memory_space<vmem_shared>> -> memref<816x128xi32, #tpu.memory_space<vmem_shared>>
      tpu.enqueue_dma source(%dma_start3A_12 : memref<816x128xi32, #tpu.memory_space<vmem_shared>>) target(%dma_start3A_10 : memref<816x128xi32, #tpu.memory_space<hbm>>) target_semaphore(%run_scoped3A : memref<!tpu.dma_semaphore, #tpu.memory_space<semaphore_mem>>)
      %dma_wait3A = arith.constant 0 : i32
      %dma_wait3A_13 = tpu.memref_slice %arg6[%arg0, %mul3A_0, %dma_wait3A] : memref<2x13056x128xi32, #tpu.memory_space<hbm>> -> memref<1x816x128xi32, #tpu.memory_space<hbm>>
      %dma_wait3A_14 = tpu.memref_squeeze %dma_wait3A_13 : memref<1x816x128xi32, #tpu.memory_space<hbm>> -> memref<816x128xi32, #tpu.memory_space<hbm>>
      %dma_wait3A_15 = arith.constant 0 : i32
      %dma_wait3A_16 = tpu.memref_slice %arg10[%mul3A_0, %dma_wait3A_15] : memref<13056x128xi32, #tpu.memory_space<vmem_shared>> -> memref<816x128xi32, #tpu.memory_space<vmem_shared>>
      tpu.wait_dma2 semaphore(%run_scoped3A : memref<!tpu.dma_semaphore, #tpu.memory_space<semaphore_mem>>) src(%dma_wait3A_16 : memref<816x128xi32, #tpu.memory_space<vmem_shared>>) dst(%dma_wait3A_14 : memref<816x128xi32, #tpu.memory_space<hbm>>)
      tpu.yield
    }) : () -> ()
    return
  }
}

#map = affine_map<(d0, d1) -> (0, 0)>
#map1 = affine_map<(d0, d1) -> (0, 0, 0)>
module attributes {stable_mosaic.version = 14 : i64} {
  func.func @_sc_agg_body(%arg0: i32, %arg1: i32, %arg2: memref<25000x128xi32, #tpu.memory_space<hbm>>, %arg3: memref<6656x96xi32, #tpu.memory_space<hbm>>, %arg4: memref<2x6656x96xi32, #tpu.memory_space<hbm>>, %arg5: memref<13056x128xi32, #tpu.memory_space<hbm>>, %arg6: memref<2x13056x128xi32, #tpu.memory_space<hbm>>, %arg7: memref<8x96xi32, #tpu.memory_space<vmem>>, %arg8: memref<8x96xi32, #tpu.memory_space<vmem>>, %arg9: memref<2x96x128xi32, #tpu.memory_space<vmem>>, %arg10: memref<13056x128xi32, #tpu.memory_space<vmem_shared>>, %arg11: memref<!tpu.dma_semaphore, #tpu.memory_space<semaphore_mem>>, %arg12: memref<!tpu.dma_semaphore, #tpu.memory_space<semaphore_mem>>) attributes {dimension_semantics = [#tpu.dimension_semantics<core_parallel>, #tpu.dimension_semantics<subcore_parallel>], iteration_bounds = array<i64: 2, 16>, scalar_prefetch = 0 : i64, scratch_operands = 6 : i64, tpu.core_type = #tpu.core_type<sc_vector_subcore>, window_params = [{transform_indices = #map}, {transform_indices = #map}, {transform_indices = #map1}, {transform_indices = #map}, {transform_indices = #map1}]} {
    %mul3A = arith.constant 816 : i32
    %mul3A_0 = arith.muli %arg1, %mul3A : i32
    "tpu.region"() ({
      %run_scoped3A = tpu.sem_alloc : memref<!tpu.dma_semaphore, #tpu.memory_space<semaphore_mem>>
      %dma_start3A = arith.constant 0 : i32
      %dma_start3A_9 = tpu.memref_slice %arg10[%mul3A_0, %dma_start3A] : memref<13056x128xi32, #tpu.memory_space<vmem_shared>> -> memref<816x128xi32, #tpu.memory_space<vmem_shared>>
      %dma_start3A_10 = arith.constant 0 : i32
      %dma_start3A_11 = tpu.memref_slice %arg5[%mul3A_0, %dma_start3A_10] : memref<13056x128xi32, #tpu.memory_space<hbm>> -> memref<816x128xi32, #tpu.memory_space<hbm>>
      tpu.enqueue_dma source(%dma_start3A_11 : memref<816x128xi32, #tpu.memory_space<hbm>>) target(%dma_start3A_9 : memref<816x128xi32, #tpu.memory_space<vmem_shared>>) target_semaphore(%run_scoped3A : memref<!tpu.dma_semaphore, #tpu.memory_space<semaphore_mem>>)
      %dma_wait3A = arith.constant 0 : i32
      %dma_wait3A_12 = tpu.memref_slice %arg10[%mul3A_0, %dma_wait3A] : memref<13056x128xi32, #tpu.memory_space<vmem_shared>> -> memref<816x128xi32, #tpu.memory_space<vmem_shared>>
      %dma_wait3A_13 = arith.constant 0 : i32
      %dma_wait3A_14 = tpu.memref_slice %arg5[%mul3A_0, %dma_wait3A_13] : memref<13056x128xi32, #tpu.memory_space<hbm>> -> memref<816x128xi32, #tpu.memory_space<hbm>>
      tpu.wait_dma2 semaphore(%run_scoped3A : memref<!tpu.dma_semaphore, #tpu.memory_space<semaphore_mem>>) src(%dma_wait3A_14 : memref<816x128xi32, #tpu.memory_space<hbm>>) dst(%dma_wait3A_12 : memref<816x128xi32, #tpu.memory_space<vmem_shared>>)
      tpu.yield
    }) : () -> ()
    %barrier3A = arith.constant 0 : index
    tpu.barrier barrier_id(%barrier3A)
    %mul3A_1 = arith.constant 416 : i32
    %mul3A_2 = arith.muli %arg1, %mul3A_1 : i32
    %scan3A = arith.constant 0 : i32
    %scan3A_3 = arith.constant 0 : i32
    %scan3A_4 = arith.constant 52 : i32
    %scan3A_5 = arith.addi %scan3A_3, %scan3A_4 : i32
    %scan3A_6 = arith.constant 1 : i32
    scf.for %scan3A_9 = %scan3A_3 to %scan3A_5 step %scan3A_6  : i32 {
      %mul3A_10 = arith.constant 8 : i32
      %mul3A_11 = arith.muli %scan3A_9, %mul3A_10 : i32
      %add3A = arith.addi %mul3A_2, %mul3A_11 : i32
      "tpu.region"() ({
        %run_scoped3A_220 = tpu.sem_alloc : memref<!tpu.dma_semaphore, #tpu.memory_space<semaphore_mem>>
        %dma_start3A_221 = arith.constant 0 : i32
        %dma_start3A_222 = tpu.memref_slice %arg3[%add3A, %dma_start3A_221] : memref<6656x96xi32, #tpu.memory_space<hbm>> -> memref<8x96xi32, #tpu.memory_space<hbm>>
        %dma_start3A_223 = arith.constant 0 : i32
        %dma_start3A_224 = tpu.memref_slice %arg3[%add3A, %dma_start3A_223] : memref<6656x96xi32, #tpu.memory_space<hbm>> -> memref<8x96xi32, #tpu.memory_space<hbm>>
        tpu.enqueue_dma source(%dma_start3A_224 : memref<8x96xi32, #tpu.memory_space<hbm>>) target(%arg7 : memref<8x96xi32, #tpu.memory_space<vmem>>) target_semaphore(%run_scoped3A_220 : memref<!tpu.dma_semaphore, #tpu.memory_space<semaphore_mem>>)
        %dma_wait3A_225 = arith.constant 0 : i32
        %dma_wait3A_226 = tpu.memref_slice %arg3[%add3A, %dma_wait3A_225] : memref<6656x96xi32, #tpu.memory_space<hbm>> -> memref<8x96xi32, #tpu.memory_space<hbm>>
        %dma_wait3A_227 = arith.constant 0 : i32
        %dma_wait3A_228 = tpu.memref_slice %arg3[%add3A, %dma_wait3A_227] : memref<6656x96xi32, #tpu.memory_space<hbm>> -> memref<8x96xi32, #tpu.memory_space<hbm>>
        tpu.wait_dma2 semaphore(%run_scoped3A_220 : memref<!tpu.dma_semaphore, #tpu.memory_space<semaphore_mem>>) src(%dma_wait3A_228 : memref<8x96xi32, #tpu.memory_space<hbm>>) dst(%arg7 : memref<8x96xi32, #tpu.memory_space<vmem>>)
        tpu.yield
      }) : () -> ()
      %mul3A_12 = arith.constant 8 : i32
      %mul3A_13 = arith.muli %scan3A_9, %mul3A_12 : i32
      %add3A_14 = arith.addi %mul3A_2, %mul3A_13 : i32
      "tpu.region"() ({
        %run_scoped3A_220 = tpu.sem_alloc : memref<!tpu.dma_semaphore, #tpu.memory_space<semaphore_mem>>
        %dma_start3A_221 = arith.constant 0 : i32
        %dma_start3A_222 = tpu.memref_slice %arg4[%arg0, %add3A_14, %dma_start3A_221] : memref<2x6656x96xi32, #tpu.memory_space<hbm>> -> memref<1x8x96xi32, #tpu.memory_space<hbm>>
        %dma_start3A_223 = tpu.memref_squeeze %dma_start3A_222 : memref<1x8x96xi32, #tpu.memory_space<hbm>> -> memref<8x96xi32, #tpu.memory_space<hbm>>
        %dma_start3A_224 = arith.constant 0 : i32
        %dma_start3A_225 = tpu.memref_slice %arg4[%arg0, %add3A_14, %dma_start3A_224] : memref<2x6656x96xi32, #tpu.memory_space<hbm>> -> memref<1x8x96xi32, #tpu.memory_space<hbm>>
        %dma_start3A_226 = tpu.memref_squeeze %dma_start3A_225 : memref<1x8x96xi32, #tpu.memory_space<hbm>> -> memref<8x96xi32, #tpu.memory_space<hbm>>
        tpu.enqueue_dma source(%dma_start3A_226 : memref<8x96xi32, #tpu.memory_space<hbm>>) target(%arg8 : memref<8x96xi32, #tpu.memory_space<vmem>>) target_semaphore(%run_scoped3A_220 : memref<!tpu.dma_semaphore, #tpu.memory_space<semaphore_mem>>)
        %dma_wait3A_227 = arith.constant 0 : i32
        %dma_wait3A_228 = tpu.memref_slice %arg4[%arg0, %add3A_14, %dma_wait3A_227] : memref<2x6656x96xi32, #tpu.memory_space<hbm>> -> memref<1x8x96xi32, #tpu.memory_space<hbm>>
        %dma_wait3A_229 = tpu.memref_squeeze %dma_wait3A_228 : memref<1x8x96xi32, #tpu.memory_space<hbm>> -> memref<8x96xi32, #tpu.memory_space<hbm>>
        %dma_wait3A_230 = arith.constant 0 : i32
        %dma_wait3A_231 = tpu.memref_slice %arg4[%arg0, %add3A_14, %dma_wait3A_230] : memref<2x6656x96xi32, #tpu.memory_space<hbm>> -> memref<1x8x96xi32, #tpu.memory_space<hbm>>
        %dma_wait3A_232 = tpu.memref_squeeze %dma_wait3A_231 : memref<1x8x96xi32, #tpu.memory_space<hbm>> -> memref<8x96xi32, #tpu.memory_space<hbm>>
        tpu.wait_dma2 semaphore(%run_scoped3A_220 : memref<!tpu.dma_semaphore, #tpu.memory_space<semaphore_mem>>) src(%dma_wait3A_232 : memref<8x96xi32, #tpu.memory_space<hbm>>) dst(%arg8 : memref<8x96xi32, #tpu.memory_space<vmem>>)
        tpu.yield
      }) : () -> ()
      %dma_start3A = arith.constant 0 : i32
      %dma_start3A_15 = arith.constant 0 : i32
      %dma_start3A_16 = arith.constant 0 : i32
      %dma_start3A_17 = arith.constant 0 : i32
      %dma_start3A_18 = tpu.memref_slice %arg9[%dma_start3A_15, %dma_start3A_16, %dma_start3A_17] : memref<2x96x128xi32, #tpu.memory_space<vmem>> -> memref<1x96x128xi32, #tpu.memory_space<vmem>>
      %dma_start3A_19 = tpu.memref_squeeze %dma_start3A_18 : memref<1x96x128xi32, #tpu.memory_space<vmem>> -> memref<96x128xi32, #tpu.memory_space<vmem>>
      %dma_start3A_20 = arith.constant 0 : i32
      %dma_start3A_21 = tpu.memref_slice %arg7[%dma_start3A, %dma_start3A_20] : memref<8x96xi32, #tpu.memory_space<vmem>> -> memref<1x96xi32, #tpu.memory_space<vmem>>
      %dma_start3A_22 = tpu.memref_squeeze %dma_start3A_21 : memref<1x96xi32, #tpu.memory_space<vmem>> -> memref<96xi32, #tpu.memory_space<vmem>>
      %dma_start3A_23 = arith.constant 0 : i32
      %dma_start3A_24 = arith.constant 0 : i32
      %dma_start3A_25 = tpu.memref_slice %arg2[%dma_start3A_23, %dma_start3A_24] : memref<25000x128xi32, #tpu.memory_space<hbm>> -> memref<25000x128xi32, #tpu.memory_space<hbm>>
      tpu.enqueue_indirect_dma source(%dma_start3A_25 : memref<25000x128xi32, #tpu.memory_space<hbm>>) target(%dma_start3A_19 : memref<96x128xi32, #tpu.memory_space<vmem>>) offsets(%dma_start3A_22 : memref<96xi32, #tpu.memory_space<vmem>>) semaphore(%arg11 : memref<!tpu.dma_semaphore, #tpu.memory_space<semaphore_mem>>)
      %dma_start3A_26 = arith.constant 1 : i32
      %dma_start3A_27 = arith.constant 1 : i32
      %dma_start3A_28 = arith.constant 0 : i32
      %dma_start3A_29 = arith.constant 0 : i32
      %dma_start3A_30 = tpu.memref_slice %arg9[%dma_start3A_27, %dma_start3A_28, %dma_start3A_29] : memref<2x96x128xi32, #tpu.memory_space<vmem>> -> memref<1x96x128xi32, #tpu.memory_space<vmem>>
      %dma_start3A_31 = tpu.memref_squeeze %dma_start3A_30 : memref<1x96x128xi32, #tpu.memory_space<vmem>> -> memref<96x128xi32, #tpu.memory_space<vmem>>
      %dma_start3A_32 = arith.constant 0 : i32
      %dma_start3A_33 = tpu.memref_slice %arg7[%dma_start3A_26, %dma_start3A_32] : memref<8x96xi32, #tpu.memory_space<vmem>> -> memref<1x96xi32, #tpu.memory_space<vmem>>
      %dma_start3A_34 = tpu.memref_squeeze %dma_start3A_33 : memref<1x96xi32, #tpu.memory_space<vmem>> -> memref<96xi32, #tpu.memory_space<vmem>>
      %dma_start3A_35 = arith.constant 0 : i32
      %dma_start3A_36 = arith.constant 0 : i32
      %dma_start3A_37 = tpu.memref_slice %arg2[%dma_start3A_35, %dma_start3A_36] : memref<25000x128xi32, #tpu.memory_space<hbm>> -> memref<25000x128xi32, #tpu.memory_space<hbm>>
      tpu.enqueue_indirect_dma source(%dma_start3A_37 : memref<25000x128xi32, #tpu.memory_space<hbm>>) target(%dma_start3A_31 : memref<96x128xi32, #tpu.memory_space<vmem>>) offsets(%dma_start3A_34 : memref<96xi32, #tpu.memory_space<vmem>>) semaphore(%arg12 : memref<!tpu.dma_semaphore, #tpu.memory_space<semaphore_mem>>)
      %dma_wait3A = arith.constant 0 : i32
      %dma_wait3A_38 = arith.constant 0 : i32
      %dma_wait3A_39 = arith.constant 0 : i32
      %dma_wait3A_40 = arith.constant 0 : i32
      %dma_wait3A_41 = tpu.memref_slice %arg9[%dma_wait3A_38, %dma_wait3A_39, %dma_wait3A_40] : memref<2x96x128xi32, #tpu.memory_space<vmem>> -> memref<1x96x128xi32, #tpu.memory_space<vmem>>
      %dma_wait3A_42 = tpu.memref_squeeze %dma_wait3A_41 : memref<1x96x128xi32, #tpu.memory_space<vmem>> -> memref<96x128xi32, #tpu.memory_space<vmem>>
      %dma_wait3A_43 = arith.constant 0 : i32
      %dma_wait3A_44 = tpu.memref_slice %arg7[%dma_wait3A, %dma_wait3A_43] : memref<8x96xi32, #tpu.memory_space<vmem>> -> memref<1x96xi32, #tpu.memory_space<vmem>>
      %dma_wait3A_45 = tpu.memref_squeeze %dma_wait3A_44 : memref<1x96xi32, #tpu.memory_space<vmem>> -> memref<96xi32, #tpu.memory_space<vmem>>
      %dma_wait3A_46 = arith.constant 0 : i32
      %dma_wait3A_47 = arith.constant 0 : i32
      %dma_wait3A_48 = tpu.memref_slice %arg2[%dma_wait3A_46, %dma_wait3A_47] : memref<25000x128xi32, #tpu.memory_space<hbm>> -> memref<25000x128xi32, #tpu.memory_space<hbm>>
      tpu.wait_indirect_dma semaphore(%arg11 : memref<!tpu.dma_semaphore, #tpu.memory_space<semaphore_mem>>) src(%dma_wait3A_48 : memref<25000x128xi32, #tpu.memory_space<hbm>>) dst(%dma_wait3A_42 : memref<96x128xi32, #tpu.memory_space<vmem>>)
      %run_scoped3A = arith.constant 0 : i32
      %run_scoped3A_49 = arith.constant 0 : i32
      "tpu.region"() ({
        %run_scoped3A_220 = tpu.sem_alloc : memref<!tpu.dma_semaphore, #tpu.memory_space<semaphore_mem>>
        %dma_start3A_221 = arith.constant 0 : i32
        %dma_start3A_222 = arith.constant 0 : i32
        %dma_start3A_223 = tpu.memref_slice %arg9[%run_scoped3A, %dma_start3A_221, %dma_start3A_222] : memref<2x96x128xi32, #tpu.memory_space<vmem>> -> memref<1x96x128xi32, #tpu.memory_space<vmem>>
        %dma_start3A_224 = tpu.memref_squeeze %dma_start3A_223 : memref<1x96x128xi32, #tpu.memory_space<vmem>> -> memref<96x128xi32, #tpu.memory_space<vmem>>
        %dma_start3A_225 = arith.constant 0 : i32
        %dma_start3A_226 = tpu.memref_slice %arg8[%run_scoped3A_49, %dma_start3A_225] : memref<8x96xi32, #tpu.memory_space<vmem>> -> memref<1x96xi32, #tpu.memory_space<vmem>>
        %dma_start3A_227 = tpu.memref_squeeze %dma_start3A_226 : memref<1x96xi32, #tpu.memory_space<vmem>> -> memref<96xi32, #tpu.memory_space<vmem>>
        %dma_start3A_228 = arith.constant 0 : i32
        %dma_start3A_229 = arith.constant 0 : i32
        %dma_start3A_230 = tpu.memref_slice %arg10[%dma_start3A_228, %dma_start3A_229] : memref<13056x128xi32, #tpu.memory_space<vmem_shared>> -> memref<13056x128xi32, #tpu.memory_space<vmem_shared>>
        tpu.enqueue_indirect_dma source(%dma_start3A_224 : memref<96x128xi32, #tpu.memory_space<vmem>>) target(%dma_start3A_230 : memref<13056x128xi32, #tpu.memory_space<vmem_shared>>) offsets(%dma_start3A_227 : memref<96xi32, #tpu.memory_space<vmem>>) semaphore(%run_scoped3A_220 : memref<!tpu.dma_semaphore, #tpu.memory_space<semaphore_mem>>) {add = true}
        %dma_wait3A_231 = arith.constant 0 : i32
        %dma_wait3A_232 = arith.constant 0 : i32
        %dma_wait3A_233 = tpu.memref_slice %arg9[%run_scoped3A, %dma_wait3A_231, %dma_wait3A_232] : memref<2x96x128xi32, #tpu.memory_space<vmem>> -> memref<1x96x128xi32, #tpu.memory_space<vmem>>
        %dma_wait3A_234 = tpu.memref_squeeze %dma_wait3A_233 : memref<1x96x128xi32, #tpu.memory_space<vmem>> -> memref<96x128xi32, #tpu.memory_space<vmem>>
        %dma_wait3A_235 = arith.constant 0 : i32
        %dma_wait3A_236 = tpu.memref_slice %arg8[%run_scoped3A_49, %dma_wait3A_235] : memref<8x96xi32, #tpu.memory_space<vmem>> -> memref<1x96xi32, #tpu.memory_space<vmem>>
        %dma_wait3A_237 = tpu.memref_squeeze %dma_wait3A_236 : memref<1x96xi32, #tpu.memory_space<vmem>> -> memref<96xi32, #tpu.memory_space<vmem>>
        %dma_wait3A_238 = arith.constant 0 : i32
        %dma_wait3A_239 = arith.constant 0 : i32
        %dma_wait3A_240 = tpu.memref_slice %arg10[%dma_wait3A_238, %dma_wait3A_239] : memref<13056x128xi32, #tpu.memory_space<vmem_shared>> -> memref<13056x128xi32, #tpu.memory_space<vmem_shared>>
        tpu.wait_indirect_dma semaphore(%run_scoped3A_220 : memref<!tpu.dma_semaphore, #tpu.memory_space<semaphore_mem>>) src(%dma_wait3A_234 : memref<96x128xi32, #tpu.memory_space<vmem>>) dst(%dma_wait3A_240 : memref<13056x128xi32, #tpu.memory_space<vmem_shared>>)
        tpu.yield
      }) : () -> ()
      %dma_start3A_50 = arith.constant 2 : i32
      %dma_start3A_51 = arith.constant 0 : i32
      %dma_start3A_52 = arith.constant 0 : i32
      %dma_start3A_53 = arith.constant 0 : i32
      %dma_start3A_54 = tpu.memref_slice %arg9[%dma_start3A_51, %dma_start3A_52, %dma_start3A_53] : memref<2x96x128xi32, #tpu.memory_space<vmem>> -> memref<1x96x128xi32, #tpu.memory_space<vmem>>
      %dma_start3A_55 = tpu.memref_squeeze %dma_start3A_54 : memref<1x96x128xi32, #tpu.memory_space<vmem>> -> memref<96x128xi32, #tpu.memory_space<vmem>>
      %dma_start3A_56 = arith.constant 0 : i32
      %dma_start3A_57 = tpu.memref_slice %arg7[%dma_start3A_50, %dma_start3A_56] : memref<8x96xi32, #tpu.memory_space<vmem>> -> memref<1x96xi32, #tpu.memory_space<vmem>>
      %dma_start3A_58 = tpu.memref_squeeze %dma_start3A_57 : memref<1x96xi32, #tpu.memory_space<vmem>> -> memref<96xi32, #tpu.memory_space<vmem>>
      %dma_start3A_59 = arith.constant 0 : i32
      %dma_start3A_60 = arith.constant 0 : i32
      %dma_start3A_61 = tpu.memref_slice %arg2[%dma_start3A_59, %dma_start3A_60] : memref<25000x128xi32, #tpu.memory_space<hbm>> -> memref<25000x128xi32, #tpu.memory_space<hbm>>
      tpu.enqueue_indirect_dma source(%dma_start3A_61 : memref<25000x128xi32, #tpu.memory_space<hbm>>) target(%dma_start3A_55 : memref<96x128xi32, #tpu.memory_space<vmem>>) offsets(%dma_start3A_58 : memref<96xi32, #tpu.memory_space<vmem>>) semaphore(%arg11 : memref<!tpu.dma_semaphore, #tpu.memory_space<semaphore_mem>>)
      %dma_wait3A_62 = arith.constant 1 : i32
      %dma_wait3A_63 = arith.constant 1 : i32
      %dma_wait3A_64 = arith.constant 0 : i32
      %dma_wait3A_65 = arith.constant 0 : i32
      %dma_wait3A_66 = tpu.memref_slice %arg9[%dma_wait3A_63, %dma_wait3A_64, %dma_wait3A_65] : memref<2x96x128xi32, #tpu.memory_space<vmem>> -> memref<1x96x128xi32, #tpu.memory_space<vmem>>
      %dma_wait3A_67 = tpu.memref_squeeze %dma_wait3A_66 : memref<1x96x128xi32, #tpu.memory_space<vmem>> -> memref<96x128xi32, #tpu.memory_space<vmem>>
      %dma_wait3A_68 = arith.constant 0 : i32
      %dma_wait3A_69 = tpu.memref_slice %arg7[%dma_wait3A_62, %dma_wait3A_68] : memref<8x96xi32, #tpu.memory_space<vmem>> -> memref<1x96xi32, #tpu.memory_space<vmem>>
      %dma_wait3A_70 = tpu.memref_squeeze %dma_wait3A_69 : memref<1x96xi32, #tpu.memory_space<vmem>> -> memref<96xi32, #tpu.memory_space<vmem>>
      %dma_wait3A_71 = arith.constant 0 : i32
      %dma_wait3A_72 = arith.constant 0 : i32
      %dma_wait3A_73 = tpu.memref_slice %arg2[%dma_wait3A_71, %dma_wait3A_72] : memref<25000x128xi32, #tpu.memory_space<hbm>> -> memref<25000x128xi32, #tpu.memory_space<hbm>>
      tpu.wait_indirect_dma semaphore(%arg12 : memref<!tpu.dma_semaphore, #tpu.memory_space<semaphore_mem>>) src(%dma_wait3A_73 : memref<25000x128xi32, #tpu.memory_space<hbm>>) dst(%dma_wait3A_67 : memref<96x128xi32, #tpu.memory_space<vmem>>)
      %run_scoped3A_74 = arith.constant 1 : i32
      %run_scoped3A_75 = arith.constant 1 : i32
      "tpu.region"() ({
        %run_scoped3A_220 = tpu.sem_alloc : memref<!tpu.dma_semaphore, #tpu.memory_space<semaphore_mem>>
        %dma_start3A_221 = arith.constant 0 : i32
        %dma_start3A_222 = arith.constant 0 : i32
        %dma_start3A_223 = tpu.memref_slice %arg9[%run_scoped3A_74, %dma_start3A_221, %dma_start3A_222] : memref<2x96x128xi32, #tpu.memory_space<vmem>> -> memref<1x96x128xi32, #tpu.memory_space<vmem>>
        %dma_start3A_224 = tpu.memref_squeeze %dma_start3A_223 : memref<1x96x128xi32, #tpu.memory_space<vmem>> -> memref<96x128xi32, #tpu.memory_space<vmem>>
        %dma_start3A_225 = arith.constant 0 : i32
        %dma_start3A_226 = tpu.memref_slice %arg8[%run_scoped3A_75, %dma_start3A_225] : memref<8x96xi32, #tpu.memory_space<vmem>> -> memref<1x96xi32, #tpu.memory_space<vmem>>
        %dma_start3A_227 = tpu.memref_squeeze %dma_start3A_226 : memref<1x96xi32, #tpu.memory_space<vmem>> -> memref<96xi32, #tpu.memory_space<vmem>>
        %dma_start3A_228 = arith.constant 0 : i32
        %dma_start3A_229 = arith.constant 0 : i32
        %dma_start3A_230 = tpu.memref_slice %arg10[%dma_start3A_228, %dma_start3A_229] : memref<13056x128xi32, #tpu.memory_space<vmem_shared>> -> memref<13056x128xi32, #tpu.memory_space<vmem_shared>>
        tpu.enqueue_indirect_dma source(%dma_start3A_224 : memref<96x128xi32, #tpu.memory_space<vmem>>) target(%dma_start3A_230 : memref<13056x128xi32, #tpu.memory_space<vmem_shared>>) offsets(%dma_start3A_227 : memref<96xi32, #tpu.memory_space<vmem>>) semaphore(%run_scoped3A_220 : memref<!tpu.dma_semaphore, #tpu.memory_space<semaphore_mem>>) {add = true}
        %dma_wait3A_231 = arith.constant 0 : i32
        %dma_wait3A_232 = arith.constant 0 : i32
        %dma_wait3A_233 = tpu.memref_slice %arg9[%run_scoped3A_74, %dma_wait3A_231, %dma_wait3A_232] : memref<2x96x128xi32, #tpu.memory_space<vmem>> -> memref<1x96x128xi32, #tpu.memory_space<vmem>>
        %dma_wait3A_234 = tpu.memref_squeeze %dma_wait3A_233 : memref<1x96x128xi32, #tpu.memory_space<vmem>> -> memref<96x128xi32, #tpu.memory_space<vmem>>
        %dma_wait3A_235 = arith.constant 0 : i32
        %dma_wait3A_236 = tpu.memref_slice %arg8[%run_scoped3A_75, %dma_wait3A_235] : memref<8x96xi32, #tpu.memory_space<vmem>> -> memref<1x96xi32, #tpu.memory_space<vmem>>
        %dma_wait3A_237 = tpu.memref_squeeze %dma_wait3A_236 : memref<1x96xi32, #tpu.memory_space<vmem>> -> memref<96xi32, #tpu.memory_space<vmem>>
        %dma_wait3A_238 = arith.constant 0 : i32
        %dma_wait3A_239 = arith.constant 0 : i32
        %dma_wait3A_240 = tpu.memref_slice %arg10[%dma_wait3A_238, %dma_wait3A_239] : memref<13056x128xi32, #tpu.memory_space<vmem_shared>> -> memref<13056x128xi32, #tpu.memory_space<vmem_shared>>
        tpu.wait_indirect_dma semaphore(%run_scoped3A_220 : memref<!tpu.dma_semaphore, #tpu.memory_space<semaphore_mem>>) src(%dma_wait3A_234 : memref<96x128xi32, #tpu.memory_space<vmem>>) dst(%dma_wait3A_240 : memref<13056x128xi32, #tpu.memory_space<vmem_shared>>)
        tpu.yield
      }) : () -> ()
      %dma_start3A_76 = arith.constant 3 : i32
      %dma_start3A_77 = arith.constant 1 : i32
      %dma_start3A_78 = arith.constant 0 : i32
      %dma_start3A_79 = arith.constant 0 : i32
      %dma_start3A_80 = tpu.memref_slice %arg9[%dma_start3A_77, %dma_start3A_78, %dma_start3A_79] : memref<2x96x128xi32, #tpu.memory_space<vmem>> -> memref<1x96x128xi32, #tpu.memory_space<vmem>>
      %dma_start3A_81 = tpu.memref_squeeze %dma_start3A_80 : memref<1x96x128xi32, #tpu.memory_space<vmem>> -> memref<96x128xi32, #tpu.memory_space<vmem>>
      %dma_start3A_82 = arith.constant 0 : i32
      %dma_start3A_83 = tpu.memref_slice %arg7[%dma_start3A_76, %dma_start3A_82] : memref<8x96xi32, #tpu.memory_space<vmem>> -> memref<1x96xi32, #tpu.memory_space<vmem>>
      %dma_start3A_84 = tpu.memref_squeeze %dma_start3A_83 : memref<1x96xi32, #tpu.memory_space<vmem>> -> memref<96xi32, #tpu.memory_space<vmem>>
      %dma_start3A_85 = arith.constant 0 : i32
      %dma_start3A_86 = arith.constant 0 : i32
      %dma_start3A_87 = tpu.memref_slice %arg2[%dma_start3A_85, %dma_start3A_86] : memref<25000x128xi32, #tpu.memory_space<hbm>> -> memref<25000x128xi32, #tpu.memory_space<hbm>>
      tpu.enqueue_indirect_dma source(%dma_start3A_87 : memref<25000x128xi32, #tpu.memory_space<hbm>>) target(%dma_start3A_81 : memref<96x128xi32, #tpu.memory_space<vmem>>) offsets(%dma_start3A_84 : memref<96xi32, #tpu.memory_space<vmem>>) semaphore(%arg12 : memref<!tpu.dma_semaphore, #tpu.memory_space<semaphore_mem>>)
      %dma_wait3A_88 = arith.constant 2 : i32
      %dma_wait3A_89 = arith.constant 0 : i32
      %dma_wait3A_90 = arith.constant 0 : i32
      %dma_wait3A_91 = arith.constant 0 : i32
      %dma_wait3A_92 = tpu.memref_slice %arg9[%dma_wait3A_89, %dma_wait3A_90, %dma_wait3A_91] : memref<2x96x128xi32, #tpu.memory_space<vmem>> -> memref<1x96x128xi32, #tpu.memory_space<vmem>>
      %dma_wait3A_93 = tpu.memref_squeeze %dma_wait3A_92 : memref<1x96x128xi32, #tpu.memory_space<vmem>> -> memref<96x128xi32, #tpu.memory_space<vmem>>
      %dma_wait3A_94 = arith.constant 0 : i32
      %dma_wait3A_95 = tpu.memref_slice %arg7[%dma_wait3A_88, %dma_wait3A_94] : memref<8x96xi32, #tpu.memory_space<vmem>> -> memref<1x96xi32, #tpu.memory_space<vmem>>
      %dma_wait3A_96 = tpu.memref_squeeze %dma_wait3A_95 : memref<1x96xi32, #tpu.memory_space<vmem>> -> memref<96xi32, #tpu.memory_space<vmem>>
      %dma_wait3A_97 = arith.constant 0 : i32
      %dma_wait3A_98 = arith.constant 0 : i32
      %dma_wait3A_99 = tpu.memref_slice %arg2[%dma_wait3A_97, %dma_wait3A_98] : memref<25000x128xi32, #tpu.memory_space<hbm>> -> memref<25000x128xi32, #tpu.memory_space<hbm>>
      tpu.wait_indirect_dma semaphore(%arg11 : memref<!tpu.dma_semaphore, #tpu.memory_space<semaphore_mem>>) src(%dma_wait3A_99 : memref<25000x128xi32, #tpu.memory_space<hbm>>) dst(%dma_wait3A_93 : memref<96x128xi32, #tpu.memory_space<vmem>>)
      %run_scoped3A_100 = arith.constant 0 : i32
      %run_scoped3A_101 = arith.constant 2 : i32
      "tpu.region"() ({
        %run_scoped3A_220 = tpu.sem_alloc : memref<!tpu.dma_semaphore, #tpu.memory_space<semaphore_mem>>
        %dma_start3A_221 = arith.constant 0 : i32
        %dma_start3A_222 = arith.constant 0 : i32
        %dma_start3A_223 = tpu.memref_slice %arg9[%run_scoped3A_100, %dma_start3A_221, %dma_start3A_222] : memref<2x96x128xi32, #tpu.memory_space<vmem>> -> memref<1x96x128xi32, #tpu.memory_space<vmem>>
        %dma_start3A_224 = tpu.memref_squeeze %dma_start3A_223 : memref<1x96x128xi32, #tpu.memory_space<vmem>> -> memref<96x128xi32, #tpu.memory_space<vmem>>
        %dma_start3A_225 = arith.constant 0 : i32
        %dma_start3A_226 = tpu.memref_slice %arg8[%run_scoped3A_101, %dma_start3A_225] : memref<8x96xi32, #tpu.memory_space<vmem>> -> memref<1x96xi32, #tpu.memory_space<vmem>>
        %dma_start3A_227 = tpu.memref_squeeze %dma_start3A_226 : memref<1x96xi32, #tpu.memory_space<vmem>> -> memref<96xi32, #tpu.memory_space<vmem>>
        %dma_start3A_228 = arith.constant 0 : i32
        %dma_start3A_229 = arith.constant 0 : i32
        %dma_start3A_230 = tpu.memref_slice %arg10[%dma_start3A_228, %dma_start3A_229] : memref<13056x128xi32, #tpu.memory_space<vmem_shared>> -> memref<13056x128xi32, #tpu.memory_space<vmem_shared>>
        tpu.enqueue_indirect_dma source(%dma_start3A_224 : memref<96x128xi32, #tpu.memory_space<vmem>>) target(%dma_start3A_230 : memref<13056x128xi32, #tpu.memory_space<vmem_shared>>) offsets(%dma_start3A_227 : memref<96xi32, #tpu.memory_space<vmem>>) semaphore(%run_scoped3A_220 : memref<!tpu.dma_semaphore, #tpu.memory_space<semaphore_mem>>) {add = true}
        %dma_wait3A_231 = arith.constant 0 : i32
        %dma_wait3A_232 = arith.constant 0 : i32
        %dma_wait3A_233 = tpu.memref_slice %arg9[%run_scoped3A_100, %dma_wait3A_231, %dma_wait3A_232] : memref<2x96x128xi32, #tpu.memory_space<vmem>> -> memref<1x96x128xi32, #tpu.memory_space<vmem>>
        %dma_wait3A_234 = tpu.memref_squeeze %dma_wait3A_233 : memref<1x96x128xi32, #tpu.memory_space<vmem>> -> memref<96x128xi32, #tpu.memory_space<vmem>>
        %dma_wait3A_235 = arith.constant 0 : i32
        %dma_wait3A_236 = tpu.memref_slice %arg8[%run_scoped3A_101, %dma_wait3A_235] : memref<8x96xi32, #tpu.memory_space<vmem>> -> memref<1x96xi32, #tpu.memory_space<vmem>>
        %dma_wait3A_237 = tpu.memref_squeeze %dma_wait3A_236 : memref<1x96xi32, #tpu.memory_space<vmem>> -> memref<96xi32, #tpu.memory_space<vmem>>
        %dma_wait3A_238 = arith.constant 0 : i32
        %dma_wait3A_239 = arith.constant 0 : i32
        %dma_wait3A_240 = tpu.memref_slice %arg10[%dma_wait3A_238, %dma_wait3A_239] : memref<13056x128xi32, #tpu.memory_space<vmem_shared>> -> memref<13056x128xi32, #tpu.memory_space<vmem_shared>>
        tpu.wait_indirect_dma semaphore(%run_scoped3A_220 : memref<!tpu.dma_semaphore, #tpu.memory_space<semaphore_mem>>) src(%dma_wait3A_234 : memref<96x128xi32, #tpu.memory_space<vmem>>) dst(%dma_wait3A_240 : memref<13056x128xi32, #tpu.memory_space<vmem_shared>>)
        tpu.yield
      }) : () -> ()
      %dma_start3A_102 = arith.constant 4 : i32
      %dma_start3A_103 = arith.constant 0 : i32
      %dma_start3A_104 = arith.constant 0 : i32
      %dma_start3A_105 = arith.constant 0 : i32
      %dma_start3A_106 = tpu.memref_slice %arg9[%dma_start3A_103, %dma_start3A_104, %dma_start3A_105] : memref<2x96x128xi32, #tpu.memory_space<vmem>> -> memref<1x96x128xi32, #tpu.memory_space<vmem>>
      %dma_start3A_107 = tpu.memref_squeeze %dma_start3A_106 : memref<1x96x128xi32, #tpu.memory_space<vmem>> -> memref<96x128xi32, #tpu.memory_space<vmem>>
      %dma_start3A_108 = arith.constant 0 : i32
      %dma_start3A_109 = tpu.memref_slice %arg7[%dma_start3A_102, %dma_start3A_108] : memref<8x96xi32, #tpu.memory_space<vmem>> -> memref<1x96xi32, #tpu.memory_space<vmem>>
      %dma_start3A_110 = tpu.memref_squeeze %dma_start3A_109 : memref<1x96xi32, #tpu.memory_space<vmem>> -> memref<96xi32, #tpu.memory_space<vmem>>
      %dma_start3A_111 = arith.constant 0 : i32
      %dma_start3A_112 = arith.constant 0 : i32
      %dma_start3A_113 = tpu.memref_slice %arg2[%dma_start3A_111, %dma_start3A_112] : memref<25000x128xi32, #tpu.memory_space<hbm>> -> memref<25000x128xi32, #tpu.memory_space<hbm>>
      tpu.enqueue_indirect_dma source(%dma_start3A_113 : memref<25000x128xi32, #tpu.memory_space<hbm>>) target(%dma_start3A_107 : memref<96x128xi32, #tpu.memory_space<vmem>>) offsets(%dma_start3A_110 : memref<96xi32, #tpu.memory_space<vmem>>) semaphore(%arg11 : memref<!tpu.dma_semaphore, #tpu.memory_space<semaphore_mem>>)
      %dma_wait3A_114 = arith.constant 3 : i32
      %dma_wait3A_115 = arith.constant 1 : i32
      %dma_wait3A_116 = arith.constant 0 : i32
      %dma_wait3A_117 = arith.constant 0 : i32
      %dma_wait3A_118 = tpu.memref_slice %arg9[%dma_wait3A_115, %dma_wait3A_116, %dma_wait3A_117] : memref<2x96x128xi32, #tpu.memory_space<vmem>> -> memref<1x96x128xi32, #tpu.memory_space<vmem>>
      %dma_wait3A_119 = tpu.memref_squeeze %dma_wait3A_118 : memref<1x96x128xi32, #tpu.memory_space<vmem>> -> memref<96x128xi32, #tpu.memory_space<vmem>>
      %dma_wait3A_120 = arith.constant 0 : i32
      %dma_wait3A_121 = tpu.memref_slice %arg7[%dma_wait3A_114, %dma_wait3A_120] : memref<8x96xi32, #tpu.memory_space<vmem>> -> memref<1x96xi32, #tpu.memory_space<vmem>>
      %dma_wait3A_122 = tpu.memref_squeeze %dma_wait3A_121 : memref<1x96xi32, #tpu.memory_space<vmem>> -> memref<96xi32, #tpu.memory_space<vmem>>
      %dma_wait3A_123 = arith.constant 0 : i32
      %dma_wait3A_124 = arith.constant 0 : i32
      %dma_wait3A_125 = tpu.memref_slice %arg2[%dma_wait3A_123, %dma_wait3A_124] : memref<25000x128xi32, #tpu.memory_space<hbm>> -> memref<25000x128xi32, #tpu.memory_space<hbm>>
      tpu.wait_indirect_dma semaphore(%arg12 : memref<!tpu.dma_semaphore, #tpu.memory_space<semaphore_mem>>) src(%dma_wait3A_125 : memref<25000x128xi32, #tpu.memory_space<hbm>>) dst(%dma_wait3A_119 : memref<96x128xi32, #tpu.memory_space<vmem>>)
      %run_scoped3A_126 = arith.constant 1 : i32
      %run_scoped3A_127 = arith.constant 3 : i32
      "tpu.region"() ({
        %run_scoped3A_220 = tpu.sem_alloc : memref<!tpu.dma_semaphore, #tpu.memory_space<semaphore_mem>>
        %dma_start3A_221 = arith.constant 0 : i32
        %dma_start3A_222 = arith.constant 0 : i32
        %dma_start3A_223 = tpu.memref_slice %arg9[%run_scoped3A_126, %dma_start3A_221, %dma_start3A_222] : memref<2x96x128xi32, #tpu.memory_space<vmem>> -> memref<1x96x128xi32, #tpu.memory_space<vmem>>
        %dma_start3A_224 = tpu.memref_squeeze %dma_start3A_223 : memref<1x96x128xi32, #tpu.memory_space<vmem>> -> memref<96x128xi32, #tpu.memory_space<vmem>>
        %dma_start3A_225 = arith.constant 0 : i32
        %dma_start3A_226 = tpu.memref_slice %arg8[%run_scoped3A_127, %dma_start3A_225] : memref<8x96xi32, #tpu.memory_space<vmem>> -> memref<1x96xi32, #tpu.memory_space<vmem>>
        %dma_start3A_227 = tpu.memref_squeeze %dma_start3A_226 : memref<1x96xi32, #tpu.memory_space<vmem>> -> memref<96xi32, #tpu.memory_space<vmem>>
        %dma_start3A_228 = arith.constant 0 : i32
        %dma_start3A_229 = arith.constant 0 : i32
        %dma_start3A_230 = tpu.memref_slice %arg10[%dma_start3A_228, %dma_start3A_229] : memref<13056x128xi32, #tpu.memory_space<vmem_shared>> -> memref<13056x128xi32, #tpu.memory_space<vmem_shared>>
        tpu.enqueue_indirect_dma source(%dma_start3A_224 : memref<96x128xi32, #tpu.memory_space<vmem>>) target(%dma_start3A_230 : memref<13056x128xi32, #tpu.memory_space<vmem_shared>>) offsets(%dma_start3A_227 : memref<96xi32, #tpu.memory_space<vmem>>) semaphore(%run_scoped3A_220 : memref<!tpu.dma_semaphore, #tpu.memory_space<semaphore_mem>>) {add = true}
        %dma_wait3A_231 = arith.constant 0 : i32
        %dma_wait3A_232 = arith.constant 0 : i32
        %dma_wait3A_233 = tpu.memref_slice %arg9[%run_scoped3A_126, %dma_wait3A_231, %dma_wait3A_232] : memref<2x96x128xi32, #tpu.memory_space<vmem>> -> memref<1x96x128xi32, #tpu.memory_space<vmem>>
        %dma_wait3A_234 = tpu.memref_squeeze %dma_wait3A_233 : memref<1x96x128xi32, #tpu.memory_space<vmem>> -> memref<96x128xi32, #tpu.memory_space<vmem>>
        %dma_wait3A_235 = arith.constant 0 : i32
        %dma_wait3A_236 = tpu.memref_slice %arg8[%run_scoped3A_127, %dma_wait3A_235] : memref<8x96xi32, #tpu.memory_space<vmem>> -> memref<1x96xi32, #tpu.memory_space<vmem>>
        %dma_wait3A_237 = tpu.memref_squeeze %dma_wait3A_236 : memref<1x96xi32, #tpu.memory_space<vmem>> -> memref<96xi32, #tpu.memory_space<vmem>>
        %dma_wait3A_238 = arith.constant 0 : i32
        %dma_wait3A_239 = arith.constant 0 : i32
        %dma_wait3A_240 = tpu.memref_slice %arg10[%dma_wait3A_238, %dma_wait3A_239] : memref<13056x128xi32, #tpu.memory_space<vmem_shared>> -> memref<13056x128xi32, #tpu.memory_space<vmem_shared>>
        tpu.wait_indirect_dma semaphore(%run_scoped3A_220 : memref<!tpu.dma_semaphore, #tpu.memory_space<semaphore_mem>>) src(%dma_wait3A_234 : memref<96x128xi32, #tpu.memory_space<vmem>>) dst(%dma_wait3A_240 : memref<13056x128xi32, #tpu.memory_space<vmem_shared>>)
        tpu.yield
      }) : () -> ()
      %dma_start3A_128 = arith.constant 5 : i32
      %dma_start3A_129 = arith.constant 1 : i32
      %dma_start3A_130 = arith.constant 0 : i32
      %dma_start3A_131 = arith.constant 0 : i32
      %dma_start3A_132 = tpu.memref_slice %arg9[%dma_start3A_129, %dma_start3A_130, %dma_start3A_131] : memref<2x96x128xi32, #tpu.memory_space<vmem>> -> memref<1x96x128xi32, #tpu.memory_space<vmem>>
      %dma_start3A_133 = tpu.memref_squeeze %dma_start3A_132 : memref<1x96x128xi32, #tpu.memory_space<vmem>> -> memref<96x128xi32, #tpu.memory_space<vmem>>
      %dma_start3A_134 = arith.constant 0 : i32
      %dma_start3A_135 = tpu.memref_slice %arg7[%dma_start3A_128, %dma_start3A_134] : memref<8x96xi32, #tpu.memory_space<vmem>> -> memref<1x96xi32, #tpu.memory_space<vmem>>
      %dma_start3A_136 = tpu.memref_squeeze %dma_start3A_135 : memref<1x96xi32, #tpu.memory_space<vmem>> -> memref<96xi32, #tpu.memory_space<vmem>>
      %dma_start3A_137 = arith.constant 0 : i32
      %dma_start3A_138 = arith.constant 0 : i32
      %dma_start3A_139 = tpu.memref_slice %arg2[%dma_start3A_137, %dma_start3A_138] : memref<25000x128xi32, #tpu.memory_space<hbm>> -> memref<25000x128xi32, #tpu.memory_space<hbm>>
      tpu.enqueue_indirect_dma source(%dma_start3A_139 : memref<25000x128xi32, #tpu.memory_space<hbm>>) target(%dma_start3A_133 : memref<96x128xi32, #tpu.memory_space<vmem>>) offsets(%dma_start3A_136 : memref<96xi32, #tpu.memory_space<vmem>>) semaphore(%arg12 : memref<!tpu.dma_semaphore, #tpu.memory_space<semaphore_mem>>)
      %dma_wait3A_140 = arith.constant 4 : i32
      %dma_wait3A_141 = arith.constant 0 : i32
      %dma_wait3A_142 = arith.constant 0 : i32
      %dma_wait3A_143 = arith.constant 0 : i32
      %dma_wait3A_144 = tpu.memref_slice %arg9[%dma_wait3A_141, %dma_wait3A_142, %dma_wait3A_143] : memref<2x96x128xi32, #tpu.memory_space<vmem>> -> memref<1x96x128xi32, #tpu.memory_space<vmem>>
      %dma_wait3A_145 = tpu.memref_squeeze %dma_wait3A_144 : memref<1x96x128xi32, #tpu.memory_space<vmem>> -> memref<96x128xi32, #tpu.memory_space<vmem>>
      %dma_wait3A_146 = arith.constant 0 : i32
      %dma_wait3A_147 = tpu.memref_slice %arg7[%dma_wait3A_140, %dma_wait3A_146] : memref<8x96xi32, #tpu.memory_space<vmem>> -> memref<1x96xi32, #tpu.memory_space<vmem>>
      %dma_wait3A_148 = tpu.memref_squeeze %dma_wait3A_147 : memref<1x96xi32, #tpu.memory_space<vmem>> -> memref<96xi32, #tpu.memory_space<vmem>>
      %dma_wait3A_149 = arith.constant 0 : i32
      %dma_wait3A_150 = arith.constant 0 : i32
      %dma_wait3A_151 = tpu.memref_slice %arg2[%dma_wait3A_149, %dma_wait3A_150] : memref<25000x128xi32, #tpu.memory_space<hbm>> -> memref<25000x128xi32, #tpu.memory_space<hbm>>
      tpu.wait_indirect_dma semaphore(%arg11 : memref<!tpu.dma_semaphore, #tpu.memory_space<semaphore_mem>>) src(%dma_wait3A_151 : memref<25000x128xi32, #tpu.memory_space<hbm>>) dst(%dma_wait3A_145 : memref<96x128xi32, #tpu.memory_space<vmem>>)
      %run_scoped3A_152 = arith.constant 0 : i32
      %run_scoped3A_153 = arith.constant 4 : i32
      "tpu.region"() ({
        %run_scoped3A_220 = tpu.sem_alloc : memref<!tpu.dma_semaphore, #tpu.memory_space<semaphore_mem>>
        %dma_start3A_221 = arith.constant 0 : i32
        %dma_start3A_222 = arith.constant 0 : i32
        %dma_start3A_223 = tpu.memref_slice %arg9[%run_scoped3A_152, %dma_start3A_221, %dma_start3A_222] : memref<2x96x128xi32, #tpu.memory_space<vmem>> -> memref<1x96x128xi32, #tpu.memory_space<vmem>>
        %dma_start3A_224 = tpu.memref_squeeze %dma_start3A_223 : memref<1x96x128xi32, #tpu.memory_space<vmem>> -> memref<96x128xi32, #tpu.memory_space<vmem>>
        %dma_start3A_225 = arith.constant 0 : i32
        %dma_start3A_226 = tpu.memref_slice %arg8[%run_scoped3A_153, %dma_start3A_225] : memref<8x96xi32, #tpu.memory_space<vmem>> -> memref<1x96xi32, #tpu.memory_space<vmem>>
        %dma_start3A_227 = tpu.memref_squeeze %dma_start3A_226 : memref<1x96xi32, #tpu.memory_space<vmem>> -> memref<96xi32, #tpu.memory_space<vmem>>
        %dma_start3A_228 = arith.constant 0 : i32
        %dma_start3A_229 = arith.constant 0 : i32
        %dma_start3A_230 = tpu.memref_slice %arg10[%dma_start3A_228, %dma_start3A_229] : memref<13056x128xi32, #tpu.memory_space<vmem_shared>> -> memref<13056x128xi32, #tpu.memory_space<vmem_shared>>
        tpu.enqueue_indirect_dma source(%dma_start3A_224 : memref<96x128xi32, #tpu.memory_space<vmem>>) target(%dma_start3A_230 : memref<13056x128xi32, #tpu.memory_space<vmem_shared>>) offsets(%dma_start3A_227 : memref<96xi32, #tpu.memory_space<vmem>>) semaphore(%run_scoped3A_220 : memref<!tpu.dma_semaphore, #tpu.memory_space<semaphore_mem>>) {add = true}
        %dma_wait3A_231 = arith.constant 0 : i32
        %dma_wait3A_232 = arith.constant 0 : i32
        %dma_wait3A_233 = tpu.memref_slice %arg9[%run_scoped3A_152, %dma_wait3A_231, %dma_wait3A_232] : memref<2x96x128xi32, #tpu.memory_space<vmem>> -> memref<1x96x128xi32, #tpu.memory_space<vmem>>
        %dma_wait3A_234 = tpu.memref_squeeze %dma_wait3A_233 : memref<1x96x128xi32, #tpu.memory_space<vmem>> -> memref<96x128xi32, #tpu.memory_space<vmem>>
        %dma_wait3A_235 = arith.constant 0 : i32
        %dma_wait3A_236 = tpu.memref_slice %arg8[%run_scoped3A_153, %dma_wait3A_235] : memref<8x96xi32, #tpu.memory_space<vmem>> -> memref<1x96xi32, #tpu.memory_space<vmem>>
        %dma_wait3A_237 = tpu.memref_squeeze %dma_wait3A_236 : memref<1x96xi32, #tpu.memory_space<vmem>> -> memref<96xi32, #tpu.memory_space<vmem>>
        %dma_wait3A_238 = arith.constant 0 : i32
        %dma_wait3A_239 = arith.constant 0 : i32
        %dma_wait3A_240 = tpu.memref_slice %arg10[%dma_wait3A_238, %dma_wait3A_239] : memref<13056x128xi32, #tpu.memory_space<vmem_shared>> -> memref<13056x128xi32, #tpu.memory_space<vmem_shared>>
        tpu.wait_indirect_dma semaphore(%run_scoped3A_220 : memref<!tpu.dma_semaphore, #tpu.memory_space<semaphore_mem>>) src(%dma_wait3A_234 : memref<96x128xi32, #tpu.memory_space<vmem>>) dst(%dma_wait3A_240 : memref<13056x128xi32, #tpu.memory_space<vmem_shared>>)
        tpu.yield
      }) : () -> ()
      %dma_start3A_154 = arith.constant 6 : i32
      %dma_start3A_155 = arith.constant 0 : i32
      %dma_start3A_156 = arith.constant 0 : i32
      %dma_start3A_157 = arith.constant 0 : i32
      %dma_start3A_158 = tpu.memref_slice %arg9[%dma_start3A_155, %dma_start3A_156, %dma_start3A_157] : memref<2x96x128xi32, #tpu.memory_space<vmem>> -> memref<1x96x128xi32, #tpu.memory_space<vmem>>
      %dma_start3A_159 = tpu.memref_squeeze %dma_start3A_158 : memref<1x96x128xi32, #tpu.memory_space<vmem>> -> memref<96x128xi32, #tpu.memory_space<vmem>>
      %dma_start3A_160 = arith.constant 0 : i32
      %dma_start3A_161 = tpu.memref_slice %arg7[%dma_start3A_154, %dma_start3A_160] : memref<8x96xi32, #tpu.memory_space<vmem>> -> memref<1x96xi32, #tpu.memory_space<vmem>>
      %dma_start3A_162 = tpu.memref_squeeze %dma_start3A_161 : memref<1x96xi32, #tpu.memory_space<vmem>> -> memref<96xi32, #tpu.memory_space<vmem>>
      %dma_start3A_163 = arith.constant 0 : i32
      %dma_start3A_164 = arith.constant 0 : i32
      %dma_start3A_165 = tpu.memref_slice %arg2[%dma_start3A_163, %dma_start3A_164] : memref<25000x128xi32, #tpu.memory_space<hbm>> -> memref<25000x128xi32, #tpu.memory_space<hbm>>
      tpu.enqueue_indirect_dma source(%dma_start3A_165 : memref<25000x128xi32, #tpu.memory_space<hbm>>) target(%dma_start3A_159 : memref<96x128xi32, #tpu.memory_space<vmem>>) offsets(%dma_start3A_162 : memref<96xi32, #tpu.memory_space<vmem>>) semaphore(%arg11 : memref<!tpu.dma_semaphore, #tpu.memory_space<semaphore_mem>>)
      %dma_wait3A_166 = arith.constant 5 : i32
      %dma_wait3A_167 = arith.constant 1 : i32
      %dma_wait3A_168 = arith.constant 0 : i32
      %dma_wait3A_169 = arith.constant 0 : i32
      %dma_wait3A_170 = tpu.memref_slice %arg9[%dma_wait3A_167, %dma_wait3A_168, %dma_wait3A_169] : memref<2x96x128xi32, #tpu.memory_space<vmem>> -> memref<1x96x128xi32, #tpu.memory_space<vmem>>
      %dma_wait3A_171 = tpu.memref_squeeze %dma_wait3A_170 : memref<1x96x128xi32, #tpu.memory_space<vmem>> -> memref<96x128xi32, #tpu.memory_space<vmem>>
      %dma_wait3A_172 = arith.constant 0 : i32
      %dma_wait3A_173 = tpu.memref_slice %arg7[%dma_wait3A_166, %dma_wait3A_172] : memref<8x96xi32, #tpu.memory_space<vmem>> -> memref<1x96xi32, #tpu.memory_space<vmem>>
      %dma_wait3A_174 = tpu.memref_squeeze %dma_wait3A_173 : memref<1x96xi32, #tpu.memory_space<vmem>> -> memref<96xi32, #tpu.memory_space<vmem>>
      %dma_wait3A_175 = arith.constant 0 : i32
      %dma_wait3A_176 = arith.constant 0 : i32
      %dma_wait3A_177 = tpu.memref_slice %arg2[%dma_wait3A_175, %dma_wait3A_176] : memref<25000x128xi32, #tpu.memory_space<hbm>> -> memref<25000x128xi32, #tpu.memory_space<hbm>>
      tpu.wait_indirect_dma semaphore(%arg12 : memref<!tpu.dma_semaphore, #tpu.memory_space<semaphore_mem>>) src(%dma_wait3A_177 : memref<25000x128xi32, #tpu.memory_space<hbm>>) dst(%dma_wait3A_171 : memref<96x128xi32, #tpu.memory_space<vmem>>)
      %run_scoped3A_178 = arith.constant 1 : i32
      %run_scoped3A_179 = arith.constant 5 : i32
      "tpu.region"() ({
        %run_scoped3A_220 = tpu.sem_alloc : memref<!tpu.dma_semaphore, #tpu.memory_space<semaphore_mem>>
        %dma_start3A_221 = arith.constant 0 : i32
        %dma_start3A_222 = arith.constant 0 : i32
        %dma_start3A_223 = tpu.memref_slice %arg9[%run_scoped3A_178, %dma_start3A_221, %dma_start3A_222] : memref<2x96x128xi32, #tpu.memory_space<vmem>> -> memref<1x96x128xi32, #tpu.memory_space<vmem>>
        %dma_start3A_224 = tpu.memref_squeeze %dma_start3A_223 : memref<1x96x128xi32, #tpu.memory_space<vmem>> -> memref<96x128xi32, #tpu.memory_space<vmem>>
        %dma_start3A_225 = arith.constant 0 : i32
        %dma_start3A_226 = tpu.memref_slice %arg8[%run_scoped3A_179, %dma_start3A_225] : memref<8x96xi32, #tpu.memory_space<vmem>> -> memref<1x96xi32, #tpu.memory_space<vmem>>
        %dma_start3A_227 = tpu.memref_squeeze %dma_start3A_226 : memref<1x96xi32, #tpu.memory_space<vmem>> -> memref<96xi32, #tpu.memory_space<vmem>>
        %dma_start3A_228 = arith.constant 0 : i32
        %dma_start3A_229 = arith.constant 0 : i32
        %dma_start3A_230 = tpu.memref_slice %arg10[%dma_start3A_228, %dma_start3A_229] : memref<13056x128xi32, #tpu.memory_space<vmem_shared>> -> memref<13056x128xi32, #tpu.memory_space<vmem_shared>>
        tpu.enqueue_indirect_dma source(%dma_start3A_224 : memref<96x128xi32, #tpu.memory_space<vmem>>) target(%dma_start3A_230 : memref<13056x128xi32, #tpu.memory_space<vmem_shared>>) offsets(%dma_start3A_227 : memref<96xi32, #tpu.memory_space<vmem>>) semaphore(%run_scoped3A_220 : memref<!tpu.dma_semaphore, #tpu.memory_space<semaphore_mem>>) {add = true}
        %dma_wait3A_231 = arith.constant 0 : i32
        %dma_wait3A_232 = arith.constant 0 : i32
        %dma_wait3A_233 = tpu.memref_slice %arg9[%run_scoped3A_178, %dma_wait3A_231, %dma_wait3A_232] : memref<2x96x128xi32, #tpu.memory_space<vmem>> -> memref<1x96x128xi32, #tpu.memory_space<vmem>>
        %dma_wait3A_234 = tpu.memref_squeeze %dma_wait3A_233 : memref<1x96x128xi32, #tpu.memory_space<vmem>> -> memref<96x128xi32, #tpu.memory_space<vmem>>
        %dma_wait3A_235 = arith.constant 0 : i32
        %dma_wait3A_236 = tpu.memref_slice %arg8[%run_scoped3A_179, %dma_wait3A_235] : memref<8x96xi32, #tpu.memory_space<vmem>> -> memref<1x96xi32, #tpu.memory_space<vmem>>
        %dma_wait3A_237 = tpu.memref_squeeze %dma_wait3A_236 : memref<1x96xi32, #tpu.memory_space<vmem>> -> memref<96xi32, #tpu.memory_space<vmem>>
        %dma_wait3A_238 = arith.constant 0 : i32
        %dma_wait3A_239 = arith.constant 0 : i32
        %dma_wait3A_240 = tpu.memref_slice %arg10[%dma_wait3A_238, %dma_wait3A_239] : memref<13056x128xi32, #tpu.memory_space<vmem_shared>> -> memref<13056x128xi32, #tpu.memory_space<vmem_shared>>
        tpu.wait_indirect_dma semaphore(%run_scoped3A_220 : memref<!tpu.dma_semaphore, #tpu.memory_space<semaphore_mem>>) src(%dma_wait3A_234 : memref<96x128xi32, #tpu.memory_space<vmem>>) dst(%dma_wait3A_240 : memref<13056x128xi32, #tpu.memory_space<vmem_shared>>)
        tpu.yield
      }) : () -> ()
      %dma_start3A_180 = arith.constant 7 : i32
      %dma_start3A_181 = arith.constant 1 : i32
      %dma_start3A_182 = arith.constant 0 : i32
      %dma_start3A_183 = arith.constant 0 : i32
      %dma_start3A_184 = tpu.memref_slice %arg9[%dma_start3A_181, %dma_start3A_182, %dma_start3A_183] : memref<2x96x128xi32, #tpu.memory_space<vmem>> -> memref<1x96x128xi32, #tpu.memory_space<vmem>>
      %dma_start3A_185 = tpu.memref_squeeze %dma_start3A_184 : memref<1x96x128xi32, #tpu.memory_space<vmem>> -> memref<96x128xi32, #tpu.memory_space<vmem>>
      %dma_start3A_186 = arith.constant 0 : i32
      %dma_start3A_187 = tpu.memref_slice %arg7[%dma_start3A_180, %dma_start3A_186] : memref<8x96xi32, #tpu.memory_space<vmem>> -> memref<1x96xi32, #tpu.memory_space<vmem>>
      %dma_start3A_188 = tpu.memref_squeeze %dma_start3A_187 : memref<1x96xi32, #tpu.memory_space<vmem>> -> memref<96xi32, #tpu.memory_space<vmem>>
      %dma_start3A_189 = arith.constant 0 : i32
      %dma_start3A_190 = arith.constant 0 : i32
      %dma_start3A_191 = tpu.memref_slice %arg2[%dma_start3A_189, %dma_start3A_190] : memref<25000x128xi32, #tpu.memory_space<hbm>> -> memref<25000x128xi32, #tpu.memory_space<hbm>>
      tpu.enqueue_indirect_dma source(%dma_start3A_191 : memref<25000x128xi32, #tpu.memory_space<hbm>>) target(%dma_start3A_185 : memref<96x128xi32, #tpu.memory_space<vmem>>) offsets(%dma_start3A_188 : memref<96xi32, #tpu.memory_space<vmem>>) semaphore(%arg12 : memref<!tpu.dma_semaphore, #tpu.memory_space<semaphore_mem>>)
      %dma_wait3A_192 = arith.constant 6 : i32
      %dma_wait3A_193 = arith.constant 0 : i32
      %dma_wait3A_194 = arith.constant 0 : i32
      %dma_wait3A_195 = arith.constant 0 : i32
      %dma_wait3A_196 = tpu.memref_slice %arg9[%dma_wait3A_193, %dma_wait3A_194, %dma_wait3A_195] : memref<2x96x128xi32, #tpu.memory_space<vmem>> -> memref<1x96x128xi32, #tpu.memory_space<vmem>>
      %dma_wait3A_197 = tpu.memref_squeeze %dma_wait3A_196 : memref<1x96x128xi32, #tpu.memory_space<vmem>> -> memref<96x128xi32, #tpu.memory_space<vmem>>
      %dma_wait3A_198 = arith.constant 0 : i32
      %dma_wait3A_199 = tpu.memref_slice %arg7[%dma_wait3A_192, %dma_wait3A_198] : memref<8x96xi32, #tpu.memory_space<vmem>> -> memref<1x96xi32, #tpu.memory_space<vmem>>
      %dma_wait3A_200 = tpu.memref_squeeze %dma_wait3A_199 : memref<1x96xi32, #tpu.memory_space<vmem>> -> memref<96xi32, #tpu.memory_space<vmem>>
      %dma_wait3A_201 = arith.constant 0 : i32
      %dma_wait3A_202 = arith.constant 0 : i32
      %dma_wait3A_203 = tpu.memref_slice %arg2[%dma_wait3A_201, %dma_wait3A_202] : memref<25000x128xi32, #tpu.memory_space<hbm>> -> memref<25000x128xi32, #tpu.memory_space<hbm>>
      tpu.wait_indirect_dma semaphore(%arg11 : memref<!tpu.dma_semaphore, #tpu.memory_space<semaphore_mem>>) src(%dma_wait3A_203 : memref<25000x128xi32, #tpu.memory_space<hbm>>) dst(%dma_wait3A_197 : memref<96x128xi32, #tpu.memory_space<vmem>>)
      %run_scoped3A_204 = arith.constant 0 : i32
      %run_scoped3A_205 = arith.constant 6 : i32
      "tpu.region"() ({
        %run_scoped3A_220 = tpu.sem_alloc : memref<!tpu.dma_semaphore, #tpu.memory_space<semaphore_mem>>
        %dma_start3A_221 = arith.constant 0 : i32
        %dma_start3A_222 = arith.constant 0 : i32
        %dma_start3A_223 = tpu.memref_slice %arg9[%run_scoped3A_204, %dma_start3A_221, %dma_start3A_222] : memref<2x96x128xi32, #tpu.memory_space<vmem>> -> memref<1x96x128xi32, #tpu.memory_space<vmem>>
        %dma_start3A_224 = tpu.memref_squeeze %dma_start3A_223 : memref<1x96x128xi32, #tpu.memory_space<vmem>> -> memref<96x128xi32, #tpu.memory_space<vmem>>
        %dma_start3A_225 = arith.constant 0 : i32
        %dma_start3A_226 = tpu.memref_slice %arg8[%run_scoped3A_205, %dma_start3A_225] : memref<8x96xi32, #tpu.memory_space<vmem>> -> memref<1x96xi32, #tpu.memory_space<vmem>>
        %dma_start3A_227 = tpu.memref_squeeze %dma_start3A_226 : memref<1x96xi32, #tpu.memory_space<vmem>> -> memref<96xi32, #tpu.memory_space<vmem>>
        %dma_start3A_228 = arith.constant 0 : i32
        %dma_start3A_229 = arith.constant 0 : i32
        %dma_start3A_230 = tpu.memref_slice %arg10[%dma_start3A_228, %dma_start3A_229] : memref<13056x128xi32, #tpu.memory_space<vmem_shared>> -> memref<13056x128xi32, #tpu.memory_space<vmem_shared>>
        tpu.enqueue_indirect_dma source(%dma_start3A_224 : memref<96x128xi32, #tpu.memory_space<vmem>>) target(%dma_start3A_230 : memref<13056x128xi32, #tpu.memory_space<vmem_shared>>) offsets(%dma_start3A_227 : memref<96xi32, #tpu.memory_space<vmem>>) semaphore(%run_scoped3A_220 : memref<!tpu.dma_semaphore, #tpu.memory_space<semaphore_mem>>) {add = true}
        %dma_wait3A_231 = arith.constant 0 : i32
        %dma_wait3A_232 = arith.constant 0 : i32
        %dma_wait3A_233 = tpu.memref_slice %arg9[%run_scoped3A_204, %dma_wait3A_231, %dma_wait3A_232] : memref<2x96x128xi32, #tpu.memory_space<vmem>> -> memref<1x96x128xi32, #tpu.memory_space<vmem>>
        %dma_wait3A_234 = tpu.memref_squeeze %dma_wait3A_233 : memref<1x96x128xi32, #tpu.memory_space<vmem>> -> memref<96x128xi32, #tpu.memory_space<vmem>>
        %dma_wait3A_235 = arith.constant 0 : i32
        %dma_wait3A_236 = tpu.memref_slice %arg8[%run_scoped3A_205, %dma_wait3A_235] : memref<8x96xi32, #tpu.memory_space<vmem>> -> memref<1x96xi32, #tpu.memory_space<vmem>>
        %dma_wait3A_237 = tpu.memref_squeeze %dma_wait3A_236 : memref<1x96xi32, #tpu.memory_space<vmem>> -> memref<96xi32, #tpu.memory_space<vmem>>
        %dma_wait3A_238 = arith.constant 0 : i32
        %dma_wait3A_239 = arith.constant 0 : i32
        %dma_wait3A_240 = tpu.memref_slice %arg10[%dma_wait3A_238, %dma_wait3A_239] : memref<13056x128xi32, #tpu.memory_space<vmem_shared>> -> memref<13056x128xi32, #tpu.memory_space<vmem_shared>>
        tpu.wait_indirect_dma semaphore(%run_scoped3A_220 : memref<!tpu.dma_semaphore, #tpu.memory_space<semaphore_mem>>) src(%dma_wait3A_234 : memref<96x128xi32, #tpu.memory_space<vmem>>) dst(%dma_wait3A_240 : memref<13056x128xi32, #tpu.memory_space<vmem_shared>>)
        tpu.yield
      }) : () -> ()
      %dma_wait3A_206 = arith.constant 7 : i32
      %dma_wait3A_207 = arith.constant 1 : i32
      %dma_wait3A_208 = arith.constant 0 : i32
      %dma_wait3A_209 = arith.constant 0 : i32
      %dma_wait3A_210 = tpu.memref_slice %arg9[%dma_wait3A_207, %dma_wait3A_208, %dma_wait3A_209] : memref<2x96x128xi32, #tpu.memory_space<vmem>> -> memref<1x96x128xi32, #tpu.memory_space<vmem>>
      %dma_wait3A_211 = tpu.memref_squeeze %dma_wait3A_210 : memref<1x96x128xi32, #tpu.memory_space<vmem>> -> memref<96x128xi32, #tpu.memory_space<vmem>>
      %dma_wait3A_212 = arith.constant 0 : i32
      %dma_wait3A_213 = tpu.memref_slice %arg7[%dma_wait3A_206, %dma_wait3A_212] : memref<8x96xi32, #tpu.memory_space<vmem>> -> memref<1x96xi32, #tpu.memory_space<vmem>>
      %dma_wait3A_214 = tpu.memref_squeeze %dma_wait3A_213 : memref<1x96xi32, #tpu.memory_space<vmem>> -> memref<96xi32, #tpu.memory_space<vmem>>
      %dma_wait3A_215 = arith.constant 0 : i32
      %dma_wait3A_216 = arith.constant 0 : i32
      %dma_wait3A_217 = tpu.memref_slice %arg2[%dma_wait3A_215, %dma_wait3A_216] : memref<25000x128xi32, #tpu.memory_space<hbm>> -> memref<25000x128xi32, #tpu.memory_space<hbm>>
      tpu.wait_indirect_dma semaphore(%arg12 : memref<!tpu.dma_semaphore, #tpu.memory_space<semaphore_mem>>) src(%dma_wait3A_217 : memref<25000x128xi32, #tpu.memory_space<hbm>>) dst(%dma_wait3A_211 : memref<96x128xi32, #tpu.memory_space<vmem>>)
      %run_scoped3A_218 = arith.constant 1 : i32
      %run_scoped3A_219 = arith.constant 7 : i32
      "tpu.region"() ({
        %run_scoped3A_220 = tpu.sem_alloc : memref<!tpu.dma_semaphore, #tpu.memory_space<semaphore_mem>>
        %dma_start3A_221 = arith.constant 0 : i32
        %dma_start3A_222 = arith.constant 0 : i32
        %dma_start3A_223 = tpu.memref_slice %arg9[%run_scoped3A_218, %dma_start3A_221, %dma_start3A_222] : memref<2x96x128xi32, #tpu.memory_space<vmem>> -> memref<1x96x128xi32, #tpu.memory_space<vmem>>
        %dma_start3A_224 = tpu.memref_squeeze %dma_start3A_223 : memref<1x96x128xi32, #tpu.memory_space<vmem>> -> memref<96x128xi32, #tpu.memory_space<vmem>>
        %dma_start3A_225 = arith.constant 0 : i32
        %dma_start3A_226 = tpu.memref_slice %arg8[%run_scoped3A_219, %dma_start3A_225] : memref<8x96xi32, #tpu.memory_space<vmem>> -> memref<1x96xi32, #tpu.memory_space<vmem>>
        %dma_start3A_227 = tpu.memref_squeeze %dma_start3A_226 : memref<1x96xi32, #tpu.memory_space<vmem>> -> memref<96xi32, #tpu.memory_space<vmem>>
        %dma_start3A_228 = arith.constant 0 : i32
        %dma_start3A_229 = arith.constant 0 : i32
        %dma_start3A_230 = tpu.memref_slice %arg10[%dma_start3A_228, %dma_start3A_229] : memref<13056x128xi32, #tpu.memory_space<vmem_shared>> -> memref<13056x128xi32, #tpu.memory_space<vmem_shared>>
        tpu.enqueue_indirect_dma source(%dma_start3A_224 : memref<96x128xi32, #tpu.memory_space<vmem>>) target(%dma_start3A_230 : memref<13056x128xi32, #tpu.memory_space<vmem_shared>>) offsets(%dma_start3A_227 : memref<96xi32, #tpu.memory_space<vmem>>) semaphore(%run_scoped3A_220 : memref<!tpu.dma_semaphore, #tpu.memory_space<semaphore_mem>>) {add = true}
        %dma_wait3A_231 = arith.constant 0 : i32
        %dma_wait3A_232 = arith.constant 0 : i32
        %dma_wait3A_233 = tpu.memref_slice %arg9[%run_scoped3A_218, %dma_wait3A_231, %dma_wait3A_232] : memref<2x96x128xi32, #tpu.memory_space<vmem>> -> memref<1x96x128xi32, #tpu.memory_space<vmem>>
        %dma_wait3A_234 = tpu.memref_squeeze %dma_wait3A_233 : memref<1x96x128xi32, #tpu.memory_space<vmem>> -> memref<96x128xi32, #tpu.memory_space<vmem>>
        %dma_wait3A_235 = arith.constant 0 : i32
        %dma_wait3A_236 = tpu.memref_slice %arg8[%run_scoped3A_219, %dma_wait3A_235] : memref<8x96xi32, #tpu.memory_space<vmem>> -> memref<1x96xi32, #tpu.memory_space<vmem>>
        %dma_wait3A_237 = tpu.memref_squeeze %dma_wait3A_236 : memref<1x96xi32, #tpu.memory_space<vmem>> -> memref<96xi32, #tpu.memory_space<vmem>>
        %dma_wait3A_238 = arith.constant 0 : i32
        %dma_wait3A_239 = arith.constant 0 : i32
        %dma_wait3A_240 = tpu.memref_slice %arg10[%dma_wait3A_238, %dma_wait3A_239] : memref<13056x128xi32, #tpu.memory_space<vmem_shared>> -> memref<13056x128xi32, #tpu.memory_space<vmem_shared>>
        tpu.wait_indirect_dma semaphore(%run_scoped3A_220 : memref<!tpu.dma_semaphore, #tpu.memory_space<semaphore_mem>>) src(%dma_wait3A_234 : memref<96x128xi32, #tpu.memory_space<vmem>>) dst(%dma_wait3A_240 : memref<13056x128xi32, #tpu.memory_space<vmem_shared>>)
        tpu.yield
      }) : () -> ()
    }
    %scan3A_7 = arith.constant 52 : i32
    %barrier3A_8 = arith.constant 0 : index
    tpu.barrier barrier_id(%barrier3A_8)
    "tpu.region"() ({
      %run_scoped3A = tpu.sem_alloc : memref<!tpu.dma_semaphore, #tpu.memory_space<semaphore_mem>>
      %dma_start3A = arith.constant 0 : i32
      %dma_start3A_9 = tpu.memref_slice %arg6[%arg0, %mul3A_0, %dma_start3A] : memref<2x13056x128xi32, #tpu.memory_space<hbm>> -> memref<1x816x128xi32, #tpu.memory_space<hbm>>
      %dma_start3A_10 = tpu.memref_squeeze %dma_start3A_9 : memref<1x816x128xi32, #tpu.memory_space<hbm>> -> memref<816x128xi32, #tpu.memory_space<hbm>>
      %dma_start3A_11 = arith.constant 0 : i32
      %dma_start3A_12 = tpu.memref_slice %arg10[%mul3A_0, %dma_start3A_11] : memref<13056x128xi32, #tpu.memory_space<vmem_shared>> -> memref<816x128xi32, #tpu.memory_space<vmem_shared>>
      tpu.enqueue_dma source(%dma_start3A_12 : memref<816x128xi32, #tpu.memory_space<vmem_shared>>) target(%dma_start3A_10 : memref<816x128xi32, #tpu.memory_space<hbm>>) target_semaphore(%run_scoped3A : memref<!tpu.dma_semaphore, #tpu.memory_space<semaphore_mem>>)
      %dma_wait3A = arith.constant 0 : i32
      %dma_wait3A_13 = tpu.memref_slice %arg6[%arg0, %mul3A_0, %dma_wait3A] : memref<2x13056x128xi32, #tpu.memory_space<hbm>> -> memref<1x816x128xi32, #tpu.memory_space<hbm>>
      %dma_wait3A_14 = tpu.memref_squeeze %dma_wait3A_13 : memref<1x816x128xi32, #tpu.memory_space<hbm>> -> memref<816x128xi32, #tpu.memory_space<hbm>>
      %dma_wait3A_15 = arith.constant 0 : i32
      %dma_wait3A_16 = tpu.memref_slice %arg10[%mul3A_0, %dma_wait3A_15] : memref<13056x128xi32, #tpu.memory_space<vmem_shared>> -> memref<816x128xi32, #tpu.memory_space<vmem_shared>>
      tpu.wait_dma2 semaphore(%run_scoped3A : memref<!tpu.dma_semaphore, #tpu.memory_space<semaphore_mem>>) src(%dma_wait3A_16 : memref<816x128xi32, #tpu.memory_space<vmem_shared>>) dst(%dma_wait3A_14 : memref<816x128xi32, #tpu.memory_space<hbm>>)
      tpu.yield
    }) : () -> ()
    return
  }
}

#map = affine_map<(d0, d1) -> (0, 0)>
#map1 = affine_map<(d0, d1) -> (0, 0, 0)>
module attributes {stable_mosaic.version = 14 : i64} {
  func.func @_sc_agg_body(%arg0: i32, %arg1: i32, %arg2: memref<25000x128xi32, #tpu.memory_space<hbm>>, %arg3: memref<6656x96xi32, #tpu.memory_space<hbm>>, %arg4: memref<2x6656x96xi32, #tpu.memory_space<hbm>>, %arg5: memref<13056x128xi32, #tpu.memory_space<hbm>>, %arg6: memref<2x13056x128xi32, #tpu.memory_space<hbm>>, %arg7: memref<8x96xi32, #tpu.memory_space<vmem>>, %arg8: memref<8x96xi32, #tpu.memory_space<vmem>>, %arg9: memref<2x96x128xi32, #tpu.memory_space<vmem>>, %arg10: memref<13056x128xi32, #tpu.memory_space<vmem_shared>>, %arg11: memref<!tpu.dma_semaphore, #tpu.memory_space<semaphore_mem>>, %arg12: memref<!tpu.dma_semaphore, #tpu.memory_space<semaphore_mem>>) attributes {dimension_semantics = [#tpu.dimension_semantics<core_parallel>, #tpu.dimension_semantics<subcore_parallel>], iteration_bounds = array<i64: 2, 16>, scalar_prefetch = 0 : i64, scratch_operands = 6 : i64, tpu.core_type = #tpu.core_type<sc_vector_subcore>, window_params = [{transform_indices = #map}, {transform_indices = #map}, {transform_indices = #map1}, {transform_indices = #map}, {transform_indices = #map1}]} {
    %mul3A = arith.constant 816 : i32
    %mul3A_0 = arith.muli %arg1, %mul3A : i32
    "tpu.region"() ({
      %run_scoped3A = tpu.sem_alloc : memref<!tpu.dma_semaphore, #tpu.memory_space<semaphore_mem>>
      %dma_start3A = arith.constant 0 : i32
      %dma_start3A_9 = tpu.memref_slice %arg10[%mul3A_0, %dma_start3A] : memref<13056x128xi32, #tpu.memory_space<vmem_shared>> -> memref<816x128xi32, #tpu.memory_space<vmem_shared>>
      %dma_start3A_10 = arith.constant 0 : i32
      %dma_start3A_11 = tpu.memref_slice %arg5[%mul3A_0, %dma_start3A_10] : memref<13056x128xi32, #tpu.memory_space<hbm>> -> memref<816x128xi32, #tpu.memory_space<hbm>>
      tpu.enqueue_dma source(%dma_start3A_11 : memref<816x128xi32, #tpu.memory_space<hbm>>) target(%dma_start3A_9 : memref<816x128xi32, #tpu.memory_space<vmem_shared>>) target_semaphore(%run_scoped3A : memref<!tpu.dma_semaphore, #tpu.memory_space<semaphore_mem>>)
      %dma_wait3A = arith.constant 0 : i32
      %dma_wait3A_12 = tpu.memref_slice %arg10[%mul3A_0, %dma_wait3A] : memref<13056x128xi32, #tpu.memory_space<vmem_shared>> -> memref<816x128xi32, #tpu.memory_space<vmem_shared>>
      %dma_wait3A_13 = arith.constant 0 : i32
      %dma_wait3A_14 = tpu.memref_slice %arg5[%mul3A_0, %dma_wait3A_13] : memref<13056x128xi32, #tpu.memory_space<hbm>> -> memref<816x128xi32, #tpu.memory_space<hbm>>
      tpu.wait_dma2 semaphore(%run_scoped3A : memref<!tpu.dma_semaphore, #tpu.memory_space<semaphore_mem>>) src(%dma_wait3A_14 : memref<816x128xi32, #tpu.memory_space<hbm>>) dst(%dma_wait3A_12 : memref<816x128xi32, #tpu.memory_space<vmem_shared>>)
      tpu.yield
    }) : () -> ()
    %barrier3A = arith.constant 0 : index
    tpu.barrier barrier_id(%barrier3A)
    %mul3A_1 = arith.constant 416 : i32
    %mul3A_2 = arith.muli %arg1, %mul3A_1 : i32
    %scan3A = arith.constant 0 : i32
    %scan3A_3 = arith.constant 0 : i32
    %scan3A_4 = arith.constant 52 : i32
    %scan3A_5 = arith.addi %scan3A_3, %scan3A_4 : i32
    %scan3A_6 = arith.constant 1 : i32
    scf.for %scan3A_9 = %scan3A_3 to %scan3A_5 step %scan3A_6  : i32 {
      %mul3A_10 = arith.constant 8 : i32
      %mul3A_11 = arith.muli %scan3A_9, %mul3A_10 : i32
      %add3A = arith.addi %mul3A_2, %mul3A_11 : i32
      "tpu.region"() ({
        %run_scoped3A_220 = tpu.sem_alloc : memref<!tpu.dma_semaphore, #tpu.memory_space<semaphore_mem>>
        %dma_start3A_221 = arith.constant 0 : i32
        %dma_start3A_222 = tpu.memref_slice %arg3[%add3A, %dma_start3A_221] : memref<6656x96xi32, #tpu.memory_space<hbm>> -> memref<8x96xi32, #tpu.memory_space<hbm>>
        %dma_start3A_223 = arith.constant 0 : i32
        %dma_start3A_224 = tpu.memref_slice %arg3[%add3A, %dma_start3A_223] : memref<6656x96xi32, #tpu.memory_space<hbm>> -> memref<8x96xi32, #tpu.memory_space<hbm>>
        tpu.enqueue_dma source(%dma_start3A_224 : memref<8x96xi32, #tpu.memory_space<hbm>>) target(%arg7 : memref<8x96xi32, #tpu.memory_space<vmem>>) target_semaphore(%run_scoped3A_220 : memref<!tpu.dma_semaphore, #tpu.memory_space<semaphore_mem>>)
        %dma_wait3A_225 = arith.constant 0 : i32
        %dma_wait3A_226 = tpu.memref_slice %arg3[%add3A, %dma_wait3A_225] : memref<6656x96xi32, #tpu.memory_space<hbm>> -> memref<8x96xi32, #tpu.memory_space<hbm>>
        %dma_wait3A_227 = arith.constant 0 : i32
        %dma_wait3A_228 = tpu.memref_slice %arg3[%add3A, %dma_wait3A_227] : memref<6656x96xi32, #tpu.memory_space<hbm>> -> memref<8x96xi32, #tpu.memory_space<hbm>>
        tpu.wait_dma2 semaphore(%run_scoped3A_220 : memref<!tpu.dma_semaphore, #tpu.memory_space<semaphore_mem>>) src(%dma_wait3A_228 : memref<8x96xi32, #tpu.memory_space<hbm>>) dst(%arg7 : memref<8x96xi32, #tpu.memory_space<vmem>>)
        tpu.yield
      }) : () -> ()
      %mul3A_12 = arith.constant 8 : i32
      %mul3A_13 = arith.muli %scan3A_9, %mul3A_12 : i32
      %add3A_14 = arith.addi %mul3A_2, %mul3A_13 : i32
      "tpu.region"() ({
        %run_scoped3A_220 = tpu.sem_alloc : memref<!tpu.dma_semaphore, #tpu.memory_space<semaphore_mem>>
        %dma_start3A_221 = arith.constant 0 : i32
        %dma_start3A_222 = tpu.memref_slice %arg4[%arg0, %add3A_14, %dma_start3A_221] : memref<2x6656x96xi32, #tpu.memory_space<hbm>> -> memref<1x8x96xi32, #tpu.memory_space<hbm>>
        %dma_start3A_223 = tpu.memref_squeeze %dma_start3A_222 : memref<1x8x96xi32, #tpu.memory_space<hbm>> -> memref<8x96xi32, #tpu.memory_space<hbm>>
        %dma_start3A_224 = arith.constant 0 : i32
        %dma_start3A_225 = tpu.memref_slice %arg4[%arg0, %add3A_14, %dma_start3A_224] : memref<2x6656x96xi32, #tpu.memory_space<hbm>> -> memref<1x8x96xi32, #tpu.memory_space<hbm>>
        %dma_start3A_226 = tpu.memref_squeeze %dma_start3A_225 : memref<1x8x96xi32, #tpu.memory_space<hbm>> -> memref<8x96xi32, #tpu.memory_space<hbm>>
        tpu.enqueue_dma source(%dma_start3A_226 : memref<8x96xi32, #tpu.memory_space<hbm>>) target(%arg8 : memref<8x96xi32, #tpu.memory_space<vmem>>) target_semaphore(%run_scoped3A_220 : memref<!tpu.dma_semaphore, #tpu.memory_space<semaphore_mem>>)
        %dma_wait3A_227 = arith.constant 0 : i32
        %dma_wait3A_228 = tpu.memref_slice %arg4[%arg0, %add3A_14, %dma_wait3A_227] : memref<2x6656x96xi32, #tpu.memory_space<hbm>> -> memref<1x8x96xi32, #tpu.memory_space<hbm>>
        %dma_wait3A_229 = tpu.memref_squeeze %dma_wait3A_228 : memref<1x8x96xi32, #tpu.memory_space<hbm>> -> memref<8x96xi32, #tpu.memory_space<hbm>>
        %dma_wait3A_230 = arith.constant 0 : i32
        %dma_wait3A_231 = tpu.memref_slice %arg4[%arg0, %add3A_14, %dma_wait3A_230] : memref<2x6656x96xi32, #tpu.memory_space<hbm>> -> memref<1x8x96xi32, #tpu.memory_space<hbm>>
        %dma_wait3A_232 = tpu.memref_squeeze %dma_wait3A_231 : memref<1x8x96xi32, #tpu.memory_space<hbm>> -> memref<8x96xi32, #tpu.memory_space<hbm>>
        tpu.wait_dma2 semaphore(%run_scoped3A_220 : memref<!tpu.dma_semaphore, #tpu.memory_space<semaphore_mem>>) src(%dma_wait3A_232 : memref<8x96xi32, #tpu.memory_space<hbm>>) dst(%arg8 : memref<8x96xi32, #tpu.memory_space<vmem>>)
        tpu.yield
      }) : () -> ()
      %dma_start3A = arith.constant 0 : i32
      %dma_start3A_15 = arith.constant 0 : i32
      %dma_start3A_16 = arith.constant 0 : i32
      %dma_start3A_17 = arith.constant 0 : i32
      %dma_start3A_18 = tpu.memref_slice %arg9[%dma_start3A_15, %dma_start3A_16, %dma_start3A_17] : memref<2x96x128xi32, #tpu.memory_space<vmem>> -> memref<1x96x128xi32, #tpu.memory_space<vmem>>
      %dma_start3A_19 = tpu.memref_squeeze %dma_start3A_18 : memref<1x96x128xi32, #tpu.memory_space<vmem>> -> memref<96x128xi32, #tpu.memory_space<vmem>>
      %dma_start3A_20 = arith.constant 0 : i32
      %dma_start3A_21 = tpu.memref_slice %arg7[%dma_start3A, %dma_start3A_20] : memref<8x96xi32, #tpu.memory_space<vmem>> -> memref<1x96xi32, #tpu.memory_space<vmem>>
      %dma_start3A_22 = tpu.memref_squeeze %dma_start3A_21 : memref<1x96xi32, #tpu.memory_space<vmem>> -> memref<96xi32, #tpu.memory_space<vmem>>
      %dma_start3A_23 = arith.constant 0 : i32
      %dma_start3A_24 = arith.constant 0 : i32
      %dma_start3A_25 = tpu.memref_slice %arg2[%dma_start3A_23, %dma_start3A_24] : memref<25000x128xi32, #tpu.memory_space<hbm>> -> memref<25000x128xi32, #tpu.memory_space<hbm>>
      tpu.enqueue_indirect_dma source(%dma_start3A_25 : memref<25000x128xi32, #tpu.memory_space<hbm>>) target(%dma_start3A_19 : memref<96x128xi32, #tpu.memory_space<vmem>>) offsets(%dma_start3A_22 : memref<96xi32, #tpu.memory_space<vmem>>) semaphore(%arg11 : memref<!tpu.dma_semaphore, #tpu.memory_space<semaphore_mem>>)
      %dma_start3A_26 = arith.constant 1 : i32
      %dma_start3A_27 = arith.constant 1 : i32
      %dma_start3A_28 = arith.constant 0 : i32
      %dma_start3A_29 = arith.constant 0 : i32
      %dma_start3A_30 = tpu.memref_slice %arg9[%dma_start3A_27, %dma_start3A_28, %dma_start3A_29] : memref<2x96x128xi32, #tpu.memory_space<vmem>> -> memref<1x96x128xi32, #tpu.memory_space<vmem>>
      %dma_start3A_31 = tpu.memref_squeeze %dma_start3A_30 : memref<1x96x128xi32, #tpu.memory_space<vmem>> -> memref<96x128xi32, #tpu.memory_space<vmem>>
      %dma_start3A_32 = arith.constant 0 : i32
      %dma_start3A_33 = tpu.memref_slice %arg7[%dma_start3A_26, %dma_start3A_32] : memref<8x96xi32, #tpu.memory_space<vmem>> -> memref<1x96xi32, #tpu.memory_space<vmem>>
      %dma_start3A_34 = tpu.memref_squeeze %dma_start3A_33 : memref<1x96xi32, #tpu.memory_space<vmem>> -> memref<96xi32, #tpu.memory_space<vmem>>
      %dma_start3A_35 = arith.constant 0 : i32
      %dma_start3A_36 = arith.constant 0 : i32
      %dma_start3A_37 = tpu.memref_slice %arg2[%dma_start3A_35, %dma_start3A_36] : memref<25000x128xi32, #tpu.memory_space<hbm>> -> memref<25000x128xi32, #tpu.memory_space<hbm>>
      tpu.enqueue_indirect_dma source(%dma_start3A_37 : memref<25000x128xi32, #tpu.memory_space<hbm>>) target(%dma_start3A_31 : memref<96x128xi32, #tpu.memory_space<vmem>>) offsets(%dma_start3A_34 : memref<96xi32, #tpu.memory_space<vmem>>) semaphore(%arg12 : memref<!tpu.dma_semaphore, #tpu.memory_space<semaphore_mem>>)
      %dma_wait3A = arith.constant 0 : i32
      %dma_wait3A_38 = arith.constant 0 : i32
      %dma_wait3A_39 = arith.constant 0 : i32
      %dma_wait3A_40 = arith.constant 0 : i32
      %dma_wait3A_41 = tpu.memref_slice %arg9[%dma_wait3A_38, %dma_wait3A_39, %dma_wait3A_40] : memref<2x96x128xi32, #tpu.memory_space<vmem>> -> memref<1x96x128xi32, #tpu.memory_space<vmem>>
      %dma_wait3A_42 = tpu.memref_squeeze %dma_wait3A_41 : memref<1x96x128xi32, #tpu.memory_space<vmem>> -> memref<96x128xi32, #tpu.memory_space<vmem>>
      %dma_wait3A_43 = arith.constant 0 : i32
      %dma_wait3A_44 = tpu.memref_slice %arg7[%dma_wait3A, %dma_wait3A_43] : memref<8x96xi32, #tpu.memory_space<vmem>> -> memref<1x96xi32, #tpu.memory_space<vmem>>
      %dma_wait3A_45 = tpu.memref_squeeze %dma_wait3A_44 : memref<1x96xi32, #tpu.memory_space<vmem>> -> memref<96xi32, #tpu.memory_space<vmem>>
      %dma_wait3A_46 = arith.constant 0 : i32
      %dma_wait3A_47 = arith.constant 0 : i32
      %dma_wait3A_48 = tpu.memref_slice %arg2[%dma_wait3A_46, %dma_wait3A_47] : memref<25000x128xi32, #tpu.memory_space<hbm>> -> memref<25000x128xi32, #tpu.memory_space<hbm>>
      tpu.wait_indirect_dma semaphore(%arg11 : memref<!tpu.dma_semaphore, #tpu.memory_space<semaphore_mem>>) src(%dma_wait3A_48 : memref<25000x128xi32, #tpu.memory_space<hbm>>) dst(%dma_wait3A_42 : memref<96x128xi32, #tpu.memory_space<vmem>>)
      %run_scoped3A = arith.constant 0 : i32
      %run_scoped3A_49 = arith.constant 0 : i32
      "tpu.region"() ({
        %run_scoped3A_220 = tpu.sem_alloc : memref<!tpu.dma_semaphore, #tpu.memory_space<semaphore_mem>>
        %dma_start3A_221 = arith.constant 0 : i32
        %dma_start3A_222 = arith.constant 0 : i32
        %dma_start3A_223 = tpu.memref_slice %arg9[%run_scoped3A, %dma_start3A_221, %dma_start3A_222] : memref<2x96x128xi32, #tpu.memory_space<vmem>> -> memref<1x96x128xi32, #tpu.memory_space<vmem>>
        %dma_start3A_224 = tpu.memref_squeeze %dma_start3A_223 : memref<1x96x128xi32, #tpu.memory_space<vmem>> -> memref<96x128xi32, #tpu.memory_space<vmem>>
        %dma_start3A_225 = arith.constant 0 : i32
        %dma_start3A_226 = tpu.memref_slice %arg8[%run_scoped3A_49, %dma_start3A_225] : memref<8x96xi32, #tpu.memory_space<vmem>> -> memref<1x96xi32, #tpu.memory_space<vmem>>
        %dma_start3A_227 = tpu.memref_squeeze %dma_start3A_226 : memref<1x96xi32, #tpu.memory_space<vmem>> -> memref<96xi32, #tpu.memory_space<vmem>>
        %dma_start3A_228 = arith.constant 0 : i32
        %dma_start3A_229 = arith.constant 0 : i32
        %dma_start3A_230 = tpu.memref_slice %arg10[%dma_start3A_228, %dma_start3A_229] : memref<13056x128xi32, #tpu.memory_space<vmem_shared>> -> memref<13056x128xi32, #tpu.memory_space<vmem_shared>>
        tpu.enqueue_indirect_dma source(%dma_start3A_224 : memref<96x128xi32, #tpu.memory_space<vmem>>) target(%dma_start3A_230 : memref<13056x128xi32, #tpu.memory_space<vmem_shared>>) offsets(%dma_start3A_227 : memref<96xi32, #tpu.memory_space<vmem>>) semaphore(%run_scoped3A_220 : memref<!tpu.dma_semaphore, #tpu.memory_space<semaphore_mem>>) {add = true}
        %dma_wait3A_231 = arith.constant 0 : i32
        %dma_wait3A_232 = arith.constant 0 : i32
        %dma_wait3A_233 = tpu.memref_slice %arg9[%run_scoped3A, %dma_wait3A_231, %dma_wait3A_232] : memref<2x96x128xi32, #tpu.memory_space<vmem>> -> memref<1x96x128xi32, #tpu.memory_space<vmem>>
        %dma_wait3A_234 = tpu.memref_squeeze %dma_wait3A_233 : memref<1x96x128xi32, #tpu.memory_space<vmem>> -> memref<96x128xi32, #tpu.memory_space<vmem>>
        %dma_wait3A_235 = arith.constant 0 : i32
        %dma_wait3A_236 = tpu.memref_slice %arg8[%run_scoped3A_49, %dma_wait3A_235] : memref<8x96xi32, #tpu.memory_space<vmem>> -> memref<1x96xi32, #tpu.memory_space<vmem>>
        %dma_wait3A_237 = tpu.memref_squeeze %dma_wait3A_236 : memref<1x96xi32, #tpu.memory_space<vmem>> -> memref<96xi32, #tpu.memory_space<vmem>>
        %dma_wait3A_238 = arith.constant 0 : i32
        %dma_wait3A_239 = arith.constant 0 : i32
        %dma_wait3A_240 = tpu.memref_slice %arg10[%dma_wait3A_238, %dma_wait3A_239] : memref<13056x128xi32, #tpu.memory_space<vmem_shared>> -> memref<13056x128xi32, #tpu.memory_space<vmem_shared>>
        tpu.wait_indirect_dma semaphore(%run_scoped3A_220 : memref<!tpu.dma_semaphore, #tpu.memory_space<semaphore_mem>>) src(%dma_wait3A_234 : memref<96x128xi32, #tpu.memory_space<vmem>>) dst(%dma_wait3A_240 : memref<13056x128xi32, #tpu.memory_space<vmem_shared>>)
        tpu.yield
      }) : () -> ()
      %dma_start3A_50 = arith.constant 2 : i32
      %dma_start3A_51 = arith.constant 0 : i32
      %dma_start3A_52 = arith.constant 0 : i32
      %dma_start3A_53 = arith.constant 0 : i32
      %dma_start3A_54 = tpu.memref_slice %arg9[%dma_start3A_51, %dma_start3A_52, %dma_start3A_53] : memref<2x96x128xi32, #tpu.memory_space<vmem>> -> memref<1x96x128xi32, #tpu.memory_space<vmem>>
      %dma_start3A_55 = tpu.memref_squeeze %dma_start3A_54 : memref<1x96x128xi32, #tpu.memory_space<vmem>> -> memref<96x128xi32, #tpu.memory_space<vmem>>
      %dma_start3A_56 = arith.constant 0 : i32
      %dma_start3A_57 = tpu.memref_slice %arg7[%dma_start3A_50, %dma_start3A_56] : memref<8x96xi32, #tpu.memory_space<vmem>> -> memref<1x96xi32, #tpu.memory_space<vmem>>
      %dma_start3A_58 = tpu.memref_squeeze %dma_start3A_57 : memref<1x96xi32, #tpu.memory_space<vmem>> -> memref<96xi32, #tpu.memory_space<vmem>>
      %dma_start3A_59 = arith.constant 0 : i32
      %dma_start3A_60 = arith.constant 0 : i32
      %dma_start3A_61 = tpu.memref_slice %arg2[%dma_start3A_59, %dma_start3A_60] : memref<25000x128xi32, #tpu.memory_space<hbm>> -> memref<25000x128xi32, #tpu.memory_space<hbm>>
      tpu.enqueue_indirect_dma source(%dma_start3A_61 : memref<25000x128xi32, #tpu.memory_space<hbm>>) target(%dma_start3A_55 : memref<96x128xi32, #tpu.memory_space<vmem>>) offsets(%dma_start3A_58 : memref<96xi32, #tpu.memory_space<vmem>>) semaphore(%arg11 : memref<!tpu.dma_semaphore, #tpu.memory_space<semaphore_mem>>)
      %dma_wait3A_62 = arith.constant 1 : i32
      %dma_wait3A_63 = arith.constant 1 : i32
      %dma_wait3A_64 = arith.constant 0 : i32
      %dma_wait3A_65 = arith.constant 0 : i32
      %dma_wait3A_66 = tpu.memref_slice %arg9[%dma_wait3A_63, %dma_wait3A_64, %dma_wait3A_65] : memref<2x96x128xi32, #tpu.memory_space<vmem>> -> memref<1x96x128xi32, #tpu.memory_space<vmem>>
      %dma_wait3A_67 = tpu.memref_squeeze %dma_wait3A_66 : memref<1x96x128xi32, #tpu.memory_space<vmem>> -> memref<96x128xi32, #tpu.memory_space<vmem>>
      %dma_wait3A_68 = arith.constant 0 : i32
      %dma_wait3A_69 = tpu.memref_slice %arg7[%dma_wait3A_62, %dma_wait3A_68] : memref<8x96xi32, #tpu.memory_space<vmem>> -> memref<1x96xi32, #tpu.memory_space<vmem>>
      %dma_wait3A_70 = tpu.memref_squeeze %dma_wait3A_69 : memref<1x96xi32, #tpu.memory_space<vmem>> -> memref<96xi32, #tpu.memory_space<vmem>>
      %dma_wait3A_71 = arith.constant 0 : i32
      %dma_wait3A_72 = arith.constant 0 : i32
      %dma_wait3A_73 = tpu.memref_slice %arg2[%dma_wait3A_71, %dma_wait3A_72] : memref<25000x128xi32, #tpu.memory_space<hbm>> -> memref<25000x128xi32, #tpu.memory_space<hbm>>
      tpu.wait_indirect_dma semaphore(%arg12 : memref<!tpu.dma_semaphore, #tpu.memory_space<semaphore_mem>>) src(%dma_wait3A_73 : memref<25000x128xi32, #tpu.memory_space<hbm>>) dst(%dma_wait3A_67 : memref<96x128xi32, #tpu.memory_space<vmem>>)
      %run_scoped3A_74 = arith.constant 1 : i32
      %run_scoped3A_75 = arith.constant 1 : i32
      "tpu.region"() ({
        %run_scoped3A_220 = tpu.sem_alloc : memref<!tpu.dma_semaphore, #tpu.memory_space<semaphore_mem>>
        %dma_start3A_221 = arith.constant 0 : i32
        %dma_start3A_222 = arith.constant 0 : i32
        %dma_start3A_223 = tpu.memref_slice %arg9[%run_scoped3A_74, %dma_start3A_221, %dma_start3A_222] : memref<2x96x128xi32, #tpu.memory_space<vmem>> -> memref<1x96x128xi32, #tpu.memory_space<vmem>>
        %dma_start3A_224 = tpu.memref_squeeze %dma_start3A_223 : memref<1x96x128xi32, #tpu.memory_space<vmem>> -> memref<96x128xi32, #tpu.memory_space<vmem>>
        %dma_start3A_225 = arith.constant 0 : i32
        %dma_start3A_226 = tpu.memref_slice %arg8[%run_scoped3A_75, %dma_start3A_225] : memref<8x96xi32, #tpu.memory_space<vmem>> -> memref<1x96xi32, #tpu.memory_space<vmem>>
        %dma_start3A_227 = tpu.memref_squeeze %dma_start3A_226 : memref<1x96xi32, #tpu.memory_space<vmem>> -> memref<96xi32, #tpu.memory_space<vmem>>
        %dma_start3A_228 = arith.constant 0 : i32
        %dma_start3A_229 = arith.constant 0 : i32
        %dma_start3A_230 = tpu.memref_slice %arg10[%dma_start3A_228, %dma_start3A_229] : memref<13056x128xi32, #tpu.memory_space<vmem_shared>> -> memref<13056x128xi32, #tpu.memory_space<vmem_shared>>
        tpu.enqueue_indirect_dma source(%dma_start3A_224 : memref<96x128xi32, #tpu.memory_space<vmem>>) target(%dma_start3A_230 : memref<13056x128xi32, #tpu.memory_space<vmem_shared>>) offsets(%dma_start3A_227 : memref<96xi32, #tpu.memory_space<vmem>>) semaphore(%run_scoped3A_220 : memref<!tpu.dma_semaphore, #tpu.memory_space<semaphore_mem>>) {add = true}
        %dma_wait3A_231 = arith.constant 0 : i32
        %dma_wait3A_232 = arith.constant 0 : i32
        %dma_wait3A_233 = tpu.memref_slice %arg9[%run_scoped3A_74, %dma_wait3A_231, %dma_wait3A_232] : memref<2x96x128xi32, #tpu.memory_space<vmem>> -> memref<1x96x128xi32, #tpu.memory_space<vmem>>
        %dma_wait3A_234 = tpu.memref_squeeze %dma_wait3A_233 : memref<1x96x128xi32, #tpu.memory_space<vmem>> -> memref<96x128xi32, #tpu.memory_space<vmem>>
        %dma_wait3A_235 = arith.constant 0 : i32
        %dma_wait3A_236 = tpu.memref_slice %arg8[%run_scoped3A_75, %dma_wait3A_235] : memref<8x96xi32, #tpu.memory_space<vmem>> -> memref<1x96xi32, #tpu.memory_space<vmem>>
        %dma_wait3A_237 = tpu.memref_squeeze %dma_wait3A_236 : memref<1x96xi32, #tpu.memory_space<vmem>> -> memref<96xi32, #tpu.memory_space<vmem>>
        %dma_wait3A_238 = arith.constant 0 : i32
        %dma_wait3A_239 = arith.constant 0 : i32
        %dma_wait3A_240 = tpu.memref_slice %arg10[%dma_wait3A_238, %dma_wait3A_239] : memref<13056x128xi32, #tpu.memory_space<vmem_shared>> -> memref<13056x128xi32, #tpu.memory_space<vmem_shared>>
        tpu.wait_indirect_dma semaphore(%run_scoped3A_220 : memref<!tpu.dma_semaphore, #tpu.memory_space<semaphore_mem>>) src(%dma_wait3A_234 : memref<96x128xi32, #tpu.memory_space<vmem>>) dst(%dma_wait3A_240 : memref<13056x128xi32, #tpu.memory_space<vmem_shared>>)
        tpu.yield
      }) : () -> ()
      %dma_start3A_76 = arith.constant 3 : i32
      %dma_start3A_77 = arith.constant 1 : i32
      %dma_start3A_78 = arith.constant 0 : i32
      %dma_start3A_79 = arith.constant 0 : i32
      %dma_start3A_80 = tpu.memref_slice %arg9[%dma_start3A_77, %dma_start3A_78, %dma_start3A_79] : memref<2x96x128xi32, #tpu.memory_space<vmem>> -> memref<1x96x128xi32, #tpu.memory_space<vmem>>
      %dma_start3A_81 = tpu.memref_squeeze %dma_start3A_80 : memref<1x96x128xi32, #tpu.memory_space<vmem>> -> memref<96x128xi32, #tpu.memory_space<vmem>>
      %dma_start3A_82 = arith.constant 0 : i32
      %dma_start3A_83 = tpu.memref_slice %arg7[%dma_start3A_76, %dma_start3A_82] : memref<8x96xi32, #tpu.memory_space<vmem>> -> memref<1x96xi32, #tpu.memory_space<vmem>>
      %dma_start3A_84 = tpu.memref_squeeze %dma_start3A_83 : memref<1x96xi32, #tpu.memory_space<vmem>> -> memref<96xi32, #tpu.memory_space<vmem>>
      %dma_start3A_85 = arith.constant 0 : i32
      %dma_start3A_86 = arith.constant 0 : i32
      %dma_start3A_87 = tpu.memref_slice %arg2[%dma_start3A_85, %dma_start3A_86] : memref<25000x128xi32, #tpu.memory_space<hbm>> -> memref<25000x128xi32, #tpu.memory_space<hbm>>
      tpu.enqueue_indirect_dma source(%dma_start3A_87 : memref<25000x128xi32, #tpu.memory_space<hbm>>) target(%dma_start3A_81 : memref<96x128xi32, #tpu.memory_space<vmem>>) offsets(%dma_start3A_84 : memref<96xi32, #tpu.memory_space<vmem>>) semaphore(%arg12 : memref<!tpu.dma_semaphore, #tpu.memory_space<semaphore_mem>>)
      %dma_wait3A_88 = arith.constant 2 : i32
      %dma_wait3A_89 = arith.constant 0 : i32
      %dma_wait3A_90 = arith.constant 0 : i32
      %dma_wait3A_91 = arith.constant 0 : i32
      %dma_wait3A_92 = tpu.memref_slice %arg9[%dma_wait3A_89, %dma_wait3A_90, %dma_wait3A_91] : memref<2x96x128xi32, #tpu.memory_space<vmem>> -> memref<1x96x128xi32, #tpu.memory_space<vmem>>
      %dma_wait3A_93 = tpu.memref_squeeze %dma_wait3A_92 : memref<1x96x128xi32, #tpu.memory_space<vmem>> -> memref<96x128xi32, #tpu.memory_space<vmem>>
      %dma_wait3A_94 = arith.constant 0 : i32
      %dma_wait3A_95 = tpu.memref_slice %arg7[%dma_wait3A_88, %dma_wait3A_94] : memref<8x96xi32, #tpu.memory_space<vmem>> -> memref<1x96xi32, #tpu.memory_space<vmem>>
      %dma_wait3A_96 = tpu.memref_squeeze %dma_wait3A_95 : memref<1x96xi32, #tpu.memory_space<vmem>> -> memref<96xi32, #tpu.memory_space<vmem>>
      %dma_wait3A_97 = arith.constant 0 : i32
      %dma_wait3A_98 = arith.constant 0 : i32
      %dma_wait3A_99 = tpu.memref_slice %arg2[%dma_wait3A_97, %dma_wait3A_98] : memref<25000x128xi32, #tpu.memory_space<hbm>> -> memref<25000x128xi32, #tpu.memory_space<hbm>>
      tpu.wait_indirect_dma semaphore(%arg11 : memref<!tpu.dma_semaphore, #tpu.memory_space<semaphore_mem>>) src(%dma_wait3A_99 : memref<25000x128xi32, #tpu.memory_space<hbm>>) dst(%dma_wait3A_93 : memref<96x128xi32, #tpu.memory_space<vmem>>)
      %run_scoped3A_100 = arith.constant 0 : i32
      %run_scoped3A_101 = arith.constant 2 : i32
      "tpu.region"() ({
        %run_scoped3A_220 = tpu.sem_alloc : memref<!tpu.dma_semaphore, #tpu.memory_space<semaphore_mem>>
        %dma_start3A_221 = arith.constant 0 : i32
        %dma_start3A_222 = arith.constant 0 : i32
        %dma_start3A_223 = tpu.memref_slice %arg9[%run_scoped3A_100, %dma_start3A_221, %dma_start3A_222] : memref<2x96x128xi32, #tpu.memory_space<vmem>> -> memref<1x96x128xi32, #tpu.memory_space<vmem>>
        %dma_start3A_224 = tpu.memref_squeeze %dma_start3A_223 : memref<1x96x128xi32, #tpu.memory_space<vmem>> -> memref<96x128xi32, #tpu.memory_space<vmem>>
        %dma_start3A_225 = arith.constant 0 : i32
        %dma_start3A_226 = tpu.memref_slice %arg8[%run_scoped3A_101, %dma_start3A_225] : memref<8x96xi32, #tpu.memory_space<vmem>> -> memref<1x96xi32, #tpu.memory_space<vmem>>
        %dma_start3A_227 = tpu.memref_squeeze %dma_start3A_226 : memref<1x96xi32, #tpu.memory_space<vmem>> -> memref<96xi32, #tpu.memory_space<vmem>>
        %dma_start3A_228 = arith.constant 0 : i32
        %dma_start3A_229 = arith.constant 0 : i32
        %dma_start3A_230 = tpu.memref_slice %arg10[%dma_start3A_228, %dma_start3A_229] : memref<13056x128xi32, #tpu.memory_space<vmem_shared>> -> memref<13056x128xi32, #tpu.memory_space<vmem_shared>>
        tpu.enqueue_indirect_dma source(%dma_start3A_224 : memref<96x128xi32, #tpu.memory_space<vmem>>) target(%dma_start3A_230 : memref<13056x128xi32, #tpu.memory_space<vmem_shared>>) offsets(%dma_start3A_227 : memref<96xi32, #tpu.memory_space<vmem>>) semaphore(%run_scoped3A_220 : memref<!tpu.dma_semaphore, #tpu.memory_space<semaphore_mem>>) {add = true}
        %dma_wait3A_231 = arith.constant 0 : i32
        %dma_wait3A_232 = arith.constant 0 : i32
        %dma_wait3A_233 = tpu.memref_slice %arg9[%run_scoped3A_100, %dma_wait3A_231, %dma_wait3A_232] : memref<2x96x128xi32, #tpu.memory_space<vmem>> -> memref<1x96x128xi32, #tpu.memory_space<vmem>>
        %dma_wait3A_234 = tpu.memref_squeeze %dma_wait3A_233 : memref<1x96x128xi32, #tpu.memory_space<vmem>> -> memref<96x128xi32, #tpu.memory_space<vmem>>
        %dma_wait3A_235 = arith.constant 0 : i32
        %dma_wait3A_236 = tpu.memref_slice %arg8[%run_scoped3A_101, %dma_wait3A_235] : memref<8x96xi32, #tpu.memory_space<vmem>> -> memref<1x96xi32, #tpu.memory_space<vmem>>
        %dma_wait3A_237 = tpu.memref_squeeze %dma_wait3A_236 : memref<1x96xi32, #tpu.memory_space<vmem>> -> memref<96xi32, #tpu.memory_space<vmem>>
        %dma_wait3A_238 = arith.constant 0 : i32
        %dma_wait3A_239 = arith.constant 0 : i32
        %dma_wait3A_240 = tpu.memref_slice %arg10[%dma_wait3A_238, %dma_wait3A_239] : memref<13056x128xi32, #tpu.memory_space<vmem_shared>> -> memref<13056x128xi32, #tpu.memory_space<vmem_shared>>
        tpu.wait_indirect_dma semaphore(%run_scoped3A_220 : memref<!tpu.dma_semaphore, #tpu.memory_space<semaphore_mem>>) src(%dma_wait3A_234 : memref<96x128xi32, #tpu.memory_space<vmem>>) dst(%dma_wait3A_240 : memref<13056x128xi32, #tpu.memory_space<vmem_shared>>)
        tpu.yield
      }) : () -> ()
      %dma_start3A_102 = arith.constant 4 : i32
      %dma_start3A_103 = arith.constant 0 : i32
      %dma_start3A_104 = arith.constant 0 : i32
      %dma_start3A_105 = arith.constant 0 : i32
      %dma_start3A_106 = tpu.memref_slice %arg9[%dma_start3A_103, %dma_start3A_104, %dma_start3A_105] : memref<2x96x128xi32, #tpu.memory_space<vmem>> -> memref<1x96x128xi32, #tpu.memory_space<vmem>>
      %dma_start3A_107 = tpu.memref_squeeze %dma_start3A_106 : memref<1x96x128xi32, #tpu.memory_space<vmem>> -> memref<96x128xi32, #tpu.memory_space<vmem>>
      %dma_start3A_108 = arith.constant 0 : i32
      %dma_start3A_109 = tpu.memref_slice %arg7[%dma_start3A_102, %dma_start3A_108] : memref<8x96xi32, #tpu.memory_space<vmem>> -> memref<1x96xi32, #tpu.memory_space<vmem>>
      %dma_start3A_110 = tpu.memref_squeeze %dma_start3A_109 : memref<1x96xi32, #tpu.memory_space<vmem>> -> memref<96xi32, #tpu.memory_space<vmem>>
      %dma_start3A_111 = arith.constant 0 : i32
      %dma_start3A_112 = arith.constant 0 : i32
      %dma_start3A_113 = tpu.memref_slice %arg2[%dma_start3A_111, %dma_start3A_112] : memref<25000x128xi32, #tpu.memory_space<hbm>> -> memref<25000x128xi32, #tpu.memory_space<hbm>>
      tpu.enqueue_indirect_dma source(%dma_start3A_113 : memref<25000x128xi32, #tpu.memory_space<hbm>>) target(%dma_start3A_107 : memref<96x128xi32, #tpu.memory_space<vmem>>) offsets(%dma_start3A_110 : memref<96xi32, #tpu.memory_space<vmem>>) semaphore(%arg11 : memref<!tpu.dma_semaphore, #tpu.memory_space<semaphore_mem>>)
      %dma_wait3A_114 = arith.constant 3 : i32
      %dma_wait3A_115 = arith.constant 1 : i32
      %dma_wait3A_116 = arith.constant 0 : i32
      %dma_wait3A_117 = arith.constant 0 : i32
      %dma_wait3A_118 = tpu.memref_slice %arg9[%dma_wait3A_115, %dma_wait3A_116, %dma_wait3A_117] : memref<2x96x128xi32, #tpu.memory_space<vmem>> -> memref<1x96x128xi32, #tpu.memory_space<vmem>>
      %dma_wait3A_119 = tpu.memref_squeeze %dma_wait3A_118 : memref<1x96x128xi32, #tpu.memory_space<vmem>> -> memref<96x128xi32, #tpu.memory_space<vmem>>
      %dma_wait3A_120 = arith.constant 0 : i32
      %dma_wait3A_121 = tpu.memref_slice %arg7[%dma_wait3A_114, %dma_wait3A_120] : memref<8x96xi32, #tpu.memory_space<vmem>> -> memref<1x96xi32, #tpu.memory_space<vmem>>
      %dma_wait3A_122 = tpu.memref_squeeze %dma_wait3A_121 : memref<1x96xi32, #tpu.memory_space<vmem>> -> memref<96xi32, #tpu.memory_space<vmem>>
      %dma_wait3A_123 = arith.constant 0 : i32
      %dma_wait3A_124 = arith.constant 0 : i32
      %dma_wait3A_125 = tpu.memref_slice %arg2[%dma_wait3A_123, %dma_wait3A_124] : memref<25000x128xi32, #tpu.memory_space<hbm>> -> memref<25000x128xi32, #tpu.memory_space<hbm>>
      tpu.wait_indirect_dma semaphore(%arg12 : memref<!tpu.dma_semaphore, #tpu.memory_space<semaphore_mem>>) src(%dma_wait3A_125 : memref<25000x128xi32, #tpu.memory_space<hbm>>) dst(%dma_wait3A_119 : memref<96x128xi32, #tpu.memory_space<vmem>>)
      %run_scoped3A_126 = arith.constant 1 : i32
      %run_scoped3A_127 = arith.constant 3 : i32
      "tpu.region"() ({
        %run_scoped3A_220 = tpu.sem_alloc : memref<!tpu.dma_semaphore, #tpu.memory_space<semaphore_mem>>
        %dma_start3A_221 = arith.constant 0 : i32
        %dma_start3A_222 = arith.constant 0 : i32
        %dma_start3A_223 = tpu.memref_slice %arg9[%run_scoped3A_126, %dma_start3A_221, %dma_start3A_222] : memref<2x96x128xi32, #tpu.memory_space<vmem>> -> memref<1x96x128xi32, #tpu.memory_space<vmem>>
        %dma_start3A_224 = tpu.memref_squeeze %dma_start3A_223 : memref<1x96x128xi32, #tpu.memory_space<vmem>> -> memref<96x128xi32, #tpu.memory_space<vmem>>
        %dma_start3A_225 = arith.constant 0 : i32
        %dma_start3A_226 = tpu.memref_slice %arg8[%run_scoped3A_127, %dma_start3A_225] : memref<8x96xi32, #tpu.memory_space<vmem>> -> memref<1x96xi32, #tpu.memory_space<vmem>>
        %dma_start3A_227 = tpu.memref_squeeze %dma_start3A_226 : memref<1x96xi32, #tpu.memory_space<vmem>> -> memref<96xi32, #tpu.memory_space<vmem>>
        %dma_start3A_228 = arith.constant 0 : i32
        %dma_start3A_229 = arith.constant 0 : i32
        %dma_start3A_230 = tpu.memref_slice %arg10[%dma_start3A_228, %dma_start3A_229] : memref<13056x128xi32, #tpu.memory_space<vmem_shared>> -> memref<13056x128xi32, #tpu.memory_space<vmem_shared>>
        tpu.enqueue_indirect_dma source(%dma_start3A_224 : memref<96x128xi32, #tpu.memory_space<vmem>>) target(%dma_start3A_230 : memref<13056x128xi32, #tpu.memory_space<vmem_shared>>) offsets(%dma_start3A_227 : memref<96xi32, #tpu.memory_space<vmem>>) semaphore(%run_scoped3A_220 : memref<!tpu.dma_semaphore, #tpu.memory_space<semaphore_mem>>) {add = true}
        %dma_wait3A_231 = arith.constant 0 : i32
        %dma_wait3A_232 = arith.constant 0 : i32
        %dma_wait3A_233 = tpu.memref_slice %arg9[%run_scoped3A_126, %dma_wait3A_231, %dma_wait3A_232] : memref<2x96x128xi32, #tpu.memory_space<vmem>> -> memref<1x96x128xi32, #tpu.memory_space<vmem>>
        %dma_wait3A_234 = tpu.memref_squeeze %dma_wait3A_233 : memref<1x96x128xi32, #tpu.memory_space<vmem>> -> memref<96x128xi32, #tpu.memory_space<vmem>>
        %dma_wait3A_235 = arith.constant 0 : i32
        %dma_wait3A_236 = tpu.memref_slice %arg8[%run_scoped3A_127, %dma_wait3A_235] : memref<8x96xi32, #tpu.memory_space<vmem>> -> memref<1x96xi32, #tpu.memory_space<vmem>>
        %dma_wait3A_237 = tpu.memref_squeeze %dma_wait3A_236 : memref<1x96xi32, #tpu.memory_space<vmem>> -> memref<96xi32, #tpu.memory_space<vmem>>
        %dma_wait3A_238 = arith.constant 0 : i32
        %dma_wait3A_239 = arith.constant 0 : i32
        %dma_wait3A_240 = tpu.memref_slice %arg10[%dma_wait3A_238, %dma_wait3A_239] : memref<13056x128xi32, #tpu.memory_space<vmem_shared>> -> memref<13056x128xi32, #tpu.memory_space<vmem_shared>>
        tpu.wait_indirect_dma semaphore(%run_scoped3A_220 : memref<!tpu.dma_semaphore, #tpu.memory_space<semaphore_mem>>) src(%dma_wait3A_234 : memref<96x128xi32, #tpu.memory_space<vmem>>) dst(%dma_wait3A_240 : memref<13056x128xi32, #tpu.memory_space<vmem_shared>>)
        tpu.yield
      }) : () -> ()
      %dma_start3A_128 = arith.constant 5 : i32
      %dma_start3A_129 = arith.constant 1 : i32
      %dma_start3A_130 = arith.constant 0 : i32
      %dma_start3A_131 = arith.constant 0 : i32
      %dma_start3A_132 = tpu.memref_slice %arg9[%dma_start3A_129, %dma_start3A_130, %dma_start3A_131] : memref<2x96x128xi32, #tpu.memory_space<vmem>> -> memref<1x96x128xi32, #tpu.memory_space<vmem>>
      %dma_start3A_133 = tpu.memref_squeeze %dma_start3A_132 : memref<1x96x128xi32, #tpu.memory_space<vmem>> -> memref<96x128xi32, #tpu.memory_space<vmem>>
      %dma_start3A_134 = arith.constant 0 : i32
      %dma_start3A_135 = tpu.memref_slice %arg7[%dma_start3A_128, %dma_start3A_134] : memref<8x96xi32, #tpu.memory_space<vmem>> -> memref<1x96xi32, #tpu.memory_space<vmem>>
      %dma_start3A_136 = tpu.memref_squeeze %dma_start3A_135 : memref<1x96xi32, #tpu.memory_space<vmem>> -> memref<96xi32, #tpu.memory_space<vmem>>
      %dma_start3A_137 = arith.constant 0 : i32
      %dma_start3A_138 = arith.constant 0 : i32
      %dma_start3A_139 = tpu.memref_slice %arg2[%dma_start3A_137, %dma_start3A_138] : memref<25000x128xi32, #tpu.memory_space<hbm>> -> memref<25000x128xi32, #tpu.memory_space<hbm>>
      tpu.enqueue_indirect_dma source(%dma_start3A_139 : memref<25000x128xi32, #tpu.memory_space<hbm>>) target(%dma_start3A_133 : memref<96x128xi32, #tpu.memory_space<vmem>>) offsets(%dma_start3A_136 : memref<96xi32, #tpu.memory_space<vmem>>) semaphore(%arg12 : memref<!tpu.dma_semaphore, #tpu.memory_space<semaphore_mem>>)
      %dma_wait3A_140 = arith.constant 4 : i32
      %dma_wait3A_141 = arith.constant 0 : i32
      %dma_wait3A_142 = arith.constant 0 : i32
      %dma_wait3A_143 = arith.constant 0 : i32
      %dma_wait3A_144 = tpu.memref_slice %arg9[%dma_wait3A_141, %dma_wait3A_142, %dma_wait3A_143] : memref<2x96x128xi32, #tpu.memory_space<vmem>> -> memref<1x96x128xi32, #tpu.memory_space<vmem>>
      %dma_wait3A_145 = tpu.memref_squeeze %dma_wait3A_144 : memref<1x96x128xi32, #tpu.memory_space<vmem>> -> memref<96x128xi32, #tpu.memory_space<vmem>>
      %dma_wait3A_146 = arith.constant 0 : i32
      %dma_wait3A_147 = tpu.memref_slice %arg7[%dma_wait3A_140, %dma_wait3A_146] : memref<8x96xi32, #tpu.memory_space<vmem>> -> memref<1x96xi32, #tpu.memory_space<vmem>>
      %dma_wait3A_148 = tpu.memref_squeeze %dma_wait3A_147 : memref<1x96xi32, #tpu.memory_space<vmem>> -> memref<96xi32, #tpu.memory_space<vmem>>
      %dma_wait3A_149 = arith.constant 0 : i32
      %dma_wait3A_150 = arith.constant 0 : i32
      %dma_wait3A_151 = tpu.memref_slice %arg2[%dma_wait3A_149, %dma_wait3A_150] : memref<25000x128xi32, #tpu.memory_space<hbm>> -> memref<25000x128xi32, #tpu.memory_space<hbm>>
      tpu.wait_indirect_dma semaphore(%arg11 : memref<!tpu.dma_semaphore, #tpu.memory_space<semaphore_mem>>) src(%dma_wait3A_151 : memref<25000x128xi32, #tpu.memory_space<hbm>>) dst(%dma_wait3A_145 : memref<96x128xi32, #tpu.memory_space<vmem>>)
      %run_scoped3A_152 = arith.constant 0 : i32
      %run_scoped3A_153 = arith.constant 4 : i32
      "tpu.region"() ({
        %run_scoped3A_220 = tpu.sem_alloc : memref<!tpu.dma_semaphore, #tpu.memory_space<semaphore_mem>>
        %dma_start3A_221 = arith.constant 0 : i32
        %dma_start3A_222 = arith.constant 0 : i32
        %dma_start3A_223 = tpu.memref_slice %arg9[%run_scoped3A_152, %dma_start3A_221, %dma_start3A_222] : memref<2x96x128xi32, #tpu.memory_space<vmem>> -> memref<1x96x128xi32, #tpu.memory_space<vmem>>
        %dma_start3A_224 = tpu.memref_squeeze %dma_start3A_223 : memref<1x96x128xi32, #tpu.memory_space<vmem>> -> memref<96x128xi32, #tpu.memory_space<vmem>>
        %dma_start3A_225 = arith.constant 0 : i32
        %dma_start3A_226 = tpu.memref_slice %arg8[%run_scoped3A_153, %dma_start3A_225] : memref<8x96xi32, #tpu.memory_space<vmem>> -> memref<1x96xi32, #tpu.memory_space<vmem>>
        %dma_start3A_227 = tpu.memref_squeeze %dma_start3A_226 : memref<1x96xi32, #tpu.memory_space<vmem>> -> memref<96xi32, #tpu.memory_space<vmem>>
        %dma_start3A_228 = arith.constant 0 : i32
        %dma_start3A_229 = arith.constant 0 : i32
        %dma_start3A_230 = tpu.memref_slice %arg10[%dma_start3A_228, %dma_start3A_229] : memref<13056x128xi32, #tpu.memory_space<vmem_shared>> -> memref<13056x128xi32, #tpu.memory_space<vmem_shared>>
        tpu.enqueue_indirect_dma source(%dma_start3A_224 : memref<96x128xi32, #tpu.memory_space<vmem>>) target(%dma_start3A_230 : memref<13056x128xi32, #tpu.memory_space<vmem_shared>>) offsets(%dma_start3A_227 : memref<96xi32, #tpu.memory_space<vmem>>) semaphore(%run_scoped3A_220 : memref<!tpu.dma_semaphore, #tpu.memory_space<semaphore_mem>>) {add = true}
        %dma_wait3A_231 = arith.constant 0 : i32
        %dma_wait3A_232 = arith.constant 0 : i32
        %dma_wait3A_233 = tpu.memref_slice %arg9[%run_scoped3A_152, %dma_wait3A_231, %dma_wait3A_232] : memref<2x96x128xi32, #tpu.memory_space<vmem>> -> memref<1x96x128xi32, #tpu.memory_space<vmem>>
        %dma_wait3A_234 = tpu.memref_squeeze %dma_wait3A_233 : memref<1x96x128xi32, #tpu.memory_space<vmem>> -> memref<96x128xi32, #tpu.memory_space<vmem>>
        %dma_wait3A_235 = arith.constant 0 : i32
        %dma_wait3A_236 = tpu.memref_slice %arg8[%run_scoped3A_153, %dma_wait3A_235] : memref<8x96xi32, #tpu.memory_space<vmem>> -> memref<1x96xi32, #tpu.memory_space<vmem>>
        %dma_wait3A_237 = tpu.memref_squeeze %dma_wait3A_236 : memref<1x96xi32, #tpu.memory_space<vmem>> -> memref<96xi32, #tpu.memory_space<vmem>>
        %dma_wait3A_238 = arith.constant 0 : i32
        %dma_wait3A_239 = arith.constant 0 : i32
        %dma_wait3A_240 = tpu.memref_slice %arg10[%dma_wait3A_238, %dma_wait3A_239] : memref<13056x128xi32, #tpu.memory_space<vmem_shared>> -> memref<13056x128xi32, #tpu.memory_space<vmem_shared>>
        tpu.wait_indirect_dma semaphore(%run_scoped3A_220 : memref<!tpu.dma_semaphore, #tpu.memory_space<semaphore_mem>>) src(%dma_wait3A_234 : memref<96x128xi32, #tpu.memory_space<vmem>>) dst(%dma_wait3A_240 : memref<13056x128xi32, #tpu.memory_space<vmem_shared>>)
        tpu.yield
      }) : () -> ()
      %dma_start3A_154 = arith.constant 6 : i32
      %dma_start3A_155 = arith.constant 0 : i32
      %dma_start3A_156 = arith.constant 0 : i32
      %dma_start3A_157 = arith.constant 0 : i32
      %dma_start3A_158 = tpu.memref_slice %arg9[%dma_start3A_155, %dma_start3A_156, %dma_start3A_157] : memref<2x96x128xi32, #tpu.memory_space<vmem>> -> memref<1x96x128xi32, #tpu.memory_space<vmem>>
      %dma_start3A_159 = tpu.memref_squeeze %dma_start3A_158 : memref<1x96x128xi32, #tpu.memory_space<vmem>> -> memref<96x128xi32, #tpu.memory_space<vmem>>
      %dma_start3A_160 = arith.constant 0 : i32
      %dma_start3A_161 = tpu.memref_slice %arg7[%dma_start3A_154, %dma_start3A_160] : memref<8x96xi32, #tpu.memory_space<vmem>> -> memref<1x96xi32, #tpu.memory_space<vmem>>
      %dma_start3A_162 = tpu.memref_squeeze %dma_start3A_161 : memref<1x96xi32, #tpu.memory_space<vmem>> -> memref<96xi32, #tpu.memory_space<vmem>>
      %dma_start3A_163 = arith.constant 0 : i32
      %dma_start3A_164 = arith.constant 0 : i32
      %dma_start3A_165 = tpu.memref_slice %arg2[%dma_start3A_163, %dma_start3A_164] : memref<25000x128xi32, #tpu.memory_space<hbm>> -> memref<25000x128xi32, #tpu.memory_space<hbm>>
      tpu.enqueue_indirect_dma source(%dma_start3A_165 : memref<25000x128xi32, #tpu.memory_space<hbm>>) target(%dma_start3A_159 : memref<96x128xi32, #tpu.memory_space<vmem>>) offsets(%dma_start3A_162 : memref<96xi32, #tpu.memory_space<vmem>>) semaphore(%arg11 : memref<!tpu.dma_semaphore, #tpu.memory_space<semaphore_mem>>)
      %dma_wait3A_166 = arith.constant 5 : i32
      %dma_wait3A_167 = arith.constant 1 : i32
      %dma_wait3A_168 = arith.constant 0 : i32
      %dma_wait3A_169 = arith.constant 0 : i32
      %dma_wait3A_170 = tpu.memref_slice %arg9[%dma_wait3A_167, %dma_wait3A_168, %dma_wait3A_169] : memref<2x96x128xi32, #tpu.memory_space<vmem>> -> memref<1x96x128xi32, #tpu.memory_space<vmem>>
      %dma_wait3A_171 = tpu.memref_squeeze %dma_wait3A_170 : memref<1x96x128xi32, #tpu.memory_space<vmem>> -> memref<96x128xi32, #tpu.memory_space<vmem>>
      %dma_wait3A_172 = arith.constant 0 : i32
      %dma_wait3A_173 = tpu.memref_slice %arg7[%dma_wait3A_166, %dma_wait3A_172] : memref<8x96xi32, #tpu.memory_space<vmem>> -> memref<1x96xi32, #tpu.memory_space<vmem>>
      %dma_wait3A_174 = tpu.memref_squeeze %dma_wait3A_173 : memref<1x96xi32, #tpu.memory_space<vmem>> -> memref<96xi32, #tpu.memory_space<vmem>>
      %dma_wait3A_175 = arith.constant 0 : i32
      %dma_wait3A_176 = arith.constant 0 : i32
      %dma_wait3A_177 = tpu.memref_slice %arg2[%dma_wait3A_175, %dma_wait3A_176] : memref<25000x128xi32, #tpu.memory_space<hbm>> -> memref<25000x128xi32, #tpu.memory_space<hbm>>
      tpu.wait_indirect_dma semaphore(%arg12 : memref<!tpu.dma_semaphore, #tpu.memory_space<semaphore_mem>>) src(%dma_wait3A_177 : memref<25000x128xi32, #tpu.memory_space<hbm>>) dst(%dma_wait3A_171 : memref<96x128xi32, #tpu.memory_space<vmem>>)
      %run_scoped3A_178 = arith.constant 1 : i32
      %run_scoped3A_179 = arith.constant 5 : i32
      "tpu.region"() ({
        %run_scoped3A_220 = tpu.sem_alloc : memref<!tpu.dma_semaphore, #tpu.memory_space<semaphore_mem>>
        %dma_start3A_221 = arith.constant 0 : i32
        %dma_start3A_222 = arith.constant 0 : i32
        %dma_start3A_223 = tpu.memref_slice %arg9[%run_scoped3A_178, %dma_start3A_221, %dma_start3A_222] : memref<2x96x128xi32, #tpu.memory_space<vmem>> -> memref<1x96x128xi32, #tpu.memory_space<vmem>>
        %dma_start3A_224 = tpu.memref_squeeze %dma_start3A_223 : memref<1x96x128xi32, #tpu.memory_space<vmem>> -> memref<96x128xi32, #tpu.memory_space<vmem>>
        %dma_start3A_225 = arith.constant 0 : i32
        %dma_start3A_226 = tpu.memref_slice %arg8[%run_scoped3A_179, %dma_start3A_225] : memref<8x96xi32, #tpu.memory_space<vmem>> -> memref<1x96xi32, #tpu.memory_space<vmem>>
        %dma_start3A_227 = tpu.memref_squeeze %dma_start3A_226 : memref<1x96xi32, #tpu.memory_space<vmem>> -> memref<96xi32, #tpu.memory_space<vmem>>
        %dma_start3A_228 = arith.constant 0 : i32
        %dma_start3A_229 = arith.constant 0 : i32
        %dma_start3A_230 = tpu.memref_slice %arg10[%dma_start3A_228, %dma_start3A_229] : memref<13056x128xi32, #tpu.memory_space<vmem_shared>> -> memref<13056x128xi32, #tpu.memory_space<vmem_shared>>
        tpu.enqueue_indirect_dma source(%dma_start3A_224 : memref<96x128xi32, #tpu.memory_space<vmem>>) target(%dma_start3A_230 : memref<13056x128xi32, #tpu.memory_space<vmem_shared>>) offsets(%dma_start3A_227 : memref<96xi32, #tpu.memory_space<vmem>>) semaphore(%run_scoped3A_220 : memref<!tpu.dma_semaphore, #tpu.memory_space<semaphore_mem>>) {add = true}
        %dma_wait3A_231 = arith.constant 0 : i32
        %dma_wait3A_232 = arith.constant 0 : i32
        %dma_wait3A_233 = tpu.memref_slice %arg9[%run_scoped3A_178, %dma_wait3A_231, %dma_wait3A_232] : memref<2x96x128xi32, #tpu.memory_space<vmem>> -> memref<1x96x128xi32, #tpu.memory_space<vmem>>
        %dma_wait3A_234 = tpu.memref_squeeze %dma_wait3A_233 : memref<1x96x128xi32, #tpu.memory_space<vmem>> -> memref<96x128xi32, #tpu.memory_space<vmem>>
        %dma_wait3A_235 = arith.constant 0 : i32
        %dma_wait3A_236 = tpu.memref_slice %arg8[%run_scoped3A_179, %dma_wait3A_235] : memref<8x96xi32, #tpu.memory_space<vmem>> -> memref<1x96xi32, #tpu.memory_space<vmem>>
        %dma_wait3A_237 = tpu.memref_squeeze %dma_wait3A_236 : memref<1x96xi32, #tpu.memory_space<vmem>> -> memref<96xi32, #tpu.memory_space<vmem>>
        %dma_wait3A_238 = arith.constant 0 : i32
        %dma_wait3A_239 = arith.constant 0 : i32
        %dma_wait3A_240 = tpu.memref_slice %arg10[%dma_wait3A_238, %dma_wait3A_239] : memref<13056x128xi32, #tpu.memory_space<vmem_shared>> -> memref<13056x128xi32, #tpu.memory_space<vmem_shared>>
        tpu.wait_indirect_dma semaphore(%run_scoped3A_220 : memref<!tpu.dma_semaphore, #tpu.memory_space<semaphore_mem>>) src(%dma_wait3A_234 : memref<96x128xi32, #tpu.memory_space<vmem>>) dst(%dma_wait3A_240 : memref<13056x128xi32, #tpu.memory_space<vmem_shared>>)
        tpu.yield
      }) : () -> ()
      %dma_start3A_180 = arith.constant 7 : i32
      %dma_start3A_181 = arith.constant 1 : i32
      %dma_start3A_182 = arith.constant 0 : i32
      %dma_start3A_183 = arith.constant 0 : i32
      %dma_start3A_184 = tpu.memref_slice %arg9[%dma_start3A_181, %dma_start3A_182, %dma_start3A_183] : memref<2x96x128xi32, #tpu.memory_space<vmem>> -> memref<1x96x128xi32, #tpu.memory_space<vmem>>
      %dma_start3A_185 = tpu.memref_squeeze %dma_start3A_184 : memref<1x96x128xi32, #tpu.memory_space<vmem>> -> memref<96x128xi32, #tpu.memory_space<vmem>>
      %dma_start3A_186 = arith.constant 0 : i32
      %dma_start3A_187 = tpu.memref_slice %arg7[%dma_start3A_180, %dma_start3A_186] : memref<8x96xi32, #tpu.memory_space<vmem>> -> memref<1x96xi32, #tpu.memory_space<vmem>>
      %dma_start3A_188 = tpu.memref_squeeze %dma_start3A_187 : memref<1x96xi32, #tpu.memory_space<vmem>> -> memref<96xi32, #tpu.memory_space<vmem>>
      %dma_start3A_189 = arith.constant 0 : i32
      %dma_start3A_190 = arith.constant 0 : i32
      %dma_start3A_191 = tpu.memref_slice %arg2[%dma_start3A_189, %dma_start3A_190] : memref<25000x128xi32, #tpu.memory_space<hbm>> -> memref<25000x128xi32, #tpu.memory_space<hbm>>
      tpu.enqueue_indirect_dma source(%dma_start3A_191 : memref<25000x128xi32, #tpu.memory_space<hbm>>) target(%dma_start3A_185 : memref<96x128xi32, #tpu.memory_space<vmem>>) offsets(%dma_start3A_188 : memref<96xi32, #tpu.memory_space<vmem>>) semaphore(%arg12 : memref<!tpu.dma_semaphore, #tpu.memory_space<semaphore_mem>>)
      %dma_wait3A_192 = arith.constant 6 : i32
      %dma_wait3A_193 = arith.constant 0 : i32
      %dma_wait3A_194 = arith.constant 0 : i32
      %dma_wait3A_195 = arith.constant 0 : i32
      %dma_wait3A_196 = tpu.memref_slice %arg9[%dma_wait3A_193, %dma_wait3A_194, %dma_wait3A_195] : memref<2x96x128xi32, #tpu.memory_space<vmem>> -> memref<1x96x128xi32, #tpu.memory_space<vmem>>
      %dma_wait3A_197 = tpu.memref_squeeze %dma_wait3A_196 : memref<1x96x128xi32, #tpu.memory_space<vmem>> -> memref<96x128xi32, #tpu.memory_space<vmem>>
      %dma_wait3A_198 = arith.constant 0 : i32
      %dma_wait3A_199 = tpu.memref_slice %arg7[%dma_wait3A_192, %dma_wait3A_198] : memref<8x96xi32, #tpu.memory_space<vmem>> -> memref<1x96xi32, #tpu.memory_space<vmem>>
      %dma_wait3A_200 = tpu.memref_squeeze %dma_wait3A_199 : memref<1x96xi32, #tpu.memory_space<vmem>> -> memref<96xi32, #tpu.memory_space<vmem>>
      %dma_wait3A_201 = arith.constant 0 : i32
      %dma_wait3A_202 = arith.constant 0 : i32
      %dma_wait3A_203 = tpu.memref_slice %arg2[%dma_wait3A_201, %dma_wait3A_202] : memref<25000x128xi32, #tpu.memory_space<hbm>> -> memref<25000x128xi32, #tpu.memory_space<hbm>>
      tpu.wait_indirect_dma semaphore(%arg11 : memref<!tpu.dma_semaphore, #tpu.memory_space<semaphore_mem>>) src(%dma_wait3A_203 : memref<25000x128xi32, #tpu.memory_space<hbm>>) dst(%dma_wait3A_197 : memref<96x128xi32, #tpu.memory_space<vmem>>)
      %run_scoped3A_204 = arith.constant 0 : i32
      %run_scoped3A_205 = arith.constant 6 : i32
      "tpu.region"() ({
        %run_scoped3A_220 = tpu.sem_alloc : memref<!tpu.dma_semaphore, #tpu.memory_space<semaphore_mem>>
        %dma_start3A_221 = arith.constant 0 : i32
        %dma_start3A_222 = arith.constant 0 : i32
        %dma_start3A_223 = tpu.memref_slice %arg9[%run_scoped3A_204, %dma_start3A_221, %dma_start3A_222] : memref<2x96x128xi32, #tpu.memory_space<vmem>> -> memref<1x96x128xi32, #tpu.memory_space<vmem>>
        %dma_start3A_224 = tpu.memref_squeeze %dma_start3A_223 : memref<1x96x128xi32, #tpu.memory_space<vmem>> -> memref<96x128xi32, #tpu.memory_space<vmem>>
        %dma_start3A_225 = arith.constant 0 : i32
        %dma_start3A_226 = tpu.memref_slice %arg8[%run_scoped3A_205, %dma_start3A_225] : memref<8x96xi32, #tpu.memory_space<vmem>> -> memref<1x96xi32, #tpu.memory_space<vmem>>
        %dma_start3A_227 = tpu.memref_squeeze %dma_start3A_226 : memref<1x96xi32, #tpu.memory_space<vmem>> -> memref<96xi32, #tpu.memory_space<vmem>>
        %dma_start3A_228 = arith.constant 0 : i32
        %dma_start3A_229 = arith.constant 0 : i32
        %dma_start3A_230 = tpu.memref_slice %arg10[%dma_start3A_228, %dma_start3A_229] : memref<13056x128xi32, #tpu.memory_space<vmem_shared>> -> memref<13056x128xi32, #tpu.memory_space<vmem_shared>>
        tpu.enqueue_indirect_dma source(%dma_start3A_224 : memref<96x128xi32, #tpu.memory_space<vmem>>) target(%dma_start3A_230 : memref<13056x128xi32, #tpu.memory_space<vmem_shared>>) offsets(%dma_start3A_227 : memref<96xi32, #tpu.memory_space<vmem>>) semaphore(%run_scoped3A_220 : memref<!tpu.dma_semaphore, #tpu.memory_space<semaphore_mem>>) {add = true}
        %dma_wait3A_231 = arith.constant 0 : i32
        %dma_wait3A_232 = arith.constant 0 : i32
        %dma_wait3A_233 = tpu.memref_slice %arg9[%run_scoped3A_204, %dma_wait3A_231, %dma_wait3A_232] : memref<2x96x128xi32, #tpu.memory_space<vmem>> -> memref<1x96x128xi32, #tpu.memory_space<vmem>>
        %dma_wait3A_234 = tpu.memref_squeeze %dma_wait3A_233 : memref<1x96x128xi32, #tpu.memory_space<vmem>> -> memref<96x128xi32, #tpu.memory_space<vmem>>
        %dma_wait3A_235 = arith.constant 0 : i32
        %dma_wait3A_236 = tpu.memref_slice %arg8[%run_scoped3A_205, %dma_wait3A_235] : memref<8x96xi32, #tpu.memory_space<vmem>> -> memref<1x96xi32, #tpu.memory_space<vmem>>
        %dma_wait3A_237 = tpu.memref_squeeze %dma_wait3A_236 : memref<1x96xi32, #tpu.memory_space<vmem>> -> memref<96xi32, #tpu.memory_space<vmem>>
        %dma_wait3A_238 = arith.constant 0 : i32
        %dma_wait3A_239 = arith.constant 0 : i32
        %dma_wait3A_240 = tpu.memref_slice %arg10[%dma_wait3A_238, %dma_wait3A_239] : memref<13056x128xi32, #tpu.memory_space<vmem_shared>> -> memref<13056x128xi32, #tpu.memory_space<vmem_shared>>
        tpu.wait_indirect_dma semaphore(%run_scoped3A_220 : memref<!tpu.dma_semaphore, #tpu.memory_space<semaphore_mem>>) src(%dma_wait3A_234 : memref<96x128xi32, #tpu.memory_space<vmem>>) dst(%dma_wait3A_240 : memref<13056x128xi32, #tpu.memory_space<vmem_shared>>)
        tpu.yield
      }) : () -> ()
      %dma_wait3A_206 = arith.constant 7 : i32
      %dma_wait3A_207 = arith.constant 1 : i32
      %dma_wait3A_208 = arith.constant 0 : i32
      %dma_wait3A_209 = arith.constant 0 : i32
      %dma_wait3A_210 = tpu.memref_slice %arg9[%dma_wait3A_207, %dma_wait3A_208, %dma_wait3A_209] : memref<2x96x128xi32, #tpu.memory_space<vmem>> -> memref<1x96x128xi32, #tpu.memory_space<vmem>>
      %dma_wait3A_211 = tpu.memref_squeeze %dma_wait3A_210 : memref<1x96x128xi32, #tpu.memory_space<vmem>> -> memref<96x128xi32, #tpu.memory_space<vmem>>
      %dma_wait3A_212 = arith.constant 0 : i32
      %dma_wait3A_213 = tpu.memref_slice %arg7[%dma_wait3A_206, %dma_wait3A_212] : memref<8x96xi32, #tpu.memory_space<vmem>> -> memref<1x96xi32, #tpu.memory_space<vmem>>
      %dma_wait3A_214 = tpu.memref_squeeze %dma_wait3A_213 : memref<1x96xi32, #tpu.memory_space<vmem>> -> memref<96xi32, #tpu.memory_space<vmem>>
      %dma_wait3A_215 = arith.constant 0 : i32
      %dma_wait3A_216 = arith.constant 0 : i32
      %dma_wait3A_217 = tpu.memref_slice %arg2[%dma_wait3A_215, %dma_wait3A_216] : memref<25000x128xi32, #tpu.memory_space<hbm>> -> memref<25000x128xi32, #tpu.memory_space<hbm>>
      tpu.wait_indirect_dma semaphore(%arg12 : memref<!tpu.dma_semaphore, #tpu.memory_space<semaphore_mem>>) src(%dma_wait3A_217 : memref<25000x128xi32, #tpu.memory_space<hbm>>) dst(%dma_wait3A_211 : memref<96x128xi32, #tpu.memory_space<vmem>>)
      %run_scoped3A_218 = arith.constant 1 : i32
      %run_scoped3A_219 = arith.constant 7 : i32
      "tpu.region"() ({
        %run_scoped3A_220 = tpu.sem_alloc : memref<!tpu.dma_semaphore, #tpu.memory_space<semaphore_mem>>
        %dma_start3A_221 = arith.constant 0 : i32
        %dma_start3A_222 = arith.constant 0 : i32
        %dma_start3A_223 = tpu.memref_slice %arg9[%run_scoped3A_218, %dma_start3A_221, %dma_start3A_222] : memref<2x96x128xi32, #tpu.memory_space<vmem>> -> memref<1x96x128xi32, #tpu.memory_space<vmem>>
        %dma_start3A_224 = tpu.memref_squeeze %dma_start3A_223 : memref<1x96x128xi32, #tpu.memory_space<vmem>> -> memref<96x128xi32, #tpu.memory_space<vmem>>
        %dma_start3A_225 = arith.constant 0 : i32
        %dma_start3A_226 = tpu.memref_slice %arg8[%run_scoped3A_219, %dma_start3A_225] : memref<8x96xi32, #tpu.memory_space<vmem>> -> memref<1x96xi32, #tpu.memory_space<vmem>>
        %dma_start3A_227 = tpu.memref_squeeze %dma_start3A_226 : memref<1x96xi32, #tpu.memory_space<vmem>> -> memref<96xi32, #tpu.memory_space<vmem>>
        %dma_start3A_228 = arith.constant 0 : i32
        %dma_start3A_229 = arith.constant 0 : i32
        %dma_start3A_230 = tpu.memref_slice %arg10[%dma_start3A_228, %dma_start3A_229] : memref<13056x128xi32, #tpu.memory_space<vmem_shared>> -> memref<13056x128xi32, #tpu.memory_space<vmem_shared>>
        tpu.enqueue_indirect_dma source(%dma_start3A_224 : memref<96x128xi32, #tpu.memory_space<vmem>>) target(%dma_start3A_230 : memref<13056x128xi32, #tpu.memory_space<vmem_shared>>) offsets(%dma_start3A_227 : memref<96xi32, #tpu.memory_space<vmem>>) semaphore(%run_scoped3A_220 : memref<!tpu.dma_semaphore, #tpu.memory_space<semaphore_mem>>) {add = true}
        %dma_wait3A_231 = arith.constant 0 : i32
        %dma_wait3A_232 = arith.constant 0 : i32
        %dma_wait3A_233 = tpu.memref_slice %arg9[%run_scoped3A_218, %dma_wait3A_231, %dma_wait3A_232] : memref<2x96x128xi32, #tpu.memory_space<vmem>> -> memref<1x96x128xi32, #tpu.memory_space<vmem>>
        %dma_wait3A_234 = tpu.memref_squeeze %dma_wait3A_233 : memref<1x96x128xi32, #tpu.memory_space<vmem>> -> memref<96x128xi32, #tpu.memory_space<vmem>>
        %dma_wait3A_235 = arith.constant 0 : i32
        %dma_wait3A_236 = tpu.memref_slice %arg8[%run_scoped3A_219, %dma_wait3A_235] : memref<8x96xi32, #tpu.memory_space<vmem>> -> memref<1x96xi32, #tpu.memory_space<vmem>>
        %dma_wait3A_237 = tpu.memref_squeeze %dma_wait3A_236 : memref<1x96xi32, #tpu.memory_space<vmem>> -> memref<96xi32, #tpu.memory_space<vmem>>
        %dma_wait3A_238 = arith.constant 0 : i32
        %dma_wait3A_239 = arith.constant 0 : i32
        %dma_wait3A_240 = tpu.memref_slice %arg10[%dma_wait3A_238, %dma_wait3A_239] : memref<13056x128xi32, #tpu.memory_space<vmem_shared>> -> memref<13056x128xi32, #tpu.memory_space<vmem_shared>>
        tpu.wait_indirect_dma semaphore(%run_scoped3A_220 : memref<!tpu.dma_semaphore, #tpu.memory_space<semaphore_mem>>) src(%dma_wait3A_234 : memref<96x128xi32, #tpu.memory_space<vmem>>) dst(%dma_wait3A_240 : memref<13056x128xi32, #tpu.memory_space<vmem_shared>>)
        tpu.yield
      }) : () -> ()
    }
    %scan3A_7 = arith.constant 52 : i32
    %barrier3A_8 = arith.constant 0 : index
    tpu.barrier barrier_id(%barrier3A_8)
    "tpu.region"() ({
      %run_scoped3A = tpu.sem_alloc : memref<!tpu.dma_semaphore, #tpu.memory_space<semaphore_mem>>
      %dma_start3A = arith.constant 0 : i32
      %dma_start3A_9 = tpu.memref_slice %arg6[%arg0, %mul3A_0, %dma_start3A] : memref<2x13056x128xi32, #tpu.memory_space<hbm>> -> memref<1x816x128xi32, #tpu.memory_space<hbm>>
      %dma_start3A_10 = tpu.memref_squeeze %dma_start3A_9 : memref<1x816x128xi32, #tpu.memory_space<hbm>> -> memref<816x128xi32, #tpu.memory_space<hbm>>
      %dma_start3A_11 = arith.constant 0 : i32
      %dma_start3A_12 = tpu.memref_slice %arg10[%mul3A_0, %dma_start3A_11] : memref<13056x128xi32, #tpu.memory_space<vmem_shared>> -> memref<816x128xi32, #tpu.memory_space<vmem_shared>>
      tpu.enqueue_dma source(%dma_start3A_12 : memref<816x128xi32, #tpu.memory_space<vmem_shared>>) target(%dma_start3A_10 : memref<816x128xi32, #tpu.memory_space<hbm>>) target_semaphore(%run_scoped3A : memref<!tpu.dma_semaphore, #tpu.memory_space<semaphore_mem>>)
      %dma_wait3A = arith.constant 0 : i32
      %dma_wait3A_13 = tpu.memref_slice %arg6[%arg0, %mul3A_0, %dma_wait3A] : memref<2x13056x128xi32, #tpu.memory_space<hbm>> -> memref<1x816x128xi32, #tpu.memory_space<hbm>>
      %dma_wait3A_14 = tpu.memref_squeeze %dma_wait3A_13 : memref<1x816x128xi32, #tpu.memory_space<hbm>> -> memref<816x128xi32, #tpu.memory_space<hbm>>
      %dma_wait3A_15 = arith.constant 0 : i32
      %dma_wait3A_16 = tpu.memref_slice %arg10[%mul3A_0, %dma_wait3A_15] : memref<13056x128xi32, #tpu.memory_space<vmem_shared>> -> memref<816x128xi32, #tpu.memory_space<vmem_shared>>
      tpu.wait_dma2 semaphore(%run_scoped3A : memref<!tpu.dma_semaphore, #tpu.memory_space<semaphore_mem>>) src(%dma_wait3A_16 : memref<816x128xi32, #tpu.memory_space<vmem_shared>>) dst(%dma_wait3A_14 : memref<816x128xi32, #tpu.memory_space<hbm>>)
      tpu.yield
    }) : () -> ()
    return
  }
}

#map = affine_map<(d0, d1) -> (0, 0)>
#map1 = affine_map<(d0, d1) -> (0, 0, 0)>
module attributes {stable_mosaic.version = 14 : i64} {
  func.func @_sc_agg_body(%arg0: i32, %arg1: i32, %arg2: memref<25000x128xi32, #tpu.memory_space<hbm>>, %arg3: memref<6656x96xi32, #tpu.memory_space<hbm>>, %arg4: memref<2x6656x96xi32, #tpu.memory_space<hbm>>, %arg5: memref<13056x128xi32, #tpu.memory_space<hbm>>, %arg6: memref<2x13056x128xi32, #tpu.memory_space<hbm>>, %arg7: memref<8x96xi32, #tpu.memory_space<vmem>>, %arg8: memref<8x96xi32, #tpu.memory_space<vmem>>, %arg9: memref<2x96x128xi32, #tpu.memory_space<vmem>>, %arg10: memref<13056x128xi32, #tpu.memory_space<vmem_shared>>, %arg11: memref<!tpu.dma_semaphore, #tpu.memory_space<semaphore_mem>>, %arg12: memref<!tpu.dma_semaphore, #tpu.memory_space<semaphore_mem>>) attributes {dimension_semantics = [#tpu.dimension_semantics<core_parallel>, #tpu.dimension_semantics<subcore_parallel>], iteration_bounds = array<i64: 2, 16>, scalar_prefetch = 0 : i64, scratch_operands = 6 : i64, tpu.core_type = #tpu.core_type<sc_vector_subcore>, window_params = [{transform_indices = #map}, {transform_indices = #map}, {transform_indices = #map1}, {transform_indices = #map}, {transform_indices = #map1}]} {
    %mul3A = arith.constant 816 : i32
    %mul3A_0 = arith.muli %arg1, %mul3A : i32
    "tpu.region"() ({
      %run_scoped3A = tpu.sem_alloc : memref<!tpu.dma_semaphore, #tpu.memory_space<semaphore_mem>>
      %dma_start3A = arith.constant 0 : i32
      %dma_start3A_9 = tpu.memref_slice %arg10[%mul3A_0, %dma_start3A] : memref<13056x128xi32, #tpu.memory_space<vmem_shared>> -> memref<816x128xi32, #tpu.memory_space<vmem_shared>>
      %dma_start3A_10 = arith.constant 0 : i32
      %dma_start3A_11 = tpu.memref_slice %arg5[%mul3A_0, %dma_start3A_10] : memref<13056x128xi32, #tpu.memory_space<hbm>> -> memref<816x128xi32, #tpu.memory_space<hbm>>
      tpu.enqueue_dma source(%dma_start3A_11 : memref<816x128xi32, #tpu.memory_space<hbm>>) target(%dma_start3A_9 : memref<816x128xi32, #tpu.memory_space<vmem_shared>>) target_semaphore(%run_scoped3A : memref<!tpu.dma_semaphore, #tpu.memory_space<semaphore_mem>>)
      %dma_wait3A = arith.constant 0 : i32
      %dma_wait3A_12 = tpu.memref_slice %arg10[%mul3A_0, %dma_wait3A] : memref<13056x128xi32, #tpu.memory_space<vmem_shared>> -> memref<816x128xi32, #tpu.memory_space<vmem_shared>>
      %dma_wait3A_13 = arith.constant 0 : i32
      %dma_wait3A_14 = tpu.memref_slice %arg5[%mul3A_0, %dma_wait3A_13] : memref<13056x128xi32, #tpu.memory_space<hbm>> -> memref<816x128xi32, #tpu.memory_space<hbm>>
      tpu.wait_dma2 semaphore(%run_scoped3A : memref<!tpu.dma_semaphore, #tpu.memory_space<semaphore_mem>>) src(%dma_wait3A_14 : memref<816x128xi32, #tpu.memory_space<hbm>>) dst(%dma_wait3A_12 : memref<816x128xi32, #tpu.memory_space<vmem_shared>>)
      tpu.yield
    }) : () -> ()
    %barrier3A = arith.constant 0 : index
    tpu.barrier barrier_id(%barrier3A)
    %mul3A_1 = arith.constant 416 : i32
    %mul3A_2 = arith.muli %arg1, %mul3A_1 : i32
    %scan3A = arith.constant 0 : i32
    %scan3A_3 = arith.constant 0 : i32
    %scan3A_4 = arith.constant 52 : i32
    %scan3A_5 = arith.addi %scan3A_3, %scan3A_4 : i32
    %scan3A_6 = arith.constant 1 : i32
    scf.for %scan3A_9 = %scan3A_3 to %scan3A_5 step %scan3A_6  : i32 {
      %mul3A_10 = arith.constant 8 : i32
      %mul3A_11 = arith.muli %scan3A_9, %mul3A_10 : i32
      %add3A = arith.addi %mul3A_2, %mul3A_11 : i32
      "tpu.region"() ({
        %run_scoped3A_220 = tpu.sem_alloc : memref<!tpu.dma_semaphore, #tpu.memory_space<semaphore_mem>>
        %dma_start3A_221 = arith.constant 0 : i32
        %dma_start3A_222 = tpu.memref_slice %arg3[%add3A, %dma_start3A_221] : memref<6656x96xi32, #tpu.memory_space<hbm>> -> memref<8x96xi32, #tpu.memory_space<hbm>>
        %dma_start3A_223 = arith.constant 0 : i32
        %dma_start3A_224 = tpu.memref_slice %arg3[%add3A, %dma_start3A_223] : memref<6656x96xi32, #tpu.memory_space<hbm>> -> memref<8x96xi32, #tpu.memory_space<hbm>>
        tpu.enqueue_dma source(%dma_start3A_224 : memref<8x96xi32, #tpu.memory_space<hbm>>) target(%arg7 : memref<8x96xi32, #tpu.memory_space<vmem>>) target_semaphore(%run_scoped3A_220 : memref<!tpu.dma_semaphore, #tpu.memory_space<semaphore_mem>>)
        %dma_wait3A_225 = arith.constant 0 : i32
        %dma_wait3A_226 = tpu.memref_slice %arg3[%add3A, %dma_wait3A_225] : memref<6656x96xi32, #tpu.memory_space<hbm>> -> memref<8x96xi32, #tpu.memory_space<hbm>>
        %dma_wait3A_227 = arith.constant 0 : i32
        %dma_wait3A_228 = tpu.memref_slice %arg3[%add3A, %dma_wait3A_227] : memref<6656x96xi32, #tpu.memory_space<hbm>> -> memref<8x96xi32, #tpu.memory_space<hbm>>
        tpu.wait_dma2 semaphore(%run_scoped3A_220 : memref<!tpu.dma_semaphore, #tpu.memory_space<semaphore_mem>>) src(%dma_wait3A_228 : memref<8x96xi32, #tpu.memory_space<hbm>>) dst(%arg7 : memref<8x96xi32, #tpu.memory_space<vmem>>)
        tpu.yield
      }) : () -> ()
      %mul3A_12 = arith.constant 8 : i32
      %mul3A_13 = arith.muli %scan3A_9, %mul3A_12 : i32
      %add3A_14 = arith.addi %mul3A_2, %mul3A_13 : i32
      "tpu.region"() ({
        %run_scoped3A_220 = tpu.sem_alloc : memref<!tpu.dma_semaphore, #tpu.memory_space<semaphore_mem>>
        %dma_start3A_221 = arith.constant 0 : i32
        %dma_start3A_222 = tpu.memref_slice %arg4[%arg0, %add3A_14, %dma_start3A_221] : memref<2x6656x96xi32, #tpu.memory_space<hbm>> -> memref<1x8x96xi32, #tpu.memory_space<hbm>>
        %dma_start3A_223 = tpu.memref_squeeze %dma_start3A_222 : memref<1x8x96xi32, #tpu.memory_space<hbm>> -> memref<8x96xi32, #tpu.memory_space<hbm>>
        %dma_start3A_224 = arith.constant 0 : i32
        %dma_start3A_225 = tpu.memref_slice %arg4[%arg0, %add3A_14, %dma_start3A_224] : memref<2x6656x96xi32, #tpu.memory_space<hbm>> -> memref<1x8x96xi32, #tpu.memory_space<hbm>>
        %dma_start3A_226 = tpu.memref_squeeze %dma_start3A_225 : memref<1x8x96xi32, #tpu.memory_space<hbm>> -> memref<8x96xi32, #tpu.memory_space<hbm>>
        tpu.enqueue_dma source(%dma_start3A_226 : memref<8x96xi32, #tpu.memory_space<hbm>>) target(%arg8 : memref<8x96xi32, #tpu.memory_space<vmem>>) target_semaphore(%run_scoped3A_220 : memref<!tpu.dma_semaphore, #tpu.memory_space<semaphore_mem>>)
        %dma_wait3A_227 = arith.constant 0 : i32
        %dma_wait3A_228 = tpu.memref_slice %arg4[%arg0, %add3A_14, %dma_wait3A_227] : memref<2x6656x96xi32, #tpu.memory_space<hbm>> -> memref<1x8x96xi32, #tpu.memory_space<hbm>>
        %dma_wait3A_229 = tpu.memref_squeeze %dma_wait3A_228 : memref<1x8x96xi32, #tpu.memory_space<hbm>> -> memref<8x96xi32, #tpu.memory_space<hbm>>
        %dma_wait3A_230 = arith.constant 0 : i32
        %dma_wait3A_231 = tpu.memref_slice %arg4[%arg0, %add3A_14, %dma_wait3A_230] : memref<2x6656x96xi32, #tpu.memory_space<hbm>> -> memref<1x8x96xi32, #tpu.memory_space<hbm>>
        %dma_wait3A_232 = tpu.memref_squeeze %dma_wait3A_231 : memref<1x8x96xi32, #tpu.memory_space<hbm>> -> memref<8x96xi32, #tpu.memory_space<hbm>>
        tpu.wait_dma2 semaphore(%run_scoped3A_220 : memref<!tpu.dma_semaphore, #tpu.memory_space<semaphore_mem>>) src(%dma_wait3A_232 : memref<8x96xi32, #tpu.memory_space<hbm>>) dst(%arg8 : memref<8x96xi32, #tpu.memory_space<vmem>>)
        tpu.yield
      }) : () -> ()
      %dma_start3A = arith.constant 0 : i32
      %dma_start3A_15 = arith.constant 0 : i32
      %dma_start3A_16 = arith.constant 0 : i32
      %dma_start3A_17 = arith.constant 0 : i32
      %dma_start3A_18 = tpu.memref_slice %arg9[%dma_start3A_15, %dma_start3A_16, %dma_start3A_17] : memref<2x96x128xi32, #tpu.memory_space<vmem>> -> memref<1x96x128xi32, #tpu.memory_space<vmem>>
      %dma_start3A_19 = tpu.memref_squeeze %dma_start3A_18 : memref<1x96x128xi32, #tpu.memory_space<vmem>> -> memref<96x128xi32, #tpu.memory_space<vmem>>
      %dma_start3A_20 = arith.constant 0 : i32
      %dma_start3A_21 = tpu.memref_slice %arg7[%dma_start3A, %dma_start3A_20] : memref<8x96xi32, #tpu.memory_space<vmem>> -> memref<1x96xi32, #tpu.memory_space<vmem>>
      %dma_start3A_22 = tpu.memref_squeeze %dma_start3A_21 : memref<1x96xi32, #tpu.memory_space<vmem>> -> memref<96xi32, #tpu.memory_space<vmem>>
      %dma_start3A_23 = arith.constant 0 : i32
      %dma_start3A_24 = arith.constant 0 : i32
      %dma_start3A_25 = tpu.memref_slice %arg2[%dma_start3A_23, %dma_start3A_24] : memref<25000x128xi32, #tpu.memory_space<hbm>> -> memref<25000x128xi32, #tpu.memory_space<hbm>>
      tpu.enqueue_indirect_dma source(%dma_start3A_25 : memref<25000x128xi32, #tpu.memory_space<hbm>>) target(%dma_start3A_19 : memref<96x128xi32, #tpu.memory_space<vmem>>) offsets(%dma_start3A_22 : memref<96xi32, #tpu.memory_space<vmem>>) semaphore(%arg11 : memref<!tpu.dma_semaphore, #tpu.memory_space<semaphore_mem>>)
      %dma_start3A_26 = arith.constant 1 : i32
      %dma_start3A_27 = arith.constant 1 : i32
      %dma_start3A_28 = arith.constant 0 : i32
      %dma_start3A_29 = arith.constant 0 : i32
      %dma_start3A_30 = tpu.memref_slice %arg9[%dma_start3A_27, %dma_start3A_28, %dma_start3A_29] : memref<2x96x128xi32, #tpu.memory_space<vmem>> -> memref<1x96x128xi32, #tpu.memory_space<vmem>>
      %dma_start3A_31 = tpu.memref_squeeze %dma_start3A_30 : memref<1x96x128xi32, #tpu.memory_space<vmem>> -> memref<96x128xi32, #tpu.memory_space<vmem>>
      %dma_start3A_32 = arith.constant 0 : i32
      %dma_start3A_33 = tpu.memref_slice %arg7[%dma_start3A_26, %dma_start3A_32] : memref<8x96xi32, #tpu.memory_space<vmem>> -> memref<1x96xi32, #tpu.memory_space<vmem>>
      %dma_start3A_34 = tpu.memref_squeeze %dma_start3A_33 : memref<1x96xi32, #tpu.memory_space<vmem>> -> memref<96xi32, #tpu.memory_space<vmem>>
      %dma_start3A_35 = arith.constant 0 : i32
      %dma_start3A_36 = arith.constant 0 : i32
      %dma_start3A_37 = tpu.memref_slice %arg2[%dma_start3A_35, %dma_start3A_36] : memref<25000x128xi32, #tpu.memory_space<hbm>> -> memref<25000x128xi32, #tpu.memory_space<hbm>>
      tpu.enqueue_indirect_dma source(%dma_start3A_37 : memref<25000x128xi32, #tpu.memory_space<hbm>>) target(%dma_start3A_31 : memref<96x128xi32, #tpu.memory_space<vmem>>) offsets(%dma_start3A_34 : memref<96xi32, #tpu.memory_space<vmem>>) semaphore(%arg12 : memref<!tpu.dma_semaphore, #tpu.memory_space<semaphore_mem>>)
      %dma_wait3A = arith.constant 0 : i32
      %dma_wait3A_38 = arith.constant 0 : i32
      %dma_wait3A_39 = arith.constant 0 : i32
      %dma_wait3A_40 = arith.constant 0 : i32
      %dma_wait3A_41 = tpu.memref_slice %arg9[%dma_wait3A_38, %dma_wait3A_39, %dma_wait3A_40] : memref<2x96x128xi32, #tpu.memory_space<vmem>> -> memref<1x96x128xi32, #tpu.memory_space<vmem>>
      %dma_wait3A_42 = tpu.memref_squeeze %dma_wait3A_41 : memref<1x96x128xi32, #tpu.memory_space<vmem>> -> memref<96x128xi32, #tpu.memory_space<vmem>>
      %dma_wait3A_43 = arith.constant 0 : i32
      %dma_wait3A_44 = tpu.memref_slice %arg7[%dma_wait3A, %dma_wait3A_43] : memref<8x96xi32, #tpu.memory_space<vmem>> -> memref<1x96xi32, #tpu.memory_space<vmem>>
      %dma_wait3A_45 = tpu.memref_squeeze %dma_wait3A_44 : memref<1x96xi32, #tpu.memory_space<vmem>> -> memref<96xi32, #tpu.memory_space<vmem>>
      %dma_wait3A_46 = arith.constant 0 : i32
      %dma_wait3A_47 = arith.constant 0 : i32
      %dma_wait3A_48 = tpu.memref_slice %arg2[%dma_wait3A_46, %dma_wait3A_47] : memref<25000x128xi32, #tpu.memory_space<hbm>> -> memref<25000x128xi32, #tpu.memory_space<hbm>>
      tpu.wait_indirect_dma semaphore(%arg11 : memref<!tpu.dma_semaphore, #tpu.memory_space<semaphore_mem>>) src(%dma_wait3A_48 : memref<25000x128xi32, #tpu.memory_space<hbm>>) dst(%dma_wait3A_42 : memref<96x128xi32, #tpu.memory_space<vmem>>)
      %run_scoped3A = arith.constant 0 : i32
      %run_scoped3A_49 = arith.constant 0 : i32
      "tpu.region"() ({
        %run_scoped3A_220 = tpu.sem_alloc : memref<!tpu.dma_semaphore, #tpu.memory_space<semaphore_mem>>
        %dma_start3A_221 = arith.constant 0 : i32
        %dma_start3A_222 = arith.constant 0 : i32
        %dma_start3A_223 = tpu.memref_slice %arg9[%run_scoped3A, %dma_start3A_221, %dma_start3A_222] : memref<2x96x128xi32, #tpu.memory_space<vmem>> -> memref<1x96x128xi32, #tpu.memory_space<vmem>>
        %dma_start3A_224 = tpu.memref_squeeze %dma_start3A_223 : memref<1x96x128xi32, #tpu.memory_space<vmem>> -> memref<96x128xi32, #tpu.memory_space<vmem>>
        %dma_start3A_225 = arith.constant 0 : i32
        %dma_start3A_226 = tpu.memref_slice %arg8[%run_scoped3A_49, %dma_start3A_225] : memref<8x96xi32, #tpu.memory_space<vmem>> -> memref<1x96xi32, #tpu.memory_space<vmem>>
        %dma_start3A_227 = tpu.memref_squeeze %dma_start3A_226 : memref<1x96xi32, #tpu.memory_space<vmem>> -> memref<96xi32, #tpu.memory_space<vmem>>
        %dma_start3A_228 = arith.constant 0 : i32
        %dma_start3A_229 = arith.constant 0 : i32
        %dma_start3A_230 = tpu.memref_slice %arg10[%dma_start3A_228, %dma_start3A_229] : memref<13056x128xi32, #tpu.memory_space<vmem_shared>> -> memref<13056x128xi32, #tpu.memory_space<vmem_shared>>
        tpu.enqueue_indirect_dma source(%dma_start3A_224 : memref<96x128xi32, #tpu.memory_space<vmem>>) target(%dma_start3A_230 : memref<13056x128xi32, #tpu.memory_space<vmem_shared>>) offsets(%dma_start3A_227 : memref<96xi32, #tpu.memory_space<vmem>>) semaphore(%run_scoped3A_220 : memref<!tpu.dma_semaphore, #tpu.memory_space<semaphore_mem>>) {add = true}
        %dma_wait3A_231 = arith.constant 0 : i32
        %dma_wait3A_232 = arith.constant 0 : i32
        %dma_wait3A_233 = tpu.memref_slice %arg9[%run_scoped3A, %dma_wait3A_231, %dma_wait3A_232] : memref<2x96x128xi32, #tpu.memory_space<vmem>> -> memref<1x96x128xi32, #tpu.memory_space<vmem>>
        %dma_wait3A_234 = tpu.memref_squeeze %dma_wait3A_233 : memref<1x96x128xi32, #tpu.memory_space<vmem>> -> memref<96x128xi32, #tpu.memory_space<vmem>>
        %dma_wait3A_235 = arith.constant 0 : i32
        %dma_wait3A_236 = tpu.memref_slice %arg8[%run_scoped3A_49, %dma_wait3A_235] : memref<8x96xi32, #tpu.memory_space<vmem>> -> memref<1x96xi32, #tpu.memory_space<vmem>>
        %dma_wait3A_237 = tpu.memref_squeeze %dma_wait3A_236 : memref<1x96xi32, #tpu.memory_space<vmem>> -> memref<96xi32, #tpu.memory_space<vmem>>
        %dma_wait3A_238 = arith.constant 0 : i32
        %dma_wait3A_239 = arith.constant 0 : i32
        %dma_wait3A_240 = tpu.memref_slice %arg10[%dma_wait3A_238, %dma_wait3A_239] : memref<13056x128xi32, #tpu.memory_space<vmem_shared>> -> memref<13056x128xi32, #tpu.memory_space<vmem_shared>>
        tpu.wait_indirect_dma semaphore(%run_scoped3A_220 : memref<!tpu.dma_semaphore, #tpu.memory_space<semaphore_mem>>) src(%dma_wait3A_234 : memref<96x128xi32, #tpu.memory_space<vmem>>) dst(%dma_wait3A_240 : memref<13056x128xi32, #tpu.memory_space<vmem_shared>>)
        tpu.yield
      }) : () -> ()
      %dma_start3A_50 = arith.constant 2 : i32
      %dma_start3A_51 = arith.constant 0 : i32
      %dma_start3A_52 = arith.constant 0 : i32
      %dma_start3A_53 = arith.constant 0 : i32
      %dma_start3A_54 = tpu.memref_slice %arg9[%dma_start3A_51, %dma_start3A_52, %dma_start3A_53] : memref<2x96x128xi32, #tpu.memory_space<vmem>> -> memref<1x96x128xi32, #tpu.memory_space<vmem>>
      %dma_start3A_55 = tpu.memref_squeeze %dma_start3A_54 : memref<1x96x128xi32, #tpu.memory_space<vmem>> -> memref<96x128xi32, #tpu.memory_space<vmem>>
      %dma_start3A_56 = arith.constant 0 : i32
      %dma_start3A_57 = tpu.memref_slice %arg7[%dma_start3A_50, %dma_start3A_56] : memref<8x96xi32, #tpu.memory_space<vmem>> -> memref<1x96xi32, #tpu.memory_space<vmem>>
      %dma_start3A_58 = tpu.memref_squeeze %dma_start3A_57 : memref<1x96xi32, #tpu.memory_space<vmem>> -> memref<96xi32, #tpu.memory_space<vmem>>
      %dma_start3A_59 = arith.constant 0 : i32
      %dma_start3A_60 = arith.constant 0 : i32
      %dma_start3A_61 = tpu.memref_slice %arg2[%dma_start3A_59, %dma_start3A_60] : memref<25000x128xi32, #tpu.memory_space<hbm>> -> memref<25000x128xi32, #tpu.memory_space<hbm>>
      tpu.enqueue_indirect_dma source(%dma_start3A_61 : memref<25000x128xi32, #tpu.memory_space<hbm>>) target(%dma_start3A_55 : memref<96x128xi32, #tpu.memory_space<vmem>>) offsets(%dma_start3A_58 : memref<96xi32, #tpu.memory_space<vmem>>) semaphore(%arg11 : memref<!tpu.dma_semaphore, #tpu.memory_space<semaphore_mem>>)
      %dma_wait3A_62 = arith.constant 1 : i32
      %dma_wait3A_63 = arith.constant 1 : i32
      %dma_wait3A_64 = arith.constant 0 : i32
      %dma_wait3A_65 = arith.constant 0 : i32
      %dma_wait3A_66 = tpu.memref_slice %arg9[%dma_wait3A_63, %dma_wait3A_64, %dma_wait3A_65] : memref<2x96x128xi32, #tpu.memory_space<vmem>> -> memref<1x96x128xi32, #tpu.memory_space<vmem>>
      %dma_wait3A_67 = tpu.memref_squeeze %dma_wait3A_66 : memref<1x96x128xi32, #tpu.memory_space<vmem>> -> memref<96x128xi32, #tpu.memory_space<vmem>>
      %dma_wait3A_68 = arith.constant 0 : i32
      %dma_wait3A_69 = tpu.memref_slice %arg7[%dma_wait3A_62, %dma_wait3A_68] : memref<8x96xi32, #tpu.memory_space<vmem>> -> memref<1x96xi32, #tpu.memory_space<vmem>>
      %dma_wait3A_70 = tpu.memref_squeeze %dma_wait3A_69 : memref<1x96xi32, #tpu.memory_space<vmem>> -> memref<96xi32, #tpu.memory_space<vmem>>
      %dma_wait3A_71 = arith.constant 0 : i32
      %dma_wait3A_72 = arith.constant 0 : i32
      %dma_wait3A_73 = tpu.memref_slice %arg2[%dma_wait3A_71, %dma_wait3A_72] : memref<25000x128xi32, #tpu.memory_space<hbm>> -> memref<25000x128xi32, #tpu.memory_space<hbm>>
      tpu.wait_indirect_dma semaphore(%arg12 : memref<!tpu.dma_semaphore, #tpu.memory_space<semaphore_mem>>) src(%dma_wait3A_73 : memref<25000x128xi32, #tpu.memory_space<hbm>>) dst(%dma_wait3A_67 : memref<96x128xi32, #tpu.memory_space<vmem>>)
      %run_scoped3A_74 = arith.constant 1 : i32
      %run_scoped3A_75 = arith.constant 1 : i32
      "tpu.region"() ({
        %run_scoped3A_220 = tpu.sem_alloc : memref<!tpu.dma_semaphore, #tpu.memory_space<semaphore_mem>>
        %dma_start3A_221 = arith.constant 0 : i32
        %dma_start3A_222 = arith.constant 0 : i32
        %dma_start3A_223 = tpu.memref_slice %arg9[%run_scoped3A_74, %dma_start3A_221, %dma_start3A_222] : memref<2x96x128xi32, #tpu.memory_space<vmem>> -> memref<1x96x128xi32, #tpu.memory_space<vmem>>
        %dma_start3A_224 = tpu.memref_squeeze %dma_start3A_223 : memref<1x96x128xi32, #tpu.memory_space<vmem>> -> memref<96x128xi32, #tpu.memory_space<vmem>>
        %dma_start3A_225 = arith.constant 0 : i32
        %dma_start3A_226 = tpu.memref_slice %arg8[%run_scoped3A_75, %dma_start3A_225] : memref<8x96xi32, #tpu.memory_space<vmem>> -> memref<1x96xi32, #tpu.memory_space<vmem>>
        %dma_start3A_227 = tpu.memref_squeeze %dma_start3A_226 : memref<1x96xi32, #tpu.memory_space<vmem>> -> memref<96xi32, #tpu.memory_space<vmem>>
        %dma_start3A_228 = arith.constant 0 : i32
        %dma_start3A_229 = arith.constant 0 : i32
        %dma_start3A_230 = tpu.memref_slice %arg10[%dma_start3A_228, %dma_start3A_229] : memref<13056x128xi32, #tpu.memory_space<vmem_shared>> -> memref<13056x128xi32, #tpu.memory_space<vmem_shared>>
        tpu.enqueue_indirect_dma source(%dma_start3A_224 : memref<96x128xi32, #tpu.memory_space<vmem>>) target(%dma_start3A_230 : memref<13056x128xi32, #tpu.memory_space<vmem_shared>>) offsets(%dma_start3A_227 : memref<96xi32, #tpu.memory_space<vmem>>) semaphore(%run_scoped3A_220 : memref<!tpu.dma_semaphore, #tpu.memory_space<semaphore_mem>>) {add = true}
        %dma_wait3A_231 = arith.constant 0 : i32
        %dma_wait3A_232 = arith.constant 0 : i32
        %dma_wait3A_233 = tpu.memref_slice %arg9[%run_scoped3A_74, %dma_wait3A_231, %dma_wait3A_232] : memref<2x96x128xi32, #tpu.memory_space<vmem>> -> memref<1x96x128xi32, #tpu.memory_space<vmem>>
        %dma_wait3A_234 = tpu.memref_squeeze %dma_wait3A_233 : memref<1x96x128xi32, #tpu.memory_space<vmem>> -> memref<96x128xi32, #tpu.memory_space<vmem>>
        %dma_wait3A_235 = arith.constant 0 : i32
        %dma_wait3A_236 = tpu.memref_slice %arg8[%run_scoped3A_75, %dma_wait3A_235] : memref<8x96xi32, #tpu.memory_space<vmem>> -> memref<1x96xi32, #tpu.memory_space<vmem>>
        %dma_wait3A_237 = tpu.memref_squeeze %dma_wait3A_236 : memref<1x96xi32, #tpu.memory_space<vmem>> -> memref<96xi32, #tpu.memory_space<vmem>>
        %dma_wait3A_238 = arith.constant 0 : i32
        %dma_wait3A_239 = arith.constant 0 : i32
        %dma_wait3A_240 = tpu.memref_slice %arg10[%dma_wait3A_238, %dma_wait3A_239] : memref<13056x128xi32, #tpu.memory_space<vmem_shared>> -> memref<13056x128xi32, #tpu.memory_space<vmem_shared>>
        tpu.wait_indirect_dma semaphore(%run_scoped3A_220 : memref<!tpu.dma_semaphore, #tpu.memory_space<semaphore_mem>>) src(%dma_wait3A_234 : memref<96x128xi32, #tpu.memory_space<vmem>>) dst(%dma_wait3A_240 : memref<13056x128xi32, #tpu.memory_space<vmem_shared>>)
        tpu.yield
      }) : () -> ()
      %dma_start3A_76 = arith.constant 3 : i32
      %dma_start3A_77 = arith.constant 1 : i32
      %dma_start3A_78 = arith.constant 0 : i32
      %dma_start3A_79 = arith.constant 0 : i32
      %dma_start3A_80 = tpu.memref_slice %arg9[%dma_start3A_77, %dma_start3A_78, %dma_start3A_79] : memref<2x96x128xi32, #tpu.memory_space<vmem>> -> memref<1x96x128xi32, #tpu.memory_space<vmem>>
      %dma_start3A_81 = tpu.memref_squeeze %dma_start3A_80 : memref<1x96x128xi32, #tpu.memory_space<vmem>> -> memref<96x128xi32, #tpu.memory_space<vmem>>
      %dma_start3A_82 = arith.constant 0 : i32
      %dma_start3A_83 = tpu.memref_slice %arg7[%dma_start3A_76, %dma_start3A_82] : memref<8x96xi32, #tpu.memory_space<vmem>> -> memref<1x96xi32, #tpu.memory_space<vmem>>
      %dma_start3A_84 = tpu.memref_squeeze %dma_start3A_83 : memref<1x96xi32, #tpu.memory_space<vmem>> -> memref<96xi32, #tpu.memory_space<vmem>>
      %dma_start3A_85 = arith.constant 0 : i32
      %dma_start3A_86 = arith.constant 0 : i32
      %dma_start3A_87 = tpu.memref_slice %arg2[%dma_start3A_85, %dma_start3A_86] : memref<25000x128xi32, #tpu.memory_space<hbm>> -> memref<25000x128xi32, #tpu.memory_space<hbm>>
      tpu.enqueue_indirect_dma source(%dma_start3A_87 : memref<25000x128xi32, #tpu.memory_space<hbm>>) target(%dma_start3A_81 : memref<96x128xi32, #tpu.memory_space<vmem>>) offsets(%dma_start3A_84 : memref<96xi32, #tpu.memory_space<vmem>>) semaphore(%arg12 : memref<!tpu.dma_semaphore, #tpu.memory_space<semaphore_mem>>)
      %dma_wait3A_88 = arith.constant 2 : i32
      %dma_wait3A_89 = arith.constant 0 : i32
      %dma_wait3A_90 = arith.constant 0 : i32
      %dma_wait3A_91 = arith.constant 0 : i32
      %dma_wait3A_92 = tpu.memref_slice %arg9[%dma_wait3A_89, %dma_wait3A_90, %dma_wait3A_91] : memref<2x96x128xi32, #tpu.memory_space<vmem>> -> memref<1x96x128xi32, #tpu.memory_space<vmem>>
      %dma_wait3A_93 = tpu.memref_squeeze %dma_wait3A_92 : memref<1x96x128xi32, #tpu.memory_space<vmem>> -> memref<96x128xi32, #tpu.memory_space<vmem>>
      %dma_wait3A_94 = arith.constant 0 : i32
      %dma_wait3A_95 = tpu.memref_slice %arg7[%dma_wait3A_88, %dma_wait3A_94] : memref<8x96xi32, #tpu.memory_space<vmem>> -> memref<1x96xi32, #tpu.memory_space<vmem>>
      %dma_wait3A_96 = tpu.memref_squeeze %dma_wait3A_95 : memref<1x96xi32, #tpu.memory_space<vmem>> -> memref<96xi32, #tpu.memory_space<vmem>>
      %dma_wait3A_97 = arith.constant 0 : i32
      %dma_wait3A_98 = arith.constant 0 : i32
      %dma_wait3A_99 = tpu.memref_slice %arg2[%dma_wait3A_97, %dma_wait3A_98] : memref<25000x128xi32, #tpu.memory_space<hbm>> -> memref<25000x128xi32, #tpu.memory_space<hbm>>
      tpu.wait_indirect_dma semaphore(%arg11 : memref<!tpu.dma_semaphore, #tpu.memory_space<semaphore_mem>>) src(%dma_wait3A_99 : memref<25000x128xi32, #tpu.memory_space<hbm>>) dst(%dma_wait3A_93 : memref<96x128xi32, #tpu.memory_space<vmem>>)
      %run_scoped3A_100 = arith.constant 0 : i32
      %run_scoped3A_101 = arith.constant 2 : i32
      "tpu.region"() ({
        %run_scoped3A_220 = tpu.sem_alloc : memref<!tpu.dma_semaphore, #tpu.memory_space<semaphore_mem>>
        %dma_start3A_221 = arith.constant 0 : i32
        %dma_start3A_222 = arith.constant 0 : i32
        %dma_start3A_223 = tpu.memref_slice %arg9[%run_scoped3A_100, %dma_start3A_221, %dma_start3A_222] : memref<2x96x128xi32, #tpu.memory_space<vmem>> -> memref<1x96x128xi32, #tpu.memory_space<vmem>>
        %dma_start3A_224 = tpu.memref_squeeze %dma_start3A_223 : memref<1x96x128xi32, #tpu.memory_space<vmem>> -> memref<96x128xi32, #tpu.memory_space<vmem>>
        %dma_start3A_225 = arith.constant 0 : i32
        %dma_start3A_226 = tpu.memref_slice %arg8[%run_scoped3A_101, %dma_start3A_225] : memref<8x96xi32, #tpu.memory_space<vmem>> -> memref<1x96xi32, #tpu.memory_space<vmem>>
        %dma_start3A_227 = tpu.memref_squeeze %dma_start3A_226 : memref<1x96xi32, #tpu.memory_space<vmem>> -> memref<96xi32, #tpu.memory_space<vmem>>
        %dma_start3A_228 = arith.constant 0 : i32
        %dma_start3A_229 = arith.constant 0 : i32
        %dma_start3A_230 = tpu.memref_slice %arg10[%dma_start3A_228, %dma_start3A_229] : memref<13056x128xi32, #tpu.memory_space<vmem_shared>> -> memref<13056x128xi32, #tpu.memory_space<vmem_shared>>
        tpu.enqueue_indirect_dma source(%dma_start3A_224 : memref<96x128xi32, #tpu.memory_space<vmem>>) target(%dma_start3A_230 : memref<13056x128xi32, #tpu.memory_space<vmem_shared>>) offsets(%dma_start3A_227 : memref<96xi32, #tpu.memory_space<vmem>>) semaphore(%run_scoped3A_220 : memref<!tpu.dma_semaphore, #tpu.memory_space<semaphore_mem>>) {add = true}
        %dma_wait3A_231 = arith.constant 0 : i32
        %dma_wait3A_232 = arith.constant 0 : i32
        %dma_wait3A_233 = tpu.memref_slice %arg9[%run_scoped3A_100, %dma_wait3A_231, %dma_wait3A_232] : memref<2x96x128xi32, #tpu.memory_space<vmem>> -> memref<1x96x128xi32, #tpu.memory_space<vmem>>
        %dma_wait3A_234 = tpu.memref_squeeze %dma_wait3A_233 : memref<1x96x128xi32, #tpu.memory_space<vmem>> -> memref<96x128xi32, #tpu.memory_space<vmem>>
        %dma_wait3A_235 = arith.constant 0 : i32
        %dma_wait3A_236 = tpu.memref_slice %arg8[%run_scoped3A_101, %dma_wait3A_235] : memref<8x96xi32, #tpu.memory_space<vmem>> -> memref<1x96xi32, #tpu.memory_space<vmem>>
        %dma_wait3A_237 = tpu.memref_squeeze %dma_wait3A_236 : memref<1x96xi32, #tpu.memory_space<vmem>> -> memref<96xi32, #tpu.memory_space<vmem>>
        %dma_wait3A_238 = arith.constant 0 : i32
        %dma_wait3A_239 = arith.constant 0 : i32
        %dma_wait3A_240 = tpu.memref_slice %arg10[%dma_wait3A_238, %dma_wait3A_239] : memref<13056x128xi32, #tpu.memory_space<vmem_shared>> -> memref<13056x128xi32, #tpu.memory_space<vmem_shared>>
        tpu.wait_indirect_dma semaphore(%run_scoped3A_220 : memref<!tpu.dma_semaphore, #tpu.memory_space<semaphore_mem>>) src(%dma_wait3A_234 : memref<96x128xi32, #tpu.memory_space<vmem>>) dst(%dma_wait3A_240 : memref<13056x128xi32, #tpu.memory_space<vmem_shared>>)
        tpu.yield
      }) : () -> ()
      %dma_start3A_102 = arith.constant 4 : i32
      %dma_start3A_103 = arith.constant 0 : i32
      %dma_start3A_104 = arith.constant 0 : i32
      %dma_start3A_105 = arith.constant 0 : i32
      %dma_start3A_106 = tpu.memref_slice %arg9[%dma_start3A_103, %dma_start3A_104, %dma_start3A_105] : memref<2x96x128xi32, #tpu.memory_space<vmem>> -> memref<1x96x128xi32, #tpu.memory_space<vmem>>
      %dma_start3A_107 = tpu.memref_squeeze %dma_start3A_106 : memref<1x96x128xi32, #tpu.memory_space<vmem>> -> memref<96x128xi32, #tpu.memory_space<vmem>>
      %dma_start3A_108 = arith.constant 0 : i32
      %dma_start3A_109 = tpu.memref_slice %arg7[%dma_start3A_102, %dma_start3A_108] : memref<8x96xi32, #tpu.memory_space<vmem>> -> memref<1x96xi32, #tpu.memory_space<vmem>>
      %dma_start3A_110 = tpu.memref_squeeze %dma_start3A_109 : memref<1x96xi32, #tpu.memory_space<vmem>> -> memref<96xi32, #tpu.memory_space<vmem>>
      %dma_start3A_111 = arith.constant 0 : i32
      %dma_start3A_112 = arith.constant 0 : i32
      %dma_start3A_113 = tpu.memref_slice %arg2[%dma_start3A_111, %dma_start3A_112] : memref<25000x128xi32, #tpu.memory_space<hbm>> -> memref<25000x128xi32, #tpu.memory_space<hbm>>
      tpu.enqueue_indirect_dma source(%dma_start3A_113 : memref<25000x128xi32, #tpu.memory_space<hbm>>) target(%dma_start3A_107 : memref<96x128xi32, #tpu.memory_space<vmem>>) offsets(%dma_start3A_110 : memref<96xi32, #tpu.memory_space<vmem>>) semaphore(%arg11 : memref<!tpu.dma_semaphore, #tpu.memory_space<semaphore_mem>>)
      %dma_wait3A_114 = arith.constant 3 : i32
      %dma_wait3A_115 = arith.constant 1 : i32
      %dma_wait3A_116 = arith.constant 0 : i32
      %dma_wait3A_117 = arith.constant 0 : i32
      %dma_wait3A_118 = tpu.memref_slice %arg9[%dma_wait3A_115, %dma_wait3A_116, %dma_wait3A_117] : memref<2x96x128xi32, #tpu.memory_space<vmem>> -> memref<1x96x128xi32, #tpu.memory_space<vmem>>
      %dma_wait3A_119 = tpu.memref_squeeze %dma_wait3A_118 : memref<1x96x128xi32, #tpu.memory_space<vmem>> -> memref<96x128xi32, #tpu.memory_space<vmem>>
      %dma_wait3A_120 = arith.constant 0 : i32
      %dma_wait3A_121 = tpu.memref_slice %arg7[%dma_wait3A_114, %dma_wait3A_120] : memref<8x96xi32, #tpu.memory_space<vmem>> -> memref<1x96xi32, #tpu.memory_space<vmem>>
      %dma_wait3A_122 = tpu.memref_squeeze %dma_wait3A_121 : memref<1x96xi32, #tpu.memory_space<vmem>> -> memref<96xi32, #tpu.memory_space<vmem>>
      %dma_wait3A_123 = arith.constant 0 : i32
      %dma_wait3A_124 = arith.constant 0 : i32
      %dma_wait3A_125 = tpu.memref_slice %arg2[%dma_wait3A_123, %dma_wait3A_124] : memref<25000x128xi32, #tpu.memory_space<hbm>> -> memref<25000x128xi32, #tpu.memory_space<hbm>>
      tpu.wait_indirect_dma semaphore(%arg12 : memref<!tpu.dma_semaphore, #tpu.memory_space<semaphore_mem>>) src(%dma_wait3A_125 : memref<25000x128xi32, #tpu.memory_space<hbm>>) dst(%dma_wait3A_119 : memref<96x128xi32, #tpu.memory_space<vmem>>)
      %run_scoped3A_126 = arith.constant 1 : i32
      %run_scoped3A_127 = arith.constant 3 : i32
      "tpu.region"() ({
        %run_scoped3A_220 = tpu.sem_alloc : memref<!tpu.dma_semaphore, #tpu.memory_space<semaphore_mem>>
        %dma_start3A_221 = arith.constant 0 : i32
        %dma_start3A_222 = arith.constant 0 : i32
        %dma_start3A_223 = tpu.memref_slice %arg9[%run_scoped3A_126, %dma_start3A_221, %dma_start3A_222] : memref<2x96x128xi32, #tpu.memory_space<vmem>> -> memref<1x96x128xi32, #tpu.memory_space<vmem>>
        %dma_start3A_224 = tpu.memref_squeeze %dma_start3A_223 : memref<1x96x128xi32, #tpu.memory_space<vmem>> -> memref<96x128xi32, #tpu.memory_space<vmem>>
        %dma_start3A_225 = arith.constant 0 : i32
        %dma_start3A_226 = tpu.memref_slice %arg8[%run_scoped3A_127, %dma_start3A_225] : memref<8x96xi32, #tpu.memory_space<vmem>> -> memref<1x96xi32, #tpu.memory_space<vmem>>
        %dma_start3A_227 = tpu.memref_squeeze %dma_start3A_226 : memref<1x96xi32, #tpu.memory_space<vmem>> -> memref<96xi32, #tpu.memory_space<vmem>>
        %dma_start3A_228 = arith.constant 0 : i32
        %dma_start3A_229 = arith.constant 0 : i32
        %dma_start3A_230 = tpu.memref_slice %arg10[%dma_start3A_228, %dma_start3A_229] : memref<13056x128xi32, #tpu.memory_space<vmem_shared>> -> memref<13056x128xi32, #tpu.memory_space<vmem_shared>>
        tpu.enqueue_indirect_dma source(%dma_start3A_224 : memref<96x128xi32, #tpu.memory_space<vmem>>) target(%dma_start3A_230 : memref<13056x128xi32, #tpu.memory_space<vmem_shared>>) offsets(%dma_start3A_227 : memref<96xi32, #tpu.memory_space<vmem>>) semaphore(%run_scoped3A_220 : memref<!tpu.dma_semaphore, #tpu.memory_space<semaphore_mem>>) {add = true}
        %dma_wait3A_231 = arith.constant 0 : i32
        %dma_wait3A_232 = arith.constant 0 : i32
        %dma_wait3A_233 = tpu.memref_slice %arg9[%run_scoped3A_126, %dma_wait3A_231, %dma_wait3A_232] : memref<2x96x128xi32, #tpu.memory_space<vmem>> -> memref<1x96x128xi32, #tpu.memory_space<vmem>>
        %dma_wait3A_234 = tpu.memref_squeeze %dma_wait3A_233 : memref<1x96x128xi32, #tpu.memory_space<vmem>> -> memref<96x128xi32, #tpu.memory_space<vmem>>
        %dma_wait3A_235 = arith.constant 0 : i32
        %dma_wait3A_236 = tpu.memref_slice %arg8[%run_scoped3A_127, %dma_wait3A_235] : memref<8x96xi32, #tpu.memory_space<vmem>> -> memref<1x96xi32, #tpu.memory_space<vmem>>
        %dma_wait3A_237 = tpu.memref_squeeze %dma_wait3A_236 : memref<1x96xi32, #tpu.memory_space<vmem>> -> memref<96xi32, #tpu.memory_space<vmem>>
        %dma_wait3A_238 = arith.constant 0 : i32
        %dma_wait3A_239 = arith.constant 0 : i32
        %dma_wait3A_240 = tpu.memref_slice %arg10[%dma_wait3A_238, %dma_wait3A_239] : memref<13056x128xi32, #tpu.memory_space<vmem_shared>> -> memref<13056x128xi32, #tpu.memory_space<vmem_shared>>
        tpu.wait_indirect_dma semaphore(%run_scoped3A_220 : memref<!tpu.dma_semaphore, #tpu.memory_space<semaphore_mem>>) src(%dma_wait3A_234 : memref<96x128xi32, #tpu.memory_space<vmem>>) dst(%dma_wait3A_240 : memref<13056x128xi32, #tpu.memory_space<vmem_shared>>)
        tpu.yield
      }) : () -> ()
      %dma_start3A_128 = arith.constant 5 : i32
      %dma_start3A_129 = arith.constant 1 : i32
      %dma_start3A_130 = arith.constant 0 : i32
      %dma_start3A_131 = arith.constant 0 : i32
      %dma_start3A_132 = tpu.memref_slice %arg9[%dma_start3A_129, %dma_start3A_130, %dma_start3A_131] : memref<2x96x128xi32, #tpu.memory_space<vmem>> -> memref<1x96x128xi32, #tpu.memory_space<vmem>>
      %dma_start3A_133 = tpu.memref_squeeze %dma_start3A_132 : memref<1x96x128xi32, #tpu.memory_space<vmem>> -> memref<96x128xi32, #tpu.memory_space<vmem>>
      %dma_start3A_134 = arith.constant 0 : i32
      %dma_start3A_135 = tpu.memref_slice %arg7[%dma_start3A_128, %dma_start3A_134] : memref<8x96xi32, #tpu.memory_space<vmem>> -> memref<1x96xi32, #tpu.memory_space<vmem>>
      %dma_start3A_136 = tpu.memref_squeeze %dma_start3A_135 : memref<1x96xi32, #tpu.memory_space<vmem>> -> memref<96xi32, #tpu.memory_space<vmem>>
      %dma_start3A_137 = arith.constant 0 : i32
      %dma_start3A_138 = arith.constant 0 : i32
      %dma_start3A_139 = tpu.memref_slice %arg2[%dma_start3A_137, %dma_start3A_138] : memref<25000x128xi32, #tpu.memory_space<hbm>> -> memref<25000x128xi32, #tpu.memory_space<hbm>>
      tpu.enqueue_indirect_dma source(%dma_start3A_139 : memref<25000x128xi32, #tpu.memory_space<hbm>>) target(%dma_start3A_133 : memref<96x128xi32, #tpu.memory_space<vmem>>) offsets(%dma_start3A_136 : memref<96xi32, #tpu.memory_space<vmem>>) semaphore(%arg12 : memref<!tpu.dma_semaphore, #tpu.memory_space<semaphore_mem>>)
      %dma_wait3A_140 = arith.constant 4 : i32
      %dma_wait3A_141 = arith.constant 0 : i32
      %dma_wait3A_142 = arith.constant 0 : i32
      %dma_wait3A_143 = arith.constant 0 : i32
      %dma_wait3A_144 = tpu.memref_slice %arg9[%dma_wait3A_141, %dma_wait3A_142, %dma_wait3A_143] : memref<2x96x128xi32, #tpu.memory_space<vmem>> -> memref<1x96x128xi32, #tpu.memory_space<vmem>>
      %dma_wait3A_145 = tpu.memref_squeeze %dma_wait3A_144 : memref<1x96x128xi32, #tpu.memory_space<vmem>> -> memref<96x128xi32, #tpu.memory_space<vmem>>
      %dma_wait3A_146 = arith.constant 0 : i32
      %dma_wait3A_147 = tpu.memref_slice %arg7[%dma_wait3A_140, %dma_wait3A_146] : memref<8x96xi32, #tpu.memory_space<vmem>> -> memref<1x96xi32, #tpu.memory_space<vmem>>
      %dma_wait3A_148 = tpu.memref_squeeze %dma_wait3A_147 : memref<1x96xi32, #tpu.memory_space<vmem>> -> memref<96xi32, #tpu.memory_space<vmem>>
      %dma_wait3A_149 = arith.constant 0 : i32
      %dma_wait3A_150 = arith.constant 0 : i32
      %dma_wait3A_151 = tpu.memref_slice %arg2[%dma_wait3A_149, %dma_wait3A_150] : memref<25000x128xi32, #tpu.memory_space<hbm>> -> memref<25000x128xi32, #tpu.memory_space<hbm>>
      tpu.wait_indirect_dma semaphore(%arg11 : memref<!tpu.dma_semaphore, #tpu.memory_space<semaphore_mem>>) src(%dma_wait3A_151 : memref<25000x128xi32, #tpu.memory_space<hbm>>) dst(%dma_wait3A_145 : memref<96x128xi32, #tpu.memory_space<vmem>>)
      %run_scoped3A_152 = arith.constant 0 : i32
      %run_scoped3A_153 = arith.constant 4 : i32
      "tpu.region"() ({
        %run_scoped3A_220 = tpu.sem_alloc : memref<!tpu.dma_semaphore, #tpu.memory_space<semaphore_mem>>
        %dma_start3A_221 = arith.constant 0 : i32
        %dma_start3A_222 = arith.constant 0 : i32
        %dma_start3A_223 = tpu.memref_slice %arg9[%run_scoped3A_152, %dma_start3A_221, %dma_start3A_222] : memref<2x96x128xi32, #tpu.memory_space<vmem>> -> memref<1x96x128xi32, #tpu.memory_space<vmem>>
        %dma_start3A_224 = tpu.memref_squeeze %dma_start3A_223 : memref<1x96x128xi32, #tpu.memory_space<vmem>> -> memref<96x128xi32, #tpu.memory_space<vmem>>
        %dma_start3A_225 = arith.constant 0 : i32
        %dma_start3A_226 = tpu.memref_slice %arg8[%run_scoped3A_153, %dma_start3A_225] : memref<8x96xi32, #tpu.memory_space<vmem>> -> memref<1x96xi32, #tpu.memory_space<vmem>>
        %dma_start3A_227 = tpu.memref_squeeze %dma_start3A_226 : memref<1x96xi32, #tpu.memory_space<vmem>> -> memref<96xi32, #tpu.memory_space<vmem>>
        %dma_start3A_228 = arith.constant 0 : i32
        %dma_start3A_229 = arith.constant 0 : i32
        %dma_start3A_230 = tpu.memref_slice %arg10[%dma_start3A_228, %dma_start3A_229] : memref<13056x128xi32, #tpu.memory_space<vmem_shared>> -> memref<13056x128xi32, #tpu.memory_space<vmem_shared>>
        tpu.enqueue_indirect_dma source(%dma_start3A_224 : memref<96x128xi32, #tpu.memory_space<vmem>>) target(%dma_start3A_230 : memref<13056x128xi32, #tpu.memory_space<vmem_shared>>) offsets(%dma_start3A_227 : memref<96xi32, #tpu.memory_space<vmem>>) semaphore(%run_scoped3A_220 : memref<!tpu.dma_semaphore, #tpu.memory_space<semaphore_mem>>) {add = true}
        %dma_wait3A_231 = arith.constant 0 : i32
        %dma_wait3A_232 = arith.constant 0 : i32
        %dma_wait3A_233 = tpu.memref_slice %arg9[%run_scoped3A_152, %dma_wait3A_231, %dma_wait3A_232] : memref<2x96x128xi32, #tpu.memory_space<vmem>> -> memref<1x96x128xi32, #tpu.memory_space<vmem>>
        %dma_wait3A_234 = tpu.memref_squeeze %dma_wait3A_233 : memref<1x96x128xi32, #tpu.memory_space<vmem>> -> memref<96x128xi32, #tpu.memory_space<vmem>>
        %dma_wait3A_235 = arith.constant 0 : i32
        %dma_wait3A_236 = tpu.memref_slice %arg8[%run_scoped3A_153, %dma_wait3A_235] : memref<8x96xi32, #tpu.memory_space<vmem>> -> memref<1x96xi32, #tpu.memory_space<vmem>>
        %dma_wait3A_237 = tpu.memref_squeeze %dma_wait3A_236 : memref<1x96xi32, #tpu.memory_space<vmem>> -> memref<96xi32, #tpu.memory_space<vmem>>
        %dma_wait3A_238 = arith.constant 0 : i32
        %dma_wait3A_239 = arith.constant 0 : i32
        %dma_wait3A_240 = tpu.memref_slice %arg10[%dma_wait3A_238, %dma_wait3A_239] : memref<13056x128xi32, #tpu.memory_space<vmem_shared>> -> memref<13056x128xi32, #tpu.memory_space<vmem_shared>>
        tpu.wait_indirect_dma semaphore(%run_scoped3A_220 : memref<!tpu.dma_semaphore, #tpu.memory_space<semaphore_mem>>) src(%dma_wait3A_234 : memref<96x128xi32, #tpu.memory_space<vmem>>) dst(%dma_wait3A_240 : memref<13056x128xi32, #tpu.memory_space<vmem_shared>>)
        tpu.yield
      }) : () -> ()
      %dma_start3A_154 = arith.constant 6 : i32
      %dma_start3A_155 = arith.constant 0 : i32
      %dma_start3A_156 = arith.constant 0 : i32
      %dma_start3A_157 = arith.constant 0 : i32
      %dma_start3A_158 = tpu.memref_slice %arg9[%dma_start3A_155, %dma_start3A_156, %dma_start3A_157] : memref<2x96x128xi32, #tpu.memory_space<vmem>> -> memref<1x96x128xi32, #tpu.memory_space<vmem>>
      %dma_start3A_159 = tpu.memref_squeeze %dma_start3A_158 : memref<1x96x128xi32, #tpu.memory_space<vmem>> -> memref<96x128xi32, #tpu.memory_space<vmem>>
      %dma_start3A_160 = arith.constant 0 : i32
      %dma_start3A_161 = tpu.memref_slice %arg7[%dma_start3A_154, %dma_start3A_160] : memref<8x96xi32, #tpu.memory_space<vmem>> -> memref<1x96xi32, #tpu.memory_space<vmem>>
      %dma_start3A_162 = tpu.memref_squeeze %dma_start3A_161 : memref<1x96xi32, #tpu.memory_space<vmem>> -> memref<96xi32, #tpu.memory_space<vmem>>
      %dma_start3A_163 = arith.constant 0 : i32
      %dma_start3A_164 = arith.constant 0 : i32
      %dma_start3A_165 = tpu.memref_slice %arg2[%dma_start3A_163, %dma_start3A_164] : memref<25000x128xi32, #tpu.memory_space<hbm>> -> memref<25000x128xi32, #tpu.memory_space<hbm>>
      tpu.enqueue_indirect_dma source(%dma_start3A_165 : memref<25000x128xi32, #tpu.memory_space<hbm>>) target(%dma_start3A_159 : memref<96x128xi32, #tpu.memory_space<vmem>>) offsets(%dma_start3A_162 : memref<96xi32, #tpu.memory_space<vmem>>) semaphore(%arg11 : memref<!tpu.dma_semaphore, #tpu.memory_space<semaphore_mem>>)
      %dma_wait3A_166 = arith.constant 5 : i32
      %dma_wait3A_167 = arith.constant 1 : i32
      %dma_wait3A_168 = arith.constant 0 : i32
      %dma_wait3A_169 = arith.constant 0 : i32
      %dma_wait3A_170 = tpu.memref_slice %arg9[%dma_wait3A_167, %dma_wait3A_168, %dma_wait3A_169] : memref<2x96x128xi32, #tpu.memory_space<vmem>> -> memref<1x96x128xi32, #tpu.memory_space<vmem>>
      %dma_wait3A_171 = tpu.memref_squeeze %dma_wait3A_170 : memref<1x96x128xi32, #tpu.memory_space<vmem>> -> memref<96x128xi32, #tpu.memory_space<vmem>>
      %dma_wait3A_172 = arith.constant 0 : i32
      %dma_wait3A_173 = tpu.memref_slice %arg7[%dma_wait3A_166, %dma_wait3A_172] : memref<8x96xi32, #tpu.memory_space<vmem>> -> memref<1x96xi32, #tpu.memory_space<vmem>>
      %dma_wait3A_174 = tpu.memref_squeeze %dma_wait3A_173 : memref<1x96xi32, #tpu.memory_space<vmem>> -> memref<96xi32, #tpu.memory_space<vmem>>
      %dma_wait3A_175 = arith.constant 0 : i32
      %dma_wait3A_176 = arith.constant 0 : i32
      %dma_wait3A_177 = tpu.memref_slice %arg2[%dma_wait3A_175, %dma_wait3A_176] : memref<25000x128xi32, #tpu.memory_space<hbm>> -> memref<25000x128xi32, #tpu.memory_space<hbm>>
      tpu.wait_indirect_dma semaphore(%arg12 : memref<!tpu.dma_semaphore, #tpu.memory_space<semaphore_mem>>) src(%dma_wait3A_177 : memref<25000x128xi32, #tpu.memory_space<hbm>>) dst(%dma_wait3A_171 : memref<96x128xi32, #tpu.memory_space<vmem>>)
      %run_scoped3A_178 = arith.constant 1 : i32
      %run_scoped3A_179 = arith.constant 5 : i32
      "tpu.region"() ({
        %run_scoped3A_220 = tpu.sem_alloc : memref<!tpu.dma_semaphore, #tpu.memory_space<semaphore_mem>>
        %dma_start3A_221 = arith.constant 0 : i32
        %dma_start3A_222 = arith.constant 0 : i32
        %dma_start3A_223 = tpu.memref_slice %arg9[%run_scoped3A_178, %dma_start3A_221, %dma_start3A_222] : memref<2x96x128xi32, #tpu.memory_space<vmem>> -> memref<1x96x128xi32, #tpu.memory_space<vmem>>
        %dma_start3A_224 = tpu.memref_squeeze %dma_start3A_223 : memref<1x96x128xi32, #tpu.memory_space<vmem>> -> memref<96x128xi32, #tpu.memory_space<vmem>>
        %dma_start3A_225 = arith.constant 0 : i32
        %dma_start3A_226 = tpu.memref_slice %arg8[%run_scoped3A_179, %dma_start3A_225] : memref<8x96xi32, #tpu.memory_space<vmem>> -> memref<1x96xi32, #tpu.memory_space<vmem>>
        %dma_start3A_227 = tpu.memref_squeeze %dma_start3A_226 : memref<1x96xi32, #tpu.memory_space<vmem>> -> memref<96xi32, #tpu.memory_space<vmem>>
        %dma_start3A_228 = arith.constant 0 : i32
        %dma_start3A_229 = arith.constant 0 : i32
        %dma_start3A_230 = tpu.memref_slice %arg10[%dma_start3A_228, %dma_start3A_229] : memref<13056x128xi32, #tpu.memory_space<vmem_shared>> -> memref<13056x128xi32, #tpu.memory_space<vmem_shared>>
        tpu.enqueue_indirect_dma source(%dma_start3A_224 : memref<96x128xi32, #tpu.memory_space<vmem>>) target(%dma_start3A_230 : memref<13056x128xi32, #tpu.memory_space<vmem_shared>>) offsets(%dma_start3A_227 : memref<96xi32, #tpu.memory_space<vmem>>) semaphore(%run_scoped3A_220 : memref<!tpu.dma_semaphore, #tpu.memory_space<semaphore_mem>>) {add = true}
        %dma_wait3A_231 = arith.constant 0 : i32
        %dma_wait3A_232 = arith.constant 0 : i32
        %dma_wait3A_233 = tpu.memref_slice %arg9[%run_scoped3A_178, %dma_wait3A_231, %dma_wait3A_232] : memref<2x96x128xi32, #tpu.memory_space<vmem>> -> memref<1x96x128xi32, #tpu.memory_space<vmem>>
        %dma_wait3A_234 = tpu.memref_squeeze %dma_wait3A_233 : memref<1x96x128xi32, #tpu.memory_space<vmem>> -> memref<96x128xi32, #tpu.memory_space<vmem>>
        %dma_wait3A_235 = arith.constant 0 : i32
        %dma_wait3A_236 = tpu.memref_slice %arg8[%run_scoped3A_179, %dma_wait3A_235] : memref<8x96xi32, #tpu.memory_space<vmem>> -> memref<1x96xi32, #tpu.memory_space<vmem>>
        %dma_wait3A_237 = tpu.memref_squeeze %dma_wait3A_236 : memref<1x96xi32, #tpu.memory_space<vmem>> -> memref<96xi32, #tpu.memory_space<vmem>>
        %dma_wait3A_238 = arith.constant 0 : i32
        %dma_wait3A_239 = arith.constant 0 : i32
        %dma_wait3A_240 = tpu.memref_slice %arg10[%dma_wait3A_238, %dma_wait3A_239] : memref<13056x128xi32, #tpu.memory_space<vmem_shared>> -> memref<13056x128xi32, #tpu.memory_space<vmem_shared>>
        tpu.wait_indirect_dma semaphore(%run_scoped3A_220 : memref<!tpu.dma_semaphore, #tpu.memory_space<semaphore_mem>>) src(%dma_wait3A_234 : memref<96x128xi32, #tpu.memory_space<vmem>>) dst(%dma_wait3A_240 : memref<13056x128xi32, #tpu.memory_space<vmem_shared>>)
        tpu.yield
      }) : () -> ()
      %dma_start3A_180 = arith.constant 7 : i32
      %dma_start3A_181 = arith.constant 1 : i32
      %dma_start3A_182 = arith.constant 0 : i32
      %dma_start3A_183 = arith.constant 0 : i32
      %dma_start3A_184 = tpu.memref_slice %arg9[%dma_start3A_181, %dma_start3A_182, %dma_start3A_183] : memref<2x96x128xi32, #tpu.memory_space<vmem>> -> memref<1x96x128xi32, #tpu.memory_space<vmem>>
      %dma_start3A_185 = tpu.memref_squeeze %dma_start3A_184 : memref<1x96x128xi32, #tpu.memory_space<vmem>> -> memref<96x128xi32, #tpu.memory_space<vmem>>
      %dma_start3A_186 = arith.constant 0 : i32
      %dma_start3A_187 = tpu.memref_slice %arg7[%dma_start3A_180, %dma_start3A_186] : memref<8x96xi32, #tpu.memory_space<vmem>> -> memref<1x96xi32, #tpu.memory_space<vmem>>
      %dma_start3A_188 = tpu.memref_squeeze %dma_start3A_187 : memref<1x96xi32, #tpu.memory_space<vmem>> -> memref<96xi32, #tpu.memory_space<vmem>>
      %dma_start3A_189 = arith.constant 0 : i32
      %dma_start3A_190 = arith.constant 0 : i32
      %dma_start3A_191 = tpu.memref_slice %arg2[%dma_start3A_189, %dma_start3A_190] : memref<25000x128xi32, #tpu.memory_space<hbm>> -> memref<25000x128xi32, #tpu.memory_space<hbm>>
      tpu.enqueue_indirect_dma source(%dma_start3A_191 : memref<25000x128xi32, #tpu.memory_space<hbm>>) target(%dma_start3A_185 : memref<96x128xi32, #tpu.memory_space<vmem>>) offsets(%dma_start3A_188 : memref<96xi32, #tpu.memory_space<vmem>>) semaphore(%arg12 : memref<!tpu.dma_semaphore, #tpu.memory_space<semaphore_mem>>)
      %dma_wait3A_192 = arith.constant 6 : i32
      %dma_wait3A_193 = arith.constant 0 : i32
      %dma_wait3A_194 = arith.constant 0 : i32
      %dma_wait3A_195 = arith.constant 0 : i32
      %dma_wait3A_196 = tpu.memref_slice %arg9[%dma_wait3A_193, %dma_wait3A_194, %dma_wait3A_195] : memref<2x96x128xi32, #tpu.memory_space<vmem>> -> memref<1x96x128xi32, #tpu.memory_space<vmem>>
      %dma_wait3A_197 = tpu.memref_squeeze %dma_wait3A_196 : memref<1x96x128xi32, #tpu.memory_space<vmem>> -> memref<96x128xi32, #tpu.memory_space<vmem>>
      %dma_wait3A_198 = arith.constant 0 : i32
      %dma_wait3A_199 = tpu.memref_slice %arg7[%dma_wait3A_192, %dma_wait3A_198] : memref<8x96xi32, #tpu.memory_space<vmem>> -> memref<1x96xi32, #tpu.memory_space<vmem>>
      %dma_wait3A_200 = tpu.memref_squeeze %dma_wait3A_199 : memref<1x96xi32, #tpu.memory_space<vmem>> -> memref<96xi32, #tpu.memory_space<vmem>>
      %dma_wait3A_201 = arith.constant 0 : i32
      %dma_wait3A_202 = arith.constant 0 : i32
      %dma_wait3A_203 = tpu.memref_slice %arg2[%dma_wait3A_201, %dma_wait3A_202] : memref<25000x128xi32, #tpu.memory_space<hbm>> -> memref<25000x128xi32, #tpu.memory_space<hbm>>
      tpu.wait_indirect_dma semaphore(%arg11 : memref<!tpu.dma_semaphore, #tpu.memory_space<semaphore_mem>>) src(%dma_wait3A_203 : memref<25000x128xi32, #tpu.memory_space<hbm>>) dst(%dma_wait3A_197 : memref<96x128xi32, #tpu.memory_space<vmem>>)
      %run_scoped3A_204 = arith.constant 0 : i32
      %run_scoped3A_205 = arith.constant 6 : i32
      "tpu.region"() ({
        %run_scoped3A_220 = tpu.sem_alloc : memref<!tpu.dma_semaphore, #tpu.memory_space<semaphore_mem>>
        %dma_start3A_221 = arith.constant 0 : i32
        %dma_start3A_222 = arith.constant 0 : i32
        %dma_start3A_223 = tpu.memref_slice %arg9[%run_scoped3A_204, %dma_start3A_221, %dma_start3A_222] : memref<2x96x128xi32, #tpu.memory_space<vmem>> -> memref<1x96x128xi32, #tpu.memory_space<vmem>>
        %dma_start3A_224 = tpu.memref_squeeze %dma_start3A_223 : memref<1x96x128xi32, #tpu.memory_space<vmem>> -> memref<96x128xi32, #tpu.memory_space<vmem>>
        %dma_start3A_225 = arith.constant 0 : i32
        %dma_start3A_226 = tpu.memref_slice %arg8[%run_scoped3A_205, %dma_start3A_225] : memref<8x96xi32, #tpu.memory_space<vmem>> -> memref<1x96xi32, #tpu.memory_space<vmem>>
        %dma_start3A_227 = tpu.memref_squeeze %dma_start3A_226 : memref<1x96xi32, #tpu.memory_space<vmem>> -> memref<96xi32, #tpu.memory_space<vmem>>
        %dma_start3A_228 = arith.constant 0 : i32
        %dma_start3A_229 = arith.constant 0 : i32
        %dma_start3A_230 = tpu.memref_slice %arg10[%dma_start3A_228, %dma_start3A_229] : memref<13056x128xi32, #tpu.memory_space<vmem_shared>> -> memref<13056x128xi32, #tpu.memory_space<vmem_shared>>
        tpu.enqueue_indirect_dma source(%dma_start3A_224 : memref<96x128xi32, #tpu.memory_space<vmem>>) target(%dma_start3A_230 : memref<13056x128xi32, #tpu.memory_space<vmem_shared>>) offsets(%dma_start3A_227 : memref<96xi32, #tpu.memory_space<vmem>>) semaphore(%run_scoped3A_220 : memref<!tpu.dma_semaphore, #tpu.memory_space<semaphore_mem>>) {add = true}
        %dma_wait3A_231 = arith.constant 0 : i32
        %dma_wait3A_232 = arith.constant 0 : i32
        %dma_wait3A_233 = tpu.memref_slice %arg9[%run_scoped3A_204, %dma_wait3A_231, %dma_wait3A_232] : memref<2x96x128xi32, #tpu.memory_space<vmem>> -> memref<1x96x128xi32, #tpu.memory_space<vmem>>
        %dma_wait3A_234 = tpu.memref_squeeze %dma_wait3A_233 : memref<1x96x128xi32, #tpu.memory_space<vmem>> -> memref<96x128xi32, #tpu.memory_space<vmem>>
        %dma_wait3A_235 = arith.constant 0 : i32
        %dma_wait3A_236 = tpu.memref_slice %arg8[%run_scoped3A_205, %dma_wait3A_235] : memref<8x96xi32, #tpu.memory_space<vmem>> -> memref<1x96xi32, #tpu.memory_space<vmem>>
        %dma_wait3A_237 = tpu.memref_squeeze %dma_wait3A_236 : memref<1x96xi32, #tpu.memory_space<vmem>> -> memref<96xi32, #tpu.memory_space<vmem>>
        %dma_wait3A_238 = arith.constant 0 : i32
        %dma_wait3A_239 = arith.constant 0 : i32
        %dma_wait3A_240 = tpu.memref_slice %arg10[%dma_wait3A_238, %dma_wait3A_239] : memref<13056x128xi32, #tpu.memory_space<vmem_shared>> -> memref<13056x128xi32, #tpu.memory_space<vmem_shared>>
        tpu.wait_indirect_dma semaphore(%run_scoped3A_220 : memref<!tpu.dma_semaphore, #tpu.memory_space<semaphore_mem>>) src(%dma_wait3A_234 : memref<96x128xi32, #tpu.memory_space<vmem>>) dst(%dma_wait3A_240 : memref<13056x128xi32, #tpu.memory_space<vmem_shared>>)
        tpu.yield
      }) : () -> ()
      %dma_wait3A_206 = arith.constant 7 : i32
      %dma_wait3A_207 = arith.constant 1 : i32
      %dma_wait3A_208 = arith.constant 0 : i32
      %dma_wait3A_209 = arith.constant 0 : i32
      %dma_wait3A_210 = tpu.memref_slice %arg9[%dma_wait3A_207, %dma_wait3A_208, %dma_wait3A_209] : memref<2x96x128xi32, #tpu.memory_space<vmem>> -> memref<1x96x128xi32, #tpu.memory_space<vmem>>
      %dma_wait3A_211 = tpu.memref_squeeze %dma_wait3A_210 : memref<1x96x128xi32, #tpu.memory_space<vmem>> -> memref<96x128xi32, #tpu.memory_space<vmem>>
      %dma_wait3A_212 = arith.constant 0 : i32
      %dma_wait3A_213 = tpu.memref_slice %arg7[%dma_wait3A_206, %dma_wait3A_212] : memref<8x96xi32, #tpu.memory_space<vmem>> -> memref<1x96xi32, #tpu.memory_space<vmem>>
      %dma_wait3A_214 = tpu.memref_squeeze %dma_wait3A_213 : memref<1x96xi32, #tpu.memory_space<vmem>> -> memref<96xi32, #tpu.memory_space<vmem>>
      %dma_wait3A_215 = arith.constant 0 : i32
      %dma_wait3A_216 = arith.constant 0 : i32
      %dma_wait3A_217 = tpu.memref_slice %arg2[%dma_wait3A_215, %dma_wait3A_216] : memref<25000x128xi32, #tpu.memory_space<hbm>> -> memref<25000x128xi32, #tpu.memory_space<hbm>>
      tpu.wait_indirect_dma semaphore(%arg12 : memref<!tpu.dma_semaphore, #tpu.memory_space<semaphore_mem>>) src(%dma_wait3A_217 : memref<25000x128xi32, #tpu.memory_space<hbm>>) dst(%dma_wait3A_211 : memref<96x128xi32, #tpu.memory_space<vmem>>)
      %run_scoped3A_218 = arith.constant 1 : i32
      %run_scoped3A_219 = arith.constant 7 : i32
      "tpu.region"() ({
        %run_scoped3A_220 = tpu.sem_alloc : memref<!tpu.dma_semaphore, #tpu.memory_space<semaphore_mem>>
        %dma_start3A_221 = arith.constant 0 : i32
        %dma_start3A_222 = arith.constant 0 : i32
        %dma_start3A_223 = tpu.memref_slice %arg9[%run_scoped3A_218, %dma_start3A_221, %dma_start3A_222] : memref<2x96x128xi32, #tpu.memory_space<vmem>> -> memref<1x96x128xi32, #tpu.memory_space<vmem>>
        %dma_start3A_224 = tpu.memref_squeeze %dma_start3A_223 : memref<1x96x128xi32, #tpu.memory_space<vmem>> -> memref<96x128xi32, #tpu.memory_space<vmem>>
        %dma_start3A_225 = arith.constant 0 : i32
        %dma_start3A_226 = tpu.memref_slice %arg8[%run_scoped3A_219, %dma_start3A_225] : memref<8x96xi32, #tpu.memory_space<vmem>> -> memref<1x96xi32, #tpu.memory_space<vmem>>
        %dma_start3A_227 = tpu.memref_squeeze %dma_start3A_226 : memref<1x96xi32, #tpu.memory_space<vmem>> -> memref<96xi32, #tpu.memory_space<vmem>>
        %dma_start3A_228 = arith.constant 0 : i32
        %dma_start3A_229 = arith.constant 0 : i32
        %dma_start3A_230 = tpu.memref_slice %arg10[%dma_start3A_228, %dma_start3A_229] : memref<13056x128xi32, #tpu.memory_space<vmem_shared>> -> memref<13056x128xi32, #tpu.memory_space<vmem_shared>>
        tpu.enqueue_indirect_dma source(%dma_start3A_224 : memref<96x128xi32, #tpu.memory_space<vmem>>) target(%dma_start3A_230 : memref<13056x128xi32, #tpu.memory_space<vmem_shared>>) offsets(%dma_start3A_227 : memref<96xi32, #tpu.memory_space<vmem>>) semaphore(%run_scoped3A_220 : memref<!tpu.dma_semaphore, #tpu.memory_space<semaphore_mem>>) {add = true}
        %dma_wait3A_231 = arith.constant 0 : i32
        %dma_wait3A_232 = arith.constant 0 : i32
        %dma_wait3A_233 = tpu.memref_slice %arg9[%run_scoped3A_218, %dma_wait3A_231, %dma_wait3A_232] : memref<2x96x128xi32, #tpu.memory_space<vmem>> -> memref<1x96x128xi32, #tpu.memory_space<vmem>>
        %dma_wait3A_234 = tpu.memref_squeeze %dma_wait3A_233 : memref<1x96x128xi32, #tpu.memory_space<vmem>> -> memref<96x128xi32, #tpu.memory_space<vmem>>
        %dma_wait3A_235 = arith.constant 0 : i32
        %dma_wait3A_236 = tpu.memref_slice %arg8[%run_scoped3A_219, %dma_wait3A_235] : memref<8x96xi32, #tpu.memory_space<vmem>> -> memref<1x96xi32, #tpu.memory_space<vmem>>
        %dma_wait3A_237 = tpu.memref_squeeze %dma_wait3A_236 : memref<1x96xi32, #tpu.memory_space<vmem>> -> memref<96xi32, #tpu.memory_space<vmem>>
        %dma_wait3A_238 = arith.constant 0 : i32
        %dma_wait3A_239 = arith.constant 0 : i32
        %dma_wait3A_240 = tpu.memref_slice %arg10[%dma_wait3A_238, %dma_wait3A_239] : memref<13056x128xi32, #tpu.memory_space<vmem_shared>> -> memref<13056x128xi32, #tpu.memory_space<vmem_shared>>
        tpu.wait_indirect_dma semaphore(%run_scoped3A_220 : memref<!tpu.dma_semaphore, #tpu.memory_space<semaphore_mem>>) src(%dma_wait3A_234 : memref<96x128xi32, #tpu.memory_space<vmem>>) dst(%dma_wait3A_240 : memref<13056x128xi32, #tpu.memory_space<vmem_shared>>)
        tpu.yield
      }) : () -> ()
    }
    %scan3A_7 = arith.constant 52 : i32
    %barrier3A_8 = arith.constant 0 : index
    tpu.barrier barrier_id(%barrier3A_8)
    "tpu.region"() ({
      %run_scoped3A = tpu.sem_alloc : memref<!tpu.dma_semaphore, #tpu.memory_space<semaphore_mem>>
      %dma_start3A = arith.constant 0 : i32
      %dma_start3A_9 = tpu.memref_slice %arg6[%arg0, %mul3A_0, %dma_start3A] : memref<2x13056x128xi32, #tpu.memory_space<hbm>> -> memref<1x816x128xi32, #tpu.memory_space<hbm>>
      %dma_start3A_10 = tpu.memref_squeeze %dma_start3A_9 : memref<1x816x128xi32, #tpu.memory_space<hbm>> -> memref<816x128xi32, #tpu.memory_space<hbm>>
      %dma_start3A_11 = arith.constant 0 : i32
      %dma_start3A_12 = tpu.memref_slice %arg10[%mul3A_0, %dma_start3A_11] : memref<13056x128xi32, #tpu.memory_space<vmem_shared>> -> memref<816x128xi32, #tpu.memory_space<vmem_shared>>
      tpu.enqueue_dma source(%dma_start3A_12 : memref<816x128xi32, #tpu.memory_space<vmem_shared>>) target(%dma_start3A_10 : memref<816x128xi32, #tpu.memory_space<hbm>>) target_semaphore(%run_scoped3A : memref<!tpu.dma_semaphore, #tpu.memory_space<semaphore_mem>>)
      %dma_wait3A = arith.constant 0 : i32
      %dma_wait3A_13 = tpu.memref_slice %arg6[%arg0, %mul3A_0, %dma_wait3A] : memref<2x13056x128xi32, #tpu.memory_space<hbm>> -> memref<1x816x128xi32, #tpu.memory_space<hbm>>
      %dma_wait3A_14 = tpu.memref_squeeze %dma_wait3A_13 : memref<1x816x128xi32, #tpu.memory_space<hbm>> -> memref<816x128xi32, #tpu.memory_space<hbm>>
      %dma_wait3A_15 = arith.constant 0 : i32
      %dma_wait3A_16 = tpu.memref_slice %arg10[%mul3A_0, %dma_wait3A_15] : memref<13056x128xi32, #tpu.memory_space<vmem_shared>> -> memref<816x128xi32, #tpu.memory_space<vmem_shared>>
      tpu.wait_dma2 semaphore(%run_scoped3A : memref<!tpu.dma_semaphore, #tpu.memory_space<semaphore_mem>>) src(%dma_wait3A_16 : memref<816x128xi32, #tpu.memory_space<vmem_shared>>) dst(%dma_wait3A_14 : memref<816x128xi32, #tpu.memory_space<hbm>>)
      tpu.yield
    }) : () -> ()
    return
  }
}

module attributes {stable_mosaic.version = 14 : i64} {
  func.func @_tc_a_body(%arg0: i32, %arg1: memref<1000x128xf32, #tpu.memory_space<vmem>>, %arg2: memref<1x1000x128xi32, #tpu.memory_space<vmem>>, %arg3: memref<1x1000x128xf32, #tpu.memory_space<vmem>>, %arg4: memref<128x128xf32, #tpu.memory_space<vmem>>, %arg5: memref<1x128xf32, #tpu.memory_space<vmem>>, %arg6: memref<1000x128xf32, #tpu.memory_space<vmem>>, %arg7: memref<1x1x128xf32, #tpu.memory_space<vmem>>, %arg8: memref<1x1x128xf32, #tpu.memory_space<vmem>>) attributes {dimension_semantics = [#tpu.dimension_semantics<arbitrary>], iteration_bounds = array<i64: 25>, scalar_prefetch = 0 : i64, scratch_operands = 0 : i64, tpu.core_type = #tpu.core_type<tc>, window_params = [{transform_indices = @transform_0, window_bounds = array<i64: 1000, 128>}, {transform_indices = @transform_1, window_bounds = array<i64: 1, 1000, 128>}, {transform_indices = @transform_2, window_bounds = array<i64: 1, 1000, 128>}, {pipeline_mode = #tpu.pipeline_mode<synchronous>, transform_indices = @transform_3, window_bounds = array<i64: 128, 128>}, {pipeline_mode = #tpu.pipeline_mode<synchronous>, transform_indices = @transform_4, window_bounds = array<i64: 1, 128>}, {transform_indices = @transform_5, window_bounds = array<i64: 1000, 128>}, {transform_indices = @transform_6, window_bounds = array<i64: 1, 1, 128>}, {transform_indices = @transform_7, window_bounds = array<i64: 1, 1, 128>}]} {
    %get3A = arith.constant 0 : index
    %get3A_0 = arith.constant 0 : index
    %get3A_1 = vector.load %arg1[%get3A, %get3A_0] : memref<1000x128xf32, #tpu.memory_space<vmem>>, vector<1000x128xf32>
    %get3A_2 = arith.constant 0 : index
    %get3A_3 = arith.constant 0 : index
    %get3A_4 = arith.constant 0 : index
    %get3A_5 = vector.load %arg2[%get3A_2, %get3A_3, %get3A_4] : memref<1x1000x128xi32, #tpu.memory_space<vmem>>, vector<1x1000x128xi32>
    %get3A_6 = vector.shape_cast %get3A_5 : vector<1x1000x128xi32> to vector<1000x128xi32>
    %convert_element_type3A = arith.sitofp %get3A_6 : vector<1000x128xi32> to vector<1000x128xf32>
    %get3A_7 = arith.constant 0 : index
    %get3A_8 = arith.constant 0 : index
    %get3A_9 = arith.constant 0 : index
    %get3A_10 = vector.load %arg3[%get3A_7, %get3A_8, %get3A_9] : memref<1x1000x128xf32, #tpu.memory_space<vmem>>, vector<1x1000x1xf32>
    %get3A_11 = vector.shape_cast %get3A_10 : vector<1x1000x1xf32> to vector<1000x1xf32>
    %mul3A = vector.broadcast %get3A_11 : vector<1000x1xf32> to vector<1000x128xf32>
    %mul3A_12 = arith.mulf %convert_element_type3A, %mul3A : vector<1000x128xf32>
    %add3A = arith.addf %get3A_1, %mul3A_12 : vector<1000x128xf32>
    %get3A_13 = arith.constant 0 : index
    %get3A_14 = arith.constant 0 : index
    %get3A_15 = vector.load %arg4[%get3A_13, %get3A_14] : memref<128x128xf32, #tpu.memory_space<vmem>>, vector<128x128xf32>
    %dot_general3A = arith.constant dense<0.000000e+00> : vector<1000x128xf32>
    %dot_general3A_16 = tpu.matmul %add3A, %get3A_15, %dot_general3A {dimension_numbers = #tpu.dot_dimension_numbers<[1], [0], [0], [1], [0, 0, 1, 1], [], []>, transpose_lhs_hint = false} : vector<1000x128xf32>, vector<128x128xf32>, vector<1000x128xf32> -> vector<1000x128xf32>
    %get3A_17 = arith.constant 0 : index
    %get3A_18 = arith.constant 0 : index
    %get3A_19 = vector.load %arg5[%get3A_17, %get3A_18] : memref<1x128xf32, #tpu.memory_space<vmem>>, vector<1x128xf32>
    %add3A_20 = vector.broadcast %get3A_19 : vector<1x128xf32> to vector<1000x128xf32>
    %add3A_21 = arith.addf %dot_general3A_16, %add3A_20 : vector<1000x128xf32>
    %swap3A = arith.constant 0 : index
    %swap3A_22 = arith.constant 0 : index
    %swap3A_23 = vector.load %arg6[%swap3A, %swap3A_22] : memref<1000x128xf32, #tpu.memory_space<vmem>>, vector<1000x128xf32>
    tpu.vector_store %arg6[%swap3A, %swap3A_22], %add3A_21 {strides = array<i32>} : memref<1000x128xf32, #tpu.memory_space<vmem>>, vector<1000x128xf32>,
    %reduce_sum3A = arith.constant dense<0.000000e+00> : vector<128xf32>
    %reduce_sum3A_24 = vector.multi_reduction <add>, %add3A_21, %reduce_sum3A [0] : vector<1000x128xf32> to vector<128xf32>
    %swap3A_25 = arith.constant 0 : index
    %swap3A_26 = arith.constant 0 : index
    %swap3A_27 = arith.constant 0 : index
    %swap3A_28 = vector.load %arg7[%swap3A_25, %swap3A_26, %swap3A_27] : memref<1x1x128xf32, #tpu.memory_space<vmem>>, vector<1x1x128xf32>
    %swap3A_29 = vector.shape_cast %swap3A_28 : vector<1x1x128xf32> to vector<128xf32>
    %swap3A_30 = vector.shape_cast %reduce_sum3A_24 : vector<128xf32> to vector<1x1x128xf32>
    tpu.vector_store %arg7[%swap3A_25, %swap3A_26, %swap3A_27], %swap3A_30 {strides = array<i32>} : memref<1x1x128xf32, #tpu.memory_space<vmem>>, vector<1x1x128xf32>,
    %mul3A_31 = arith.mulf %add3A_21, %add3A_21 : vector<1000x128xf32>
    %reduce_sum3A_32 = arith.constant dense<0.000000e+00> : vector<128xf32>
    %reduce_sum3A_33 = vector.multi_reduction <add>, %mul3A_31, %reduce_sum3A_32 [0] : vector<1000x128xf32> to vector<128xf32>
    %swap3A_34 = arith.constant 0 : index
    %swap3A_35 = arith.constant 0 : index
    %swap3A_36 = arith.constant 0 : index
    %swap3A_37 = vector.load %arg8[%swap3A_34, %swap3A_35, %swap3A_36] : memref<1x1x128xf32, #tpu.memory_space<vmem>>, vector<1x1x128xf32>
    %swap3A_38 = vector.shape_cast %swap3A_37 : vector<1x1x128xf32> to vector<128xf32>
    %swap3A_39 = vector.shape_cast %reduce_sum3A_33 : vector<128xf32> to vector<1x1x128xf32>
    tpu.vector_store %arg8[%swap3A_34, %swap3A_35, %swap3A_36], %swap3A_39 {strides = array<i32>} : memref<1x1x128xf32, #tpu.memory_space<vmem>>, vector<1x1x128xf32>,
    return
  }
  func.func @transform_0(%arg0: i32) -> (i32, i32) {
    %c0_i32 = arith.constant 0 : i32
    %c0_i32_0 = arith.constant 0 : i32
    return %arg0, %c0_i32 : i32, i32
  }
  func.func @transform_1(%arg0: i32) -> (i32, i32, i32) {
    %jit3A = arith.constant 13 : i32
    %div3A = arith.divsi %arg0, %jit3A : i32
    %sign3A = arith.constant 0 : i32
    %sign3A_0 = arith.cmpi sgt, %arg0, %sign3A : i32
    %sign3A_1 = arith.extui %sign3A_0 : i1 to i32
    %sign3A_2 = arith.constant 0 : i32
    %sign3A_3 = arith.cmpi slt, %arg0, %sign3A_2 : i32
    %sign3A_4 = arith.extui %sign3A_3 : i1 to i32
    %sign3A_5 = arith.subi %sign3A_1, %sign3A_4 : i32
    %sign3A_6 = arith.constant 0 : i32
    %sign3A_7 = arith.cmpi sgt, %jit3A, %sign3A_6 : i32
    %sign3A_8 = arith.extui %sign3A_7 : i1 to i32
    %sign3A_9 = arith.constant 0 : i32
    %sign3A_10 = arith.cmpi slt, %jit3A, %sign3A_9 : i32
    %sign3A_11 = arith.extui %sign3A_10 : i1 to i32
    %sign3A_12 = arith.subi %sign3A_8, %sign3A_11 : i32
    %ne3A = arith.cmpi ne, %sign3A_5, %sign3A_12 : i32
    %rem3A = arith.remsi %arg0, %jit3A : i32
    %ne3A_13 = arith.constant 0 : i32
    %ne3A_14 = arith.cmpi ne, %rem3A, %ne3A_13 : i32
    %and3A = arith.andi %ne3A, %ne3A_14 : i1
    %sub3A = arith.constant 1 : i32
    %sub3A_15 = arith.subi %div3A, %sub3A : i32
    %select_n3A = arith.select %and3A, %sub3A_15, %div3A : i32
    %mul3A = arith.constant 13 : i32
    %mul3A_16 = arith.muli %mul3A, %select_n3A : i32
    %sub3A_17 = arith.subi %arg0, %mul3A_16 : i32
    %c0_i32 = arith.constant 0 : i32
    %c0_i32_18 = arith.constant 0 : i32
    return %select_n3A, %sub3A_17, %c0_i32 : i32, i32, i32
  }
  func.func @transform_2(%arg0: i32) -> (i32, i32, i32) {
    %jit3A = arith.constant 13 : i32
    %div3A = arith.divsi %arg0, %jit3A : i32
    %sign3A = arith.constant 0 : i32
    %sign3A_0 = arith.cmpi sgt, %arg0, %sign3A : i32
    %sign3A_1 = arith.extui %sign3A_0 : i1 to i32
    %sign3A_2 = arith.constant 0 : i32
    %sign3A_3 = arith.cmpi slt, %arg0, %sign3A_2 : i32
    %sign3A_4 = arith.extui %sign3A_3 : i1 to i32
    %sign3A_5 = arith.subi %sign3A_1, %sign3A_4 : i32
    %sign3A_6 = arith.constant 0 : i32
    %sign3A_7 = arith.cmpi sgt, %jit3A, %sign3A_6 : i32
    %sign3A_8 = arith.extui %sign3A_7 : i1 to i32
    %sign3A_9 = arith.constant 0 : i32
    %sign3A_10 = arith.cmpi slt, %jit3A, %sign3A_9 : i32
    %sign3A_11 = arith.extui %sign3A_10 : i1 to i32
    %sign3A_12 = arith.subi %sign3A_8, %sign3A_11 : i32
    %ne3A = arith.cmpi ne, %sign3A_5, %sign3A_12 : i32
    %rem3A = arith.remsi %arg0, %jit3A : i32
    %ne3A_13 = arith.constant 0 : i32
    %ne3A_14 = arith.cmpi ne, %rem3A, %ne3A_13 : i32
    %and3A = arith.andi %ne3A, %ne3A_14 : i1
    %sub3A = arith.constant 1 : i32
    %sub3A_15 = arith.subi %div3A, %sub3A : i32
    %select_n3A = arith.select %and3A, %sub3A_15, %div3A : i32
    %mul3A = arith.constant 13 : i32
    %mul3A_16 = arith.muli %mul3A, %select_n3A : i32
    %sub3A_17 = arith.subi %arg0, %mul3A_16 : i32
    %c0_i32 = arith.constant 0 : i32
    %c0_i32_18 = arith.constant 0 : i32
    return %select_n3A, %sub3A_17, %c0_i32 : i32, i32, i32
  }
  func.func @transform_3(%arg0: i32) -> (i32, i32) {
    %c0_i32 = arith.constant 0 : i32
    %c0_i32_0 = arith.constant 0 : i32
    %c0_i32_1 = arith.constant 0 : i32
    return %c0_i32, %c0_i32_0 : i32, i32
  }
  func.func @transform_4(%arg0: i32) -> (i32, i32) {
    %c0_i32 = arith.constant 0 : i32
    %c0_i32_0 = arith.constant 0 : i32
    %c0_i32_1 = arith.constant 0 : i32
    return %c0_i32, %c0_i32_0 : i32, i32
  }
  func.func @transform_5(%arg0: i32) -> (i32, i32) {
    %c0_i32 = arith.constant 0 : i32
    %c0_i32_0 = arith.constant 0 : i32
    return %arg0, %c0_i32 : i32, i32
  }
  func.func @transform_6(%arg0: i32) -> (i32, i32, i32) {
    %c0_i32 = arith.constant 0 : i32
    %c0_i32_0 = arith.constant 0 : i32
    %c0_i32_1 = arith.constant 0 : i32
    return %arg0, %c0_i32, %c0_i32_0 : i32, i32, i32
  }
  func.func @transform_7(%arg0: i32) -> (i32, i32, i32) {
    %c0_i32 = arith.constant 0 : i32
    %c0_i32_0 = arith.constant 0 : i32
    %c0_i32_1 = arith.constant 0 : i32
    return %arg0, %c0_i32, %c0_i32_0 : i32, i32, i32
  }
}

module attributes {stable_mosaic.version = 14 : i64} {
  func.func @_tc_b_body(%arg0: i32, %arg1: memref<1000x128xf32, #tpu.memory_space<vmem>>, %arg2: memref<25x1x128xf32, #tpu.memory_space<vmem>>, %arg3: memref<25x1x128xf32, #tpu.memory_space<vmem>>, %arg4: memref<1x128xf32, #tpu.memory_space<vmem>>, %arg5: memref<1x128xf32, #tpu.memory_space<vmem>>, %arg6: memref<128x128xf32, #tpu.memory_space<vmem>>, %arg7: memref<1x128xf32, #tpu.memory_space<vmem>>, %arg8: memref<1000x128xf32, #tpu.memory_space<vmem>>, %arg9: memref<1000x128xf32, #tpu.memory_space<vmem>>, %arg10: memref<1000x128xf32, #tpu.memory_space<vmem>>) attributes {dimension_semantics = [#tpu.dimension_semantics<arbitrary>], iteration_bounds = array<i64: 25>, scalar_prefetch = 0 : i64, scratch_operands = 0 : i64, tpu.core_type = #tpu.core_type<tc>, window_params = [{transform_indices = @transform_0, window_bounds = array<i64: 1000, 128>}, {pipeline_mode = #tpu.pipeline_mode<synchronous>, transform_indices = @transform_1, window_bounds = array<i64: 25, 1, 128>}, {pipeline_mode = #tpu.pipeline_mode<synchronous>, transform_indices = @transform_2, window_bounds = array<i64: 25, 1, 128>}, {pipeline_mode = #tpu.pipeline_mode<synchronous>, transform_indices = @transform_3, window_bounds = array<i64: 1, 128>}, {pipeline_mode = #tpu.pipeline_mode<synchronous>, transform_indices = @transform_4, window_bounds = array<i64: 1, 128>}, {pipeline_mode = #tpu.pipeline_mode<synchronous>, transform_indices = @transform_5, window_bounds = array<i64: 128, 128>}, {pipeline_mode = #tpu.pipeline_mode<synchronous>, transform_indices = @transform_6, window_bounds = array<i64: 1, 128>}, {transform_indices = @transform_7, window_bounds = array<i64: 1000, 128>}, {transform_indices = @transform_8, window_bounds = array<i64: 1000, 128>}, {transform_indices = @transform_9, window_bounds = array<i64: 1000, 128>}]} {
    %get3A = arith.constant 0 : index
    %get3A_0 = arith.constant 0 : index
    %get3A_1 = vector.load %arg1[%get3A, %get3A_0] : memref<1000x128xf32, #tpu.memory_space<vmem>>, vector<1000x128xf32>
    %get3A_2 = arith.constant 0 : index
    %get3A_3 = arith.constant 0 : index
    %get3A_4 = arith.constant 0 : index
    %get3A_5 = vector.load %arg2[%get3A_2, %get3A_3, %get3A_4] : memref<25x1x128xf32, #tpu.memory_space<vmem>>, vector<25x1x128xf32>
    %reduce_sum3A = arith.constant dense<0.000000e+00> : vector<1x128xf32>
    %reduce_sum3A_6 = vector.multi_reduction <add>, %get3A_5, %reduce_sum3A [0] : vector<25x1x128xf32> to vector<1x128xf32>
    %div3A = arith.constant 2.500000e+04 : f32
    %div3A_7 = vector.broadcast %div3A : f32 to vector<1x128xf32>
    %div3A_8 = arith.divf %reduce_sum3A_6, %div3A_7 : vector<1x128xf32>
    %get3A_9 = arith.constant 0 : index
    %get3A_10 = arith.constant 0 : index
    %get3A_11 = arith.constant 0 : index
    %get3A_12 = vector.load %arg3[%get3A_9, %get3A_10, %get3A_11] : memref<25x1x128xf32, #tpu.memory_space<vmem>>, vector<25x1x128xf32>
    %reduce_sum3A_13 = arith.constant dense<0.000000e+00> : vector<1x128xf32>
    %reduce_sum3A_14 = vector.multi_reduction <add>, %get3A_12, %reduce_sum3A_13 [0] : vector<25x1x128xf32> to vector<1x128xf32>
    %div3A_15 = arith.constant 2.500000e+04 : f32
    %div3A_16 = vector.broadcast %div3A_15 : f32 to vector<1x128xf32>
    %div3A_17 = arith.divf %reduce_sum3A_14, %div3A_16 : vector<1x128xf32>
    %mul3A = arith.mulf %div3A_8, %div3A_8 : vector<1x128xf32>
    %sub3A = arith.subf %div3A_17, %mul3A : vector<1x128xf32>
    %add3A = arith.constant 9.99999974E-6 : f32
    %add3A_18 = vector.broadcast %add3A : f32 to vector<1x128xf32>
    %add3A_19 = arith.addf %sub3A, %add3A_18 : vector<1x128xf32>
    %sqrt3A = math.sqrt %add3A_19 : vector<1x128xf32>
    %sub3A_20 = vector.broadcast %div3A_8 : vector<1x128xf32> to vector<1000x128xf32>
    %sub3A_21 = arith.subf %get3A_1, %sub3A_20 : vector<1000x128xf32>
    %div3A_22 = vector.broadcast %sqrt3A : vector<1x128xf32> to vector<1000x128xf32>
    %div3A_23 = arith.divf %sub3A_21, %div3A_22 : vector<1000x128xf32>
    %get3A_24 = arith.constant 0 : index
    %get3A_25 = arith.constant 0 : index
    %get3A_26 = vector.load %arg4[%get3A_24, %get3A_25] : memref<1x128xf32, #tpu.memory_space<vmem>>, vector<1x128xf32>
    %mul3A_27 = vector.broadcast %get3A_26 : vector<1x128xf32> to vector<1000x128xf32>
    %mul3A_28 = arith.mulf %div3A_23, %mul3A_27 : vector<1000x128xf32>
    %get3A_29 = arith.constant 0 : index
    %get3A_30 = arith.constant 0 : index
    %get3A_31 = vector.load %arg5[%get3A_29, %get3A_30] : memref<1x128xf32, #tpu.memory_space<vmem>>, vector<1x128xf32>
    %add3A_32 = vector.broadcast %get3A_31 : vector<1x128xf32> to vector<1000x128xf32>
    %add3A_33 = arith.addf %mul3A_28, %add3A_32 : vector<1000x128xf32>
    %max3A = arith.constant 0.000000e+00 : f32
    %max3A_34 = vector.broadcast %max3A : f32 to vector<1000x128xf32>
    %max3A_35 = arith.maximumf %add3A_33, %max3A_34 : vector<1000x128xf32>
    %get3A_36 = arith.constant 0 : index
    %get3A_37 = arith.constant 0 : index
    %get3A_38 = vector.load %arg6[%get3A_36, %get3A_37] : memref<128x128xf32, #tpu.memory_space<vmem>>, vector<128x128xf32>
    %dot_general3A = arith.constant dense<0.000000e+00> : vector<1000x128xf32>
    %dot_general3A_39 = tpu.matmul %max3A_35, %get3A_38, %dot_general3A {dimension_numbers = #tpu.dot_dimension_numbers<[1], [0], [0], [1], [0, 0, 1, 1], [], []>, transpose_lhs_hint = false} : vector<1000x128xf32>, vector<128x128xf32>, vector<1000x128xf32> -> vector<1000x128xf32>
    %get3A_40 = arith.constant 0 : index
    %get3A_41 = arith.constant 0 : index
    %get3A_42 = vector.load %arg7[%get3A_40, %get3A_41] : memref<1x128xf32, #tpu.memory_space<vmem>>, vector<1x128xf32>
    %add3A_43 = vector.broadcast %get3A_42 : vector<1x128xf32> to vector<1000x128xf32>
    %add3A_44 = arith.addf %dot_general3A_39, %add3A_43 : vector<1000x128xf32>
    %get3A_45 = arith.constant 0 : index
    %get3A_46 = arith.constant 0 : index
    %get3A_47 = vector.load %arg8[%get3A_45, %get3A_46] : memref<1000x128xf32, #tpu.memory_space<vmem>>, vector<1000x128xf32>
    %add3A_48 = arith.addf %get3A_47, %add3A_44 : vector<1000x128xf32>
    %swap3A = arith.constant 0 : index
    %swap3A_49 = arith.constant 0 : index
    %swap3A_50 = vector.load %arg9[%swap3A, %swap3A_49] : memref<1000x128xf32, #tpu.memory_space<vmem>>, vector<1000x128xf32>
    tpu.vector_store %arg9[%swap3A, %swap3A_49], %add3A_48 {strides = array<i32>} : memref<1000x128xf32, #tpu.memory_space<vmem>>, vector<1000x128xf32>,
    %swap3A_51 = arith.constant 0 : index
    %swap3A_52 = arith.constant 0 : index
    %swap3A_53 = vector.load %arg10[%swap3A_51, %swap3A_52] : memref<1000x128xf32, #tpu.memory_space<vmem>>, vector<1000x128xf32>
    tpu.vector_store %arg10[%swap3A_51, %swap3A_52], %add3A_44 {strides = array<i32>} : memref<1000x128xf32, #tpu.memory_space<vmem>>, vector<1000x128xf32>,
    return
  }
  func.func @transform_0(%arg0: i32) -> (i32, i32) {
    %c0_i32 = arith.constant 0 : i32
    %c0_i32_0 = arith.constant 0 : i32
    return %arg0, %c0_i32 : i32, i32
  }
  func.func @transform_1(%arg0: i32) -> (i32, i32, i32) {
    %c0_i32 = arith.constant 0 : i32
    %c0_i32_0 = arith.constant 0 : i32
    %c0_i32_1 = arith.constant 0 : i32
    %c0_i32_2 = arith.constant 0 : i32
    return %c0_i32, %c0_i32_0, %c0_i32_1 : i32, i32, i32
  }
  func.func @transform_2(%arg0: i32) -> (i32, i32, i32) {
    %c0_i32 = arith.constant 0 : i32
    %c0_i32_0 = arith.constant 0 : i32
    %c0_i32_1 = arith.constant 0 : i32
    %c0_i32_2 = arith.constant 0 : i32
    return %c0_i32, %c0_i32_0, %c0_i32_1 : i32, i32, i32
  }
  func.func @transform_3(%arg0: i32) -> (i32, i32) {
    %c0_i32 = arith.constant 0 : i32
    %c0_i32_0 = arith.constant 0 : i32
    %c0_i32_1 = arith.constant 0 : i32
    return %c0_i32, %c0_i32_0 : i32, i32
  }
  func.func @transform_4(%arg0: i32) -> (i32, i32) {
    %c0_i32 = arith.constant 0 : i32
    %c0_i32_0 = arith.constant 0 : i32
    %c0_i32_1 = arith.constant 0 : i32
    return %c0_i32, %c0_i32_0 : i32, i32
  }
  func.func @transform_5(%arg0: i32) -> (i32, i32) {
    %c0_i32 = arith.constant 0 : i32
    %c0_i32_0 = arith.constant 0 : i32
    %c0_i32_1 = arith.constant 0 : i32
    return %c0_i32, %c0_i32_0 : i32, i32
  }
  func.func @transform_6(%arg0: i32) -> (i32, i32) {
    %c0_i32 = arith.constant 0 : i32
    %c0_i32_0 = arith.constant 0 : i32
    %c0_i32_1 = arith.constant 0 : i32
    return %c0_i32, %c0_i32_0 : i32, i32
  }
  func.func @transform_7(%arg0: i32) -> (i32, i32) {
    %c0_i32 = arith.constant 0 : i32
    %c0_i32_0 = arith.constant 0 : i32
    return %arg0, %c0_i32 : i32, i32
  }
  func.func @transform_8(%arg0: i32) -> (i32, i32) {
    %c0_i32 = arith.constant 0 : i32
    %c0_i32_0 = arith.constant 0 : i32
    return %arg0, %c0_i32 : i32, i32
  }
  func.func @transform_9(%arg0: i32) -> (i32, i32) {
    %c0_i32 = arith.constant 0 : i32
    %c0_i32_0 = arith.constant 0 : i32
    return %arg0, %c0_i32 : i32, i32
  }
}

module attributes {stable_mosaic.version = 14 : i64} {
  func.func @_tc_b_body(%arg0: i32, %arg1: memref<1000x128xf32, #tpu.memory_space<vmem>>, %arg2: memref<25x1x128xf32, #tpu.memory_space<vmem>>, %arg3: memref<25x1x128xf32, #tpu.memory_space<vmem>>, %arg4: memref<1x128xf32, #tpu.memory_space<vmem>>, %arg5: memref<1x128xf32, #tpu.memory_space<vmem>>, %arg6: memref<128x128xf32, #tpu.memory_space<vmem>>, %arg7: memref<1x128xf32, #tpu.memory_space<vmem>>, %arg8: memref<1000x128xf32, #tpu.memory_space<vmem>>, %arg9: memref<1000x128xf32, #tpu.memory_space<vmem>>) attributes {dimension_semantics = [#tpu.dimension_semantics<arbitrary>], iteration_bounds = array<i64: 25>, scalar_prefetch = 0 : i64, scratch_operands = 0 : i64, tpu.core_type = #tpu.core_type<tc>, window_params = [{transform_indices = @transform_0, window_bounds = array<i64: 1000, 128>}, {pipeline_mode = #tpu.pipeline_mode<synchronous>, transform_indices = @transform_1, window_bounds = array<i64: 25, 1, 128>}, {pipeline_mode = #tpu.pipeline_mode<synchronous>, transform_indices = @transform_2, window_bounds = array<i64: 25, 1, 128>}, {pipeline_mode = #tpu.pipeline_mode<synchronous>, transform_indices = @transform_3, window_bounds = array<i64: 1, 128>}, {pipeline_mode = #tpu.pipeline_mode<synchronous>, transform_indices = @transform_4, window_bounds = array<i64: 1, 128>}, {pipeline_mode = #tpu.pipeline_mode<synchronous>, transform_indices = @transform_5, window_bounds = array<i64: 128, 128>}, {pipeline_mode = #tpu.pipeline_mode<synchronous>, transform_indices = @transform_6, window_bounds = array<i64: 1, 128>}, {transform_indices = @transform_7, window_bounds = array<i64: 1000, 128>}, {transform_indices = @transform_8, window_bounds = array<i64: 1000, 128>}]} {
    %get3A = arith.constant 0 : index
    %get3A_0 = arith.constant 0 : index
    %get3A_1 = vector.load %arg1[%get3A, %get3A_0] : memref<1000x128xf32, #tpu.memory_space<vmem>>, vector<1000x128xf32>
    %get3A_2 = arith.constant 0 : index
    %get3A_3 = arith.constant 0 : index
    %get3A_4 = arith.constant 0 : index
    %get3A_5 = vector.load %arg2[%get3A_2, %get3A_3, %get3A_4] : memref<25x1x128xf32, #tpu.memory_space<vmem>>, vector<25x1x128xf32>
    %reduce_sum3A = arith.constant dense<0.000000e+00> : vector<1x128xf32>
    %reduce_sum3A_6 = vector.multi_reduction <add>, %get3A_5, %reduce_sum3A [0] : vector<25x1x128xf32> to vector<1x128xf32>
    %div3A = arith.constant 2.500000e+04 : f32
    %div3A_7 = vector.broadcast %div3A : f32 to vector<1x128xf32>
    %div3A_8 = arith.divf %reduce_sum3A_6, %div3A_7 : vector<1x128xf32>
    %get3A_9 = arith.constant 0 : index
    %get3A_10 = arith.constant 0 : index
    %get3A_11 = arith.constant 0 : index
    %get3A_12 = vector.load %arg3[%get3A_9, %get3A_10, %get3A_11] : memref<25x1x128xf32, #tpu.memory_space<vmem>>, vector<25x1x128xf32>
    %reduce_sum3A_13 = arith.constant dense<0.000000e+00> : vector<1x128xf32>
    %reduce_sum3A_14 = vector.multi_reduction <add>, %get3A_12, %reduce_sum3A_13 [0] : vector<25x1x128xf32> to vector<1x128xf32>
    %div3A_15 = arith.constant 2.500000e+04 : f32
    %div3A_16 = vector.broadcast %div3A_15 : f32 to vector<1x128xf32>
    %div3A_17 = arith.divf %reduce_sum3A_14, %div3A_16 : vector<1x128xf32>
    %mul3A = arith.mulf %div3A_8, %div3A_8 : vector<1x128xf32>
    %sub3A = arith.subf %div3A_17, %mul3A : vector<1x128xf32>
    %add3A = arith.constant 9.99999974E-6 : f32
    %add3A_18 = vector.broadcast %add3A : f32 to vector<1x128xf32>
    %add3A_19 = arith.addf %sub3A, %add3A_18 : vector<1x128xf32>
    %sqrt3A = math.sqrt %add3A_19 : vector<1x128xf32>
    %sub3A_20 = vector.broadcast %div3A_8 : vector<1x128xf32> to vector<1000x128xf32>
    %sub3A_21 = arith.subf %get3A_1, %sub3A_20 : vector<1000x128xf32>
    %div3A_22 = vector.broadcast %sqrt3A : vector<1x128xf32> to vector<1000x128xf32>
    %div3A_23 = arith.divf %sub3A_21, %div3A_22 : vector<1000x128xf32>
    %get3A_24 = arith.constant 0 : index
    %get3A_25 = arith.constant 0 : index
    %get3A_26 = vector.load %arg4[%get3A_24, %get3A_25] : memref<1x128xf32, #tpu.memory_space<vmem>>, vector<1x128xf32>
    %mul3A_27 = vector.broadcast %get3A_26 : vector<1x128xf32> to vector<1000x128xf32>
    %mul3A_28 = arith.mulf %div3A_23, %mul3A_27 : vector<1000x128xf32>
    %get3A_29 = arith.constant 0 : index
    %get3A_30 = arith.constant 0 : index
    %get3A_31 = vector.load %arg5[%get3A_29, %get3A_30] : memref<1x128xf32, #tpu.memory_space<vmem>>, vector<1x128xf32>
    %add3A_32 = vector.broadcast %get3A_31 : vector<1x128xf32> to vector<1000x128xf32>
    %add3A_33 = arith.addf %mul3A_28, %add3A_32 : vector<1000x128xf32>
    %max3A = arith.constant 0.000000e+00 : f32
    %max3A_34 = vector.broadcast %max3A : f32 to vector<1000x128xf32>
    %max3A_35 = arith.maximumf %add3A_33, %max3A_34 : vector<1000x128xf32>
    %get3A_36 = arith.constant 0 : index
    %get3A_37 = arith.constant 0 : index
    %get3A_38 = vector.load %arg6[%get3A_36, %get3A_37] : memref<128x128xf32, #tpu.memory_space<vmem>>, vector<128x128xf32>
    %dot_general3A = arith.constant dense<0.000000e+00> : vector<1000x128xf32>
    %dot_general3A_39 = tpu.matmul %max3A_35, %get3A_38, %dot_general3A {dimension_numbers = #tpu.dot_dimension_numbers<[1], [0], [0], [1], [0, 0, 1, 1], [], []>, transpose_lhs_hint = false} : vector<1000x128xf32>, vector<128x128xf32>, vector<1000x128xf32> -> vector<1000x128xf32>
    %get3A_40 = arith.constant 0 : index
    %get3A_41 = arith.constant 0 : index
    %get3A_42 = vector.load %arg7[%get3A_40, %get3A_41] : memref<1x128xf32, #tpu.memory_space<vmem>>, vector<1x128xf32>
    %add3A_43 = vector.broadcast %get3A_42 : vector<1x128xf32> to vector<1000x128xf32>
    %add3A_44 = arith.addf %dot_general3A_39, %add3A_43 : vector<1000x128xf32>
    %get3A_45 = arith.constant 0 : index
    %get3A_46 = arith.constant 0 : index
    %get3A_47 = vector.load %arg8[%get3A_45, %get3A_46] : memref<1000x128xf32, #tpu.memory_space<vmem>>, vector<1000x128xf32>
    %add3A_48 = arith.addf %get3A_47, %add3A_44 : vector<1000x128xf32>
    %swap3A = arith.constant 0 : index
    %swap3A_49 = arith.constant 0 : index
    %swap3A_50 = vector.load %arg9[%swap3A, %swap3A_49] : memref<1000x128xf32, #tpu.memory_space<vmem>>, vector<1000x128xf32>
    tpu.vector_store %arg9[%swap3A, %swap3A_49], %add3A_48 {strides = array<i32>} : memref<1000x128xf32, #tpu.memory_space<vmem>>, vector<1000x128xf32>,
    return
  }
  func.func @transform_0(%arg0: i32) -> (i32, i32) {
    %c0_i32 = arith.constant 0 : i32
    %c0_i32_0 = arith.constant 0 : i32
    return %arg0, %c0_i32 : i32, i32
  }
  func.func @transform_1(%arg0: i32) -> (i32, i32, i32) {
    %c0_i32 = arith.constant 0 : i32
    %c0_i32_0 = arith.constant 0 : i32
    %c0_i32_1 = arith.constant 0 : i32
    %c0_i32_2 = arith.constant 0 : i32
    return %c0_i32, %c0_i32_0, %c0_i32_1 : i32, i32, i32
  }
  func.func @transform_2(%arg0: i32) -> (i32, i32, i32) {
    %c0_i32 = arith.constant 0 : i32
    %c0_i32_0 = arith.constant 0 : i32
    %c0_i32_1 = arith.constant 0 : i32
    %c0_i32_2 = arith.constant 0 : i32
    return %c0_i32, %c0_i32_0, %c0_i32_1 : i32, i32, i32
  }
  func.func @transform_3(%arg0: i32) -> (i32, i32) {
    %c0_i32 = arith.constant 0 : i32
    %c0_i32_0 = arith.constant 0 : i32
    %c0_i32_1 = arith.constant 0 : i32
    return %c0_i32, %c0_i32_0 : i32, i32
  }
  func.func @transform_4(%arg0: i32) -> (i32, i32) {
    %c0_i32 = arith.constant 0 : i32
    %c0_i32_0 = arith.constant 0 : i32
    %c0_i32_1 = arith.constant 0 : i32
    return %c0_i32, %c0_i32_0 : i32, i32
  }
  func.func @transform_5(%arg0: i32) -> (i32, i32) {
    %c0_i32 = arith.constant 0 : i32
    %c0_i32_0 = arith.constant 0 : i32
    %c0_i32_1 = arith.constant 0 : i32
    return %c0_i32, %c0_i32_0 : i32, i32
  }
  func.func @transform_6(%arg0: i32) -> (i32, i32) {
    %c0_i32 = arith.constant 0 : i32
    %c0_i32_0 = arith.constant 0 : i32
    %c0_i32_1 = arith.constant 0 : i32
    return %c0_i32, %c0_i32_0 : i32, i32
  }
  func.func @transform_7(%arg0: i32) -> (i32, i32) {
    %c0_i32 = arith.constant 0 : i32
    %c0_i32_0 = arith.constant 0 : i32
    return %arg0, %c0_i32 : i32, i32
  }
  func.func @transform_8(%arg0: i32) -> (i32, i32) {
    %c0_i32 = arith.constant 0 : i32
    %c0_i32_0 = arith.constant 0 : i32
    return %arg0, %c0_i32 : i32, i32
  }
}

module attributes {stable_mosaic.version = 14 : i64} {
  func.func @_tc_cd_body(%arg0: i32, %arg1: memref<1x500x128xf32, #tpu.memory_space<vmem>>, %arg2: memref<128x128xf32, #tpu.memory_space<vmem>>, %arg3: memref<128x128xf32, #tpu.memory_space<vmem>>, %arg4: memref<1x128xf32, #tpu.memory_space<vmem>>, %arg5: memref<128x128xf32, #tpu.memory_space<vmem>>, %arg6: memref<1x128xf32, #tpu.memory_space<vmem>>, %arg7: memref<128x128xf32, #tpu.memory_space<vmem>>, %arg8: memref<1x128xf32, #tpu.memory_space<vmem>>, %arg9: memref<128x128xf32, #tpu.memory_space<vmem>>, %arg10: memref<1x128xf32, #tpu.memory_space<vmem>>, %arg11: memref<128x128xf32, #tpu.memory_space<vmem>>, %arg12: memref<1x128xf32, #tpu.memory_space<vmem>>, %arg13: memref<128x128xf32, #tpu.memory_space<vmem>>, %arg14: memref<1x128xf32, #tpu.memory_space<vmem>>, %arg15: memref<1x20x1xi32, #tpu.memory_space<vmem>>, %arg16: memref<1x20x1xi32, #tpu.memory_space<vmem>>, %arg17: memref<1x1x20xi32, #tpu.memory_space<vmem>>, %arg18: memref<1x1x20xi32, #tpu.memory_space<vmem>>, %arg19: memref<1x1x2xi32, #tpu.memory_space<vmem>>, %arg20: memref<1x1x1xf32, #tpu.memory_space<vmem>>) attributes {dimension_semantics = [#tpu.dimension_semantics<arbitrary>], iteration_bounds = array<i64: 50>, scalar_prefetch = 0 : i64, scratch_operands = 0 : i64, tpu.core_type = #tpu.core_type<tc>, window_params = [{transform_indices = @transform_0, window_bounds = array<i64: 1, 500, 128>}, {pipeline_mode = #tpu.pipeline_mode<synchronous>, transform_indices = @transform_1, window_bounds = array<i64: 128, 128>}, {pipeline_mode = #tpu.pipeline_mode<synchronous>, transform_indices = @transform_2, window_bounds = array<i64: 128, 128>}, {pipeline_mode = #tpu.pipeline_mode<synchronous>, transform_indices = @transform_3, window_bounds = array<i64: 1, 128>}, {pipeline_mode = #tpu.pipeline_mode<synchronous>, transform_indices = @transform_4, window_bounds = array<i64: 128, 128>}, {pipeline_mode = #tpu.pipeline_mode<synchronous>, transform_indices = @transform_5, window_bounds = array<i64: 1, 128>}, {pipeline_mode = #tpu.pipeline_mode<synchronous>, transform_indices = @transform_6, window_bounds = array<i64: 128, 128>}, {pipeline_mode = #tpu.pipeline_mode<synchronous>, transform_indices = @transform_7, window_bounds = array<i64: 1, 128>}, {pipeline_mode = #tpu.pipeline_mode<synchronous>, transform_indices = @transform_8, window_bounds = array<i64: 128, 128>}, {pipeline_mode = #tpu.pipeline_mode<synchronous>, transform_indices = @transform_9, window_bounds = array<i64: 1, 128>}, {pipeline_mode = #tpu.pipeline_mode<synchronous>, transform_indices = @transform_10, window_bounds = array<i64: 128, 128>}, {pipeline_mode = #tpu.pipeline_mode<synchronous>, transform_indices = @transform_11, window_bounds = array<i64: 1, 128>}, {pipeline_mode = #tpu.pipeline_mode<synchronous>, transform_indices = @transform_12, window_bounds = array<i64: 128, 128>}, {pipeline_mode = #tpu.pipeline_mode<synchronous>, transform_indices = @transform_13, window_bounds = array<i64: 1, 128>}, {transform_indices = @transform_14, window_bounds = array<i64: 1, 20, 1>}, {transform_indices = @transform_15, window_bounds = array<i64: 1, 20, 1>}, {transform_indices = @transform_16, window_bounds = array<i64: 1, 1, 20>}, {transform_indices = @transform_17, window_bounds = array<i64: 1, 1, 20>}, {transform_indices = @transform_18, window_bounds = array<i64: 1, 1, 2>}, {transform_indices = @transform_19, window_bounds = array<i64: 1, 1, 1>}]} {
    %get3A = arith.constant 0 : index
    %get3A_0 = arith.constant 0 : index
    %get3A_1 = arith.constant 0 : index
    %get3A_2 = vector.load %arg1[%get3A, %get3A_0, %get3A_1] : memref<1x500x128xf32, #tpu.memory_space<vmem>>, vector<1x500x128xf32>
    %get3A_3 = vector.shape_cast %get3A_2 : vector<1x500x128xf32> to vector<500x128xf32>
    %reduce_sum3A = arith.constant dense<0.000000e+00> : vector<128xf32>
    %reduce_sum3A_4 = vector.multi_reduction <add>, %get3A_3, %reduce_sum3A [0] : vector<500x128xf32> to vector<128xf32>
    %broadcast_in_dim3A = vector.shape_cast %reduce_sum3A_4 : vector<128xf32> to vector<1x128xf32>
    %div3A = arith.constant 5.000000e+02 : f32
    %div3A_5 = vector.broadcast %div3A : f32 to vector<1x128xf32>
    %div3A_6 = arith.divf %broadcast_in_dim3A, %div3A_5 : vector<1x128xf32>
    %get3A_7 = arith.constant 0 : index
    %get3A_8 = arith.constant 0 : index
    %get3A_9 = vector.load %arg2[%get3A_7, %get3A_8] : memref<128x128xf32, #tpu.memory_space<vmem>>, vector<128x128xf32>
    %dot_general3A = arith.constant dense<0.000000e+00> : vector<500x128xf32>
    %dot_general3A_10 = tpu.matmul %get3A_3, %get3A_9, %dot_general3A {dimension_numbers = #tpu.dot_dimension_numbers<[1], [0], [0], [1], [0, 0, 1, 1], [], []>, transpose_lhs_hint = false} : vector<500x128xf32>, vector<128x128xf32>, vector<500x128xf32> -> vector<500x128xf32>
    %get3A_11 = arith.constant 0 : index
    %get3A_12 = arith.constant 0 : index
    %get3A_13 = vector.load %arg3[%get3A_11, %get3A_12] : memref<128x128xf32, #tpu.memory_space<vmem>>, vector<128x128xf32>
    %dot_general3A_14 = arith.constant dense<0.000000e+00> : vector<1x128xf32>
    %dot_general3A_15 = tpu.matmul %div3A_6, %get3A_13, %dot_general3A_14 {dimension_numbers = #tpu.dot_dimension_numbers<[1], [0], [0], [1], [0, 0, 1, 1], [], []>, transpose_lhs_hint = false} : vector<1x128xf32>, vector<128x128xf32>, vector<1x128xf32> -> vector<1x128xf32>
    %add3A = vector.broadcast %dot_general3A_15 : vector<1x128xf32> to vector<500x128xf32>
    %add3A_16 = arith.addf %dot_general3A_10, %add3A : vector<500x128xf32>
    %get3A_17 = arith.constant 0 : index
    %get3A_18 = arith.constant 0 : index
    %get3A_19 = vector.load %arg4[%get3A_17, %get3A_18] : memref<1x128xf32, #tpu.memory_space<vmem>>, vector<1x128xf32>
    %add3A_20 = vector.broadcast %get3A_19 : vector<1x128xf32> to vector<500x128xf32>
    %add3A_21 = arith.addf %add3A_16, %add3A_20 : vector<500x128xf32>
    %tanh3A = math.tanh %add3A_21 : vector<500x128xf32>
    %get3A_22 = arith.constant 0 : index
    %get3A_23 = arith.constant 0 : index
    %get3A_24 = vector.load %arg5[%get3A_22, %get3A_23] : memref<128x128xf32, #tpu.memory_space<vmem>>, vector<128x128xf32>
    %dot_general3A_25 = arith.constant dense<0.000000e+00> : vector<500x128xf32>
    %dot_general3A_26 = tpu.matmul %tanh3A, %get3A_24, %dot_general3A_25 {dimension_numbers = #tpu.dot_dimension_numbers<[1], [0], [0], [1], [0, 0, 1, 1], [], []>, transpose_lhs_hint = false} : vector<500x128xf32>, vector<128x128xf32>, vector<500x128xf32> -> vector<500x128xf32>
    %get3A_27 = arith.constant 0 : index
    %get3A_28 = arith.constant 0 : index
    %get3A_29 = vector.load %arg6[%get3A_27, %get3A_28] : memref<1x128xf32, #tpu.memory_space<vmem>>, vector<1x128xf32>
    %add3A_30 = vector.broadcast %get3A_29 : vector<1x128xf32> to vector<500x128xf32>
    %add3A_31 = arith.addf %dot_general3A_26, %add3A_30 : vector<500x128xf32>
    %get3A_32 = arith.constant 0 : index
    %get3A_33 = arith.constant 0 : index
    %get3A_34 = vector.load %arg7[%get3A_32, %get3A_33] : memref<128x128xf32, #tpu.memory_space<vmem>>, vector<128x128xf32>
    %dot_general3A_35 = arith.constant dense<0.000000e+00> : vector<500x128xf32>
    %dot_general3A_36 = tpu.matmul %add3A_31, %get3A_34, %dot_general3A_35 {dimension_numbers = #tpu.dot_dimension_numbers<[1], [0], [0], [1], [0, 0, 1, 1], [], []>, transpose_lhs_hint = false} : vector<500x128xf32>, vector<128x128xf32>, vector<500x128xf32> -> vector<500x128xf32>
    %get3A_37 = arith.constant 0 : index
    %get3A_38 = arith.constant 0 : index
    %get3A_39 = vector.load %arg8[%get3A_37, %get3A_38] : memref<1x128xf32, #tpu.memory_space<vmem>>, vector<1x128xf32>
    %add3A_40 = vector.broadcast %get3A_39 : vector<1x128xf32> to vector<500x128xf32>
    %add3A_41 = arith.addf %dot_general3A_36, %add3A_40 : vector<500x128xf32>
    %tanh3A_42 = math.tanh %add3A_41 : vector<500x128xf32>
    %get3A_43 = arith.constant 0 : index
    %get3A_44 = arith.constant 0 : index
    %get3A_45 = vector.load %arg9[%get3A_43, %get3A_44] : memref<128x128xf32, #tpu.memory_space<vmem>>, vector<128x128xf32>
    %dot_general3A_46 = arith.constant dense<0.000000e+00> : vector<500x128xf32>
    %dot_general3A_47 = tpu.matmul %tanh3A_42, %get3A_45, %dot_general3A_46 {dimension_numbers = #tpu.dot_dimension_numbers<[1], [0], [0], [1], [0, 0, 1, 1], [], []>, transpose_lhs_hint = false} : vector<500x128xf32>, vector<128x128xf32>, vector<500x128xf32> -> vector<500x128xf32>
    %get3A_48 = arith.constant 0 : index
    %get3A_49 = arith.constant 0 : index
    %get3A_50 = vector.load %arg10[%get3A_48, %get3A_49] : memref<1x128xf32, #tpu.memory_space<vmem>>, vector<1x128xf32>
    %add3A_51 = vector.broadcast %get3A_50 : vector<1x128xf32> to vector<500x128xf32>
    %add3A_52 = arith.addf %dot_general3A_47, %add3A_51 : vector<500x128xf32>
    %get3A_53 = arith.constant 0 : index
    %get3A_54 = arith.constant 0 : index
    %get3A_55 = vector.load %arg11[%get3A_53, %get3A_54] : memref<128x128xf32, #tpu.memory_space<vmem>>, vector<128x128xf32>
    %dot_general3A_56 = arith.constant dense<0.000000e+00> : vector<500x128xf32>
    %dot_general3A_57 = tpu.matmul %add3A_52, %get3A_55, %dot_general3A_56 {dimension_numbers = #tpu.dot_dimension_numbers<[1], [0], [0], [1], [0, 0, 1, 1], [], []>, transpose_lhs_hint = false} : vector<500x128xf32>, vector<128x128xf32>, vector<500x128xf32> -> vector<500x128xf32>
    %get3A_58 = arith.constant 0 : index
    %get3A_59 = arith.constant 0 : index
    %get3A_60 = vector.load %arg12[%get3A_58, %get3A_59] : memref<1x128xf32, #tpu.memory_space<vmem>>, vector<1x128xf32>
    %add3A_61 = vector.broadcast %get3A_60 : vector<1x128xf32> to vector<500x128xf32>
    %add3A_62 = arith.addf %dot_general3A_57, %add3A_61 : vector<500x128xf32>
    %tanh3A_63 = math.tanh %add3A_62 : vector<500x128xf32>
    %get3A_64 = arith.constant 0 : index
    %get3A_65 = arith.constant 0 : index
    %get3A_66 = vector.load %arg13[%get3A_64, %get3A_65] : memref<128x128xf32, #tpu.memory_space<vmem>>, vector<128x128xf32>
    %dot_general3A_67 = arith.constant dense<0.000000e+00> : vector<500x128xf32>
    %dot_general3A_68 = tpu.matmul %tanh3A_63, %get3A_66, %dot_general3A_67 {dimension_numbers = #tpu.dot_dimension_numbers<[1], [0], [0], [1], [0, 0, 1, 1], [], []>, transpose_lhs_hint = false} : vector<500x128xf32>, vector<128x128xf32>, vector<500x128xf32> -> vector<500x128xf32>
    %get3A_69 = arith.constant 0 : index
    %get3A_70 = arith.constant 0 : index
    %get3A_71 = vector.load %arg14[%get3A_69, %get3A_70] : memref<1x128xf32, #tpu.memory_space<vmem>>, vector<1x128xf32>
    %add3A_72 = vector.broadcast %get3A_71 : vector<1x128xf32> to vector<500x128xf32>
    %add3A_73 = arith.addf %dot_general3A_68, %add3A_72 : vector<500x128xf32>
    %get3A_74 = arith.constant 0 : index
    %get3A_75 = arith.constant 0 : index
    %get3A_76 = arith.constant 0 : index
    %get3A_77 = vector.load %arg15[%get3A_74, %get3A_75, %get3A_76] : memref<1x20x1xi32, #tpu.memory_space<vmem>>, vector<1x20x1xi32>
    %get3A_78 = vector.shape_cast %get3A_77 : vector<1x20x1xi32> to vector<20x1xi32>
    %get3A_79 = arith.constant 0 : index
    %get3A_80 = arith.constant 0 : index
    %get3A_81 = arith.constant 0 : index
    %get3A_82 = vector.load %arg16[%get3A_79, %get3A_80, %get3A_81] : memref<1x20x1xi32, #tpu.memory_space<vmem>>, vector<1x20x1xi32>
    %get3A_83 = vector.shape_cast %get3A_82 : vector<1x20x1xi32> to vector<20x1xi32>
    %dot_general3A_84 = arith.constant dense<0.000000e+00> : vector<500x500xf32>
    %dot_general3A_85 = tpu.matmul %add3A_73, %add3A_73, %dot_general3A_84 {dimension_numbers = #tpu.dot_dimension_numbers<[1], [1], [0], [0], [0, 0, 1, 0], [], []>, transpose_lhs_hint = false} : vector<500x128xf32>, vector<500x128xf32>, vector<500x500xf32> -> vector<500x500xf32>
    %iota3A = tpu.iota {dimensions = array<i32: 1>} : vector<20x500xi32>
    %eq3A = vector.broadcast %get3A_78 : vector<20x1xi32> to vector<20x500xi32>
    %eq3A_86 = arith.cmpi eq, %iota3A, %eq3A : vector<20x500xi32>
    %convert_element_type3A = arith.extui %eq3A_86 : vector<20x500xi1> to vector<20x500xi32>
    %convert_element_type3A_87 = arith.sitofp %convert_element_type3A : vector<20x500xi32> to vector<20x500xf32>
    %iota3A_88 = tpu.iota {dimensions = array<i32: 1>} : vector<20x500xi32>
    %eq3A_89 = vector.broadcast %get3A_83 : vector<20x1xi32> to vector<20x500xi32>
    %eq3A_90 = arith.cmpi eq, %iota3A_88, %eq3A_89 : vector<20x500xi32>
    %convert_element_type3A_91 = arith.extui %eq3A_90 : vector<20x500xi1> to vector<20x500xi32>
    %convert_element_type3A_92 = arith.sitofp %convert_element_type3A_91 : vector<20x500xi32> to vector<20x500xf32>
    %dot_general3A_93 = arith.constant dense<0.000000e+00> : vector<20x500xf32>
    %dot_general3A_94 = tpu.matmul %convert_element_type3A_87, %dot_general3A_85, %dot_general3A_93 {dimension_numbers = #tpu.dot_dimension_numbers<[1], [0], [0], [1], [0, 0, 1, 1], [], []>, precision = #tpu.contract_precision<fp32>, transpose_lhs_hint = false} : vector<20x500xf32>, vector<500x500xf32>, vector<20x500xf32> -> vector<20x500xf32>
    %mul3A = arith.mulf %dot_general3A_94, %convert_element_type3A_92 : vector<20x500xf32>
    %reduce_sum3A_95 = arith.constant dense<0.000000e+00> : vector<20xf32>
    %reduce_sum3A_96 = vector.multi_reduction <add>, %mul3A, %reduce_sum3A_95 [1] : vector<20x500xf32> to vector<20xf32>
    %broadcast_in_dim3A_97 = vector.shape_cast %reduce_sum3A_96 : vector<20xf32> to vector<20x1xf32>
    %mul3A_98 = arith.constant 500 : i32
    %mul3A_99 = vector.broadcast %mul3A_98 : i32 to vector<20x1xi32>
    %mul3A_100 = arith.muli %get3A_78, %mul3A_99 : vector<20x1xi32>
    %add3A_101 = arith.addi %mul3A_100, %get3A_83 : vector<20x1xi32>
    %get3A_102 = arith.constant 0 : index
    %get3A_103 = arith.constant 0 : index
    %get3A_104 = arith.constant 0 : index
    %get3A_105 = vector.load %arg17[%get3A_102, %get3A_103, %get3A_104] : memref<1x1x20xi32, #tpu.memory_space<vmem>>, vector<1x1x20xi32>
    %get3A_106 = vector.shape_cast %get3A_105 : vector<1x1x20xi32> to vector<1x20xi32>
    %mul3A_107 = arith.constant 500 : i32
    %mul3A_108 = vector.broadcast %mul3A_107 : i32 to vector<1x20xi32>
    %mul3A_109 = arith.muli %get3A_106, %mul3A_108 : vector<1x20xi32>
    %get3A_110 = arith.constant 0 : index
    %get3A_111 = arith.constant 0 : index
    %get3A_112 = arith.constant 0 : index
    %get3A_113 = vector.load %arg18[%get3A_110, %get3A_111, %get3A_112] : memref<1x1x20xi32, #tpu.memory_space<vmem>>, vector<1x1x20xi32>
    %get3A_114 = vector.shape_cast %get3A_113 : vector<1x1x20xi32> to vector<1x20xi32>
    %add3A_115 = arith.addi %mul3A_109, %get3A_114 : vector<1x20xi32>
    %eq3A_116 = vector.broadcast %add3A_101 : vector<20x1xi32> to vector<20x20xi32>
    %eq3A_117 = vector.broadcast %add3A_115 : vector<1x20xi32> to vector<20x20xi32>
    %eq3A_118 = arith.cmpi eq, %eq3A_116, %eq3A_117 : vector<20x20xi32>
    %iota3A_119 = tpu.iota {dimensions = array<i32: 0>} : vector<20x20xi32>
    %iota3A_120 = tpu.iota {dimensions = array<i32: 1>} : vector<20x20xi32>
    %gt3A = arith.cmpi sgt, %iota3A_119, %iota3A_120 : vector<20x20xi32>
    %and3A = arith.andi %eq3A_118, %gt3A : vector<20x20xi1>
    %convert_element_type3A_121 = arith.extui %and3A : vector<20x20xi1> to vector<20x20xi32>
    %reduce_sum3A_122 = arith.constant dense<0> : vector<20xi32>
    %reduce_sum3A_123 = vector.multi_reduction <add>, %convert_element_type3A_121, %reduce_sum3A_122 [1] : vector<20x20xi32> to vector<20xi32>
    %broadcast_in_dim3A_124 = vector.shape_cast %reduce_sum3A_123 : vector<20xi32> to vector<20x1xi32>
    %eq3A_125 = arith.constant 0 : i32
    %eq3A_126 = vector.broadcast %eq3A_125 : i32 to vector<20x1xi32>
    %eq3A_127 = arith.cmpi eq, %broadcast_in_dim3A_124, %eq3A_126 : vector<20x1xi32>
    %mul3A_128 = arith.constant 250000 : i32
    %mul3A_129 = arith.muli %arg0, %mul3A_128 : i32
    %add3A_130 = vector.broadcast %mul3A_129 : i32 to vector<20x1xi32>
    %add3A_131 = arith.addi %add3A_130, %add3A_101 : vector<20x1xi32>
    %broadcast_in_dim3A_132 = arith.constant 0 : i32
    %broadcast_in_dim3A_133 = vector.broadcast %broadcast_in_dim3A_132 : i32 to vector<20x1xi32>
    %add3A_134 = arith.constant 0 : i32
    %add3A_135 = vector.broadcast %add3A_134 : i32 to vector<20x1xi32>
    %add3A_136 = arith.addi %broadcast_in_dim3A_133, %add3A_135 : vector<20x1xi32>
    %add3A_137 = arith.constant 42 : i32
    %add3A_138 = vector.broadcast %add3A_137 : i32 to vector<20x1xi32>
    %add3A_139 = arith.addi %add3A_131, %add3A_138 : vector<20x1xi32>
    %add3A_140 = arith.addi %add3A_136, %add3A_139 : vector<20x1xi32>
    %shift_left3A = arith.constant 13 : i32
    %shift_left3A_141 = vector.broadcast %shift_left3A : i32 to vector<20x1xi32>
    %shift_left3A_142 = arith.shli %add3A_139, %shift_left3A_141 : vector<20x1xi32>
    %shift_right_logical3A = arith.constant 19 : i32
    %shift_right_logical3A_143 = vector.broadcast %shift_right_logical3A : i32 to vector<20x1xi32>
    %shift_right_logical3A_144 = arith.shrui %add3A_139, %shift_right_logical3A_143 : vector<20x1xi32>
    %or3A = arith.ori %shift_left3A_142, %shift_right_logical3A_144 : vector<20x1xi32>
    %xor3A = arith.xori %or3A, %add3A_140 : vector<20x1xi32>
    %add3A_145 = arith.addi %add3A_140, %xor3A : vector<20x1xi32>
    %shift_left3A_146 = arith.constant 15 : i32
    %shift_left3A_147 = vector.broadcast %shift_left3A_146 : i32 to vector<20x1xi32>
    %shift_left3A_148 = arith.shli %xor3A, %shift_left3A_147 : vector<20x1xi32>
    %shift_right_logical3A_149 = arith.constant 17 : i32
    %shift_right_logical3A_150 = vector.broadcast %shift_right_logical3A_149 : i32 to vector<20x1xi32>
    %shift_right_logical3A_151 = arith.shrui %xor3A, %shift_right_logical3A_150 : vector<20x1xi32>
    %or3A_152 = arith.ori %shift_left3A_148, %shift_right_logical3A_151 : vector<20x1xi32>
    %xor3A_153 = arith.xori %or3A_152, %add3A_145 : vector<20x1xi32>
    %add3A_154 = arith.addi %add3A_145, %xor3A_153 : vector<20x1xi32>
    %shift_left3A_155 = arith.constant 26 : i32
    %shift_left3A_156 = vector.broadcast %shift_left3A_155 : i32 to vector<20x1xi32>
    %shift_left3A_157 = arith.shli %xor3A_153, %shift_left3A_156 : vector<20x1xi32>
    %shift_right_logical3A_158 = arith.constant 6 : i32
    %shift_right_logical3A_159 = vector.broadcast %shift_right_logical3A_158 : i32 to vector<20x1xi32>
    %shift_right_logical3A_160 = arith.shrui %xor3A_153, %shift_right_logical3A_159 : vector<20x1xi32>
    %or3A_161 = arith.ori %shift_left3A_157, %shift_right_logical3A_160 : vector<20x1xi32>
    %xor3A_162 = arith.xori %or3A_161, %add3A_154 : vector<20x1xi32>
    %add3A_163 = arith.addi %add3A_154, %xor3A_162 : vector<20x1xi32>
    %shift_left3A_164 = arith.constant 6 : i32
    %shift_left3A_165 = vector.broadcast %shift_left3A_164 : i32 to vector<20x1xi32>
    %shift_left3A_166 = arith.shli %xor3A_162, %shift_left3A_165 : vector<20x1xi32>
    %shift_right_logical3A_167 = arith.constant 26 : i32
    %shift_right_logical3A_168 = vector.broadcast %shift_right_logical3A_167 : i32 to vector<20x1xi32>
    %shift_right_logical3A_169 = arith.shrui %xor3A_162, %shift_right_logical3A_168 : vector<20x1xi32>
    %or3A_170 = arith.ori %shift_left3A_166, %shift_right_logical3A_169 : vector<20x1xi32>
    %xor3A_171 = arith.xori %or3A_170, %add3A_163 : vector<20x1xi32>
    %add3A_172 = arith.constant 42 : i32
    %add3A_173 = vector.broadcast %add3A_172 : i32 to vector<20x1xi32>
    %add3A_174 = arith.addi %add3A_163, %add3A_173 : vector<20x1xi32>
    %add3A_175 = arith.constant 466689008 : i32
    %add3A_176 = vector.broadcast %add3A_175 : i32 to vector<20x1xi32>
    %add3A_177 = arith.addi %xor3A_171, %add3A_176 : vector<20x1xi32>
    %add3A_178 = arith.constant 1 : i32
    %add3A_179 = vector.broadcast %add3A_178 : i32 to vector<20x1xi32>
    %add3A_180 = arith.addi %add3A_177, %add3A_179 : vector<20x1xi32>
    %add3A_181 = arith.addi %add3A_174, %add3A_180 : vector<20x1xi32>
    %shift_left3A_182 = arith.constant 17 : i32
    %shift_left3A_183 = vector.broadcast %shift_left3A_182 : i32 to vector<20x1xi32>
    %shift_left3A_184 = arith.shli %add3A_180, %shift_left3A_183 : vector<20x1xi32>
    %shift_right_logical3A_185 = arith.constant 15 : i32
    %shift_right_logical3A_186 = vector.broadcast %shift_right_logical3A_185 : i32 to vector<20x1xi32>
    %shift_right_logical3A_187 = arith.shrui %add3A_180, %shift_right_logical3A_186 : vector<20x1xi32>
    %or3A_188 = arith.ori %shift_left3A_184, %shift_right_logical3A_187 : vector<20x1xi32>
    %xor3A_189 = arith.xori %or3A_188, %add3A_181 : vector<20x1xi32>
    %add3A_190 = arith.addi %add3A_181, %xor3A_189 : vector<20x1xi32>
    %shift_left3A_191 = arith.constant 29 : i32
    %shift_left3A_192 = vector.broadcast %shift_left3A_191 : i32 to vector<20x1xi32>
    %shift_left3A_193 = arith.shli %xor3A_189, %shift_left3A_192 : vector<20x1xi32>
    %shift_right_logical3A_194 = arith.constant 3 : i32
    %shift_right_logical3A_195 = vector.broadcast %shift_right_logical3A_194 : i32 to vector<20x1xi32>
    %shift_right_logical3A_196 = arith.shrui %xor3A_189, %shift_right_logical3A_195 : vector<20x1xi32>
    %or3A_197 = arith.ori %shift_left3A_193, %shift_right_logical3A_196 : vector<20x1xi32>
    %xor3A_198 = arith.xori %or3A_197, %add3A_190 : vector<20x1xi32>
    %add3A_199 = arith.addi %add3A_190, %xor3A_198 : vector<20x1xi32>
    %shift_left3A_200 = arith.constant 16 : i32
    %shift_left3A_201 = vector.broadcast %shift_left3A_200 : i32 to vector<20x1xi32>
    %shift_left3A_202 = arith.shli %xor3A_198, %shift_left3A_201 : vector<20x1xi32>
    %shift_right_logical3A_203 = arith.constant 16 : i32
    %shift_right_logical3A_204 = vector.broadcast %shift_right_logical3A_203 : i32 to vector<20x1xi32>
    %shift_right_logical3A_205 = arith.shrui %xor3A_198, %shift_right_logical3A_204 : vector<20x1xi32>
    %or3A_206 = arith.ori %shift_left3A_202, %shift_right_logical3A_205 : vector<20x1xi32>
    %xor3A_207 = arith.xori %or3A_206, %add3A_199 : vector<20x1xi32>
    %add3A_208 = arith.addi %add3A_199, %xor3A_207 : vector<20x1xi32>
    %shift_left3A_209 = arith.constant 24 : i32
    %shift_left3A_210 = vector.broadcast %shift_left3A_209 : i32 to vector<20x1xi32>
    %shift_left3A_211 = arith.shli %xor3A_207, %shift_left3A_210 : vector<20x1xi32>
    %shift_right_logical3A_212 = arith.constant 8 : i32
    %shift_right_logical3A_213 = vector.broadcast %shift_right_logical3A_212 : i32 to vector<20x1xi32>
    %shift_right_logical3A_214 = arith.shrui %xor3A_207, %shift_right_logical3A_213 : vector<20x1xi32>
    %or3A_215 = arith.ori %shift_left3A_211, %shift_right_logical3A_214 : vector<20x1xi32>
    %xor3A_216 = arith.xori %or3A_215, %add3A_208 : vector<20x1xi32>
    %add3A_217 = arith.constant 466689008 : i32
    %add3A_218 = vector.broadcast %add3A_217 : i32 to vector<20x1xi32>
    %add3A_219 = arith.addi %add3A_208, %add3A_218 : vector<20x1xi32>
    %add3A_220 = arith.constant 0 : i32
    %add3A_221 = vector.broadcast %add3A_220 : i32 to vector<20x1xi32>
    %add3A_222 = arith.addi %xor3A_216, %add3A_221 : vector<20x1xi32>
    %add3A_223 = arith.constant 2 : i32
    %add3A_224 = vector.broadcast %add3A_223 : i32 to vector<20x1xi32>
    %add3A_225 = arith.addi %add3A_222, %add3A_224 : vector<20x1xi32>
    %add3A_226 = arith.addi %add3A_219, %add3A_225 : vector<20x1xi32>
    %shift_left3A_227 = arith.constant 13 : i32
    %shift_left3A_228 = vector.broadcast %shift_left3A_227 : i32 to vector<20x1xi32>
    %shift_left3A_229 = arith.shli %add3A_225, %shift_left3A_228 : vector<20x1xi32>
    %shift_right_logical3A_230 = arith.constant 19 : i32
    %shift_right_logical3A_231 = vector.broadcast %shift_right_logical3A_230 : i32 to vector<20x1xi32>
    %shift_right_logical3A_232 = arith.shrui %add3A_225, %shift_right_logical3A_231 : vector<20x1xi32>
    %or3A_233 = arith.ori %shift_left3A_229, %shift_right_logical3A_232 : vector<20x1xi32>
    %xor3A_234 = arith.xori %or3A_233, %add3A_226 : vector<20x1xi32>
    %add3A_235 = arith.addi %add3A_226, %xor3A_234 : vector<20x1xi32>
    %shift_left3A_236 = arith.constant 15 : i32
    %shift_left3A_237 = vector.broadcast %shift_left3A_236 : i32 to vector<20x1xi32>
    %shift_left3A_238 = arith.shli %xor3A_234, %shift_left3A_237 : vector<20x1xi32>
    %shift_right_logical3A_239 = arith.constant 17 : i32
    %shift_right_logical3A_240 = vector.broadcast %shift_right_logical3A_239 : i32 to vector<20x1xi32>
    %shift_right_logical3A_241 = arith.shrui %xor3A_234, %shift_right_logical3A_240 : vector<20x1xi32>
    %or3A_242 = arith.ori %shift_left3A_238, %shift_right_logical3A_241 : vector<20x1xi32>
    %xor3A_243 = arith.xori %or3A_242, %add3A_235 : vector<20x1xi32>
    %add3A_244 = arith.addi %add3A_235, %xor3A_243 : vector<20x1xi32>
    %shift_left3A_245 = arith.constant 26 : i32
    %shift_left3A_246 = vector.broadcast %shift_left3A_245 : i32 to vector<20x1xi32>
    %shift_left3A_247 = arith.shli %xor3A_243, %shift_left3A_246 : vector<20x1xi32>
    %shift_right_logical3A_248 = arith.constant 6 : i32
    %shift_right_logical3A_249 = vector.broadcast %shift_right_logical3A_248 : i32 to vector<20x1xi32>
    %shift_right_logical3A_250 = arith.shrui %xor3A_243, %shift_right_logical3A_249 : vector<20x1xi32>
    %or3A_251 = arith.ori %shift_left3A_247, %shift_right_logical3A_250 : vector<20x1xi32>
    %xor3A_252 = arith.xori %or3A_251, %add3A_244 : vector<20x1xi32>
    %add3A_253 = arith.addi %add3A_244, %xor3A_252 : vector<20x1xi32>
    %shift_left3A_254 = arith.constant 6 : i32
    %shift_left3A_255 = vector.broadcast %shift_left3A_254 : i32 to vector<20x1xi32>
    %shift_left3A_256 = arith.shli %xor3A_252, %shift_left3A_255 : vector<20x1xi32>
    %shift_right_logical3A_257 = arith.constant 26 : i32
    %shift_right_logical3A_258 = vector.broadcast %shift_right_logical3A_257 : i32 to vector<20x1xi32>
    %shift_right_logical3A_259 = arith.shrui %xor3A_252, %shift_right_logical3A_258 : vector<20x1xi32>
    %or3A_260 = arith.ori %shift_left3A_256, %shift_right_logical3A_259 : vector<20x1xi32>
    %xor3A_261 = arith.xori %or3A_260, %add3A_253 : vector<20x1xi32>
    %add3A_262 = arith.constant 0 : i32
    %add3A_263 = vector.broadcast %add3A_262 : i32 to vector<20x1xi32>
    %add3A_264 = arith.addi %add3A_253, %add3A_263 : vector<20x1xi32>
    %add3A_265 = arith.constant 42 : i32
    %add3A_266 = vector.broadcast %add3A_265 : i32 to vector<20x1xi32>
    %add3A_267 = arith.addi %xor3A_261, %add3A_266 : vector<20x1xi32>
    %add3A_268 = arith.constant 3 : i32
    %add3A_269 = vector.broadcast %add3A_268 : i32 to vector<20x1xi32>
    %add3A_270 = arith.addi %add3A_267, %add3A_269 : vector<20x1xi32>
    %add3A_271 = arith.addi %add3A_264, %add3A_270 : vector<20x1xi32>
    %shift_left3A_272 = arith.constant 17 : i32
    %shift_left3A_273 = vector.broadcast %shift_left3A_272 : i32 to vector<20x1xi32>
    %shift_left3A_274 = arith.shli %add3A_270, %shift_left3A_273 : vector<20x1xi32>
    %shift_right_logical3A_275 = arith.constant 15 : i32
    %shift_right_logical3A_276 = vector.broadcast %shift_right_logical3A_275 : i32 to vector<20x1xi32>
    %shift_right_logical3A_277 = arith.shrui %add3A_270, %shift_right_logical3A_276 : vector<20x1xi32>
    %or3A_278 = arith.ori %shift_left3A_274, %shift_right_logical3A_277 : vector<20x1xi32>
    %xor3A_279 = arith.xori %or3A_278, %add3A_271 : vector<20x1xi32>
    %add3A_280 = arith.addi %add3A_271, %xor3A_279 : vector<20x1xi32>
    %shift_left3A_281 = arith.constant 29 : i32
    %shift_left3A_282 = vector.broadcast %shift_left3A_281 : i32 to vector<20x1xi32>
    %shift_left3A_283 = arith.shli %xor3A_279, %shift_left3A_282 : vector<20x1xi32>
    %shift_right_logical3A_284 = arith.constant 3 : i32
    %shift_right_logical3A_285 = vector.broadcast %shift_right_logical3A_284 : i32 to vector<20x1xi32>
    %shift_right_logical3A_286 = arith.shrui %xor3A_279, %shift_right_logical3A_285 : vector<20x1xi32>
    %or3A_287 = arith.ori %shift_left3A_283, %shift_right_logical3A_286 : vector<20x1xi32>
    %xor3A_288 = arith.xori %or3A_287, %add3A_280 : vector<20x1xi32>
    %add3A_289 = arith.addi %add3A_280, %xor3A_288 : vector<20x1xi32>
    %shift_left3A_290 = arith.constant 16 : i32
    %shift_left3A_291 = vector.broadcast %shift_left3A_290 : i32 to vector<20x1xi32>
    %shift_left3A_292 = arith.shli %xor3A_288, %shift_left3A_291 : vector<20x1xi32>
    %shift_right_logical3A_293 = arith.constant 16 : i32
    %shift_right_logical3A_294 = vector.broadcast %shift_right_logical3A_293 : i32 to vector<20x1xi32>
    %shift_right_logical3A_295 = arith.shrui %xor3A_288, %shift_right_logical3A_294 : vector<20x1xi32>
    %or3A_296 = arith.ori %shift_left3A_292, %shift_right_logical3A_295 : vector<20x1xi32>
    %xor3A_297 = arith.xori %or3A_296, %add3A_289 : vector<20x1xi32>
    %add3A_298 = arith.addi %add3A_289, %xor3A_297 : vector<20x1xi32>
    %shift_left3A_299 = arith.constant 24 : i32
    %shift_left3A_300 = vector.broadcast %shift_left3A_299 : i32 to vector<20x1xi32>
    %shift_left3A_301 = arith.shli %xor3A_297, %shift_left3A_300 : vector<20x1xi32>
    %shift_right_logical3A_302 = arith.constant 8 : i32
    %shift_right_logical3A_303 = vector.broadcast %shift_right_logical3A_302 : i32 to vector<20x1xi32>
    %shift_right_logical3A_304 = arith.shrui %xor3A_297, %shift_right_logical3A_303 : vector<20x1xi32>
    %or3A_305 = arith.ori %shift_left3A_301, %shift_right_logical3A_304 : vector<20x1xi32>
    %xor3A_306 = arith.xori %or3A_305, %add3A_298 : vector<20x1xi32>
    %add3A_307 = arith.constant 42 : i32
    %add3A_308 = vector.broadcast %add3A_307 : i32 to vector<20x1xi32>
    %add3A_309 = arith.addi %add3A_298, %add3A_308 : vector<20x1xi32>
    %add3A_310 = arith.constant 466689008 : i32
    %add3A_311 = vector.broadcast %add3A_310 : i32 to vector<20x1xi32>
    %add3A_312 = arith.addi %xor3A_306, %add3A_311 : vector<20x1xi32>
    %add3A_313 = arith.constant 4 : i32
    %add3A_314 = vector.broadcast %add3A_313 : i32 to vector<20x1xi32>
    %add3A_315 = arith.addi %add3A_312, %add3A_314 : vector<20x1xi32>
    %add3A_316 = arith.addi %add3A_309, %add3A_315 : vector<20x1xi32>
    %shift_left3A_317 = arith.constant 13 : i32
    %shift_left3A_318 = vector.broadcast %shift_left3A_317 : i32 to vector<20x1xi32>
    %shift_left3A_319 = arith.shli %add3A_315, %shift_left3A_318 : vector<20x1xi32>
    %shift_right_logical3A_320 = arith.constant 19 : i32
    %shift_right_logical3A_321 = vector.broadcast %shift_right_logical3A_320 : i32 to vector<20x1xi32>
    %shift_right_logical3A_322 = arith.shrui %add3A_315, %shift_right_logical3A_321 : vector<20x1xi32>
    %or3A_323 = arith.ori %shift_left3A_319, %shift_right_logical3A_322 : vector<20x1xi32>
    %xor3A_324 = arith.xori %or3A_323, %add3A_316 : vector<20x1xi32>
    %add3A_325 = arith.addi %add3A_316, %xor3A_324 : vector<20x1xi32>
    %shift_left3A_326 = arith.constant 15 : i32
    %shift_left3A_327 = vector.broadcast %shift_left3A_326 : i32 to vector<20x1xi32>
    %shift_left3A_328 = arith.shli %xor3A_324, %shift_left3A_327 : vector<20x1xi32>
    %shift_right_logical3A_329 = arith.constant 17 : i32
    %shift_right_logical3A_330 = vector.broadcast %shift_right_logical3A_329 : i32 to vector<20x1xi32>
    %shift_right_logical3A_331 = arith.shrui %xor3A_324, %shift_right_logical3A_330 : vector<20x1xi32>
    %or3A_332 = arith.ori %shift_left3A_328, %shift_right_logical3A_331 : vector<20x1xi32>
    %xor3A_333 = arith.xori %or3A_332, %add3A_325 : vector<20x1xi32>
    %add3A_334 = arith.addi %add3A_325, %xor3A_333 : vector<20x1xi32>
    %shift_left3A_335 = arith.constant 26 : i32
    %shift_left3A_336 = vector.broadcast %shift_left3A_335 : i32 to vector<20x1xi32>
    %shift_left3A_337 = arith.shli %xor3A_333, %shift_left3A_336 : vector<20x1xi32>
    %shift_right_logical3A_338 = arith.constant 6 : i32
    %shift_right_logical3A_339 = vector.broadcast %shift_right_logical3A_338 : i32 to vector<20x1xi32>
    %shift_right_logical3A_340 = arith.shrui %xor3A_333, %shift_right_logical3A_339 : vector<20x1xi32>
    %or3A_341 = arith.ori %shift_left3A_337, %shift_right_logical3A_340 : vector<20x1xi32>
    %xor3A_342 = arith.xori %or3A_341, %add3A_334 : vector<20x1xi32>
    %add3A_343 = arith.addi %add3A_334, %xor3A_342 : vector<20x1xi32>
    %shift_left3A_344 = arith.constant 6 : i32
    %shift_left3A_345 = vector.broadcast %shift_left3A_344 : i32 to vector<20x1xi32>
    %shift_left3A_346 = arith.shli %xor3A_342, %shift_left3A_345 : vector<20x1xi32>
    %shift_right_logical3A_347 = arith.constant 26 : i32
    %shift_right_logical3A_348 = vector.broadcast %shift_right_logical3A_347 : i32 to vector<20x1xi32>
    %shift_right_logical3A_349 = arith.shrui %xor3A_342, %shift_right_logical3A_348 : vector<20x1xi32>
    %or3A_350 = arith.ori %shift_left3A_346, %shift_right_logical3A_349 : vector<20x1xi32>
    %xor3A_351 = arith.xori %or3A_350, %add3A_343 : vector<20x1xi32>
    %add3A_352 = arith.constant 466689008 : i32
    %add3A_353 = vector.broadcast %add3A_352 : i32 to vector<20x1xi32>
    %add3A_354 = arith.addi %add3A_343, %add3A_353 : vector<20x1xi32>
    %add3A_355 = arith.constant 0 : i32
    %add3A_356 = vector.broadcast %add3A_355 : i32 to vector<20x1xi32>
    %add3A_357 = arith.addi %xor3A_351, %add3A_356 : vector<20x1xi32>
    %add3A_358 = arith.constant 5 : i32
    %add3A_359 = vector.broadcast %add3A_358 : i32 to vector<20x1xi32>
    %add3A_360 = arith.addi %add3A_357, %add3A_359 : vector<20x1xi32>
    %xor3A_361 = arith.xori %add3A_354, %add3A_360 : vector<20x1xi32>
    %shift_right_logical3A_362 = arith.constant 9 : i32
    %shift_right_logical3A_363 = vector.broadcast %shift_right_logical3A_362 : i32 to vector<20x1xi32>
    %shift_right_logical3A_364 = arith.shrui %xor3A_361, %shift_right_logical3A_363 : vector<20x1xi32>
    %or3A_365 = arith.constant 1065353216 : i32
    %or3A_366 = vector.broadcast %or3A_365 : i32 to vector<20x1xi32>
    %or3A_367 = arith.ori %shift_right_logical3A_364, %or3A_366 : vector<20x1xi32>
    %bitcast_convert_type3A = tpu.bitcast %or3A_367 : vector<20x1xi32> -> vector<20x1xf32>
    %sub3A = arith.constant 1.000000e+00 : f32
    %sub3A_368 = vector.broadcast %sub3A : f32 to vector<20x1xf32>
    %sub3A_369 = arith.subf %bitcast_convert_type3A, %sub3A_368 : vector<20x1xf32>
    %mul3A_370 = arith.constant 1.000000e+00 : f32
    %mul3A_371 = vector.broadcast %mul3A_370 : f32 to vector<20x1xf32>
    %mul3A_372 = arith.mulf %sub3A_369, %mul3A_371 : vector<20x1xf32>
    %add3A_373 = arith.constant 1.17549435E-38 : f32
    %add3A_374 = vector.broadcast %add3A_373 : f32 to vector<20x1xf32>
    %add3A_375 = arith.addf %mul3A_372, %add3A_374 : vector<20x1xf32>
    %max3A = arith.constant 1.17549435E-38 : f32
    %max3A_376 = vector.broadcast %max3A : f32 to vector<20x1xf32>
    %max3A_377 = arith.maximumf %add3A_375, %max3A_376 : vector<20x1xf32>
    %log3A = math.log %max3A_377 : vector<20x1xf32>
    %neg3A = arith.constant 0.000000e+00 : f32
    %neg3A_378 = vector.broadcast %neg3A : f32 to vector<20x1xf32>
    %neg3A_379 = arith.subf %neg3A_378, %log3A : vector<20x1xf32>
    %log3A_380 = math.log %neg3A_379 : vector<20x1xf32>
    %neg3A_381 = arith.constant 0.000000e+00 : f32
    %neg3A_382 = vector.broadcast %neg3A_381 : f32 to vector<20x1xf32>
    %neg3A_383 = arith.subf %neg3A_382, %log3A_380 : vector<20x1xf32>
    %jit3A = arith.constant 0xFF800000 : f32
    %broadcast_in_dim3A_384 = vector.broadcast %jit3A : f32 to vector<20x1xf32>
    %select_n3A = arith.select %eq3A_127, %broadcast_in_dim3A_97, %broadcast_in_dim3A_384 : vector<20x1xi1>, vector<20x1xf32>
    %add3A_385 = arith.addf %broadcast_in_dim3A_97, %neg3A_383 : vector<20x1xf32>
    %jit3A_386 = arith.constant 0xFF800000 : f32
    %broadcast_in_dim3A_387 = vector.broadcast %jit3A_386 : f32 to vector<20x1xf32>
    %select_n3A_388 = arith.select %eq3A_127, %add3A_385, %broadcast_in_dim3A_387 : vector<20x1xi1>, vector<20x1xf32>
    %reduce_max3A = vector.shape_cast %select_n3A : vector<20x1xf32> to vector<1x20x1xf32>
    %reduce_max3A_389 = arith.constant dense<0xFF800000> : vector<1xf32>
    %reduce_max3A_390 = vector.multi_reduction <maximumf>, %reduce_max3A, %reduce_max3A_389 [1, 2] : vector<1x20x1xf32> to vector<1xf32>
    %reduce_max3A_391 = vector.shape_cast %reduce_max3A_390 : vector<1xf32> to vector<1x1x1xf32>
    %reduce_max3A_392 = vector.extract %reduce_max3A_391[0, 0, 0] : f32 from vector<1x1x1xf32>
    %broadcast_in_dim3A_393 = vector.broadcast %reduce_max3A_392 : f32 to vector<1x1xf32>
    %sub3A_394 = vector.broadcast %broadcast_in_dim3A_393 : vector<1x1xf32> to vector<20x1xf32>
    %sub3A_395 = arith.subf %broadcast_in_dim3A_97, %sub3A_394 : vector<20x1xf32>
    %exp3A = math.exp %sub3A_395 : vector<20x1xf32>
    %jit3A_396 = arith.constant 0.000000e+00 : f32
    %broadcast_in_dim3A_397 = vector.broadcast %jit3A_396 : f32 to vector<20x1xf32>
    %select_n3A_398 = arith.select %eq3A_127, %exp3A, %broadcast_in_dim3A_397 : vector<20x1xi1>, vector<20x1xf32>
    %reduce_sum3A_399 = vector.shape_cast %select_n3A_398 : vector<20x1xf32> to vector<1x20x1xf32>
    %reduce_sum3A_400 = arith.constant dense<0.000000e+00> : vector<1xf32>
    %reduce_sum3A_401 = vector.multi_reduction <add>, %reduce_sum3A_399, %reduce_sum3A_400 [1, 2] : vector<1x20x1xf32> to vector<1xf32>
    %reduce_sum3A_402 = vector.shape_cast %reduce_sum3A_401 : vector<1xf32> to vector<1x1x1xf32>
    %reduce_sum3A_403 = vector.extract %reduce_sum3A_402[0, 0, 0] : f32 from vector<1x1x1xf32>
    %broadcast_in_dim3A_404 = vector.broadcast %reduce_sum3A_403 : f32 to vector<1x1xf32>
    %log3A_405 = math.log %broadcast_in_dim3A_404 : vector<1x1xf32>
    %add3A_406 = arith.addf %broadcast_in_dim3A_393, %log3A_405 : vector<1x1xf32>
    %reduce_max3A_407 = vector.shape_cast %select_n3A_388 : vector<20x1xf32> to vector<1x20x1xf32>
    %reduce_max3A_408 = arith.constant dense<0xFF800000> : vector<1xf32>
    %reduce_max3A_409 = vector.multi_reduction <maximumf>, %reduce_max3A_407, %reduce_max3A_408 [1, 2] : vector<1x20x1xf32> to vector<1xf32>
    %reduce_max3A_410 = vector.shape_cast %reduce_max3A_409 : vector<1xf32> to vector<1x1x1xf32>
    %reduce_max3A_411 = vector.extract %reduce_max3A_410[0, 0, 0] : f32 from vector<1x1x1xf32>
    %broadcast_in_dim3A_412 = vector.broadcast %reduce_max3A_411 : f32 to vector<1x1xf32>
    %eq3A_413 = vector.broadcast %broadcast_in_dim3A_412 : vector<1x1xf32> to vector<20x1xf32>
    %eq3A_414 = arith.cmpf oeq, %select_n3A_388, %eq3A_413 : vector<20x1xf32>
    %jit3A_415 = arith.constant 1073741824 : i32
    %broadcast_in_dim3A_416 = vector.broadcast %jit3A_415 : i32 to vector<20x1xi32>
    %select_n3A_417 = arith.select %eq3A_414, %add3A_101, %broadcast_in_dim3A_416 : vector<20x1xi1>, vector<20x1xi32>
    %reduce_min3A = vector.shape_cast %select_n3A_417 : vector<20x1xi32> to vector<1x20x1xi32>
    %reduce_min3A_418 = arith.constant dense<2147483647> : vector<1xi32>
    %reduce_min3A_419 = vector.multi_reduction <minsi>, %reduce_min3A, %reduce_min3A_418 [1, 2] : vector<1x20x1xi32> to vector<1xi32>
    %reduce_min3A_420 = vector.shape_cast %reduce_min3A_419 : vector<1xi32> to vector<1x1x1xi32>
    %reduce_min3A_421 = vector.extract %reduce_min3A_420[0, 0, 0] : i32 from vector<1x1x1xi32>
    %broadcast_in_dim3A_422 = vector.broadcast %reduce_min3A_421 : i32 to vector<1x1xi32>
    %eq3A_423 = vector.broadcast %broadcast_in_dim3A_422 : vector<1x1xi32> to vector<20x1xi32>
    %eq3A_424 = arith.cmpi eq, %add3A_101, %eq3A_423 : vector<20x1xi32>
    %and3A_425 = arith.andi %eq3A_424, %eq3A_127 : vector<20x1xi1>
    %jit3A_426 = arith.constant 0.000000e+00 : f32
    %broadcast_in_dim3A_427 = vector.broadcast %jit3A_426 : f32 to vector<20x1xf32>
    %select_n3A_428 = arith.select %and3A_425, %broadcast_in_dim3A_97, %broadcast_in_dim3A_427 : vector<20x1xi1>, vector<20x1xf32>
    %reduce_sum3A_429 = vector.shape_cast %select_n3A_428 : vector<20x1xf32> to vector<1x20x1xf32>
    %reduce_sum3A_430 = arith.constant dense<0.000000e+00> : vector<1xf32>
    %reduce_sum3A_431 = vector.multi_reduction <add>, %reduce_sum3A_429, %reduce_sum3A_430 [1, 2] : vector<1x20x1xf32> to vector<1xf32>
    %reduce_sum3A_432 = vector.shape_cast %reduce_sum3A_431 : vector<1xf32> to vector<1x1x1xf32>
    %reduce_sum3A_433 = vector.extract %reduce_sum3A_432[0, 0, 0] : f32 from vector<1x1x1xf32>
    %broadcast_in_dim3A_434 = vector.broadcast %reduce_sum3A_433 : f32 to vector<1x1xf32>
    %jit3A_435 = arith.constant 500 : i32
    %div3A_436 = vector.broadcast %jit3A_435 : i32 to vector<1x1xi32>
    %div3A_437 = arith.divsi %broadcast_in_dim3A_422, %div3A_436 : vector<1x1xi32>
    %sign3A = arith.constant 0 : i32
    %sign3A_438 = vector.broadcast %sign3A : i32 to vector<1x1xi32>
    %sign3A_439 = arith.cmpi sgt, %broadcast_in_dim3A_422, %sign3A_438 : vector<1x1xi32>
    %sign3A_440 = arith.extui %sign3A_439 : vector<1x1xi1> to vector<1x1xi32>
    %sign3A_441 = arith.constant 0 : i32
    %sign3A_442 = vector.broadcast %sign3A_441 : i32 to vector<1x1xi32>
    %sign3A_443 = arith.cmpi slt, %broadcast_in_dim3A_422, %sign3A_442 : vector<1x1xi32>
    %sign3A_444 = arith.extui %sign3A_443 : vector<1x1xi1> to vector<1x1xi32>
    %sign3A_445 = arith.subi %sign3A_440, %sign3A_444 : vector<1x1xi32>
    %sign3A_446 = arith.constant 0 : i32
    %sign3A_447 = arith.cmpi sgt, %jit3A_435, %sign3A_446 : i32
    %sign3A_448 = arith.extui %sign3A_447 : i1 to i32
    %sign3A_449 = arith.constant 0 : i32
    %sign3A_450 = arith.cmpi slt, %jit3A_435, %sign3A_449 : i32
    %sign3A_451 = arith.extui %sign3A_450 : i1 to i32
    %sign3A_452 = arith.subi %sign3A_448, %sign3A_451 : i32
    %ne3A = vector.broadcast %sign3A_452 : i32 to vector<1x1xi32>
    %ne3A_453 = arith.cmpi ne, %sign3A_445, %ne3A : vector<1x1xi32>
    %rem3A = vector.broadcast %jit3A_435 : i32 to vector<1x1xi32>
    %rem3A_454 = arith.remsi %broadcast_in_dim3A_422, %rem3A : vector<1x1xi32>
    %ne3A_455 = arith.constant 0 : i32
    %ne3A_456 = vector.broadcast %ne3A_455 : i32 to vector<1x1xi32>
    %ne3A_457 = arith.cmpi ne, %rem3A_454, %ne3A_456 : vector<1x1xi32>
    %and3A_458 = arith.andi %ne3A_453, %ne3A_457 : vector<1x1xi1>
    %sub3A_459 = arith.constant 1 : i32
    %sub3A_460 = vector.broadcast %sub3A_459 : i32 to vector<1x1xi32>
    %sub3A_461 = arith.subi %div3A_437, %sub3A_460 : vector<1x1xi32>
    %select_n3A_462 = arith.select %and3A_458, %sub3A_461, %div3A_437 : vector<1x1xi1>, vector<1x1xi32>
    %jit3A_463 = arith.constant 500 : i32
    %eq3A_464 = arith.constant 0 : i32
    %eq3A_465 = arith.cmpi eq, %jit3A_463, %eq3A_464 : i32
    %jit3A_466 = arith.constant 1 : i32
    %select_n3A_467 = arith.select %eq3A_465, %jit3A_466, %jit3A_463 : i32
    %rem3A_468 = vector.broadcast %select_n3A_467 : i32 to vector<1x1xi32>
    %rem3A_469 = arith.remsi %broadcast_in_dim3A_422, %rem3A_468 : vector<1x1xi32>
    %ne3A_470 = arith.constant 0 : i32
    %ne3A_471 = vector.broadcast %ne3A_470 : i32 to vector<1x1xi32>
    %ne3A_472 = arith.cmpi ne, %rem3A_469, %ne3A_471 : vector<1x1xi32>
    %lt3A = arith.constant 0 : i32
    %lt3A_473 = vector.broadcast %lt3A : i32 to vector<1x1xi32>
    %lt3A_474 = arith.cmpi slt, %rem3A_469, %lt3A_473 : vector<1x1xi32>
    %lt3A_475 = arith.constant 0 : i32
    %lt3A_476 = arith.cmpi slt, %select_n3A_467, %lt3A_475 : i32
    %ne3A_477 = vector.broadcast %lt3A_476 : i1 to vector<1x1xi1>
    %ne3A_478 = vector.broadcast %ne3A_477 : vector<1x1xi1> to vector<1x1xi1>
    %ne3A_479 = arith.xori %lt3A_474, %ne3A_478 : vector<1x1xi1>
    %and3A_480 = arith.andi %ne3A_479, %ne3A_472 : vector<1x1xi1>
    %add3A_481 = vector.broadcast %select_n3A_467 : i32 to vector<1x1xi32>
    %add3A_482 = arith.addi %rem3A_469, %add3A_481 : vector<1x1xi32>
    %select_n3A_483 = arith.select %and3A_480, %add3A_482, %rem3A_469 : vector<1x1xi1>, vector<1x1xi32>
    %concatenate3A = tpu.concatenate %select_n3A_462, %select_n3A_483 in 1 : vector<1x1xi32>, vector<1x1xi32> -> vector<1x2xi32>
    %swap3A = arith.constant 0 : index
    %swap3A_484 = arith.constant 0 : index
    %swap3A_485 = arith.constant 0 : index
    %swap3A_486 = vector.load %arg19[%swap3A, %swap3A_484, %swap3A_485] : memref<1x1x2xi32, #tpu.memory_space<vmem>>, vector<1x1x2xi32>
    %swap3A_487 = vector.shape_cast %swap3A_486 : vector<1x1x2xi32> to vector<1x2xi32>
    %swap3A_488 = vector.shape_cast %concatenate3A : vector<1x2xi32> to vector<1x1x2xi32>
    tpu.vector_store %arg19[%swap3A, %swap3A_484, %swap3A_485], %swap3A_488 {strides = array<i32>} : memref<1x1x2xi32, #tpu.memory_space<vmem>>, vector<1x1x2xi32>,
    %sub3A_489 = arith.subf %broadcast_in_dim3A_434, %add3A_406 : vector<1x1xf32>
    %swap3A_490 = arith.constant 0 : index
    %swap3A_491 = arith.constant 0 : index
    %swap3A_492 = arith.constant 0 : index
    %swap3A_493 = vector.load %arg20[%swap3A_490, %swap3A_491, %swap3A_492] : memref<1x1x1xf32, #tpu.memory_space<vmem>>, vector<1x1x1xf32>
    %swap3A_494 = vector.shape_cast %swap3A_493 : vector<1x1x1xf32> to vector<1x1xf32>
    %swap3A_495 = vector.shape_cast %sub3A_489 : vector<1x1xf32> to vector<1x1x1xf32>
    tpu.vector_store %arg20[%swap3A_490, %swap3A_491, %swap3A_492], %swap3A_495 {strides = array<i32>} : memref<1x1x1xf32, #tpu.memory_space<vmem>>, vector<1x1x1xf32>,
    return
  }
  func.func @transform_0(%arg0: i32) -> (i32, i32, i32) {
    %c0_i32 = arith.constant 0 : i32
    %c0_i32_0 = arith.constant 0 : i32
    %c0_i32_1 = arith.constant 0 : i32
    return %arg0, %c0_i32, %c0_i32_0 : i32, i32, i32
  }
  func.func @transform_1(%arg0: i32) -> (i32, i32) {
    %c0_i32 = arith.constant 0 : i32
    %c0_i32_0 = arith.constant 0 : i32
    %c0_i32_1 = arith.constant 0 : i32
    return %c0_i32, %c0_i32_0 : i32, i32
  }
  func.func @transform_2(%arg0: i32) -> (i32, i32) {
    %c0_i32 = arith.constant 0 : i32
    %c0_i32_0 = arith.constant 0 : i32
    %c0_i32_1 = arith.constant 0 : i32
    return %c0_i32, %c0_i32_0 : i32, i32
  }
  func.func @transform_3(%arg0: i32) -> (i32, i32) {
    %c0_i32 = arith.constant 0 : i32
    %c0_i32_0 = arith.constant 0 : i32
    %c0_i32_1 = arith.constant 0 : i32
    return %c0_i32, %c0_i32_0 : i32, i32
  }
  func.func @transform_4(%arg0: i32) -> (i32, i32) {
    %c0_i32 = arith.constant 0 : i32
    %c0_i32_0 = arith.constant 0 : i32
    %c0_i32_1 = arith.constant 0 : i32
    return %c0_i32, %c0_i32_0 : i32, i32
  }
  func.func @transform_5(%arg0: i32) -> (i32, i32) {
    %c0_i32 = arith.constant 0 : i32
    %c0_i32_0 = arith.constant 0 : i32
    %c0_i32_1 = arith.constant 0 : i32
    return %c0_i32, %c0_i32_0 : i32, i32
  }
  func.func @transform_6(%arg0: i32) -> (i32, i32) {
    %c0_i32 = arith.constant 0 : i32
    %c0_i32_0 = arith.constant 0 : i32
    %c0_i32_1 = arith.constant 0 : i32
    return %c0_i32, %c0_i32_0 : i32, i32
  }
  func.func @transform_7(%arg0: i32) -> (i32, i32) {
    %c0_i32 = arith.constant 0 : i32
    %c0_i32_0 = arith.constant 0 : i32
    %c0_i32_1 = arith.constant 0 : i32
    return %c0_i32, %c0_i32_0 : i32, i32
  }
  func.func @transform_8(%arg0: i32) -> (i32, i32) {
    %c0_i32 = arith.constant 0 : i32
    %c0_i32_0 = arith.constant 0 : i32
    %c0_i32_1 = arith.constant 0 : i32
    return %c0_i32, %c0_i32_0 : i32, i32
  }
  func.func @transform_9(%arg0: i32) -> (i32, i32) {
    %c0_i32 = arith.constant 0 : i32
    %c0_i32_0 = arith.constant 0 : i32
    %c0_i32_1 = arith.constant 0 : i32
    return %c0_i32, %c0_i32_0 : i32, i32
  }
  func.func @transform_10(%arg0: i32) -> (i32, i32) {
    %c0_i32 = arith.constant 0 : i32
    %c0_i32_0 = arith.constant 0 : i32
    %c0_i32_1 = arith.constant 0 : i32
    return %c0_i32, %c0_i32_0 : i32, i32
  }
  func.func @transform_11(%arg0: i32) -> (i32, i32) {
    %c0_i32 = arith.constant 0 : i32
    %c0_i32_0 = arith.constant 0 : i32
    %c0_i32_1 = arith.constant 0 : i32
    return %c0_i32, %c0_i32_0 : i32, i32
  }
  func.func @transform_12(%arg0: i32) -> (i32, i32) {
    %c0_i32 = arith.constant 0 : i32
    %c0_i32_0 = arith.constant 0 : i32
    %c0_i32_1 = arith.constant 0 : i32
    return %c0_i32, %c0_i32_0 : i32, i32
  }
  func.func @transform_13(%arg0: i32) -> (i32, i32) {
    %c0_i32 = arith.constant 0 : i32
    %c0_i32_0 = arith.constant 0 : i32
    %c0_i32_1 = arith.constant 0 : i32
    return %c0_i32, %c0_i32_0 : i32, i32
  }
  func.func @transform_14(%arg0: i32) -> (i32, i32, i32) {
    %c0_i32 = arith.constant 0 : i32
    %c0_i32_0 = arith.constant 0 : i32
    %c0_i32_1 = arith.constant 0 : i32
    return %arg0, %c0_i32, %c0_i32_0 : i32, i32, i32
  }
  func.func @transform_15(%arg0: i32) -> (i32, i32, i32) {
    %c0_i32 = arith.constant 0 : i32
    %c0_i32_0 = arith.constant 0 : i32
    %c0_i32_1 = arith.constant 0 : i32
    return %arg0, %c0_i32, %c0_i32_0 : i32, i32, i32
  }
  func.func @transform_16(%arg0: i32) -> (i32, i32, i32) {
    %c0_i32 = arith.constant 0 : i32
    %c0_i32_0 = arith.constant 0 : i32
    %c0_i32_1 = arith.constant 0 : i32
    return %arg0, %c0_i32, %c0_i32_0 : i32, i32, i32
  }
  func.func @transform_17(%arg0: i32) -> (i32, i32, i32) {
    %c0_i32 = arith.constant 0 : i32
    %c0_i32_0 = arith.constant 0 : i32
    %c0_i32_1 = arith.constant 0 : i32
    return %arg0, %c0_i32, %c0_i32_0 : i32, i32, i32
  }
  func.func @transform_18(%arg0: i32) -> (i32, i32, i32) {
    %c0_i32 = arith.constant 0 : i32
    %c0_i32_0 = arith.constant 0 : i32
    %c0_i32_1 = arith.constant 0 : i32
    return %arg0, %c0_i32, %c0_i32_0 : i32, i32, i32
  }
  func.func @transform_19(%arg0: i32) -> (i32, i32, i32) {
    %c0_i32 = arith.constant 0 : i32
    %c0_i32_0 = arith.constant 0 : i32
    %c0_i32_1 = arith.constant 0 : i32
    return %arg0, %c0_i32, %c0_i32_0 : i32, i32, i32
  }
}

</mosaic_0001>

<sc_bundles>
// kernel: kernel.16.cloned.1.call-start
scs
__scs_entry_jumppad:
0x0: {  	(pc) =	sbr.rel $0x88, $3  }
0x1: {  	(tag) =	ssettag $0x0;
	lr =	simm.s32 $0x1  }
0x2: {  	[smem:$0x3F79] =	sst lr;
	_ =	strace $0xD0000000  }
0x3: {  	_ = 	snop  }
0x4: {  	_ = 	snop  }
0x5: {  	_ = 	snop  }
0x6: {  	_ = 	snop  }
0x7: {  	_ = 	snop  }
__scs_overlays_trampoline_lowered:
0x8: {  	[smem:$0x3F88] =	sst s0  }
0x9: {  	[smem:$0x3F89] =	sst s1  }
0xa: {  	[smem:$0x3F8A] =	sst s2  }
0xb: {  	[smem:$0x3F8B] =	sst s3  }
0xc: {  	[smem:$0x3F8C] =	sst s4  }
0xd: {  	[smem:$0x3F8D] =	sst s5  }
0xe: {  	[smem:$0x3F8E] =	sst s6  }
0xf: {  	[smem:$0x3F8F] =	sst s7  }
0x10: {  	[smem:$0x3F90] =	sst s8  }
0x11: {  	[smem:$0x3F91] =	sst s9;
	s0 =	simm.s32 @!p0 $0x0  }
0x12: {  	s1 =	sld [smem:$0x3F77];
	s0 =	simm.s32 @p0 $0x1  }
0x13: {  	[smem:$0x3F92] =	sst s0;
	s0 =	simm.s32 @!p1 $0x0  }
0x14: {  	s2 =	sld [smem:$0x3F76];
	s0 =	simm.s32 @p1 $0x1  }
0x15: {  	[smem:$0x3F93] =	sst s0;
	s0 =	simm.s32 @!p2 $0x0  }
0x16: {  	s3 =	sld [smem:$0x3FDB];
	s0 =	simm.s32 @p2 $0x1  }
0x17: {  	s4 =	simm.s32 $0x1BF5;
	[smem:$0x3F95] =	sst s0  }
0x18: {  	s0 =	sld [smem:$0x3F78];
	_ =	swait.ge [sflag:s4], $0x0  }
0x19: {  	s7 =	sld [smem:$0x3F79]  }
0x1a: {  	s8 =	sadd.s32 $0xFFFFE003, lr  }
0x1b: {  	s9 =	sadd.s32 $0xFFFFFEF7, lr;
	s5 =	simm.s32 $0xFFFFFFFF;
	p2 =	slt.u32 s8, $0xFFFFF086  }
0x1c: {  	p1 =	slt.u32 s9, $0xF7A;
	s5 =	simm.s32 @!p2 $0x0  }
0x1d: {  	s5 =	simm.s32 @p1 $0x1;
	p0 =	seq.s32 s7, s2  }
0x1e: {  	s7 =	smul.u32 @!p0 $0xF7A, s2;
	p2 =	seq.s32 @!p0 s5, $0x0  }
0x1f: {  	s9 =	smul.u32 $0xF7A, s1;
	s8 =	simm.s32 @!p0 $0x1BF5;
	p2 =	por !p2, p0  }
0x20: {  	[sflag:s8] =	ssyncset.s32 @!p0 $0xFFFFF086;
	s6 =	sadd.s32 @!p0 s3, s7;
	s7 =	simm.s32 @!p0 $0x108  }
0x21: {  	s3 =	sadd.s32 s3, s9;
	s6 =	sadd.s32 @!p0 $0x88, s6;
	s7 =	simm.s32 @p2 $0x1082  }
0x22: {  	[simem:s7], [sflag:s8] =	dma.local @!p0 [hbm:s6], $0xF7A  }
0x23: {  	s9 =	sor.u32 $0xD0000000, s2;
	s6 =	simm.s32 $0x108;
	_ =	swait.ge @!p0 [sflag:s8], $0x0  }
0x24: {  	s3 =	sadd.s32 $0x88, s3;
	s6 =	simm.s32 @!p1 $0x1082;
	[sflag:s4] =	ssyncset.s32 $0xFFFFF086  }
0x25: {  	[simem:s6], [sflag:s4] =	dma.local [hbm:s3], $0xF7A  }
0x26: {  	[smem:$0x3F79] =	sst s1;
	(tag) =	ssettag s2;
	_ =	strace s9  }
0x27: {  	s1 =	sld [smem:$0x3F89]  }
0x28: {  	s2 =	sld [smem:$0x3F8A]  }
0x29: {  	s4 =	sld [smem:$0x3F8C]  }
0x2a: {  	p0 =	seq.s32 s5, $0x0;
	s5 =	sld [smem:$0x3F8D]  }
0x2b: {  	s6 =	sld [smem:$0x3F8E]  }
0x2c: {  	s7 =	sld [smem:$0x3F8F]  }
0x2d: {  	s3 =	simm.s32 $0x108;
	s8 =	sld [smem:$0x3F90]  }
0x2e: {  	s3 =	simm.s32 @!p0 $0x1082;
	s9 =	sld [smem:$0x3F91]  }
0x2f: {  	lr =	sadd.s32 s0, s3;
	s0 =	sld [smem:$0x3F88]  }
0x30: {  	s3 =	sld [smem:$0x3F8B]  }
0x31: {  	[smem:$0x3F94] =	sst s10  }
0x32: {  	s10 =	sld [smem:$0x3F92];
	_ =	sdelay $0x3  }
0x33: {  	p0 =	seq.s32 s10, $0x1;
	s10 =	sld [smem:$0x3F94];
	_ =	sdelay $0x3  }
0x34: {  	[smem:$0x3F94] =	sst s10  }
0x35: {  	s10 =	sld [smem:$0x3F93];
	_ =	sdelay $0x3  }
0x36: {  	p1 =	seq.s32 s10, $0x1;
	s10 =	sld [smem:$0x3F94];
	_ =	sdelay $0x3  }
0x37: {  	[smem:$0x3F94] =	sst s10  }
0x38: {  	s10 =	sld [smem:$0x3F95]  }
0x39: {  	_ = 	snop;
	(pc) =	sbr.ind lr, $3  }
0x3a: {  	_ = 	snop  }
0x3b: {  	_ = 	snop  }
0x3c: {  	p2 =	seq.s32 s10, $0x1;
	s10 =	sld [smem:$0x3F94]  }
0x3d: {  	_ =	shalt  }
0x3e: {  	_ =	shalt  }
0x3f: {  	_ =	shalt  }
0x40: {  	_ =	shalt  }
0x41: {  	_ =	shalt  }
0x42: {  	_ =	shalt  }
0x43: {  	_ =	shalt  }
0x44: {  	_ =	shalt  }
0x45: {  	_ =	shalt  }
0x46: {  	_ =	shalt  }
0x47: {  	_ =	shalt  }
0x48: {  	_ =	shalt  }
0x49: {  	_ =	shalt  }
0x4a: {  	_ =	shalt  }
0x4b: {  	_ =	shalt  }
0x4c: {  	_ =	shalt  }
0x4d: {  	_ =	shalt  }
0x4e: {  	_ =	shalt  }
0x4f: {  	_ =	shalt  }
0x50: {  	_ =	shalt  }
0x51: {  	_ =	shalt  }
0x52: {  	_ =	shalt  }
0x53: {  	_ =	shalt  }
0x54: {  	_ =	shalt  }
0x55: {  	_ =	shalt  }
0x56: {  	_ =	shalt  }
0x57: {  	_ =	shalt  }
0x58: {  	_ =	shalt  }
0x59: {  	_ =	shalt  }
0x5a: {  	_ =	shalt  }
0x5b: {  	_ =	shalt  }
0x5c: {  	_ =	shalt  }
0x5d: {  	_ =	shalt  }
0x5e: {  	_ =	shalt  }
0x5f: {  	_ =	shalt  }
0x60: {  	_ =	shalt  }
0x61: {  	_ =	shalt  }
0x62: {  	_ =	shalt  }
0x63: {  	_ =	shalt  }
0x64: {  	_ =	shalt  }
0x65: {  	_ =	shalt  }
0x66: {  	_ =	shalt  }
0x67: {  	_ =	shalt  }
0x68: {  	_ =	shalt  }
0x69: {  	_ =	shalt  }
0x6a: {  	_ =	shalt  }
0x6b: {  	_ =	shalt  }
0x6c: {  	_ =	shalt  }
0x6d: {  	_ =	shalt  }
0x6e: {  	_ =	shalt  }
0x6f: {  	_ =	shalt  }
0x70: {  	_ =	shalt  }
0x71: {  	_ =	shalt  }
0x72: {  	_ =	shalt  }
0x73: {  	_ =	shalt  }
0x74: {  	_ =	shalt  }
0x75: {  	_ =	shalt  }
0x76: {  	_ =	shalt  }
0x77: {  	_ =	shalt  }
0x78: {  	_ =	shalt  }
0x79: {  	_ =	shalt  }
0x7a: {  	_ =	shalt  }
0x7b: {  	_ =	shalt  }
0x7c: {  	_ =	shalt  }
0x7d: {  	_ =	shalt  }
0x7e: {  	_ =	shalt  }
0x7f: {  	_ =	shalt  }
0x80: {  	_ =	shalt  }
0x81: {  	_ =	shalt  }
0x82: {  	_ =	shalt  }
0x83: {  	_ =	shalt  }
0x84: {  	_ =	shalt  }
0x85: {  	_ =	shalt  }
0x86: {  	_ =	shalt  }
0x87: {  	_ =	shalt  }
.Lfunc_end0:
.L_simem_size_0:
called_computation_lowered:
.L_overlay_start_0:
0x88: {  	s2 =	sld [smem:$0x3FD9]  }
0x89: {  	s3 =	sld [smem:$0x3FFE];
	_ =	sdelay $0x1  }
0x8a: {  	s1 =	srdreg.scid  }
0x8b: {  	s0 =	sand.u32 $0x1, s1  }
0x8c: {  	s16 =	sshll.u32 s0, $0xA;
	s2 =	sadd.s32 s3, s2  }
0x8d: {  	s2 =	sadd.s32 s2, s16  }
0x8e: {  	[smem:$0x3FA0] =	sst s2  }
0x8f: {  	_ = 	snop  }
0x90: {  	(tm) =	ssettm $0x1  }
0x91: {  	s17 =	sld [smem:$0x3FFB];
	_ =	sdelay $0x3  }
0x92: {  	_ =	strace s17  }
0x93: {  	s2 =	sld [smem:$0x3FFC];
	_ =	sdelay $0x3  }
0x94: {  	_ =	strace s2  }
0x95: {  	s2 =	sld [smem:$0x3FFD];
	_ =	sdelay $0x3  }
0x96: {  	_ =	strace s2  }
0x97: {  	_ =	strace $0x8FFFFFFF  }
0x98: {  	s18 =	sld [smem:$0x3FDB];
	_ =	sdelay $0x1  }
0x99: {  	s19 =	simm.s32 $_scs_section_size  }
0x9a: {  	s4 =	simm.s32 $_size__tile_overlayer_lowered;
	s5 =	simm.s32 $_tile_overlayer_lowered  }
0x9b: {  	s22 =	simm.s32 $0x1BFF;
	s21 =	sshll.u32 s5, $0x1;
	s2 =	sadd.s32 s19, s18  }
0x9c: {  	s6 =	simm.s32 $0x0;
	s20 =	sshll.u32 s4, $0x1;
	s4 =	sadd.s32 s21, s2  }
0x9d: {  	[timem:s6], [sflag:s22] =	dma.local [hbm:s4], s20  }
0x9e: {  	_ =	swait.ge [sflag:s22], s20  }
0x9f: {  	s3 =	ssub.s32 $0x0, s20;
	[sflag:s22] =	ssyncset.done $0x0  }
0xa0: {  	[sflag:s22] =	ssyncadd.s32 s3;
	_ =	sdelay $0x1  }
0xa1: {  	s23 =	simm.s32 $0x1B8B  }
0xa2: {  	_ =	swait.ge [sflag:s23], $0x1  }
0xa3: {  	[sflag:s23] =	ssyncset.done $0x0  }
0xa4: {  	s25 =	simm.s32 $0x1B8E;
	s24 =	sld [smem:$0x3FFE];
	[sflag:s23] =	ssyncadd.s32 $0xFFFFFFFF  }
0xa5: {  	s26 =	simm.s32 $execute0_lowered;
	[smem:$0x3FD2] =	sst s25  }
0xa6: {  	s4 =	sshll.u32 s26, $0x1;
	_ =	strace $0x80000046;
	[dreg:$0x1] =	wrdreg $0xFFFFFFFF  }
0xa7: {  	s28 =	simm.s32 $_size_execute0_lowered;
	s2 =	sadd.s32 s2, s4;
	[dreg:$0x0] =	wrdreg $0x0  }
0xa8: {  	s4 =	sshll.u32 s28, $0x1;
	[dreg:$0x2] =	wrdreg s2  }
0xa9: {  	[dreg:$0x3] =	wrdreg s4  }
0xaa: {  	[dreg:$0x4] =	wrdreg $0xC0  }
0xab: {  	_ =	task [dreg:s6], $0x5FFFF  }
0xac: {  	[dreg:$0x1] =	wrdreg $0xFFFFFFFF  }
0xad: {  	[dreg:$0x0] =	wrdreg $0x60  }
0xae: {  	[dreg:$0x2] =	wrdreg s24  }
0xaf: {  	[dreg:$0x3] =	wrdreg $0x68000  }
0xb0: {  	[dreg:$0x4] =	wrdreg $0x9  }
0xb1: {  	_ =	task.clear_ibuf [dreg:s6], $0x5FFFF;
	_ =	strace $0x90000046  }
0xb2: {  	s29 =	simm.s32 $0x9;
	_ =	strace $0x80000048  }
0xb3: {  	_ =	swait.ge [sflag:s29], $0x1  }
0xb4: {  	[sflag:s29] =	ssyncadd.s32 $0xFFFFFFFF  }
0xb5: {  	_ =	strace $0x90000048  }
0xb6: {  	_ =	sfence  }
0xb7: {  	s30 =	sld [smem:$0x0];
	_ =	sdelay $0x2  }
0xb8: {  	s31 =	sshll.u32 s1, $0xD;
	s1 =	sshrl.u32 s1, $0x2  }
0xb9: {  	s3 =	sand.u32 $0x4000, s31;
	s1 =	sadd.s32 s1, s30  }
0xba: {  	s0 =	sor.u32 s3, s0;
	s1 =	sshll.u32 s1, $0x11  }
0xbb: {  	s0 =	sor.u32 s1, s0  }
0xbc: {  	s0 =	sadd.s32 $0x8F2B, s0  }
0xbd: {  	[sflag:s0] =	ssyncadd.remote.s32 $0x1  }
0xbe: {  	_ =	sfence.sel $0xFFFF  }
0xbf: {  	[dreg:$0x0] =	wrdreg $0xFFFFFFFF;
	(pc) =	sbr.abs _section_cstart, $3  }
0xc0: {  	[dreg:$0x1] =	wrdreg $0xFFFFFFFF  }
0xc1: {  	_ =	task.clear_ibuf [dreg:s6], $0x2FFFF;
	_ =	strace $0x9FFFFFFF  }
0xc2: {  	(tm) =	ssettm $0x7FFFFFFF  }
0xc3: {  	_ =	shalt  }
tec
execute0_lowered:
.L_overlay_start_1:
0x0: {  	(tag) =	ssettag $0x1  }
0x1: {  	s10 =	stileid.u32;
	s1 =	rddreg [dreg:$0x0]  }
0x2: {  	s0 =	srdreg.scid;
	s2 =	rddreg [dreg:$0x1]  }
0x3: {  	s3 =	simm.s32 $0x0;
	s12 =	simm.s32 $0x3;
	s13 =	simm.s32 $0x400  }
0x4: {  	s14 =	simm.s32 $0x60;
	s15 =	simm.s32 $0x800;
	s16 =	simm.s32 $0x80  }
0x5: {  	s17 =	simm.s32 $0x3800;
	s18 =	simm.s32 $0x1;
	s19 =	simm.s32 $0x100  }
0x6: {  	s20 =	simm.s32 $0x2;
	s21 =	simm.s32 $0x480;
	s5 =	smul.u32 $0x1A00, s10  }
0x7: {  	s22 =	simm.s32 $0x180;
	s28 =	simm.s32 $0x600;
	s6 =	smul.u32 $0xD000, s10  }
0x8: {  	s29 =	simm.s32 $0x300;
	s30 =	simm.s32 $0x680;
	s7 =	smul.u32 $0x19800, s10  }
0x9: {  	s31 =	simm.s32 $0x380;
	s0 =	sand.u32 $0x1, s0;
	s23 =	smul.u32 $0x66000, s10  }
0xa: {  	[smem:$0x7FF] =	sst s3;
	s26 =	sshll.u32 s10, $0x6;
	s4 =	smul.u32 $0xD0000, s0  }
0xb: {  	_ =	strace $0x80000047;
	s8 =	smul.u32 $0x198000, s0;
	s0 =	ssub.s32 $0x2, s0  }
0xc: {  	s5 =	sadd.s32 s5, s1;
	s9 =	sshrl.u32 s7, $0x3;
	s24 =	sshrl.u32 s0, $0x1  }
0xd: {  	s25 =	sshrl.u32 s23, $0x2;
	s23 =	simm.s32 $0x500;
	s6 =	sadd.s32 s6, s4  }
0xe: {  	s4 =	sadd.s32 $0x8BC00, s1;
	s7 =	sadd.s32 s7, s8;
	s9 =	sadd.s32 s9, s1  }
0xf: {  	s0 =	ssub.s32 s0, s24;
	s8 =	sor.u32 $0x1C03, s26;
	s10 =	sadd.s32 $0xAC00, s5  }
0x10: {  	s24 =	simm.s32 $0x200;
	s26 =	simm.s32 $0x280;
	s6 =	sshrl.u32 s6, $0x3  }
0x11: {  	s7 =	sshrl.u32 s7, $0x3;
	s9 =	sadd.s32 $0x58C00, s9;
	[dreg:$0x4] =	wrdreg s8  }
0x12: {  	s0 =	smax.u32 s0, $0x1;
	s6 =	sadd.s32 s6, s1;
	[dreg:$0x3] =	wrdreg s9  }
0x13: {  	s1 =	sadd.s32 s7, s1;
	s7 =	sadd.s32 s25, s2;
	[dreg:$0x6] =	wrdreg s0  }
0x14: {  	s25 =	simm.s32 $0x580;
	s0 =	simm.s32 $0x780;
	s1 =	sadd.s32 $0xED800, s1  }
0x15: {  	s9 =	sadd.s32 $0x24C00, s6;
	s6 =	sshrl.u32 s7, $0x3;
	[dreg:$0x5] =	wrdreg s1  }
0x16: {  	s7 =	simm.s32 $0x0;
	s1 =	simm.s32 $0x700;
	[dreg:$0x7] =	wrdreg s6  }
.LBB2_1:
0x17: {  	[dreg:$0x8] =	wrdreg s7  }
0x18: {  	s5 =	rddreg [dreg:$0x3]  }
0x19: {  	[spmem:s6], [sflag:s8] =	dma.local [hbm:s5], $0x3300  }
0x1a: {  	_ =	swait.ge [sflag:s12], $0x3300  }
0x1b: {  	[sflag:s12] =	ssyncset.done $0x0  }
0x1c: {  	[sflag:s12] =	ssyncadd.s32 $0xFFFFCD00  }
0x1d: {  	s8 =	sadd.s32 $0x0, s10;
	[bflag:$0x0] =	sbarrier.arrive $0xFFFF  }
0x1e: {  	[tilespmem:s3], [sflag:$0x3] =	stream.linear.gather [hbm4b:s8+s3], $0x400, $0x38;
	v63 =	vld [tilespmem:$0x0]  }
0x1f: {  	_ =	swait.ge [sflag:s12], $0x400  }
0x20: {  	[sflag:s12] =	ssyncset.done $0x0  }
0x21: {  	s11 =	sadd.s32 $0x0, s9;
	[sflag:s12] =	ssyncadd.s32 $0xFFFFFC00  }
0x22: {  	[tilespmem:s13], [sflag:$0x3] =	stream.linear.gather [hbm4b:s11+s3], $0x400, $0x38;
	v63 =	vld [tilespmem:$0x0]  }
0x23: {  	_ =	swait.ge [sflag:s12], $0x400  }
0x24: {  	[sflag:s12] =	ssyncset.done $0x0  }
0x25: {  	[sflag:s12] =	ssyncadd.s32 $0xFFFFFC00  }
0x26: {  	[tilespmem:s15], [sflag:$0x1] =	stream.indirect.gather [hbm4b:s4+s14], $0x80, s3, s14, $0xb8;
	v63 =	vld [tilespmem:$0x0]  }
0x27: {  	_ = 	snop  }
0x28: {  	[tilespmem:s17], [sflag:$0x2] =	stream.indirect.gather [hbm4b:s4+s14], $0x80, s16, s14, $0xb8;
	v63 =	vld [tilespmem:$0x0]  }
0x29: {  	_ =	swait.ge [sflag:s18], $0x3000  }
0x2a: {  	[sflag:s18] =	ssyncset.done $0x0  }
0x2b: {  	[sflag:s18] =	ssyncadd.s32 $0xFFFFD000  }
0x2c: {  	[spmem:s2] =	stream.indirect.scatter.add.s32 [tilespmem:s15], [sflag:$0x3], $0x80, s13, s14, $0xb8;
	v63 =	vld [tilespmem:$0x0]  }
0x2d: {  	_ =	swait.ge [sflag:s12], $0x3000  }
0x2e: {  	[sflag:s12] =	ssyncset.done $0x0  }
0x2f: {  	[sflag:s12] =	ssyncadd.s32 $0xFFFFD000  }
0x30: {  	[tilespmem:s15], [sflag:$0x1] =	stream.indirect.gather [hbm4b:s4+s14], $0x80, s19, s14, $0xb8;
	v63 =	vld [tilespmem:$0x0]  }
0x31: {  	_ =	swait.ge [sflag:s20], $0x3000  }
0x32: {  	[sflag:s20] =	ssyncset.done $0x0  }
0x33: {  	[sflag:s20] =	ssyncadd.s32 $0xFFFFD000  }
0x34: {  	[spmem:s2] =	stream.indirect.scatter.add.s32 [tilespmem:s17], [sflag:$0x3], $0x80, s21, s14, $0xb8;
	v63 =	vld [tilespmem:$0x0]  }
0x35: {  	_ =	swait.ge [sflag:s12], $0x3000  }
0x36: {  	[sflag:s12] =	ssyncset.done $0x0  }
0x37: {  	[sflag:s12] =	ssyncadd.s32 $0xFFFFD000  }
0x38: {  	[tilespmem:s17], [sflag:$0x2] =	stream.indirect.gather [hbm4b:s4+s14], $0x80, s22, s14, $0xb8;
	v63 =	vld [tilespmem:$0x0]  }
0x39: {  	_ =	swait.ge [sflag:s18], $0x3000  }
0x3a: {  	[sflag:s18] =	ssyncset.done $0x0  }
0x3b: {  	[sflag:s18] =	ssyncadd.s32 $0xFFFFD000  }
0x3c: {  	[spmem:s2] =	stream.indirect.scatter.add.s32 [tilespmem:s15], [sflag:$0x3], $0x80, s23, s14, $0xb8;
	v63 =	vld [tilespmem:$0x0]  }
0x3d: {  	_ =	swait.ge [sflag:s12], $0x3000  }
0x3e: {  	[sflag:s12] =	ssyncset.done $0x0  }
0x3f: {  	[sflag:s12] =	ssyncadd.s32 $0xFFFFD000  }
0x40: {  	[tilespmem:s15], [sflag:$0x1] =	stream.indirect.gather [hbm4b:s4+s14], $0x80, s24, s14, $0xb8;
	v63 =	vld [tilespmem:$0x0]  }
0x41: {  	_ =	swait.ge [sflag:s20], $0x3000  }
0x42: {  	[sflag:s20] =	ssyncset.done $0x0  }
0x43: {  	[sflag:s20] =	ssyncadd.s32 $0xFFFFD000  }
0x44: {  	[spmem:s2] =	stream.indirect.scatter.add.s32 [tilespmem:s17], [sflag:$0x3], $0x80, s25, s14, $0xb8;
	v63 =	vld [tilespmem:$0x0]  }
0x45: {  	_ =	swait.ge [sflag:s12], $0x3000  }
0x46: {  	[sflag:s12] =	ssyncset.done $0x0  }
0x47: {  	[sflag:s12] =	ssyncadd.s32 $0xFFFFD000  }
0x48: {  	[tilespmem:s17], [sflag:$0x2] =	stream.indirect.gather [hbm4b:s4+s14], $0x80, s26, s14, $0xb8;
	v63 =	vld [tilespmem:$0x0]  }
0x49: {  	_ =	swait.ge [sflag:s18], $0x3000  }
0x4a: {  	[sflag:s18] =	ssyncset.done $0x0  }
0x4b: {  	[sflag:s18] =	ssyncadd.s32 $0xFFFFD000  }
0x4c: {  	[spmem:s2] =	stream.indirect.scatter.add.s32 [tilespmem:s15], [sflag:$0x3], $0x80, s28, s14, $0xb8;
	v63 =	vld [tilespmem:$0x0]  }
0x4d: {  	_ =	swait.ge [sflag:s12], $0x3000  }
0x4e: {  	[sflag:s12] =	ssyncset.done $0x0  }
0x4f: {  	[sflag:s12] =	ssyncadd.s32 $0xFFFFD000  }
0x50: {  	[tilespmem:s15], [sflag:$0x1] =	stream.indirect.gather [hbm4b:s4+s14], $0x80, s29, s14, $0xb8;
	v63 =	vld [tilespmem:$0x0]  }
0x51: {  	_ =	swait.ge [sflag:s20], $0x3000  }
0x52: {  	[sflag:s20] =	ssyncset.done $0x0  }
0x53: {  	[sflag:s20] =	ssyncadd.s32 $0xFFFFD000  }
0x54: {  	[spmem:s2] =	stream.indirect.scatter.add.s32 [tilespmem:s17], [sflag:$0x3], $0x80, s30, s14, $0xb8;
	v63 =	vld [tilespmem:$0x0]  }
0x55: {  	_ =	swait.ge [sflag:s12], $0x3000  }
0x56: {  	[sflag:s12] =	ssyncset.done $0x0  }
0x57: {  	[sflag:s12] =	ssyncadd.s32 $0xFFFFD000  }
0x58: {  	[tilespmem:s17], [sflag:$0x2] =	stream.indirect.gather [hbm4b:s4+s14], $0x80, s31, s14, $0xb8;
	v63 =	vld [tilespmem:$0x0]  }
0x59: {  	_ =	swait.ge [sflag:s18], $0x3000  }
0x5a: {  	[sflag:s18] =	ssyncset.done $0x0  }
0x5b: {  	[sflag:s18] =	ssyncadd.s32 $0xFFFFD000  }
0x5c: {  	[spmem:s2] =	stream.indirect.scatter.add.s32 [tilespmem:s15], [sflag:$0x3], $0x80, s1, s14, $0xb8;
	v63 =	vld [tilespmem:$0x0]  }
0x5d: {  	_ =	swait.ge [sflag:s12], $0x3000  }
0x5e: {  	[sflag:s12] =	ssyncset.done $0x0  }
0x5f: {  	[sflag:s12] =	ssyncadd.s32 $0xFFFFD000  }
0x60: {  	_ =	swait.ge [sflag:s20], $0x3000  }
0x61: {  	[sflag:s20] =	ssyncset.done $0x0  }
0x62: {  	[sflag:s20] =	ssyncadd.s32 $0xFFFFD000  }
0x63: {  	[spmem:s2] =	stream.indirect.scatter.add.s32 [tilespmem:s17], [sflag:$0x3], $0x80, s0, s14, $0xb8;
	v63 =	vld [tilespmem:$0x0]  }
0x64: {  	_ =	swait.ge [sflag:s12], $0x3000  }
0x65: {  	s7 =	simm.s32 $0x80;
	s8 =	simm.s32 $0x100;
	[sflag:s12] =	ssyncset.done $0x0  }
.LBB2_2:
0x66: {  	s11 =	sadd.s32 s7, s10  }
0x67: {  	[sflag:s12] =	ssyncadd.s32 $0xFFFFD000;
	s5 =	smov.u32 s8;
	s6 =	sadd.s32 $0x80, s8  }
0x68: {  	[tilespmem:s3], [sflag:$0x3] =	stream.linear.gather [hbm4b:s11+s3], $0x400, $0x38;
	v63 =	vld [tilespmem:$0x0]  }
0x69: {  	p0 =	sne.s32 s8, $0x1980;
	_ =	swait.ge [sflag:s12], $0x400  }
0x6a: {  	[sflag:s12] =	ssyncset.done $0x0  }
0x6b: {  	s8 =	sadd.s32 s7, s9;
	s7 =	smov.u32 s5;
	[sflag:s12] =	ssyncadd.s32 $0xFFFFFC00  }
0x6c: {  	[tilespmem:s13], [sflag:$0x3] =	stream.linear.gather [hbm4b:s8+s3], $0x400, $0x38;
	v63 =	vld [tilespmem:$0x0]  }
0x6d: {  	_ =	swait.ge [sflag:s12], $0x400  }
0x6e: {  	[sflag:s12] =	ssyncset.done $0x0  }
0x6f: {  	[sflag:s12] =	ssyncadd.s32 $0xFFFFFC00  }
0x70: {  	[tilespmem:s15], [sflag:$0x1] =	stream.indirect.gather [hbm4b:s4+s14], $0x80, s3, s14, $0xb8;
	v63 =	vld [tilespmem:$0x0]  }
0x71: {  	_ = 	snop  }
0x72: {  	[tilespmem:s17], [sflag:$0x2] =	stream.indirect.gather [hbm4b:s4+s14], $0x80, s16, s14, $0xb8;
	v63 =	vld [tilespmem:$0x0]  }
0x73: {  	_ =	swait.ge [sflag:s18], $0x3000  }
0x74: {  	[sflag:s18] =	ssyncset.done $0x0  }
0x75: {  	[sflag:s18] =	ssyncadd.s32 $0xFFFFD000  }
0x76: {  	[spmem:s2] =	stream.indirect.scatter.add.s32 [tilespmem:s15], [sflag:$0x3], $0x80, s13, s14, $0xb8;
	v63 =	vld [tilespmem:$0x0]  }
0x77: {  	_ =	swait.ge [sflag:s12], $0x3000  }
0x78: {  	[sflag:s12] =	ssyncset.done $0x0  }
0x79: {  	[sflag:s12] =	ssyncadd.s32 $0xFFFFD000  }
0x7a: {  	[tilespmem:s15], [sflag:$0x1] =	stream.indirect.gather [hbm4b:s4+s14], $0x80, s19, s14, $0xb8;
	v63 =	vld [tilespmem:$0x0]  }
0x7b: {  	_ =	swait.ge [sflag:s20], $0x3000  }
0x7c: {  	[sflag:s20] =	ssyncset.done $0x0  }
0x7d: {  	[sflag:s20] =	ssyncadd.s32 $0xFFFFD000  }
0x7e: {  	[spmem:s2] =	stream.indirect.scatter.add.s32 [tilespmem:s17], [sflag:$0x3], $0x80, s21, s14, $0xb8;
	v63 =	vld [tilespmem:$0x0]  }
0x7f: {  	_ =	swait.ge [sflag:s12], $0x3000  }
0x80: {  	[sflag:s12] =	ssyncset.done $0x0  }
0x81: {  	[sflag:s12] =	ssyncadd.s32 $0xFFFFD000  }
0x82: {  	[tilespmem:s17], [sflag:$0x2] =	stream.indirect.gather [hbm4b:s4+s14], $0x80, s22, s14, $0xb8;
	v63 =	vld [tilespmem:$0x0]  }
0x83: {  	_ =	swait.ge [sflag:s18], $0x3000  }
0x84: {  	[sflag:s18] =	ssyncset.done $0x0  }
0x85: {  	[sflag:s18] =	ssyncadd.s32 $0xFFFFD000  }
0x86: {  	[spmem:s2] =	stream.indirect.scatter.add.s32 [tilespmem:s15], [sflag:$0x3], $0x80, s23, s14, $0xb8;
	v63 =	vld [tilespmem:$0x0]  }
0x87: {  	_ =	swait.ge [sflag:s12], $0x3000  }
0x88: {  	[sflag:s12] =	ssyncset.done $0x0  }
0x89: {  	[sflag:s12] =	ssyncadd.s32 $0xFFFFD000  }
0x8a: {  	[tilespmem:s15], [sflag:$0x1] =	stream.indirect.gather [hbm4b:s4+s14], $0x80, s24, s14, $0xb8;
	v63 =	vld [tilespmem:$0x0]  }
0x8b: {  	_ =	swait.ge [sflag:s20], $0x3000  }
0x8c: {  	[sflag:s20] =	ssyncset.done $0x0  }
0x8d: {  	[sflag:s20] =	ssyncadd.s32 $0xFFFFD000  }
0x8e: {  	[spmem:s2] =	stream.indirect.scatter.add.s32 [tilespmem:s17], [sflag:$0x3], $0x80, s25, s14, $0xb8;
	v63 =	vld [tilespmem:$0x0]  }
0x8f: {  	_ =	swait.ge [sflag:s12], $0x3000  }
0x90: {  	[sflag:s12] =	ssyncset.done $0x0  }
0x91: {  	[sflag:s12] =	ssyncadd.s32 $0xFFFFD000  }
0x92: {  	[tilespmem:s17], [sflag:$0x2] =	stream.indirect.gather [hbm4b:s4+s14], $0x80, s26, s14, $0xb8;
	v63 =	vld [tilespmem:$0x0]  }
0x93: {  	_ =	swait.ge [sflag:s18], $0x3000  }
0x94: {  	[sflag:s18] =	ssyncset.done $0x0  }
0x95: {  	[sflag:s18] =	ssyncadd.s32 $0xFFFFD000  }
0x96: {  	[spmem:s2] =	stream.indirect.scatter.add.s32 [tilespmem:s15], [sflag:$0x3], $0x80, s28, s14, $0xb8;
	v63 =	vld [tilespmem:$0x0]  }
0x97: {  	_ =	swait.ge [sflag:s12], $0x3000  }
0x98: {  	[sflag:s12] =	ssyncset.done $0x0  }
0x99: {  	[sflag:s12] =	ssyncadd.s32 $0xFFFFD000  }
0x9a: {  	[tilespmem:s15], [sflag:$0x1] =	stream.indirect.gather [hbm4b:s4+s14], $0x80, s29, s14, $0xb8;
	v63 =	vld [tilespmem:$0x0]  }
0x9b: {  	_ =	swait.ge [sflag:s20], $0x3000  }
0x9c: {  	[sflag:s20] =	ssyncset.done $0x0  }
0x9d: {  	[sflag:s20] =	ssyncadd.s32 $0xFFFFD000  }
0x9e: {  	[spmem:s2] =	stream.indirect.scatter.add.s32 [tilespmem:s17], [sflag:$0x3], $0x80, s30, s14, $0xb8;
	v63 =	vld [tilespmem:$0x0]  }
0x9f: {  	_ =	swait.ge [sflag:s12], $0x3000  }
0xa0: {  	[sflag:s12] =	ssyncset.done $0x0  }
0xa1: {  	[sflag:s12] =	ssyncadd.s32 $0xFFFFD000  }
0xa2: {  	[tilespmem:s17], [sflag:$0x2] =	stream.indirect.gather [hbm4b:s4+s14], $0x80, s31, s14, $0xb8;
	v63 =	vld [tilespmem:$0x0]  }
0xa3: {  	_ =	swait.ge [sflag:s18], $0x3000  }
0xa4: {  	[sflag:s18] =	ssyncset.done $0x0  }
0xa5: {  	[sflag:s18] =	ssyncadd.s32 $0xFFFFD000  }
0xa6: {  	[spmem:s2] =	stream.indirect.scatter.add.s32 [tilespmem:s15], [sflag:$0x3], $0x80, s1, s14, $0xb8;
	v63 =	vld [tilespmem:$0x0]  }
0xa7: {  	_ =	swait.ge [sflag:s12], $0x3000  }
0xa8: {  	[sflag:s12] =	ssyncset.done $0x0  }
0xa9: {  	[sflag:s12] =	ssyncadd.s32 $0xFFFFD000  }
0xaa: {  	_ =	swait.ge [sflag:s20], $0x3000  }
.Ltmp0:
0xab: {  	[sflag:s20] =	ssyncset.done $0x0;
	(pc) =	sbr.rel @p0 .LBB2_2-.Ltmp0, $4  }
0xac: {  	[sflag:s20] =	ssyncadd.s32 $0xFFFFD000  }
0xad: {  	[spmem:s2] =	stream.indirect.scatter.add.s32 [tilespmem:s17], [sflag:$0x3], $0x80, s0, s14, $0xb8;
	v63 =	vld [tilespmem:$0x0]  }
0xae: {  	_ =	swait.ge [sflag:s12], $0x3000  }
0xaf: {  	s8 =	smov.u32 s6;
	[sflag:s12] =	ssyncset.done $0x0  }
0xb0: {  	s5 =	sadd.s32 s7, s10;
	[sflag:s12] =	ssyncadd.s32 $0xFFFFD000  }
0xb1: {  	[tilespmem:s3], [sflag:$0x3] =	stream.linear.gather [hbm4b:s5+s3], $0x400, $0x38;
	v63 =	vld [tilespmem:$0x0]  }
0xb2: {  	_ =	swait.ge [sflag:s12], $0x400  }
0xb3: {  	[sflag:s12] =	ssyncset.done $0x0  }
0xb4: {  	s8 =	sadd.s32 s7, s9;
	[sflag:s12] =	ssyncadd.s32 $0xFFFFFC00  }
0xb5: {  	[tilespmem:s13], [sflag:$0x3] =	stream.linear.gather [hbm4b:s8+s3], $0x400, $0x38;
	v63 =	vld [tilespmem:$0x0]  }
0xb6: {  	_ =	swait.ge [sflag:s12], $0x400  }
0xb7: {  	[sflag:s12] =	ssyncset.done $0x0  }
0xb8: {  	[sflag:s12] =	ssyncadd.s32 $0xFFFFFC00  }
0xb9: {  	[tilespmem:s15], [sflag:$0x1] =	stream.indirect.gather [hbm4b:s4+s14], $0x80, s3, s14, $0xb8;
	v63 =	vld [tilespmem:$0x0]  }
0xba: {  	_ = 	snop  }
0xbb: {  	[tilespmem:s17], [sflag:$0x2] =	stream.indirect.gather [hbm4b:s4+s14], $0x80, s16, s14, $0xb8;
	v63 =	vld [tilespmem:$0x0]  }
0xbc: {  	_ =	swait.ge [sflag:s18], $0x3000  }
0xbd: {  	[sflag:s18] =	ssyncset.done $0x0  }
0xbe: {  	[sflag:s18] =	ssyncadd.s32 $0xFFFFD000  }
0xbf: {  	[spmem:s2] =	stream.indirect.scatter.add.s32 [tilespmem:s15], [sflag:$0x3], $0x80, s13, s14, $0xb8;
	v63 =	vld [tilespmem:$0x0]  }
0xc0: {  	_ =	swait.ge [sflag:s12], $0x3000  }
0xc1: {  	[sflag:s12] =	ssyncset.done $0x0  }
0xc2: {  	[sflag:s12] =	ssyncadd.s32 $0xFFFFD000  }
0xc3: {  	[tilespmem:s15], [sflag:$0x1] =	stream.indirect.gather [hbm4b:s4+s14], $0x80, s19, s14, $0xb8;
	v63 =	vld [tilespmem:$0x0]  }
0xc4: {  	_ =	swait.ge [sflag:s20], $0x3000  }
0xc5: {  	[sflag:s20] =	ssyncset.done $0x0  }
0xc6: {  	[sflag:s20] =	ssyncadd.s32 $0xFFFFD000  }
0xc7: {  	[spmem:s2] =	stream.indirect.scatter.add.s32 [tilespmem:s17], [sflag:$0x3], $0x80, s21, s14, $0xb8;
	v63 =	vld [tilespmem:$0x0]  }
0xc8: {  	_ =	swait.ge [sflag:s12], $0x3000  }
0xc9: {  	[sflag:s12] =	ssyncset.done $0x0  }
0xca: {  	[sflag:s12] =	ssyncadd.s32 $0xFFFFD000  }
0xcb: {  	[tilespmem:s17], [sflag:$0x2] =	stream.indirect.gather [hbm4b:s4+s14], $0x80, s22, s14, $0xb8;
	v63 =	vld [tilespmem:$0x0]  }
0xcc: {  	_ =	swait.ge [sflag:s18], $0x3000  }
0xcd: {  	[sflag:s18] =	ssyncset.done $0x0  }
0xce: {  	[sflag:s18] =	ssyncadd.s32 $0xFFFFD000  }
0xcf: {  	[spmem:s2] =	stream.indirect.scatter.add.s32 [tilespmem:s15], [sflag:$0x3], $0x80, s23, s14, $0xb8;
	v63 =	vld [tilespmem:$0x0]  }
0xd0: {  	_ =	swait.ge [sflag:s12], $0x3000  }
0xd1: {  	[sflag:s12] =	ssyncset.done $0x0  }
0xd2: {  	[sflag:s12] =	ssyncadd.s32 $0xFFFFD000  }
0xd3: {  	[tilespmem:s15], [sflag:$0x1] =	stream.indirect.gather [hbm4b:s4+s14], $0x80, s24, s14, $0xb8;
	v63 =	vld [tilespmem:$0x0]  }
0xd4: {  	_ =	swait.ge [sflag:s20], $0x3000  }
0xd5: {  	[sflag:s20] =	ssyncset.done $0x0  }
0xd6: {  	[sflag:s20] =	ssyncadd.s32 $0xFFFFD000  }
0xd7: {  	[spmem:s2] =	stream.indirect.scatter.add.s32 [tilespmem:s17], [sflag:$0x3], $0x80, s25, s14, $0xb8;
	v63 =	vld [tilespmem:$0x0]  }
0xd8: {  	_ =	swait.ge [sflag:s12], $0x3000  }
0xd9: {  	[sflag:s12] =	ssyncset.done $0x0  }
0xda: {  	[sflag:s12] =	ssyncadd.s32 $0xFFFFD000  }
0xdb: {  	[tilespmem:s17], [sflag:$0x2] =	stream.indirect.gather [hbm4b:s4+s14], $0x80, s26, s14, $0xb8;
	v63 =	vld [tilespmem:$0x0]  }
0xdc: {  	_ =	swait.ge [sflag:s18], $0x3000  }
0xdd: {  	[sflag:s18] =	ssyncset.done $0x0  }
0xde: {  	[sflag:s18] =	ssyncadd.s32 $0xFFFFD000  }
0xdf: {  	[spmem:s2] =	stream.indirect.scatter.add.s32 [tilespmem:s15], [sflag:$0x3], $0x80, s28, s14, $0xb8;
	v63 =	vld [tilespmem:$0x0]  }
0xe0: {  	_ =	swait.ge [sflag:s12], $0x3000  }
0xe1: {  	[sflag:s12] =	ssyncset.done $0x0  }
0xe2: {  	[sflag:s12] =	ssyncadd.s32 $0xFFFFD000  }
0xe3: {  	[tilespmem:s15], [sflag:$0x1] =	stream.indirect.gather [hbm4b:s4+s14], $0x80, s29, s14, $0xb8;
	v63 =	vld [tilespmem:$0x0]  }
0xe4: {  	_ =	swait.ge [sflag:s20], $0x3000  }
0xe5: {  	[sflag:s20] =	ssyncset.done $0x0  }
0xe6: {  	[sflag:s20] =	ssyncadd.s32 $0xFFFFD000  }
0xe7: {  	[spmem:s2] =	stream.indirect.scatter.add.s32 [tilespmem:s17], [sflag:$0x3], $0x80, s30, s14, $0xb8;
	v63 =	vld [tilespmem:$0x0]  }
0xe8: {  	_ =	swait.ge [sflag:s12], $0x3000  }
0xe9: {  	[sflag:s12] =	ssyncset.done $0x0  }
0xea: {  	[sflag:s12] =	ssyncadd.s32 $0xFFFFD000  }
0xeb: {  	[tilespmem:s17], [sflag:$0x2] =	stream.indirect.gather [hbm4b:s4+s14], $0x80, s31, s14, $0xb8;
	v63 =	vld [tilespmem:$0x0]  }
0xec: {  	_ =	swait.ge [sflag:s18], $0x3000  }
0xed: {  	[sflag:s18] =	ssyncset.done $0x0  }
0xee: {  	[sflag:s18] =	ssyncadd.s32 $0xFFFFD000  }
0xef: {  	[spmem:s2] =	stream.indirect.scatter.add.s32 [tilespmem:s15], [sflag:$0x3], $0x80, s1, s14, $0xb8;
	v63 =	vld [tilespmem:$0x0]  }
0xf0: {  	_ =	swait.ge [sflag:s12], $0x3000  }
0xf1: {  	[sflag:s12] =	ssyncset.done $0x0  }
0xf2: {  	[sflag:s12] =	ssyncadd.s32 $0xFFFFD000  }
0xf3: {  	_ =	swait.ge [sflag:s20], $0x3000  }
0xf4: {  	[sflag:s20] =	ssyncset.done $0x0  }
0xf5: {  	[sflag:s20] =	ssyncadd.s32 $0xFFFFD000  }
0xf6: {  	[spmem:s2] =	stream.indirect.scatter.add.s32 [tilespmem:s17], [sflag:$0x3], $0x80, s0, s14, $0xb8;
	v63 =	vld [tilespmem:$0x0]  }
0xf7: {  	_ =	swait.ge [sflag:s12], $0x3000  }
0xf8: {  	[sflag:s12] =	ssyncset.done $0x0  }
0xf9: {  	[sflag:s12] =	ssyncadd.s32 $0xFFFFD000  }
0xfa: {  	[bflag:$0x0] =	sbarrier.arrive $0xFFFF  }
0xfb: {  	s8 =	rddreg [dreg:$0x4]  }
0xfc: {  	s11 =	rddreg [dreg:$0x5]  }
0xfd: {  	s6 =	rddreg [dreg:$0x7]  }
0xfe: {  	[hbm:s11], [sflag:s8] =	dma.local [spmem:s6], $0x3300  }
0xff: {  	_ =	swait.ge [sflag:s12], $0x3300  }
0x100: {  	s5 =	rddreg [dreg:$0x8]  }
0x101: {  	s11 =	rddreg [dreg:$0x6];
	s7 =	sadd.s32 $0x1, s5  }
0x102: {  	p0 =	sne.s32 s7, s11  }
.Ltmp1:
0x103: {  	_ = 	snop;
	(pc) =	sbr.rel @p0 .LBB2_1-.Ltmp1, $3  }
0x104: {  	_ =	sdelay $0x1  }
0x105: {  	[sflag:s12] =	ssyncset.done $0x0  }
0x106: {  	[sflag:s12] =	ssyncadd.s32 $0xFFFFCD00  }
0x107: {  	_ =	sfence.sel $0x180000  }
0x108: {  	[bflag:$0x0] =	sbarrier.arrive $0xFFFF  }
0x109: {  	_ =	strace $0x90000047  }
0x10a: {  	s0 =	stileid.u32;
	[bflag:$0x2] =	sbarrier.arrive $0xFFFF  }
0x10b: {  	p0 =	sne.s32 s0, $0x0;
	s0 =	rddreg [dreg:$0x2]  }
0x10c: {  	s0 =	sadd.s32 @!p0 $0x100000, s0  }
0x10d: {  	[sflag:s0] =	ssyncadd.tile.s32 @!p0 $0x1;
	_ =	shalt  }
.Lfunc_end2:
_tile_overlayer_lowered:
.L_overlay_start_2:
0x10e: {  	(tag) =	ssettag $0x2  }
0x10f: {  	s0 =	rddreg [dreg:$0x0];
	s2 =	stileid.u32  }
0x110: {  	s1 =	rddreg [dreg:$0x1];
	p0 =	sne.s32 s2, $0x0  }
0x111: {  	s3 =	rddreg [dreg:$0x2];
	[bflag:$0x3] =	sbarrier.arrive $0xFFFF;
	s2 =	simm.s32 @!p0 $0x1C03  }
0x112: {  	[timem:s3], [sflag:s2] =	dma.local @!p0 [hbm:s0], s1  }
0x113: {  	s0 =	simm.s32 @!p0 $0x3  }
0x114: {  	_ =	swait.ge @!p0 [sflag:s0], s1  }
0x115: {  	s1 =	ssub.s32 @!p0 $0x0, s1;
	[sflag:s0] =	ssyncset.done @!p0 $0x0  }
0x116: {  	[sflag:s0] =	ssyncadd.s32 @!p0 s1  }
0x117: {  	[bflag:$0x3] =	sbarrier.arrive $0xFFFF  }
0x118: {  	_ =	shalt  }

// kernel: kernel.19.cloned.1.call-start
scs
__scs_entry_jumppad:
0x0: {  	(pc) =	sbr.rel $0x88, $3  }
0x1: {  	(tag) =	ssettag $0x0;
	lr =	simm.s32 $0x1  }
0x2: {  	[smem:$0x3F79] =	sst lr;
	_ =	strace $0xD0000000  }
0x3: {  	_ = 	snop  }
0x4: {  	_ = 	snop  }
0x5: {  	_ = 	snop  }
0x6: {  	_ = 	snop  }
0x7: {  	_ = 	snop  }
__scs_overlays_trampoline_lowered:
0x8: {  	[smem:$0x3F88] =	sst s0  }
0x9: {  	[smem:$0x3F89] =	sst s1  }
0xa: {  	[smem:$0x3F8A] =	sst s2  }
0xb: {  	[smem:$0x3F8B] =	sst s3  }
0xc: {  	[smem:$0x3F8C] =	sst s4  }
0xd: {  	[smem:$0x3F8D] =	sst s5  }
0xe: {  	[smem:$0x3F8E] =	sst s6  }
0xf: {  	[smem:$0x3F8F] =	sst s7  }
0x10: {  	[smem:$0x3F90] =	sst s8  }
0x11: {  	[smem:$0x3F91] =	sst s9;
	s0 =	simm.s32 @!p0 $0x0  }
0x12: {  	s1 =	sld [smem:$0x3F77];
	s0 =	simm.s32 @p0 $0x1  }
0x13: {  	[smem:$0x3F92] =	sst s0;
	s0 =	simm.s32 @!p1 $0x0  }
0x14: {  	s2 =	sld [smem:$0x3F76];
	s0 =	simm.s32 @p1 $0x1  }
0x15: {  	[smem:$0x3F93] =	sst s0;
	s0 =	simm.s32 @!p2 $0x0  }
0x16: {  	s3 =	sld [smem:$0x3FDB];
	s0 =	simm.s32 @p2 $0x1  }
0x17: {  	s4 =	simm.s32 $0x1BF5;
	[smem:$0x3F95] =	sst s0  }
0x18: {  	s0 =	sld [smem:$0x3F78];
	_ =	swait.ge [sflag:s4], $0x0  }
0x19: {  	s7 =	sld [smem:$0x3F79]  }
0x1a: {  	s8 =	sadd.s32 $0xFFFFE003, lr  }
0x1b: {  	s9 =	sadd.s32 $0xFFFFFEF7, lr;
	s5 =	simm.s32 $0xFFFFFFFF;
	p2 =	slt.u32 s8, $0xFFFFF086  }
0x1c: {  	p1 =	slt.u32 s9, $0xF7A;
	s5 =	simm.s32 @!p2 $0x0  }
0x1d: {  	s5 =	simm.s32 @p1 $0x1;
	p0 =	seq.s32 s7, s2  }
0x1e: {  	s7 =	smul.u32 @!p0 $0xF7A, s2;
	p2 =	seq.s32 @!p0 s5, $0x0  }
0x1f: {  	s9 =	smul.u32 $0xF7A, s1;
	s8 =	simm.s32 @!p0 $0x1BF5;
	p2 =	por !p2, p0  }
0x20: {  	[sflag:s8] =	ssyncset.s32 @!p0 $0xFFFFF086;
	s6 =	sadd.s32 @!p0 s3, s7;
	s7 =	simm.s32 @!p0 $0x108  }
0x21: {  	s3 =	sadd.s32 s3, s9;
	s6 =	sadd.s32 @!p0 $0x88, s6;
	s7 =	simm.s32 @p2 $0x1082  }
0x22: {  	[simem:s7], [sflag:s8] =	dma.local @!p0 [hbm:s6], $0xF7A  }
0x23: {  	s9 =	sor.u32 $0xD0000000, s2;
	s6 =	simm.s32 $0x108;
	_ =	swait.ge @!p0 [sflag:s8], $0x0  }
0x24: {  	s3 =	sadd.s32 $0x88, s3;
	s6 =	simm.s32 @!p1 $0x1082;
	[sflag:s4] =	ssyncset.s32 $0xFFFFF086  }
0x25: {  	[simem:s6], [sflag:s4] =	dma.local [hbm:s3], $0xF7A  }
0x26: {  	[smem:$0x3F79] =	sst s1;
	(tag) =	ssettag s2;
	_ =	strace s9  }
0x27: {  	s1 =	sld [smem:$0x3F89]  }
0x28: {  	s2 =	sld [smem:$0x3F8A]  }
0x29: {  	s4 =	sld [smem:$0x3F8C]  }
0x2a: {  	p0 =	seq.s32 s5, $0x0;
	s5 =	sld [smem:$0x3F8D]  }
0x2b: {  	s6 =	sld [smem:$0x3F8E]  }
0x2c: {  	s7 =	sld [smem:$0x3F8F]  }
0x2d: {  	s3 =	simm.s32 $0x108;
	s8 =	sld [smem:$0x3F90]  }
0x2e: {  	s3 =	simm.s32 @!p0 $0x1082;
	s9 =	sld [smem:$0x3F91]  }
0x2f: {  	lr =	sadd.s32 s0, s3;
	s0 =	sld [smem:$0x3F88]  }
0x30: {  	s3 =	sld [smem:$0x3F8B]  }
0x31: {  	[smem:$0x3F94] =	sst s10  }
0x32: {  	s10 =	sld [smem:$0x3F92];
	_ =	sdelay $0x3  }
0x33: {  	p0 =	seq.s32 s10, $0x1;
	s10 =	sld [smem:$0x3F94];
	_ =	sdelay $0x3  }
0x34: {  	[smem:$0x3F94] =	sst s10  }
0x35: {  	s10 =	sld [smem:$0x3F93];
	_ =	sdelay $0x3  }
0x36: {  	p1 =	seq.s32 s10, $0x1;
	s10 =	sld [smem:$0x3F94];
	_ =	sdelay $0x3  }
0x37: {  	[smem:$0x3F94] =	sst s10  }
0x38: {  	s10 =	sld [smem:$0x3F95]  }
0x39: {  	_ = 	snop;
	(pc) =	sbr.ind lr, $3  }
0x3a: {  	_ = 	snop  }
0x3b: {  	_ = 	snop  }
0x3c: {  	p2 =	seq.s32 s10, $0x1;
	s10 =	sld [smem:$0x3F94]  }
0x3d: {  	_ =	shalt  }
0x3e: {  	_ =	shalt  }
0x3f: {  	_ =	shalt  }
0x40: {  	_ =	shalt  }
0x41: {  	_ =	shalt  }
0x42: {  	_ =	shalt  }
0x43: {  	_ =	shalt  }
0x44: {  	_ =	shalt  }
0x45: {  	_ =	shalt  }
0x46: {  	_ =	shalt  }
0x47: {  	_ =	shalt  }
0x48: {  	_ =	shalt  }
0x49: {  	_ =	shalt  }
0x4a: {  	_ =	shalt  }
0x4b: {  	_ =	shalt  }
0x4c: {  	_ =	shalt  }
0x4d: {  	_ =	shalt  }
0x4e: {  	_ =	shalt  }
0x4f: {  	_ =	shalt  }
0x50: {  	_ =	shalt  }
0x51: {  	_ =	shalt  }
0x52: {  	_ =	shalt  }
0x53: {  	_ =	shalt  }
0x54: {  	_ =	shalt  }
0x55: {  	_ =	shalt  }
0x56: {  	_ =	shalt  }
0x57: {  	_ =	shalt  }
0x58: {  	_ =	shalt  }
0x59: {  	_ =	shalt  }
0x5a: {  	_ =	shalt  }
0x5b: {  	_ =	shalt  }
0x5c: {  	_ =	shalt  }
0x5d: {  	_ =	shalt  }
0x5e: {  	_ =	shalt  }
0x5f: {  	_ =	shalt  }
0x60: {  	_ =	shalt  }
0x61: {  	_ =	shalt  }
0x62: {  	_ =	shalt  }
0x63: {  	_ =	shalt  }
0x64: {  	_ =	shalt  }
0x65: {  	_ =	shalt  }
0x66: {  	_ =	shalt  }
0x67: {  	_ =	shalt  }
0x68: {  	_ =	shalt  }
0x69: {  	_ =	shalt  }
0x6a: {  	_ =	shalt  }
0x6b: {  	_ =	shalt  }
0x6c: {  	_ =	shalt  }
0x6d: {  	_ =	shalt  }
0x6e: {  	_ =	shalt  }
0x6f: {  	_ =	shalt  }
0x70: {  	_ =	shalt  }
0x71: {  	_ =	shalt  }
0x72: {  	_ =	shalt  }
0x73: {  	_ =	shalt  }
0x74: {  	_ =	shalt  }
0x75: {  	_ =	shalt  }
0x76: {  	_ =	shalt  }
0x77: {  	_ =	shalt  }
0x78: {  	_ =	shalt  }
0x79: {  	_ =	shalt  }
0x7a: {  	_ =	shalt  }
0x7b: {  	_ =	shalt  }
0x7c: {  	_ =	shalt  }
0x7d: {  	_ =	shalt  }
0x7e: {  	_ =	shalt  }
0x7f: {  	_ =	shalt  }
0x80: {  	_ =	shalt  }
0x81: {  	_ =	shalt  }
0x82: {  	_ =	shalt  }
0x83: {  	_ =	shalt  }
0x84: {  	_ =	shalt  }
0x85: {  	_ =	shalt  }
0x86: {  	_ =	shalt  }
0x87: {  	_ =	shalt  }
.Lfunc_end0:
.L_simem_size_0:
called_computation.1_lowered:
.L_overlay_start_0:
0x88: {  	s2 =	sld [smem:$0x3FD9]  }
0x89: {  	s3 =	sld [smem:$0x3FFE];
	_ =	sdelay $0x1  }
0x8a: {  	s1 =	srdreg.scid  }
0x8b: {  	s0 =	sand.u32 $0x1, s1  }
0x8c: {  	s16 =	sshll.u32 s0, $0xA;
	s2 =	sadd.s32 s3, s2  }
0x8d: {  	s2 =	sadd.s32 s2, s16  }
0x8e: {  	[smem:$0x3FA0] =	sst s2  }
0x8f: {  	_ = 	snop  }
0x90: {  	(tm) =	ssettm $0x1  }
0x91: {  	s17 =	sld [smem:$0x3FFB];
	_ =	sdelay $0x3  }
0x92: {  	_ =	strace s17  }
0x93: {  	s2 =	sld [smem:$0x3FFC];
	_ =	sdelay $0x3  }
0x94: {  	_ =	strace s2  }
0x95: {  	s2 =	sld [smem:$0x3FFD];
	_ =	sdelay $0x3  }
0x96: {  	_ =	strace s2  }
0x97: {  	_ =	strace $0x8FFFFFFF  }
0x98: {  	s18 =	sld [smem:$0x3FDB];
	_ =	sdelay $0x1  }
0x99: {  	s19 =	simm.s32 $_scs_section_size  }
0x9a: {  	s4 =	simm.s32 $_size__tile_overlayer_lowered;
	s5 =	simm.s32 $_tile_overlayer_lowered  }
0x9b: {  	s22 =	simm.s32 $0x1BFF;
	s21 =	sshll.u32 s5, $0x1;
	s2 =	sadd.s32 s19, s18  }
0x9c: {  	s6 =	simm.s32 $0x0;
	s20 =	sshll.u32 s4, $0x1;
	s4 =	sadd.s32 s21, s2  }
0x9d: {  	[timem:s6], [sflag:s22] =	dma.local [hbm:s4], s20  }
0x9e: {  	_ =	swait.ge [sflag:s22], s20  }
0x9f: {  	s3 =	ssub.s32 $0x0, s20;
	[sflag:s22] =	ssyncset.done $0x0  }
0xa0: {  	[sflag:s22] =	ssyncadd.s32 s3;
	_ =	sdelay $0x1  }
0xa1: {  	s23 =	simm.s32 $0x1B8B  }
0xa2: {  	_ =	swait.ge [sflag:s23], $0x1  }
0xa3: {  	[sflag:s23] =	ssyncset.done $0x0  }
0xa4: {  	s25 =	simm.s32 $0x1B8E;
	s24 =	sld [smem:$0x3FFE];
	[sflag:s23] =	ssyncadd.s32 $0xFFFFFFFF  }
0xa5: {  	s26 =	simm.s32 $execute0_lowered;
	[smem:$0x3FD2] =	sst s25  }
0xa6: {  	s4 =	sshll.u32 s26, $0x1;
	_ =	strace $0x80000049;
	[dreg:$0x1] =	wrdreg $0xFFFFFFFF  }
0xa7: {  	s28 =	simm.s32 $_size_execute0_lowered;
	s2 =	sadd.s32 s2, s4;
	[dreg:$0x0] =	wrdreg $0x0  }
0xa8: {  	s4 =	sshll.u32 s28, $0x1;
	[dreg:$0x2] =	wrdreg s2  }
0xa9: {  	[dreg:$0x3] =	wrdreg s4  }
0xaa: {  	[dreg:$0x4] =	wrdreg $0xC0  }
0xab: {  	_ =	task [dreg:s6], $0x5FFFF  }
0xac: {  	[dreg:$0x1] =	wrdreg $0xFFFFFFFF  }
0xad: {  	[dreg:$0x0] =	wrdreg $0x60  }
0xae: {  	[dreg:$0x2] =	wrdreg s24  }
0xaf: {  	[dreg:$0x3] =	wrdreg $0x68000  }
0xb0: {  	[dreg:$0x4] =	wrdreg $0x9  }
0xb1: {  	_ =	task.clear_ibuf [dreg:s6], $0x5FFFF;
	_ =	strace $0x90000049  }
0xb2: {  	s29 =	simm.s32 $0x9;
	_ =	strace $0x8000004B  }
0xb3: {  	_ =	swait.ge [sflag:s29], $0x1  }
0xb4: {  	[sflag:s29] =	ssyncadd.s32 $0xFFFFFFFF  }
0xb5: {  	_ =	strace $0x9000004B  }
0xb6: {  	_ =	sfence  }
0xb7: {  	s30 =	sld [smem:$0x0];
	_ =	sdelay $0x2  }
0xb8: {  	s31 =	sshll.u32 s1, $0xD;
	s1 =	sshrl.u32 s1, $0x2  }
0xb9: {  	s3 =	sand.u32 $0x4000, s31;
	s1 =	sadd.s32 s1, s30  }
0xba: {  	s0 =	sor.u32 s3, s0;
	s1 =	sshll.u32 s1, $0x11  }
0xbb: {  	s0 =	sor.u32 s1, s0  }
0xbc: {  	s0 =	sadd.s32 $0x8F2B, s0  }
0xbd: {  	[sflag:s0] =	ssyncadd.remote.s32 $0x1  }
0xbe: {  	_ =	sfence.sel $0xFFFF  }
0xbf: {  	[dreg:$0x0] =	wrdreg $0xFFFFFFFF;
	(pc) =	sbr.abs _section_cstart, $3  }
0xc0: {  	[dreg:$0x1] =	wrdreg $0xFFFFFFFF  }
0xc1: {  	_ =	task.clear_ibuf [dreg:s6], $0x2FFFF;
	_ =	strace $0x9FFFFFFF  }
0xc2: {  	(tm) =	ssettm $0x7FFFFFFF  }
0xc3: {  	_ =	shalt  }
tec
execute0_lowered:
.L_overlay_start_1:
0x0: {  	(tag) =	ssettag $0x1  }
0x1: {  	s10 =	stileid.u32;
	s1 =	rddreg [dreg:$0x0]  }
0x2: {  	s0 =	srdreg.scid;
	s2 =	rddreg [dreg:$0x1]  }
0x3: {  	s3 =	simm.s32 $0x0;
	s12 =	simm.s32 $0x3;
	s13 =	simm.s32 $0x400  }
0x4: {  	s14 =	simm.s32 $0x60;
	s15 =	simm.s32 $0x800;
	s16 =	simm.s32 $0x80  }
0x5: {  	s17 =	simm.s32 $0x3800;
	s18 =	simm.s32 $0x1;
	s19 =	simm.s32 $0x100  }
0x6: {  	s20 =	simm.s32 $0x2;
	s21 =	simm.s32 $0x480;
	s5 =	smul.u32 $0x1A00, s10  }
0x7: {  	s22 =	simm.s32 $0x180;
	s28 =	simm.s32 $0x600;
	s6 =	smul.u32 $0xD000, s10  }
0x8: {  	s29 =	simm.s32 $0x300;
	s30 =	simm.s32 $0x680;
	s7 =	smul.u32 $0x19800, s10  }
0x9: {  	s31 =	simm.s32 $0x380;
	s0 =	sand.u32 $0x1, s0;
	s23 =	smul.u32 $0x66000, s10  }
0xa: {  	[smem:$0x7FF] =	sst s3;
	s26 =	sshll.u32 s10, $0x6;
	s4 =	smul.u32 $0xD0000, s0  }
0xb: {  	_ =	strace $0x8000004A;
	s8 =	smul.u32 $0x198000, s0;
	s0 =	ssub.s32 $0x2, s0  }
0xc: {  	s5 =	sadd.s32 s5, s1;
	s9 =	sshrl.u32 s7, $0x3;
	s24 =	sshrl.u32 s0, $0x1  }
0xd: {  	s25 =	sshrl.u32 s23, $0x2;
	s23 =	simm.s32 $0x500;
	s6 =	sadd.s32 s6, s4  }
0xe: {  	s4 =	sadd.s32 $0x8BC00, s1;
	s7 =	sadd.s32 s7, s8;
	s9 =	sadd.s32 s9, s1  }
0xf: {  	s0 =	ssub.s32 s0, s24;
	s8 =	sor.u32 $0x1C03, s26;
	s10 =	sadd.s32 $0xAC00, s5  }
0x10: {  	s24 =	simm.s32 $0x200;
	s26 =	simm.s32 $0x280;
	s6 =	sshrl.u32 s6, $0x3  }
0x11: {  	s7 =	sshrl.u32 s7, $0x3;
	s9 =	sadd.s32 $0x58C00, s9;
	[dreg:$0x4] =	wrdreg s8  }
0x12: {  	s0 =	smax.u32 s0, $0x1;
	s6 =	sadd.s32 s6, s1;
	[dreg:$0x3] =	wrdreg s9  }
0x13: {  	s1 =	sadd.s32 s7, s1;
	s7 =	sadd.s32 s25, s2;
	[dreg:$0x6] =	wrdreg s0  }
0x14: {  	s25 =	simm.s32 $0x580;
	s0 =	simm.s32 $0x780;
	s1 =	sadd.s32 $0x153800, s1  }
0x15: {  	s9 =	sadd.s32 $0x24C00, s6;
	s6 =	sshrl.u32 s7, $0x3;
	[dreg:$0x5] =	wrdreg s1  }
0x16: {  	s7 =	simm.s32 $0x0;
	s1 =	simm.s32 $0x700;
	[dreg:$0x7] =	wrdreg s6  }
.LBB2_1:
0x17: {  	[dreg:$0x8] =	wrdreg s7  }
0x18: {  	s5 =	rddreg [dreg:$0x3]  }
0x19: {  	[spmem:s6], [sflag:s8] =	dma.local [hbm:s5], $0x3300  }
0x1a: {  	_ =	swait.ge [sflag:s12], $0x3300  }
0x1b: {  	[sflag:s12] =	ssyncset.done $0x0  }
0x1c: {  	[sflag:s12] =	ssyncadd.s32 $0xFFFFCD00  }
0x1d: {  	s8 =	sadd.s32 $0x0, s10;
	[bflag:$0x0] =	sbarrier.arrive $0xFFFF  }
0x1e: {  	[tilespmem:s3], [sflag:$0x3] =	stream.linear.gather [hbm4b:s8+s3], $0x400, $0x38;
	v63 =	vld [tilespmem:$0x0]  }
0x1f: {  	_ =	swait.ge [sflag:s12], $0x400  }
0x20: {  	[sflag:s12] =	ssyncset.done $0x0  }
0x21: {  	s11 =	sadd.s32 $0x0, s9;
	[sflag:s12] =	ssyncadd.s32 $0xFFFFFC00  }
0x22: {  	[tilespmem:s13], [sflag:$0x3] =	stream.linear.gather [hbm4b:s11+s3], $0x400, $0x38;
	v63 =	vld [tilespmem:$0x0]  }
0x23: {  	_ =	swait.ge [sflag:s12], $0x400  }
0x24: {  	[sflag:s12] =	ssyncset.done $0x0  }
0x25: {  	[sflag:s12] =	ssyncadd.s32 $0xFFFFFC00  }
0x26: {  	[tilespmem:s15], [sflag:$0x1] =	stream.indirect.gather [hbm4b:s4+s14], $0x80, s3, s14, $0xb8;
	v63 =	vld [tilespmem:$0x0]  }
0x27: {  	_ = 	snop  }
0x28: {  	[tilespmem:s17], [sflag:$0x2] =	stream.indirect.gather [hbm4b:s4+s14], $0x80, s16, s14, $0xb8;
	v63 =	vld [tilespmem:$0x0]  }
0x29: {  	_ =	swait.ge [sflag:s18], $0x3000  }
0x2a: {  	[sflag:s18] =	ssyncset.done $0x0  }
0x2b: {  	[sflag:s18] =	ssyncadd.s32 $0xFFFFD000  }
0x2c: {  	[spmem:s2] =	stream.indirect.scatter.add.s32 [tilespmem:s15], [sflag:$0x3], $0x80, s13, s14, $0xb8;
	v63 =	vld [tilespmem:$0x0]  }
0x2d: {  	_ =	swait.ge [sflag:s12], $0x3000  }
0x2e: {  	[sflag:s12] =	ssyncset.done $0x0  }
0x2f: {  	[sflag:s12] =	ssyncadd.s32 $0xFFFFD000  }
0x30: {  	[tilespmem:s15], [sflag:$0x1] =	stream.indirect.gather [hbm4b:s4+s14], $0x80, s19, s14, $0xb8;
	v63 =	vld [tilespmem:$0x0]  }
0x31: {  	_ =	swait.ge [sflag:s20], $0x3000  }
0x32: {  	[sflag:s20] =	ssyncset.done $0x0  }
0x33: {  	[sflag:s20] =	ssyncadd.s32 $0xFFFFD000  }
0x34: {  	[spmem:s2] =	stream.indirect.scatter.add.s32 [tilespmem:s17], [sflag:$0x3], $0x80, s21, s14, $0xb8;
	v63 =	vld [tilespmem:$0x0]  }
0x35: {  	_ =	swait.ge [sflag:s12], $0x3000  }
0x36: {  	[sflag:s12] =	ssyncset.done $0x0  }
0x37: {  	[sflag:s12] =	ssyncadd.s32 $0xFFFFD000  }
0x38: {  	[tilespmem:s17], [sflag:$0x2] =	stream.indirect.gather [hbm4b:s4+s14], $0x80, s22, s14, $0xb8;
	v63 =	vld [tilespmem:$0x0]  }
0x39: {  	_ =	swait.ge [sflag:s18], $0x3000  }
0x3a: {  	[sflag:s18] =	ssyncset.done $0x0  }
0x3b: {  	[sflag:s18] =	ssyncadd.s32 $0xFFFFD000  }
0x3c: {  	[spmem:s2] =	stream.indirect.scatter.add.s32 [tilespmem:s15], [sflag:$0x3], $0x80, s23, s14, $0xb8;
	v63 =	vld [tilespmem:$0x0]  }
0x3d: {  	_ =	swait.ge [sflag:s12], $0x3000  }
0x3e: {  	[sflag:s12] =	ssyncset.done $0x0  }
0x3f: {  	[sflag:s12] =	ssyncadd.s32 $0xFFFFD000  }
0x40: {  	[tilespmem:s15], [sflag:$0x1] =	stream.indirect.gather [hbm4b:s4+s14], $0x80, s24, s14, $0xb8;
	v63 =	vld [tilespmem:$0x0]  }
0x41: {  	_ =	swait.ge [sflag:s20], $0x3000  }
0x42: {  	[sflag:s20] =	ssyncset.done $0x0  }
0x43: {  	[sflag:s20] =	ssyncadd.s32 $0xFFFFD000  }
0x44: {  	[spmem:s2] =	stream.indirect.scatter.add.s32 [tilespmem:s17], [sflag:$0x3], $0x80, s25, s14, $0xb8;
	v63 =	vld [tilespmem:$0x0]  }
0x45: {  	_ =	swait.ge [sflag:s12], $0x3000  }
0x46: {  	[sflag:s12] =	ssyncset.done $0x0  }
0x47: {  	[sflag:s12] =	ssyncadd.s32 $0xFFFFD000  }
0x48: {  	[tilespmem:s17], [sflag:$0x2] =	stream.indirect.gather [hbm4b:s4+s14], $0x80, s26, s14, $0xb8;
	v63 =	vld [tilespmem:$0x0]  }
0x49: {  	_ =	swait.ge [sflag:s18], $0x3000  }
0x4a: {  	[sflag:s18] =	ssyncset.done $0x0  }
0x4b: {  	[sflag:s18] =	ssyncadd.s32 $0xFFFFD000  }
0x4c: {  	[spmem:s2] =	stream.indirect.scatter.add.s32 [tilespmem:s15], [sflag:$0x3], $0x80, s28, s14, $0xb8;
	v63 =	vld [tilespmem:$0x0]  }
0x4d: {  	_ =	swait.ge [sflag:s12], $0x3000  }
0x4e: {  	[sflag:s12] =	ssyncset.done $0x0  }
0x4f: {  	[sflag:s12] =	ssyncadd.s32 $0xFFFFD000  }
0x50: {  	[tilespmem:s15], [sflag:$0x1] =	stream.indirect.gather [hbm4b:s4+s14], $0x80, s29, s14, $0xb8;
	v63 =	vld [tilespmem:$0x0]  }
0x51: {  	_ =	swait.ge [sflag:s20], $0x3000  }
0x52: {  	[sflag:s20] =	ssyncset.done $0x0  }
0x53: {  	[sflag:s20] =	ssyncadd.s32 $0xFFFFD000  }
0x54: {  	[spmem:s2] =	stream.indirect.scatter.add.s32 [tilespmem:s17], [sflag:$0x3], $0x80, s30, s14, $0xb8;
	v63 =	vld [tilespmem:$0x0]  }
0x55: {  	_ =	swait.ge [sflag:s12], $0x3000  }
0x56: {  	[sflag:s12] =	ssyncset.done $0x0  }
0x57: {  	[sflag:s12] =	ssyncadd.s32 $0xFFFFD000  }
0x58: {  	[tilespmem:s17], [sflag:$0x2] =	stream.indirect.gather [hbm4b:s4+s14], $0x80, s31, s14, $0xb8;
	v63 =	vld [tilespmem:$0x0]  }
0x59: {  	_ =	swait.ge [sflag:s18], $0x3000  }
0x5a: {  	[sflag:s18] =	ssyncset.done $0x0  }
0x5b: {  	[sflag:s18] =	ssyncadd.s32 $0xFFFFD000  }
0x5c: {  	[spmem:s2] =	stream.indirect.scatter.add.s32 [tilespmem:s15], [sflag:$0x3], $0x80, s1, s14, $0xb8;
	v63 =	vld [tilespmem:$0x0]  }
0x5d: {  	_ =	swait.ge [sflag:s12], $0x3000  }
0x5e: {  	[sflag:s12] =	ssyncset.done $0x0  }
0x5f: {  	[sflag:s12] =	ssyncadd.s32 $0xFFFFD000  }
0x60: {  	_ =	swait.ge [sflag:s20], $0x3000  }
0x61: {  	[sflag:s20] =	ssyncset.done $0x0  }
0x62: {  	[sflag:s20] =	ssyncadd.s32 $0xFFFFD000  }
0x63: {  	[spmem:s2] =	stream.indirect.scatter.add.s32 [tilespmem:s17], [sflag:$0x3], $0x80, s0, s14, $0xb8;
	v63 =	vld [tilespmem:$0x0]  }
0x64: {  	_ =	swait.ge [sflag:s12], $0x3000  }
0x65: {  	s7 =	simm.s32 $0x80;
	s8 =	simm.s32 $0x100;
	[sflag:s12] =	ssyncset.done $0x0  }
.LBB2_2:
0x66: {  	s11 =	sadd.s32 s7, s10  }
0x67: {  	[sflag:s12] =	ssyncadd.s32 $0xFFFFD000;
	s5 =	smov.u32 s8;
	s6 =	sadd.s32 $0x80, s8  }
0x68: {  	[tilespmem:s3], [sflag:$0x3] =	stream.linear.gather [hbm4b:s11+s3], $0x400, $0x38;
	v63 =	vld [tilespmem:$0x0]  }
0x69: {  	p0 =	sne.s32 s8, $0x1980;
	_ =	swait.ge [sflag:s12], $0x400  }
0x6a: {  	[sflag:s12] =	ssyncset.done $0x0  }
0x6b: {  	s8 =	sadd.s32 s7, s9;
	s7 =	smov.u32 s5;
	[sflag:s12] =	ssyncadd.s32 $0xFFFFFC00  }
0x6c: {  	[tilespmem:s13], [sflag:$0x3] =	stream.linear.gather [hbm4b:s8+s3], $0x400, $0x38;
	v63 =	vld [tilespmem:$0x0]  }
0x6d: {  	_ =	swait.ge [sflag:s12], $0x400  }
0x6e: {  	[sflag:s12] =	ssyncset.done $0x0  }
0x6f: {  	[sflag:s12] =	ssyncadd.s32 $0xFFFFFC00  }
0x70: {  	[tilespmem:s15], [sflag:$0x1] =	stream.indirect.gather [hbm4b:s4+s14], $0x80, s3, s14, $0xb8;
	v63 =	vld [tilespmem:$0x0]  }
0x71: {  	_ = 	snop  }
0x72: {  	[tilespmem:s17], [sflag:$0x2] =	stream.indirect.gather [hbm4b:s4+s14], $0x80, s16, s14, $0xb8;
	v63 =	vld [tilespmem:$0x0]  }
0x73: {  	_ =	swait.ge [sflag:s18], $0x3000  }
0x74: {  	[sflag:s18] =	ssyncset.done $0x0  }
0x75: {  	[sflag:s18] =	ssyncadd.s32 $0xFFFFD000  }
0x76: {  	[spmem:s2] =	stream.indirect.scatter.add.s32 [tilespmem:s15], [sflag:$0x3], $0x80, s13, s14, $0xb8;
	v63 =	vld [tilespmem:$0x0]  }
0x77: {  	_ =	swait.ge [sflag:s12], $0x3000  }
0x78: {  	[sflag:s12] =	ssyncset.done $0x0  }
0x79: {  	[sflag:s12] =	ssyncadd.s32 $0xFFFFD000  }
0x7a: {  	[tilespmem:s15], [sflag:$0x1] =	stream.indirect.gather [hbm4b:s4+s14], $0x80, s19, s14, $0xb8;
	v63 =	vld [tilespmem:$0x0]  }
0x7b: {  	_ =	swait.ge [sflag:s20], $0x3000  }
0x7c: {  	[sflag:s20] =	ssyncset.done $0x0  }
0x7d: {  	[sflag:s20] =	ssyncadd.s32 $0xFFFFD000  }
0x7e: {  	[spmem:s2] =	stream.indirect.scatter.add.s32 [tilespmem:s17], [sflag:$0x3], $0x80, s21, s14, $0xb8;
	v63 =	vld [tilespmem:$0x0]  }
0x7f: {  	_ =	swait.ge [sflag:s12], $0x3000  }
0x80: {  	[sflag:s12] =	ssyncset.done $0x0  }
0x81: {  	[sflag:s12] =	ssyncadd.s32 $0xFFFFD000  }
0x82: {  	[tilespmem:s17], [sflag:$0x2] =	stream.indirect.gather [hbm4b:s4+s14], $0x80, s22, s14, $0xb8;
	v63 =	vld [tilespmem:$0x0]  }
0x83: {  	_ =	swait.ge [sflag:s18], $0x3000  }
0x84: {  	[sflag:s18] =	ssyncset.done $0x0  }
0x85: {  	[sflag:s18] =	ssyncadd.s32 $0xFFFFD000  }
0x86: {  	[spmem:s2] =	stream.indirect.scatter.add.s32 [tilespmem:s15], [sflag:$0x3], $0x80, s23, s14, $0xb8;
	v63 =	vld [tilespmem:$0x0]  }
0x87: {  	_ =	swait.ge [sflag:s12], $0x3000  }
0x88: {  	[sflag:s12] =	ssyncset.done $0x0  }
0x89: {  	[sflag:s12] =	ssyncadd.s32 $0xFFFFD000  }
0x8a: {  	[tilespmem:s15], [sflag:$0x1] =	stream.indirect.gather [hbm4b:s4+s14], $0x80, s24, s14, $0xb8;
	v63 =	vld [tilespmem:$0x0]  }
0x8b: {  	_ =	swait.ge [sflag:s20], $0x3000  }
0x8c: {  	[sflag:s20] =	ssyncset.done $0x0  }
0x8d: {  	[sflag:s20] =	ssyncadd.s32 $0xFFFFD000  }
0x8e: {  	[spmem:s2] =	stream.indirect.scatter.add.s32 [tilespmem:s17], [sflag:$0x3], $0x80, s25, s14, $0xb8;
	v63 =	vld [tilespmem:$0x0]  }
0x8f: {  	_ =	swait.ge [sflag:s12], $0x3000  }
0x90: {  	[sflag:s12] =	ssyncset.done $0x0  }
0x91: {  	[sflag:s12] =	ssyncadd.s32 $0xFFFFD000  }
0x92: {  	[tilespmem:s17], [sflag:$0x2] =	stream.indirect.gather [hbm4b:s4+s14], $0x80, s26, s14, $0xb8;
	v63 =	vld [tilespmem:$0x0]  }
0x93: {  	_ =	swait.ge [sflag:s18], $0x3000  }
0x94: {  	[sflag:s18] =	ssyncset.done $0x0  }
0x95: {  	[sflag:s18] =	ssyncadd.s32 $0xFFFFD000  }
0x96: {  	[spmem:s2] =	stream.indirect.scatter.add.s32 [tilespmem:s15], [sflag:$0x3], $0x80, s28, s14, $0xb8;
	v63 =	vld [tilespmem:$0x0]  }
0x97: {  	_ =	swait.ge [sflag:s12], $0x3000  }
0x98: {  	[sflag:s12] =	ssyncset.done $0x0  }
0x99: {  	[sflag:s12] =	ssyncadd.s32 $0xFFFFD000  }
0x9a: {  	[tilespmem:s15], [sflag:$0x1] =	stream.indirect.gather [hbm4b:s4+s14], $0x80, s29, s14, $0xb8;
	v63 =	vld [tilespmem:$0x0]  }
0x9b: {  	_ =	swait.ge [sflag:s20], $0x3000  }
0x9c: {  	[sflag:s20] =	ssyncset.done $0x0  }
0x9d: {  	[sflag:s20] =	ssyncadd.s32 $0xFFFFD000  }
0x9e: {  	[spmem:s2] =	stream.indirect.scatter.add.s32 [tilespmem:s17], [sflag:$0x3], $0x80, s30, s14, $0xb8;
	v63 =	vld [tilespmem:$0x0]  }
0x9f: {  	_ =	swait.ge [sflag:s12], $0x3000  }
0xa0: {  	[sflag:s12] =	ssyncset.done $0x0  }
0xa1: {  	[sflag:s12] =	ssyncadd.s32 $0xFFFFD000  }
0xa2: {  	[tilespmem:s17], [sflag:$0x2] =	stream.indirect.gather [hbm4b:s4+s14], $0x80, s31, s14, $0xb8;
	v63 =	vld [tilespmem:$0x0]  }
0xa3: {  	_ =	swait.ge [sflag:s18], $0x3000  }
0xa4: {  	[sflag:s18] =	ssyncset.done $0x0  }
0xa5: {  	[sflag:s18] =	ssyncadd.s32 $0xFFFFD000  }
0xa6: {  	[spmem:s2] =	stream.indirect.scatter.add.s32 [tilespmem:s15], [sflag:$0x3], $0x80, s1, s14, $0xb8;
	v63 =	vld [tilespmem:$0x0]  }
0xa7: {  	_ =	swait.ge [sflag:s12], $0x3000  }
0xa8: {  	[sflag:s12] =	ssyncset.done $0x0  }
0xa9: {  	[sflag:s12] =	ssyncadd.s32 $0xFFFFD000  }
0xaa: {  	_ =	swait.ge [sflag:s20], $0x3000  }
.Ltmp0:
0xab: {  	[sflag:s20] =	ssyncset.done $0x0;
	(pc) =	sbr.rel @p0 .LBB2_2-.Ltmp0, $4  }
0xac: {  	[sflag:s20] =	ssyncadd.s32 $0xFFFFD000  }
0xad: {  	[spmem:s2] =	stream.indirect.scatter.add.s32 [tilespmem:s17], [sflag:$0x3], $0x80, s0, s14, $0xb8;
	v63 =	vld [tilespmem:$0x0]  }
0xae: {  	_ =	swait.ge [sflag:s12], $0x3000  }
0xaf: {  	s8 =	smov.u32 s6;
	[sflag:s12] =	ssyncset.done $0x0  }
0xb0: {  	s5 =	sadd.s32 s7, s10;
	[sflag:s12] =	ssyncadd.s32 $0xFFFFD000  }
0xb1: {  	[tilespmem:s3], [sflag:$0x3] =	stream.linear.gather [hbm4b:s5+s3], $0x400, $0x38;
	v63 =	vld [tilespmem:$0x0]  }
0xb2: {  	_ =	swait.ge [sflag:s12], $0x400  }
0xb3: {  	[sflag:s12] =	ssyncset.done $0x0  }
0xb4: {  	s8 =	sadd.s32 s7, s9;
	[sflag:s12] =	ssyncadd.s32 $0xFFFFFC00  }
0xb5: {  	[tilespmem:s13], [sflag:$0x3] =	stream.linear.gather [hbm4b:s8+s3], $0x400, $0x38;
	v63 =	vld [tilespmem:$0x0]  }
0xb6: {  	_ =	swait.ge [sflag:s12], $0x400  }
0xb7: {  	[sflag:s12] =	ssyncset.done $0x0  }
0xb8: {  	[sflag:s12] =	ssyncadd.s32 $0xFFFFFC00  }
0xb9: {  	[tilespmem:s15], [sflag:$0x1] =	stream.indirect.gather [hbm4b:s4+s14], $0x80, s3, s14, $0xb8;
	v63 =	vld [tilespmem:$0x0]  }
0xba: {  	_ = 	snop  }
0xbb: {  	[tilespmem:s17], [sflag:$0x2] =	stream.indirect.gather [hbm4b:s4+s14], $0x80, s16, s14, $0xb8;
	v63 =	vld [tilespmem:$0x0]  }
0xbc: {  	_ =	swait.ge [sflag:s18], $0x3000  }
0xbd: {  	[sflag:s18] =	ssyncset.done $0x0  }
0xbe: {  	[sflag:s18] =	ssyncadd.s32 $0xFFFFD000  }
0xbf: {  	[spmem:s2] =	stream.indirect.scatter.add.s32 [tilespmem:s15], [sflag:$0x3], $0x80, s13, s14, $0xb8;
	v63 =	vld [tilespmem:$0x0]  }
0xc0: {  	_ =	swait.ge [sflag:s12], $0x3000  }
0xc1: {  	[sflag:s12] =	ssyncset.done $0x0  }
0xc2: {  	[sflag:s12] =	ssyncadd.s32 $0xFFFFD000  }
0xc3: {  	[tilespmem:s15], [sflag:$0x1] =	stream.indirect.gather [hbm4b:s4+s14], $0x80, s19, s14, $0xb8;
	v63 =	vld [tilespmem:$0x0]  }
0xc4: {  	_ =	swait.ge [sflag:s20], $0x3000  }
0xc5: {  	[sflag:s20] =	ssyncset.done $0x0  }
0xc6: {  	[sflag:s20] =	ssyncadd.s32 $0xFFFFD000  }
0xc7: {  	[spmem:s2] =	stream.indirect.scatter.add.s32 [tilespmem:s17], [sflag:$0x3], $0x80, s21, s14, $0xb8;
	v63 =	vld [tilespmem:$0x0]  }
0xc8: {  	_ =	swait.ge [sflag:s12], $0x3000  }
0xc9: {  	[sflag:s12] =	ssyncset.done $0x0  }
0xca: {  	[sflag:s12] =	ssyncadd.s32 $0xFFFFD000  }
0xcb: {  	[tilespmem:s17], [sflag:$0x2] =	stream.indirect.gather [hbm4b:s4+s14], $0x80, s22, s14, $0xb8;
	v63 =	vld [tilespmem:$0x0]  }
0xcc: {  	_ =	swait.ge [sflag:s18], $0x3000  }
0xcd: {  	[sflag:s18] =	ssyncset.done $0x0  }
0xce: {  	[sflag:s18] =	ssyncadd.s32 $0xFFFFD000  }
0xcf: {  	[spmem:s2] =	stream.indirect.scatter.add.s32 [tilespmem:s15], [sflag:$0x3], $0x80, s23, s14, $0xb8;
	v63 =	vld [tilespmem:$0x0]  }
0xd0: {  	_ =	swait.ge [sflag:s12], $0x3000  }
0xd1: {  	[sflag:s12] =	ssyncset.done $0x0  }
0xd2: {  	[sflag:s12] =	ssyncadd.s32 $0xFFFFD000  }
0xd3: {  	[tilespmem:s15], [sflag:$0x1] =	stream.indirect.gather [hbm4b:s4+s14], $0x80, s24, s14, $0xb8;
	v63 =	vld [tilespmem:$0x0]  }
0xd4: {  	_ =	swait.ge [sflag:s20], $0x3000  }
0xd5: {  	[sflag:s20] =	ssyncset.done $0x0  }
0xd6: {  	[sflag:s20] =	ssyncadd.s32 $0xFFFFD000  }
0xd7: {  	[spmem:s2] =	stream.indirect.scatter.add.s32 [tilespmem:s17], [sflag:$0x3], $0x80, s25, s14, $0xb8;
	v63 =	vld [tilespmem:$0x0]  }
0xd8: {  	_ =	swait.ge [sflag:s12], $0x3000  }
0xd9: {  	[sflag:s12] =	ssyncset.done $0x0  }
0xda: {  	[sflag:s12] =	ssyncadd.s32 $0xFFFFD000  }
0xdb: {  	[tilespmem:s17], [sflag:$0x2] =	stream.indirect.gather [hbm4b:s4+s14], $0x80, s26, s14, $0xb8;
	v63 =	vld [tilespmem:$0x0]  }
0xdc: {  	_ =	swait.ge [sflag:s18], $0x3000  }
0xdd: {  	[sflag:s18] =	ssyncset.done $0x0  }
0xde: {  	[sflag:s18] =	ssyncadd.s32 $0xFFFFD000  }
0xdf: {  	[spmem:s2] =	stream.indirect.scatter.add.s32 [tilespmem:s15], [sflag:$0x3], $0x80, s28, s14, $0xb8;
	v63 =	vld [tilespmem:$0x0]  }
0xe0: {  	_ =	swait.ge [sflag:s12], $0x3000  }
0xe1: {  	[sflag:s12] =	ssyncset.done $0x0  }
0xe2: {  	[sflag:s12] =	ssyncadd.s32 $0xFFFFD000  }
0xe3: {  	[tilespmem:s15], [sflag:$0x1] =	stream.indirect.gather [hbm4b:s4+s14], $0x80, s29, s14, $0xb8;
	v63 =	vld [tilespmem:$0x0]  }
0xe4: {  	_ =	swait.ge [sflag:s20], $0x3000  }
0xe5: {  	[sflag:s20] =	ssyncset.done $0x0  }
0xe6: {  	[sflag:s20] =	ssyncadd.s32 $0xFFFFD000  }
0xe7: {  	[spmem:s2] =	stream.indirect.scatter.add.s32 [tilespmem:s17], [sflag:$0x3], $0x80, s30, s14, $0xb8;
	v63 =	vld [tilespmem:$0x0]  }
0xe8: {  	_ =	swait.ge [sflag:s12], $0x3000  }
0xe9: {  	[sflag:s12] =	ssyncset.done $0x0  }
0xea: {  	[sflag:s12] =	ssyncadd.s32 $0xFFFFD000  }
0xeb: {  	[tilespmem:s17], [sflag:$0x2] =	stream.indirect.gather [hbm4b:s4+s14], $0x80, s31, s14, $0xb8;
	v63 =	vld [tilespmem:$0x0]  }
0xec: {  	_ =	swait.ge [sflag:s18], $0x3000  }
0xed: {  	[sflag:s18] =	ssyncset.done $0x0  }
0xee: {  	[sflag:s18] =	ssyncadd.s32 $0xFFFFD000  }
0xef: {  	[spmem:s2] =	stream.indirect.scatter.add.s32 [tilespmem:s15], [sflag:$0x3], $0x80, s1, s14, $0xb8;
	v63 =	vld [tilespmem:$0x0]  }
0xf0: {  	_ =	swait.ge [sflag:s12], $0x3000  }
0xf1: {  	[sflag:s12] =	ssyncset.done $0x0  }
0xf2: {  	[sflag:s12] =	ssyncadd.s32 $0xFFFFD000  }
0xf3: {  	_ =	swait.ge [sflag:s20], $0x3000  }
0xf4: {  	[sflag:s20] =	ssyncset.done $0x0  }
0xf5: {  	[sflag:s20] =	ssyncadd.s32 $0xFFFFD000  }
0xf6: {  	[spmem:s2] =	stream.indirect.scatter.add.s32 [tilespmem:s17], [sflag:$0x3], $0x80, s0, s14, $0xb8;
	v63 =	vld [tilespmem:$0x0]  }
0xf7: {  	_ =	swait.ge [sflag:s12], $0x3000  }
0xf8: {  	[sflag:s12] =	ssyncset.done $0x0  }
0xf9: {  	[sflag:s12] =	ssyncadd.s32 $0xFFFFD000  }
0xfa: {  	[bflag:$0x0] =	sbarrier.arrive $0xFFFF  }
0xfb: {  	s8 =	rddreg [dreg:$0x4]  }
0xfc: {  	s11 =	rddreg [dreg:$0x5]  }
0xfd: {  	s6 =	rddreg [dreg:$0x7]  }
0xfe: {  	[hbm:s11], [sflag:s8] =	dma.local [spmem:s6], $0x3300  }
0xff: {  	_ =	swait.ge [sflag:s12], $0x3300  }
0x100: {  	s5 =	rddreg [dreg:$0x8]  }
0x101: {  	s11 =	rddreg [dreg:$0x6];
	s7 =	sadd.s32 $0x1, s5  }
0x102: {  	p0 =	sne.s32 s7, s11  }
.Ltmp1:
0x103: {  	_ = 	snop;
	(pc) =	sbr.rel @p0 .LBB2_1-.Ltmp1, $3  }
0x104: {  	_ =	sdelay $0x1  }
0x105: {  	[sflag:s12] =	ssyncset.done $0x0  }
0x106: {  	[sflag:s12] =	ssyncadd.s32 $0xFFFFCD00  }
0x107: {  	_ =	sfence.sel $0x180000  }
0x108: {  	[bflag:$0x0] =	sbarrier.arrive $0xFFFF  }
0x109: {  	_ =	strace $0x9000004A  }
0x10a: {  	s0 =	stileid.u32;
	[bflag:$0x2] =	sbarrier.arrive $0xFFFF  }
0x10b: {  	p0 =	sne.s32 s0, $0x0;
	s0 =	rddreg [dreg:$0x2]  }
0x10c: {  	s0 =	sadd.s32 @!p0 $0x100000, s0  }
0x10d: {  	[sflag:s0] =	ssyncadd.tile.s32 @!p0 $0x1;
	_ =	shalt  }
.Lfunc_end2:
_tile_overlayer_lowered:
.L_overlay_start_2:
0x10e: {  	(tag) =	ssettag $0x2  }
0x10f: {  	s0 =	rddreg [dreg:$0x0];
	s2 =	stileid.u32  }
0x110: {  	s1 =	rddreg [dreg:$0x1];
	p0 =	sne.s32 s2, $0x0  }
0x111: {  	s3 =	rddreg [dreg:$0x2];
	[bflag:$0x3] =	sbarrier.arrive $0xFFFF;
	s2 =	simm.s32 @!p0 $0x1C03  }
0x112: {  	[timem:s3], [sflag:s2] =	dma.local @!p0 [hbm:s0], s1  }
0x113: {  	s0 =	simm.s32 @!p0 $0x3  }
0x114: {  	_ =	swait.ge @!p0 [sflag:s0], s1  }
0x115: {  	s1 =	ssub.s32 @!p0 $0x0, s1;
	[sflag:s0] =	ssyncset.done @!p0 $0x0  }
0x116: {  	[sflag:s0] =	ssyncadd.s32 @!p0 s1  }
0x117: {  	[bflag:$0x3] =	sbarrier.arrive $0xFFFF  }
0x118: {  	_ =	shalt  }

// kernel: kernel.22.cloned.1.call-start
scs
__scs_entry_jumppad:
0x0: {  	(pc) =	sbr.rel $0x88, $3  }
0x1: {  	(tag) =	ssettag $0x0;
	lr =	simm.s32 $0x1  }
0x2: {  	[smem:$0x3F79] =	sst lr;
	_ =	strace $0xD0000000  }
0x3: {  	_ = 	snop  }
0x4: {  	_ = 	snop  }
0x5: {  	_ = 	snop  }
0x6: {  	_ = 	snop  }
0x7: {  	_ = 	snop  }
__scs_overlays_trampoline_lowered:
0x8: {  	[smem:$0x3F88] =	sst s0  }
0x9: {  	[smem:$0x3F89] =	sst s1  }
0xa: {  	[smem:$0x3F8A] =	sst s2  }
0xb: {  	[smem:$0x3F8B] =	sst s3  }
0xc: {  	[smem:$0x3F8C] =	sst s4  }
0xd: {  	[smem:$0x3F8D] =	sst s5  }
0xe: {  	[smem:$0x3F8E] =	sst s6  }
0xf: {  	[smem:$0x3F8F] =	sst s7  }
0x10: {  	[smem:$0x3F90] =	sst s8  }
0x11: {  	[smem:$0x3F91] =	sst s9;
	s0 =	simm.s32 @!p0 $0x0  }
0x12: {  	s1 =	sld [smem:$0x3F77];
	s0 =	simm.s32 @p0 $0x1  }
0x13: {  	[smem:$0x3F92] =	sst s0;
	s0 =	simm.s32 @!p1 $0x0  }
0x14: {  	s2 =	sld [smem:$0x3F76];
	s0 =	simm.s32 @p1 $0x1  }
0x15: {  	[smem:$0x3F93] =	sst s0;
	s0 =	simm.s32 @!p2 $0x0  }
0x16: {  	s3 =	sld [smem:$0x3FDB];
	s0 =	simm.s32 @p2 $0x1  }
0x17: {  	s4 =	simm.s32 $0x1BF5;
	[smem:$0x3F95] =	sst s0  }
0x18: {  	s0 =	sld [smem:$0x3F78];
	_ =	swait.ge [sflag:s4], $0x0  }
0x19: {  	s7 =	sld [smem:$0x3F79]  }
0x1a: {  	s8 =	sadd.s32 $0xFFFFE003, lr  }
0x1b: {  	s9 =	sadd.s32 $0xFFFFFEF7, lr;
	s5 =	simm.s32 $0xFFFFFFFF;
	p2 =	slt.u32 s8, $0xFFFFF086  }
0x1c: {  	p1 =	slt.u32 s9, $0xF7A;
	s5 =	simm.s32 @!p2 $0x0  }
0x1d: {  	s5 =	simm.s32 @p1 $0x1;
	p0 =	seq.s32 s7, s2  }
0x1e: {  	s7 =	smul.u32 @!p0 $0xF7A, s2;
	p2 =	seq.s32 @!p0 s5, $0x0  }
0x1f: {  	s9 =	smul.u32 $0xF7A, s1;
	s8 =	simm.s32 @!p0 $0x1BF5;
	p2 =	por !p2, p0  }
0x20: {  	[sflag:s8] =	ssyncset.s32 @!p0 $0xFFFFF086;
	s6 =	sadd.s32 @!p0 s3, s7;
	s7 =	simm.s32 @!p0 $0x108  }
0x21: {  	s3 =	sadd.s32 s3, s9;
	s6 =	sadd.s32 @!p0 $0x88, s6;
	s7 =	simm.s32 @p2 $0x1082  }
0x22: {  	[simem:s7], [sflag:s8] =	dma.local @!p0 [hbm:s6], $0xF7A  }
0x23: {  	s9 =	sor.u32 $0xD0000000, s2;
	s6 =	simm.s32 $0x108;
	_ =	swait.ge @!p0 [sflag:s8], $0x0  }
0x24: {  	s3 =	sadd.s32 $0x88, s3;
	s6 =	simm.s32 @!p1 $0x1082;
	[sflag:s4] =	ssyncset.s32 $0xFFFFF086  }
0x25: {  	[simem:s6], [sflag:s4] =	dma.local [hbm:s3], $0xF7A  }
0x26: {  	[smem:$0x3F79] =	sst s1;
	(tag) =	ssettag s2;
	_ =	strace s9  }
0x27: {  	s1 =	sld [smem:$0x3F89]  }
0x28: {  	s2 =	sld [smem:$0x3F8A]  }
0x29: {  	s4 =	sld [smem:$0x3F8C]  }
0x2a: {  	p0 =	seq.s32 s5, $0x0;
	s5 =	sld [smem:$0x3F8D]  }
0x2b: {  	s6 =	sld [smem:$0x3F8E]  }
0x2c: {  	s7 =	sld [smem:$0x3F8F]  }
0x2d: {  	s3 =	simm.s32 $0x108;
	s8 =	sld [smem:$0x3F90]  }
0x2e: {  	s3 =	simm.s32 @!p0 $0x1082;
	s9 =	sld [smem:$0x3F91]  }
0x2f: {  	lr =	sadd.s32 s0, s3;
	s0 =	sld [smem:$0x3F88]  }
0x30: {  	s3 =	sld [smem:$0x3F8B]  }
0x31: {  	[smem:$0x3F94] =	sst s10  }
0x32: {  	s10 =	sld [smem:$0x3F92];
	_ =	sdelay $0x3  }
0x33: {  	p0 =	seq.s32 s10, $0x1;
	s10 =	sld [smem:$0x3F94];
	_ =	sdelay $0x3  }
0x34: {  	[smem:$0x3F94] =	sst s10  }
0x35: {  	s10 =	sld [smem:$0x3F93];
	_ =	sdelay $0x3  }
0x36: {  	p1 =	seq.s32 s10, $0x1;
	s10 =	sld [smem:$0x3F94];
	_ =	sdelay $0x3  }
0x37: {  	[smem:$0x3F94] =	sst s10  }
0x38: {  	s10 =	sld [smem:$0x3F95]  }
0x39: {  	_ = 	snop;
	(pc) =	sbr.ind lr, $3  }
0x3a: {  	_ = 	snop  }
0x3b: {  	_ = 	snop  }
0x3c: {  	p2 =	seq.s32 s10, $0x1;
	s10 =	sld [smem:$0x3F94]  }
0x3d: {  	_ =	shalt  }
0x3e: {  	_ =	shalt  }
0x3f: {  	_ =	shalt  }
0x40: {  	_ =	shalt  }
0x41: {  	_ =	shalt  }
0x42: {  	_ =	shalt  }
0x43: {  	_ =	shalt  }
0x44: {  	_ =	shalt  }
0x45: {  	_ =	shalt  }
0x46: {  	_ =	shalt  }
0x47: {  	_ =	shalt  }
0x48: {  	_ =	shalt  }
0x49: {  	_ =	shalt  }
0x4a: {  	_ =	shalt  }
0x4b: {  	_ =	shalt  }
0x4c: {  	_ =	shalt  }
0x4d: {  	_ =	shalt  }
0x4e: {  	_ =	shalt  }
0x4f: {  	_ =	shalt  }
0x50: {  	_ =	shalt  }
0x51: {  	_ =	shalt  }
0x52: {  	_ =	shalt  }
0x53: {  	_ =	shalt  }
0x54: {  	_ =	shalt  }
0x55: {  	_ =	shalt  }
0x56: {  	_ =	shalt  }
0x57: {  	_ =	shalt  }
0x58: {  	_ =	shalt  }
0x59: {  	_ =	shalt  }
0x5a: {  	_ =	shalt  }
0x5b: {  	_ =	shalt  }
0x5c: {  	_ =	shalt  }
0x5d: {  	_ =	shalt  }
0x5e: {  	_ =	shalt  }
0x5f: {  	_ =	shalt  }
0x60: {  	_ =	shalt  }
0x61: {  	_ =	shalt  }
0x62: {  	_ =	shalt  }
0x63: {  	_ =	shalt  }
0x64: {  	_ =	shalt  }
0x65: {  	_ =	shalt  }
0x66: {  	_ =	shalt  }
0x67: {  	_ =	shalt  }
0x68: {  	_ =	shalt  }
0x69: {  	_ =	shalt  }
0x6a: {  	_ =	shalt  }
0x6b: {  	_ =	shalt  }
0x6c: {  	_ =	shalt  }
0x6d: {  	_ =	shalt  }
0x6e: {  	_ =	shalt  }
0x6f: {  	_ =	shalt  }
0x70: {  	_ =	shalt  }
0x71: {  	_ =	shalt  }
0x72: {  	_ =	shalt  }
0x73: {  	_ =	shalt  }
0x74: {  	_ =	shalt  }
0x75: {  	_ =	shalt  }
0x76: {  	_ =	shalt  }
0x77: {  	_ =	shalt  }
0x78: {  	_ =	shalt  }
0x79: {  	_ =	shalt  }
0x7a: {  	_ =	shalt  }
0x7b: {  	_ =	shalt  }
0x7c: {  	_ =	shalt  }
0x7d: {  	_ =	shalt  }
0x7e: {  	_ =	shalt  }
0x7f: {  	_ =	shalt  }
0x80: {  	_ =	shalt  }
0x81: {  	_ =	shalt  }
0x82: {  	_ =	shalt  }
0x83: {  	_ =	shalt  }
0x84: {  	_ =	shalt  }
0x85: {  	_ =	shalt  }
0x86: {  	_ =	shalt  }
0x87: {  	_ =	shalt  }
.Lfunc_end0:
.L_simem_size_0:
called_computation.2_lowered:
.L_overlay_start_0:
0x88: {  	s2 =	sld [smem:$0x3FD9]  }
0x89: {  	s3 =	sld [smem:$0x3FFE];
	_ =	sdelay $0x1  }
0x8a: {  	s1 =	srdreg.scid  }
0x8b: {  	s0 =	sand.u32 $0x1, s1  }
0x8c: {  	s16 =	sshll.u32 s0, $0xA;
	s2 =	sadd.s32 s3, s2  }
0x8d: {  	s2 =	sadd.s32 s2, s16  }
0x8e: {  	[smem:$0x3FA0] =	sst s2  }
0x8f: {  	_ = 	snop  }
0x90: {  	(tm) =	ssettm $0x1  }
0x91: {  	s17 =	sld [smem:$0x3FFB];
	_ =	sdelay $0x3  }
0x92: {  	_ =	strace s17  }
0x93: {  	s2 =	sld [smem:$0x3FFC];
	_ =	sdelay $0x3  }
0x94: {  	_ =	strace s2  }
0x95: {  	s2 =	sld [smem:$0x3FFD];
	_ =	sdelay $0x3  }
0x96: {  	_ =	strace s2  }
0x97: {  	_ =	strace $0x8FFFFFFF  }
0x98: {  	s18 =	sld [smem:$0x3FDB];
	_ =	sdelay $0x1  }
0x99: {  	s19 =	simm.s32 $_scs_section_size  }
0x9a: {  	s4 =	simm.s32 $_size__tile_overlayer_lowered;
	s5 =	simm.s32 $_tile_overlayer_lowered  }
0x9b: {  	s22 =	simm.s32 $0x1BFF;
	s21 =	sshll.u32 s5, $0x1;
	s2 =	sadd.s32 s19, s18  }
0x9c: {  	s6 =	simm.s32 $0x0;
	s20 =	sshll.u32 s4, $0x1;
	s4 =	sadd.s32 s21, s2  }
0x9d: {  	[timem:s6], [sflag:s22] =	dma.local [hbm:s4], s20  }
0x9e: {  	_ =	swait.ge [sflag:s22], s20  }
0x9f: {  	s3 =	ssub.s32 $0x0, s20;
	[sflag:s22] =	ssyncset.done $0x0  }
0xa0: {  	[sflag:s22] =	ssyncadd.s32 s3;
	_ =	sdelay $0x1  }
0xa1: {  	s23 =	simm.s32 $0x1B8B  }
0xa2: {  	_ =	swait.ge [sflag:s23], $0x1  }
0xa3: {  	[sflag:s23] =	ssyncset.done $0x0  }
0xa4: {  	s25 =	simm.s32 $0x1B8E;
	s24 =	sld [smem:$0x3FFE];
	[sflag:s23] =	ssyncadd.s32 $0xFFFFFFFF  }
0xa5: {  	s26 =	simm.s32 $execute0_lowered;
	[smem:$0x3FD2] =	sst s25  }
0xa6: {  	s4 =	sshll.u32 s26, $0x1;
	_ =	strace $0x8000004C;
	[dreg:$0x1] =	wrdreg $0xFFFFFFFF  }
0xa7: {  	s28 =	simm.s32 $_size_execute0_lowered;
	s2 =	sadd.s32 s2, s4;
	[dreg:$0x0] =	wrdreg $0x0  }
0xa8: {  	s4 =	sshll.u32 s28, $0x1;
	[dreg:$0x2] =	wrdreg s2  }
0xa9: {  	[dreg:$0x3] =	wrdreg s4  }
0xaa: {  	[dreg:$0x4] =	wrdreg $0xC0  }
0xab: {  	_ =	task [dreg:s6], $0x5FFFF  }
0xac: {  	[dreg:$0x1] =	wrdreg $0xFFFFFFFF  }
0xad: {  	[dreg:$0x0] =	wrdreg $0x60  }
0xae: {  	[dreg:$0x2] =	wrdreg s24  }
0xaf: {  	[dreg:$0x3] =	wrdreg $0x68000  }
0xb0: {  	[dreg:$0x4] =	wrdreg $0x9  }
0xb1: {  	_ =	task.clear_ibuf [dreg:s6], $0x5FFFF;
	_ =	strace $0x9000004C  }
0xb2: {  	s29 =	simm.s32 $0x9;
	_ =	strace $0x8000004E  }
0xb3: {  	_ =	swait.ge [sflag:s29], $0x1  }
0xb4: {  	[sflag:s29] =	ssyncadd.s32 $0xFFFFFFFF  }
0xb5: {  	_ =	strace $0x9000004E  }
0xb6: {  	_ =	sfence  }
0xb7: {  	s30 =	sld [smem:$0x0];
	_ =	sdelay $0x2  }
0xb8: {  	s31 =	sshll.u32 s1, $0xD;
	s1 =	sshrl.u32 s1, $0x2  }
0xb9: {  	s3 =	sand.u32 $0x4000, s31;
	s1 =	sadd.s32 s1, s30  }
0xba: {  	s0 =	sor.u32 s3, s0;
	s1 =	sshll.u32 s1, $0x11  }
0xbb: {  	s0 =	sor.u32 s1, s0  }
0xbc: {  	s0 =	sadd.s32 $0x8F2B, s0  }
0xbd: {  	[sflag:s0] =	ssyncadd.remote.s32 $0x1  }
0xbe: {  	_ =	sfence.sel $0xFFFF  }
0xbf: {  	[dreg:$0x0] =	wrdreg $0xFFFFFFFF;
	(pc) =	sbr.abs _section_cstart, $3  }
0xc0: {  	[dreg:$0x1] =	wrdreg $0xFFFFFFFF  }
0xc1: {  	_ =	task.clear_ibuf [dreg:s6], $0x2FFFF;
	_ =	strace $0x9FFFFFFF  }
0xc2: {  	(tm) =	ssettm $0x7FFFFFFF  }
0xc3: {  	_ =	shalt  }
tec
execute0_lowered:
.L_overlay_start_1:
0x0: {  	(tag) =	ssettag $0x1  }
0x1: {  	s10 =	stileid.u32;
	s1 =	rddreg [dreg:$0x0]  }
0x2: {  	s0 =	srdreg.scid;
	s2 =	rddreg [dreg:$0x1]  }
0x3: {  	s3 =	simm.s32 $0x0;
	s12 =	simm.s32 $0x3;
	s13 =	simm.s32 $0x400  }
0x4: {  	s14 =	simm.s32 $0x60;
	s15 =	simm.s32 $0x800;
	s16 =	simm.s32 $0x80  }
0x5: {  	s17 =	simm.s32 $0x3800;
	s18 =	simm.s32 $0x1;
	s19 =	simm.s32 $0x100  }
0x6: {  	s20 =	simm.s32 $0x2;
	s21 =	simm.s32 $0x480;
	s5 =	smul.u32 $0x1A00, s10  }
0x7: {  	s22 =	simm.s32 $0x180;
	s28 =	simm.s32 $0x600;
	s6 =	smul.u32 $0xD000, s10  }
0x8: {  	s29 =	simm.s32 $0x300;
	s30 =	simm.s32 $0x680;
	s7 =	smul.u32 $0x19800, s10  }
0x9: {  	s31 =	simm.s32 $0x380;
	s0 =	sand.u32 $0x1, s0;
	s23 =	smul.u32 $0x66000, s10  }
0xa: {  	[smem:$0x7FF] =	sst s3;
	s26 =	sshll.u32 s10, $0x6;
	s4 =	smul.u32 $0xD0000, s0  }
0xb: {  	_ =	strace $0x8000004D;
	s8 =	smul.u32 $0x198000, s0;
	s0 =	ssub.s32 $0x2, s0  }
0xc: {  	s5 =	sadd.s32 s5, s1;
	s9 =	sshrl.u32 s7, $0x3;
	s24 =	sshrl.u32 s0, $0x1  }
0xd: {  	s25 =	sshrl.u32 s23, $0x2;
	s23 =	simm.s32 $0x500;
	s6 =	sadd.s32 s6, s4  }
0xe: {  	s4 =	sadd.s32 $0x153800, s1;
	s7 =	sadd.s32 s7, s8;
	s9 =	sadd.s32 s9, s1  }
0xf: {  	s0 =	ssub.s32 s0, s24;
	s8 =	sor.u32 $0x1C03, s26;
	s10 =	sadd.s32 $0xAC00, s5  }
0x10: {  	s24 =	simm.s32 $0x200;
	s26 =	simm.s32 $0x280;
	s6 =	sshrl.u32 s6, $0x3  }
0x11: {  	s7 =	sshrl.u32 s7, $0x3;
	s9 =	sadd.s32 $0x58C00, s9;
	[dreg:$0x4] =	wrdreg s8  }
0x12: {  	s0 =	smax.u32 s0, $0x1;
	s6 =	sadd.s32 s6, s1;
	[dreg:$0x3] =	wrdreg s9  }
0x13: {  	s1 =	sadd.s32 s7, s1;
	s7 =	sadd.s32 s25, s2;
	[dreg:$0x6] =	wrdreg s0  }
0x14: {  	s25 =	simm.s32 $0x580;
	s0 =	simm.s32 $0x780;
	s1 =	sadd.s32 $0x217000, s1  }
0x15: {  	s9 =	sadd.s32 $0x24C00, s6;
	s6 =	sshrl.u32 s7, $0x3;
	[dreg:$0x5] =	wrdreg s1  }
0x16: {  	s7 =	simm.s32 $0x0;
	s1 =	simm.s32 $0x700;
	[dreg:$0x7] =	wrdreg s6  }
.LBB2_1:
0x17: {  	[dreg:$0x8] =	wrdreg s7  }
0x18: {  	s5 =	rddreg [dreg:$0x3]  }
0x19: {  	[spmem:s6], [sflag:s8] =	dma.local [hbm:s5], $0x3300  }
0x1a: {  	_ =	swait.ge [sflag:s12], $0x3300  }
0x1b: {  	[sflag:s12] =	ssyncset.done $0x0  }
0x1c: {  	[sflag:s12] =	ssyncadd.s32 $0xFFFFCD00  }
0x1d: {  	s8 =	sadd.s32 $0x0, s10;
	[bflag:$0x0] =	sbarrier.arrive $0xFFFF  }
0x1e: {  	[tilespmem:s3], [sflag:$0x3] =	stream.linear.gather [hbm4b:s8+s3], $0x400, $0x38;
	v63 =	vld [tilespmem:$0x0]  }
0x1f: {  	_ =	swait.ge [sflag:s12], $0x400  }
0x20: {  	[sflag:s12] =	ssyncset.done $0x0  }
0x21: {  	s11 =	sadd.s32 $0x0, s9;
	[sflag:s12] =	ssyncadd.s32 $0xFFFFFC00  }
0x22: {  	[tilespmem:s13], [sflag:$0x3] =	stream.linear.gather [hbm4b:s11+s3], $0x400, $0x38;
	v63 =	vld [tilespmem:$0x0]  }
0x23: {  	_ =	swait.ge [sflag:s12], $0x400  }
0x24: {  	[sflag:s12] =	ssyncset.done $0x0  }
0x25: {  	[sflag:s12] =	ssyncadd.s32 $0xFFFFFC00  }
0x26: {  	[tilespmem:s15], [sflag:$0x1] =	stream.indirect.gather [hbm4b:s4+s14], $0x80, s3, s14, $0xb8;
	v63 =	vld [tilespmem:$0x0]  }
0x27: {  	_ = 	snop  }
0x28: {  	[tilespmem:s17], [sflag:$0x2] =	stream.indirect.gather [hbm4b:s4+s14], $0x80, s16, s14, $0xb8;
	v63 =	vld [tilespmem:$0x0]  }
0x29: {  	_ =	swait.ge [sflag:s18], $0x3000  }
0x2a: {  	[sflag:s18] =	ssyncset.done $0x0  }
0x2b: {  	[sflag:s18] =	ssyncadd.s32 $0xFFFFD000  }
0x2c: {  	[spmem:s2] =	stream.indirect.scatter.add.s32 [tilespmem:s15], [sflag:$0x3], $0x80, s13, s14, $0xb8;
	v63 =	vld [tilespmem:$0x0]  }
0x2d: {  	_ =	swait.ge [sflag:s12], $0x3000  }
0x2e: {  	[sflag:s12] =	ssyncset.done $0x0  }
0x2f: {  	[sflag:s12] =	ssyncadd.s32 $0xFFFFD000  }
0x30: {  	[tilespmem:s15], [sflag:$0x1] =	stream.indirect.gather [hbm4b:s4+s14], $0x80, s19, s14, $0xb8;
	v63 =	vld [tilespmem:$0x0]  }
0x31: {  	_ =	swait.ge [sflag:s20], $0x3000  }
0x32: {  	[sflag:s20] =	ssyncset.done $0x0  }
0x33: {  	[sflag:s20] =	ssyncadd.s32 $0xFFFFD000  }
0x34: {  	[spmem:s2] =	stream.indirect.scatter.add.s32 [tilespmem:s17], [sflag:$0x3], $0x80, s21, s14, $0xb8;
	v63 =	vld [tilespmem:$0x0]  }
0x35: {  	_ =	swait.ge [sflag:s12], $0x3000  }
0x36: {  	[sflag:s12] =	ssyncset.done $0x0  }
0x37: {  	[sflag:s12] =	ssyncadd.s32 $0xFFFFD000  }
0x38: {  	[tilespmem:s17], [sflag:$0x2] =	stream.indirect.gather [hbm4b:s4+s14], $0x80, s22, s14, $0xb8;
	v63 =	vld [tilespmem:$0x0]  }
0x39: {  	_ =	swait.ge [sflag:s18], $0x3000  }
0x3a: {  	[sflag:s18] =	ssyncset.done $0x0  }
0x3b: {  	[sflag:s18] =	ssyncadd.s32 $0xFFFFD000  }
0x3c: {  	[spmem:s2] =	stream.indirect.scatter.add.s32 [tilespmem:s15], [sflag:$0x3], $0x80, s23, s14, $0xb8;
	v63 =	vld [tilespmem:$0x0]  }
0x3d: {  	_ =	swait.ge [sflag:s12], $0x3000  }
0x3e: {  	[sflag:s12] =	ssyncset.done $0x0  }
0x3f: {  	[sflag:s12] =	ssyncadd.s32 $0xFFFFD000  }
0x40: {  	[tilespmem:s15], [sflag:$0x1] =	stream.indirect.gather [hbm4b:s4+s14], $0x80, s24, s14, $0xb8;
	v63 =	vld [tilespmem:$0x0]  }
0x41: {  	_ =	swait.ge [sflag:s20], $0x3000  }
0x42: {  	[sflag:s20] =	ssyncset.done $0x0  }
0x43: {  	[sflag:s20] =	ssyncadd.s32 $0xFFFFD000  }
0x44: {  	[spmem:s2] =	stream.indirect.scatter.add.s32 [tilespmem:s17], [sflag:$0x3], $0x80, s25, s14, $0xb8;
	v63 =	vld [tilespmem:$0x0]  }
0x45: {  	_ =	swait.ge [sflag:s12], $0x3000  }
0x46: {  	[sflag:s12] =	ssyncset.done $0x0  }
0x47: {  	[sflag:s12] =	ssyncadd.s32 $0xFFFFD000  }
0x48: {  	[tilespmem:s17], [sflag:$0x2] =	stream.indirect.gather [hbm4b:s4+s14], $0x80, s26, s14, $0xb8;
	v63 =	vld [tilespmem:$0x0]  }
0x49: {  	_ =	swait.ge [sflag:s18], $0x3000  }
0x4a: {  	[sflag:s18] =	ssyncset.done $0x0  }
0x4b: {  	[sflag:s18] =	ssyncadd.s32 $0xFFFFD000  }
0x4c: {  	[spmem:s2] =	stream.indirect.scatter.add.s32 [tilespmem:s15], [sflag:$0x3], $0x80, s28, s14, $0xb8;
	v63 =	vld [tilespmem:$0x0]  }
0x4d: {  	_ =	swait.ge [sflag:s12], $0x3000  }
0x4e: {  	[sflag:s12] =	ssyncset.done $0x0  }
0x4f: {  	[sflag:s12] =	ssyncadd.s32 $0xFFFFD000  }
0x50: {  	[tilespmem:s15], [sflag:$0x1] =	stream.indirect.gather [hbm4b:s4+s14], $0x80, s29, s14, $0xb8;
	v63 =	vld [tilespmem:$0x0]  }
0x51: {  	_ =	swait.ge [sflag:s20], $0x3000  }
0x52: {  	[sflag:s20] =	ssyncset.done $0x0  }
0x53: {  	[sflag:s20] =	ssyncadd.s32 $0xFFFFD000  }
0x54: {  	[spmem:s2] =	stream.indirect.scatter.add.s32 [tilespmem:s17], [sflag:$0x3], $0x80, s30, s14, $0xb8;
	v63 =	vld [tilespmem:$0x0]  }
0x55: {  	_ =	swait.ge [sflag:s12], $0x3000  }
0x56: {  	[sflag:s12] =	ssyncset.done $0x0  }
0x57: {  	[sflag:s12] =	ssyncadd.s32 $0xFFFFD000  }
0x58: {  	[tilespmem:s17], [sflag:$0x2] =	stream.indirect.gather [hbm4b:s4+s14], $0x80, s31, s14, $0xb8;
	v63 =	vld [tilespmem:$0x0]  }
0x59: {  	_ =	swait.ge [sflag:s18], $0x3000  }
0x5a: {  	[sflag:s18] =	ssyncset.done $0x0  }
0x5b: {  	[sflag:s18] =	ssyncadd.s32 $0xFFFFD000  }
0x5c: {  	[spmem:s2] =	stream.indirect.scatter.add.s32 [tilespmem:s15], [sflag:$0x3], $0x80, s1, s14, $0xb8;
	v63 =	vld [tilespmem:$0x0]  }
0x5d: {  	_ =	swait.ge [sflag:s12], $0x3000  }
0x5e: {  	[sflag:s12] =	ssyncset.done $0x0  }
0x5f: {  	[sflag:s12] =	ssyncadd.s32 $0xFFFFD000  }
0x60: {  	_ =	swait.ge [sflag:s20], $0x3000  }
0x61: {  	[sflag:s20] =	ssyncset.done $0x0  }
0x62: {  	[sflag:s20] =	ssyncadd.s32 $0xFFFFD000  }
0x63: {  	[spmem:s2] =	stream.indirect.scatter.add.s32 [tilespmem:s17], [sflag:$0x3], $0x80, s0, s14, $0xb8;
	v63 =	vld [tilespmem:$0x0]  }
0x64: {  	_ =	swait.ge [sflag:s12], $0x3000  }
0x65: {  	s7 =	simm.s32 $0x80;
	s8 =	simm.s32 $0x100;
	[sflag:s12] =	ssyncset.done $0x0  }
.LBB2_2:
0x66: {  	s11 =	sadd.s32 s7, s10  }
0x67: {  	[sflag:s12] =	ssyncadd.s32 $0xFFFFD000;
	s5 =	smov.u32 s8;
	s6 =	sadd.s32 $0x80, s8  }
0x68: {  	[tilespmem:s3], [sflag:$0x3] =	stream.linear.gather [hbm4b:s11+s3], $0x400, $0x38;
	v63 =	vld [tilespmem:$0x0]  }
0x69: {  	p0 =	sne.s32 s8, $0x1980;
	_ =	swait.ge [sflag:s12], $0x400  }
0x6a: {  	[sflag:s12] =	ssyncset.done $0x0  }
0x6b: {  	s8 =	sadd.s32 s7, s9;
	s7 =	smov.u32 s5;
	[sflag:s12] =	ssyncadd.s32 $0xFFFFFC00  }
0x6c: {  	[tilespmem:s13], [sflag:$0x3] =	stream.linear.gather [hbm4b:s8+s3], $0x400, $0x38;
	v63 =	vld [tilespmem:$0x0]  }
0x6d: {  	_ =	swait.ge [sflag:s12], $0x400  }
0x6e: {  	[sflag:s12] =	ssyncset.done $0x0  }
0x6f: {  	[sflag:s12] =	ssyncadd.s32 $0xFFFFFC00  }
0x70: {  	[tilespmem:s15], [sflag:$0x1] =	stream.indirect.gather [hbm4b:s4+s14], $0x80, s3, s14, $0xb8;
	v63 =	vld [tilespmem:$0x0]  }
0x71: {  	_ = 	snop  }
0x72: {  	[tilespmem:s17], [sflag:$0x2] =	stream.indirect.gather [hbm4b:s4+s14], $0x80, s16, s14, $0xb8;
	v63 =	vld [tilespmem:$0x0]  }
0x73: {  	_ =	swait.ge [sflag:s18], $0x3000  }
0x74: {  	[sflag:s18] =	ssyncset.done $0x0  }
0x75: {  	[sflag:s18] =	ssyncadd.s32 $0xFFFFD000  }
0x76: {  	[spmem:s2] =	stream.indirect.scatter.add.s32 [tilespmem:s15], [sflag:$0x3], $0x80, s13, s14, $0xb8;
	v63 =	vld [tilespmem:$0x0]  }
0x77: {  	_ =	swait.ge [sflag:s12], $0x3000  }
0x78: {  	[sflag:s12] =	ssyncset.done $0x0  }
0x79: {  	[sflag:s12] =	ssyncadd.s32 $0xFFFFD000  }
0x7a: {  	[tilespmem:s15], [sflag:$0x1] =	stream.indirect.gather [hbm4b:s4+s14], $0x80, s19, s14, $0xb8;
	v63 =	vld [tilespmem:$0x0]  }
0x7b: {  	_ =	swait.ge [sflag:s20], $0x3000  }
0x7c: {  	[sflag:s20] =	ssyncset.done $0x0  }
0x7d: {  	[sflag:s20] =	ssyncadd.s32 $0xFFFFD000  }
0x7e: {  	[spmem:s2] =	stream.indirect.scatter.add.s32 [tilespmem:s17], [sflag:$0x3], $0x80, s21, s14, $0xb8;
	v63 =	vld [tilespmem:$0x0]  }
0x7f: {  	_ =	swait.ge [sflag:s12], $0x3000  }
0x80: {  	[sflag:s12] =	ssyncset.done $0x0  }
0x81: {  	[sflag:s12] =	ssyncadd.s32 $0xFFFFD000  }
0x82: {  	[tilespmem:s17], [sflag:$0x2] =	stream.indirect.gather [hbm4b:s4+s14], $0x80, s22, s14, $0xb8;
	v63 =	vld [tilespmem:$0x0]  }
0x83: {  	_ =	swait.ge [sflag:s18], $0x3000  }
0x84: {  	[sflag:s18] =	ssyncset.done $0x0  }
0x85: {  	[sflag:s18] =	ssyncadd.s32 $0xFFFFD000  }
0x86: {  	[spmem:s2] =	stream.indirect.scatter.add.s32 [tilespmem:s15], [sflag:$0x3], $0x80, s23, s14, $0xb8;
	v63 =	vld [tilespmem:$0x0]  }
0x87: {  	_ =	swait.ge [sflag:s12], $0x3000  }
0x88: {  	[sflag:s12] =	ssyncset.done $0x0  }
0x89: {  	[sflag:s12] =	ssyncadd.s32 $0xFFFFD000  }
0x8a: {  	[tilespmem:s15], [sflag:$0x1] =	stream.indirect.gather [hbm4b:s4+s14], $0x80, s24, s14, $0xb8;
	v63 =	vld [tilespmem:$0x0]  }
0x8b: {  	_ =	swait.ge [sflag:s20], $0x3000  }
0x8c: {  	[sflag:s20] =	ssyncset.done $0x0  }
0x8d: {  	[sflag:s20] =	ssyncadd.s32 $0xFFFFD000  }
0x8e: {  	[spmem:s2] =	stream.indirect.scatter.add.s32 [tilespmem:s17], [sflag:$0x3], $0x80, s25, s14, $0xb8;
	v63 =	vld [tilespmem:$0x0]  }
0x8f: {  	_ =	swait.ge [sflag:s12], $0x3000  }
0x90: {  	[sflag:s12] =	ssyncset.done $0x0  }
0x91: {  	[sflag:s12] =	ssyncadd.s32 $0xFFFFD000  }
0x92: {  	[tilespmem:s17], [sflag:$0x2] =	stream.indirect.gather [hbm4b:s4+s14], $0x80, s26, s14, $0xb8;
	v63 =	vld [tilespmem:$0x0]  }
0x93: {  	_ =	swait.ge [sflag:s18], $0x3000  }
0x94: {  	[sflag:s18] =	ssyncset.done $0x0  }
0x95: {  	[sflag:s18] =	ssyncadd.s32 $0xFFFFD000  }
0x96: {  	[spmem:s2] =	stream.indirect.scatter.add.s32 [tilespmem:s15], [sflag:$0x3], $0x80, s28, s14, $0xb8;
	v63 =	vld [tilespmem:$0x0]  }
0x97: {  	_ =	swait.ge [sflag:s12], $0x3000  }
0x98: {  	[sflag:s12] =	ssyncset.done $0x0  }
0x99: {  	[sflag:s12] =	ssyncadd.s32 $0xFFFFD000  }
0x9a: {  	[tilespmem:s15], [sflag:$0x1] =	stream.indirect.gather [hbm4b:s4+s14], $0x80, s29, s14, $0xb8;
	v63 =	vld [tilespmem:$0x0]  }
0x9b: {  	_ =	swait.ge [sflag:s20], $0x3000  }
0x9c: {  	[sflag:s20] =	ssyncset.done $0x0  }
0x9d: {  	[sflag:s20] =	ssyncadd.s32 $0xFFFFD000  }
0x9e: {  	[spmem:s2] =	stream.indirect.scatter.add.s32 [tilespmem:s17], [sflag:$0x3], $0x80, s30, s14, $0xb8;
	v63 =	vld [tilespmem:$0x0]  }
0x9f: {  	_ =	swait.ge [sflag:s12], $0x3000  }
0xa0: {  	[sflag:s12] =	ssyncset.done $0x0  }
0xa1: {  	[sflag:s12] =	ssyncadd.s32 $0xFFFFD000  }
0xa2: {  	[tilespmem:s17], [sflag:$0x2] =	stream.indirect.gather [hbm4b:s4+s14], $0x80, s31, s14, $0xb8;
	v63 =	vld [tilespmem:$0x0]  }
0xa3: {  	_ =	swait.ge [sflag:s18], $0x3000  }
0xa4: {  	[sflag:s18] =	ssyncset.done $0x0  }
0xa5: {  	[sflag:s18] =	ssyncadd.s32 $0xFFFFD000  }
0xa6: {  	[spmem:s2] =	stream.indirect.scatter.add.s32 [tilespmem:s15], [sflag:$0x3], $0x80, s1, s14, $0xb8;
	v63 =	vld [tilespmem:$0x0]  }
0xa7: {  	_ =	swait.ge [sflag:s12], $0x3000  }
0xa8: {  	[sflag:s12] =	ssyncset.done $0x0  }
0xa9: {  	[sflag:s12] =	ssyncadd.s32 $0xFFFFD000  }
0xaa: {  	_ =	swait.ge [sflag:s20], $0x3000  }
.Ltmp0:
0xab: {  	[sflag:s20] =	ssyncset.done $0x0;
	(pc) =	sbr.rel @p0 .LBB2_2-.Ltmp0, $4  }
0xac: {  	[sflag:s20] =	ssyncadd.s32 $0xFFFFD000  }
0xad: {  	[spmem:s2] =	stream.indirect.scatter.add.s32 [tilespmem:s17], [sflag:$0x3], $0x80, s0, s14, $0xb8;
	v63 =	vld [tilespmem:$0x0]  }
0xae: {  	_ =	swait.ge [sflag:s12], $0x3000  }
0xaf: {  	s8 =	smov.u32 s6;
	[sflag:s12] =	ssyncset.done $0x0  }
0xb0: {  	s5 =	sadd.s32 s7, s10;
	[sflag:s12] =	ssyncadd.s32 $0xFFFFD000  }
0xb1: {  	[tilespmem:s3], [sflag:$0x3] =	stream.linear.gather [hbm4b:s5+s3], $0x400, $0x38;
	v63 =	vld [tilespmem:$0x0]  }
0xb2: {  	_ =	swait.ge [sflag:s12], $0x400  }
0xb3: {  	[sflag:s12] =	ssyncset.done $0x0  }
0xb4: {  	s8 =	sadd.s32 s7, s9;
	[sflag:s12] =	ssyncadd.s32 $0xFFFFFC00  }
0xb5: {  	[tilespmem:s13], [sflag:$0x3] =	stream.linear.gather [hbm4b:s8+s3], $0x400, $0x38;
	v63 =	vld [tilespmem:$0x0]  }
0xb6: {  	_ =	swait.ge [sflag:s12], $0x400  }
0xb7: {  	[sflag:s12] =	ssyncset.done $0x0  }
0xb8: {  	[sflag:s12] =	ssyncadd.s32 $0xFFFFFC00  }
0xb9: {  	[tilespmem:s15], [sflag:$0x1] =	stream.indirect.gather [hbm4b:s4+s14], $0x80, s3, s14, $0xb8;
	v63 =	vld [tilespmem:$0x0]  }
0xba: {  	_ = 	snop  }
0xbb: {  	[tilespmem:s17], [sflag:$0x2] =	stream.indirect.gather [hbm4b:s4+s14], $0x80, s16, s14, $0xb8;
	v63 =	vld [tilespmem:$0x0]  }
0xbc: {  	_ =	swait.ge [sflag:s18], $0x3000  }
0xbd: {  	[sflag:s18] =	ssyncset.done $0x0  }
0xbe: {  	[sflag:s18] =	ssyncadd.s32 $0xFFFFD000  }
0xbf: {  	[spmem:s2] =	stream.indirect.scatter.add.s32 [tilespmem:s15], [sflag:$0x3], $0x80, s13, s14, $0xb8;
	v63 =	vld [tilespmem:$0x0]  }
0xc0: {  	_ =	swait.ge [sflag:s12], $0x3000  }
0xc1: {  	[sflag:s12] =	ssyncset.done $0x0  }
0xc2: {  	[sflag:s12] =	ssyncadd.s32 $0xFFFFD000  }
0xc3: {  	[tilespmem:s15], [sflag:$0x1] =	stream.indirect.gather [hbm4b:s4+s14], $0x80, s19, s14, $0xb8;
	v63 =	vld [tilespmem:$0x0]  }
0xc4: {  	_ =	swait.ge [sflag:s20], $0x3000  }
0xc5: {  	[sflag:s20] =	ssyncset.done $0x0  }
0xc6: {  	[sflag:s20] =	ssyncadd.s32 $0xFFFFD000  }
0xc7: {  	[spmem:s2] =	stream.indirect.scatter.add.s32 [tilespmem:s17], [sflag:$0x3], $0x80, s21, s14, $0xb8;
	v63 =	vld [tilespmem:$0x0]  }
0xc8: {  	_ =	swait.ge [sflag:s12], $0x3000  }
0xc9: {  	[sflag:s12] =	ssyncset.done $0x0  }
0xca: {  	[sflag:s12] =	ssyncadd.s32 $0xFFFFD000  }
0xcb: {  	[tilespmem:s17], [sflag:$0x2] =	stream.indirect.gather [hbm4b:s4+s14], $0x80, s22, s14, $0xb8;
	v63 =	vld [tilespmem:$0x0]  }
0xcc: {  	_ =	swait.ge [sflag:s18], $0x3000  }
0xcd: {  	[sflag:s18] =	ssyncset.done $0x0  }
0xce: {  	[sflag:s18] =	ssyncadd.s32 $0xFFFFD000  }
0xcf: {  	[spmem:s2] =	stream.indirect.scatter.add.s32 [tilespmem:s15], [sflag:$0x3], $0x80, s23, s14, $0xb8;
	v63 =	vld [tilespmem:$0x0]  }
0xd0: {  	_ =	swait.ge [sflag:s12], $0x3000  }
0xd1: {  	[sflag:s12] =	ssyncset.done $0x0  }
0xd2: {  	[sflag:s12] =	ssyncadd.s32 $0xFFFFD000  }
0xd3: {  	[tilespmem:s15], [sflag:$0x1] =	stream.indirect.gather [hbm4b:s4+s14], $0x80, s24, s14, $0xb8;
	v63 =	vld [tilespmem:$0x0]  }
0xd4: {  	_ =	swait.ge [sflag:s20], $0x3000  }
0xd5: {  	[sflag:s20] =	ssyncset.done $0x0  }
0xd6: {  	[sflag:s20] =	ssyncadd.s32 $0xFFFFD000  }
0xd7: {  	[spmem:s2] =	stream.indirect.scatter.add.s32 [tilespmem:s17], [sflag:$0x3], $0x80, s25, s14, $0xb8;
	v63 =	vld [tilespmem:$0x0]  }
0xd8: {  	_ =	swait.ge [sflag:s12], $0x3000  }
0xd9: {  	[sflag:s12] =	ssyncset.done $0x0  }
0xda: {  	[sflag:s12] =	ssyncadd.s32 $0xFFFFD000  }
0xdb: {  	[tilespmem:s17], [sflag:$0x2] =	stream.indirect.gather [hbm4b:s4+s14], $0x80, s26, s14, $0xb8;
	v63 =	vld [tilespmem:$0x0]  }
0xdc: {  	_ =	swait.ge [sflag:s18], $0x3000  }
0xdd: {  	[sflag:s18] =	ssyncset.done $0x0  }
0xde: {  	[sflag:s18] =	ssyncadd.s32 $0xFFFFD000  }
0xdf: {  	[spmem:s2] =	stream.indirect.scatter.add.s32 [tilespmem:s15], [sflag:$0x3], $0x80, s28, s14, $0xb8;
	v63 =	vld [tilespmem:$0x0]  }
0xe0: {  	_ =	swait.ge [sflag:s12], $0x3000  }
0xe1: {  	[sflag:s12] =	ssyncset.done $0x0  }
0xe2: {  	[sflag:s12] =	ssyncadd.s32 $0xFFFFD000  }
0xe3: {  	[tilespmem:s15], [sflag:$0x1] =	stream.indirect.gather [hbm4b:s4+s14], $0x80, s29, s14, $0xb8;
	v63 =	vld [tilespmem:$0x0]  }
0xe4: {  	_ =	swait.ge [sflag:s20], $0x3000  }
0xe5: {  	[sflag:s20] =	ssyncset.done $0x0  }
0xe6: {  	[sflag:s20] =	ssyncadd.s32 $0xFFFFD000  }
0xe7: {  	[spmem:s2] =	stream.indirect.scatter.add.s32 [tilespmem:s17], [sflag:$0x3], $0x80, s30, s14, $0xb8;
	v63 =	vld [tilespmem:$0x0]  }
0xe8: {  	_ =	swait.ge [sflag:s12], $0x3000  }
0xe9: {  	[sflag:s12] =	ssyncset.done $0x0  }
0xea: {  	[sflag:s12] =	ssyncadd.s32 $0xFFFFD000  }
0xeb: {  	[tilespmem:s17], [sflag:$0x2] =	stream.indirect.gather [hbm4b:s4+s14], $0x80, s31, s14, $0xb8;
	v63 =	vld [tilespmem:$0x0]  }
0xec: {  	_ =	swait.ge [sflag:s18], $0x3000  }
0xed: {  	[sflag:s18] =	ssyncset.done $0x0  }
0xee: {  	[sflag:s18] =	ssyncadd.s32 $0xFFFFD000  }
0xef: {  	[spmem:s2] =	stream.indirect.scatter.add.s32 [tilespmem:s15], [sflag:$0x3], $0x80, s1, s14, $0xb8;
	v63 =	vld [tilespmem:$0x0]  }
0xf0: {  	_ =	swait.ge [sflag:s12], $0x3000  }
0xf1: {  	[sflag:s12] =	ssyncset.done $0x0  }
0xf2: {  	[sflag:s12] =	ssyncadd.s32 $0xFFFFD000  }
0xf3: {  	_ =	swait.ge [sflag:s20], $0x3000  }
0xf4: {  	[sflag:s20] =	ssyncset.done $0x0  }
0xf5: {  	[sflag:s20] =	ssyncadd.s32 $0xFFFFD000  }
0xf6: {  	[spmem:s2] =	stream.indirect.scatter.add.s32 [tilespmem:s17], [sflag:$0x3], $0x80, s0, s14, $0xb8;
	v63 =	vld [tilespmem:$0x0]  }
0xf7: {  	_ =	swait.ge [sflag:s12], $0x3000  }
0xf8: {  	[sflag:s12] =	ssyncset.done $0x0  }
0xf9: {  	[sflag:s12] =	ssyncadd.s32 $0xFFFFD000  }
0xfa: {  	[bflag:$0x0] =	sbarrier.arrive $0xFFFF  }
0xfb: {  	s8 =	rddreg [dreg:$0x4]  }
0xfc: {  	s11 =	rddreg [dreg:$0x5]  }
0xfd: {  	s6 =	rddreg [dreg:$0x7]  }
0xfe: {  	[hbm:s11], [sflag:s8] =	dma.local [spmem:s6], $0x3300  }
0xff: {  	_ =	swait.ge [sflag:s12], $0x3300  }
0x100: {  	s5 =	rddreg [dreg:$0x8]  }
0x101: {  	s11 =	rddreg [dreg:$0x6];
	s7 =	sadd.s32 $0x1, s5  }
0x102: {  	p0 =	sne.s32 s7, s11  }
.Ltmp1:
0x103: {  	_ = 	snop;
	(pc) =	sbr.rel @p0 .LBB2_1-.Ltmp1, $3  }
0x104: {  	_ =	sdelay $0x1  }
0x105: {  	[sflag:s12] =	ssyncset.done $0x0  }
0x106: {  	[sflag:s12] =	ssyncadd.s32 $0xFFFFCD00  }
0x107: {  	_ =	sfence.sel $0x180000  }
0x108: {  	[bflag:$0x0] =	sbarrier.arrive $0xFFFF  }
0x109: {  	_ =	strace $0x9000004D  }
0x10a: {  	s0 =	stileid.u32;
	[bflag:$0x2] =	sbarrier.arrive $0xFFFF  }
0x10b: {  	p0 =	sne.s32 s0, $0x0;
	s0 =	rddreg [dreg:$0x2]  }
0x10c: {  	s0 =	sadd.s32 @!p0 $0x100000, s0  }
0x10d: {  	[sflag:s0] =	ssyncadd.tile.s32 @!p0 $0x1;
	_ =	shalt  }
.Lfunc_end2:
_tile_overlayer_lowered:
.L_overlay_start_2:
0x10e: {  	(tag) =	ssettag $0x2  }
0x10f: {  	s0 =	rddreg [dreg:$0x0];
	s2 =	stileid.u32  }
0x110: {  	s1 =	rddreg [dreg:$0x1];
	p0 =	sne.s32 s2, $0x0  }
0x111: {  	s3 =	rddreg [dreg:$0x2];
	[bflag:$0x3] =	sbarrier.arrive $0xFFFF;
	s2 =	simm.s32 @!p0 $0x1C03  }
0x112: {  	[timem:s3], [sflag:s2] =	dma.local @!p0 [hbm:s0], s1  }
0x113: {  	s0 =	simm.s32 @!p0 $0x3  }
0x114: {  	_ =	swait.ge @!p0 [sflag:s0], s1  }
0x115: {  	s1 =	ssub.s32 @!p0 $0x0, s1;
	[sflag:s0] =	ssyncset.done @!p0 $0x0  }
0x116: {  	[sflag:s0] =	ssyncadd.s32 @!p0 s1  }
0x117: {  	[bflag:$0x3] =	sbarrier.arrive $0xFFFF  }
0x118: {  	_ =	shalt  }

// kernel: kernel.25.cloned.1.call-start
scs
__scs_entry_jumppad:
0x0: {  	(pc) =	sbr.rel $0x88, $3  }
0x1: {  	(tag) =	ssettag $0x0;
	lr =	simm.s32 $0x1  }
0x2: {  	[smem:$0x3F79] =	sst lr;
	_ =	strace $0xD0000000  }
0x3: {  	_ = 	snop  }
0x4: {  	_ = 	snop  }
0x5: {  	_ = 	snop  }
0x6: {  	_ = 	snop  }
0x7: {  	_ = 	snop  }
__scs_overlays_trampoline_lowered:
0x8: {  	[smem:$0x3F88] =	sst s0  }
0x9: {  	[smem:$0x3F89] =	sst s1  }
0xa: {  	[smem:$0x3F8A] =	sst s2  }
0xb: {  	[smem:$0x3F8B] =	sst s3  }
0xc: {  	[smem:$0x3F8C] =	sst s4  }
0xd: {  	[smem:$0x3F8D] =	sst s5  }
0xe: {  	[smem:$0x3F8E] =	sst s6  }
0xf: {  	[smem:$0x3F8F] =	sst s7  }
0x10: {  	[smem:$0x3F90] =	sst s8  }
0x11: {  	[smem:$0x3F91] =	sst s9;
	s0 =	simm.s32 @!p0 $0x0  }
0x12: {  	s1 =	sld [smem:$0x3F77];
	s0 =	simm.s32 @p0 $0x1  }
0x13: {  	[smem:$0x3F92] =	sst s0;
	s0 =	simm.s32 @!p1 $0x0  }
0x14: {  	s2 =	sld [smem:$0x3F76];
	s0 =	simm.s32 @p1 $0x1  }
0x15: {  	[smem:$0x3F93] =	sst s0;
	s0 =	simm.s32 @!p2 $0x0  }
0x16: {  	s3 =	sld [smem:$0x3FDB];
	s0 =	simm.s32 @p2 $0x1  }
0x17: {  	s4 =	simm.s32 $0x1BF5;
	[smem:$0x3F95] =	sst s0  }
0x18: {  	s0 =	sld [smem:$0x3F78];
	_ =	swait.ge [sflag:s4], $0x0  }
0x19: {  	s7 =	sld [smem:$0x3F79]  }
0x1a: {  	s8 =	sadd.s32 $0xFFFFE003, lr  }
0x1b: {  	s9 =	sadd.s32 $0xFFFFFEF7, lr;
	s5 =	simm.s32 $0xFFFFFFFF;
	p2 =	slt.u32 s8, $0xFFFFF086  }
0x1c: {  	p1 =	slt.u32 s9, $0xF7A;
	s5 =	simm.s32 @!p2 $0x0  }
0x1d: {  	s5 =	simm.s32 @p1 $0x1;
	p0 =	seq.s32 s7, s2  }
0x1e: {  	s7 =	smul.u32 @!p0 $0xF7A, s2;
	p2 =	seq.s32 @!p0 s5, $0x0  }
0x1f: {  	s9 =	smul.u32 $0xF7A, s1;
	s8 =	simm.s32 @!p0 $0x1BF5;
	p2 =	por !p2, p0  }
0x20: {  	[sflag:s8] =	ssyncset.s32 @!p0 $0xFFFFF086;
	s6 =	sadd.s32 @!p0 s3, s7;
	s7 =	simm.s32 @!p0 $0x108  }
0x21: {  	s3 =	sadd.s32 s3, s9;
	s6 =	sadd.s32 @!p0 $0x88, s6;
	s7 =	simm.s32 @p2 $0x1082  }
0x22: {  	[simem:s7], [sflag:s8] =	dma.local @!p0 [hbm:s6], $0xF7A  }
0x23: {  	s9 =	sor.u32 $0xD0000000, s2;
	s6 =	simm.s32 $0x108;
	_ =	swait.ge @!p0 [sflag:s8], $0x0  }
0x24: {  	s3 =	sadd.s32 $0x88, s3;
	s6 =	simm.s32 @!p1 $0x1082;
	[sflag:s4] =	ssyncset.s32 $0xFFFFF086  }
0x25: {  	[simem:s6], [sflag:s4] =	dma.local [hbm:s3], $0xF7A  }
0x26: {  	[smem:$0x3F79] =	sst s1;
	(tag) =	ssettag s2;
	_ =	strace s9  }
0x27: {  	s1 =	sld [smem:$0x3F89]  }
0x28: {  	s2 =	sld [smem:$0x3F8A]  }
0x29: {  	s4 =	sld [smem:$0x3F8C]  }
0x2a: {  	p0 =	seq.s32 s5, $0x0;
	s5 =	sld [smem:$0x3F8D]  }
0x2b: {  	s6 =	sld [smem:$0x3F8E]  }
0x2c: {  	s7 =	sld [smem:$0x3F8F]  }
0x2d: {  	s3 =	simm.s32 $0x108;
	s8 =	sld [smem:$0x3F90]  }
0x2e: {  	s3 =	simm.s32 @!p0 $0x1082;
	s9 =	sld [smem:$0x3F91]  }
0x2f: {  	lr =	sadd.s32 s0, s3;
	s0 =	sld [smem:$0x3F88]  }
0x30: {  	s3 =	sld [smem:$0x3F8B]  }
0x31: {  	[smem:$0x3F94] =	sst s10  }
0x32: {  	s10 =	sld [smem:$0x3F92];
	_ =	sdelay $0x3  }
0x33: {  	p0 =	seq.s32 s10, $0x1;
	s10 =	sld [smem:$0x3F94];
	_ =	sdelay $0x3  }
0x34: {  	[smem:$0x3F94] =	sst s10  }
0x35: {  	s10 =	sld [smem:$0x3F93];
	_ =	sdelay $0x3  }
0x36: {  	p1 =	seq.s32 s10, $0x1;
	s10 =	sld [smem:$0x3F94];
	_ =	sdelay $0x3  }
0x37: {  	[smem:$0x3F94] =	sst s10  }
0x38: {  	s10 =	sld [smem:$0x3F95]  }
0x39: {  	_ = 	snop;
	(pc) =	sbr.ind lr, $3  }
0x3a: {  	_ = 	snop  }
0x3b: {  	_ = 	snop  }
0x3c: {  	p2 =	seq.s32 s10, $0x1;
	s10 =	sld [smem:$0x3F94]  }
0x3d: {  	_ =	shalt  }
0x3e: {  	_ =	shalt  }
0x3f: {  	_ =	shalt  }
0x40: {  	_ =	shalt  }
0x41: {  	_ =	shalt  }
0x42: {  	_ =	shalt  }
0x43: {  	_ =	shalt  }
0x44: {  	_ =	shalt  }
0x45: {  	_ =	shalt  }
0x46: {  	_ =	shalt  }
0x47: {  	_ =	shalt  }
0x48: {  	_ =	shalt  }
0x49: {  	_ =	shalt  }
0x4a: {  	_ =	shalt  }
0x4b: {  	_ =	shalt  }
0x4c: {  	_ =	shalt  }
0x4d: {  	_ =	shalt  }
0x4e: {  	_ =	shalt  }
0x4f: {  	_ =	shalt  }
0x50: {  	_ =	shalt  }
0x51: {  	_ =	shalt  }
0x52: {  	_ =	shalt  }
0x53: {  	_ =	shalt  }
0x54: {  	_ =	shalt  }
0x55: {  	_ =	shalt  }
0x56: {  	_ =	shalt  }
0x57: {  	_ =	shalt  }
0x58: {  	_ =	shalt  }
0x59: {  	_ =	shalt  }
0x5a: {  	_ =	shalt  }
0x5b: {  	_ =	shalt  }
0x5c: {  	_ =	shalt  }
0x5d: {  	_ =	shalt  }
0x5e: {  	_ =	shalt  }
0x5f: {  	_ =	shalt  }
0x60: {  	_ =	shalt  }
0x61: {  	_ =	shalt  }
0x62: {  	_ =	shalt  }
0x63: {  	_ =	shalt  }
0x64: {  	_ =	shalt  }
0x65: {  	_ =	shalt  }
0x66: {  	_ =	shalt  }
0x67: {  	_ =	shalt  }
0x68: {  	_ =	shalt  }
0x69: {  	_ =	shalt  }
0x6a: {  	_ =	shalt  }
0x6b: {  	_ =	shalt  }
0x6c: {  	_ =	shalt  }
0x6d: {  	_ =	shalt  }
0x6e: {  	_ =	shalt  }
0x6f: {  	_ =	shalt  }
0x70: {  	_ =	shalt  }
0x71: {  	_ =	shalt  }
0x72: {  	_ =	shalt  }
0x73: {  	_ =	shalt  }
0x74: {  	_ =	shalt  }
0x75: {  	_ =	shalt  }
0x76: {  	_ =	shalt  }
0x77: {  	_ =	shalt  }
0x78: {  	_ =	shalt  }
0x79: {  	_ =	shalt  }
0x7a: {  	_ =	shalt  }
0x7b: {  	_ =	shalt  }
0x7c: {  	_ =	shalt  }
0x7d: {  	_ =	shalt  }
0x7e: {  	_ =	shalt  }
0x7f: {  	_ =	shalt  }
0x80: {  	_ =	shalt  }
0x81: {  	_ =	shalt  }
0x82: {  	_ =	shalt  }
0x83: {  	_ =	shalt  }
0x84: {  	_ =	shalt  }
0x85: {  	_ =	shalt  }
0x86: {  	_ =	shalt  }
0x87: {  	_ =	shalt  }
.Lfunc_end0:
.L_simem_size_0:
called_computation.3_lowered:
.L_overlay_start_0:
0x88: {  	s2 =	sld [smem:$0x3FD9]  }
0x89: {  	s3 =	sld [smem:$0x3FFE];
	_ =	sdelay $0x1  }
0x8a: {  	s1 =	srdreg.scid  }
0x8b: {  	s0 =	sand.u32 $0x1, s1  }
0x8c: {  	s16 =	sshll.u32 s0, $0xA;
	s2 =	sadd.s32 s3, s2  }
0x8d: {  	s2 =	sadd.s32 s2, s16  }
0x8e: {  	[smem:$0x3FA0] =	sst s2  }
0x8f: {  	_ = 	snop  }
0x90: {  	(tm) =	ssettm $0x1  }
0x91: {  	s17 =	sld [smem:$0x3FFB];
	_ =	sdelay $0x3  }
0x92: {  	_ =	strace s17  }
0x93: {  	s2 =	sld [smem:$0x3FFC];
	_ =	sdelay $0x3  }
0x94: {  	_ =	strace s2  }
0x95: {  	s2 =	sld [smem:$0x3FFD];
	_ =	sdelay $0x3  }
0x96: {  	_ =	strace s2  }
0x97: {  	_ =	strace $0x8FFFFFFF  }
0x98: {  	s18 =	sld [smem:$0x3FDB];
	_ =	sdelay $0x1  }
0x99: {  	s19 =	simm.s32 $_scs_section_size  }
0x9a: {  	s4 =	simm.s32 $_size__tile_overlayer_lowered;
	s5 =	simm.s32 $_tile_overlayer_lowered  }
0x9b: {  	s22 =	simm.s32 $0x1BFF;
	s21 =	sshll.u32 s5, $0x1;
	s2 =	sadd.s32 s19, s18  }
0x9c: {  	s6 =	simm.s32 $0x0;
	s20 =	sshll.u32 s4, $0x1;
	s4 =	sadd.s32 s21, s2  }
0x9d: {  	[timem:s6], [sflag:s22] =	dma.local [hbm:s4], s20  }
0x9e: {  	_ =	swait.ge [sflag:s22], s20  }
0x9f: {  	s3 =	ssub.s32 $0x0, s20;
	[sflag:s22] =	ssyncset.done $0x0  }
0xa0: {  	[sflag:s22] =	ssyncadd.s32 s3;
	_ =	sdelay $0x1  }
0xa1: {  	s23 =	simm.s32 $0x1B8B  }
0xa2: {  	_ =	swait.ge [sflag:s23], $0x1  }
0xa3: {  	[sflag:s23] =	ssyncset.done $0x0  }
0xa4: {  	s25 =	simm.s32 $0x1B8E;
	s24 =	sld [smem:$0x3FFE];
	[sflag:s23] =	ssyncadd.s32 $0xFFFFFFFF  }
0xa5: {  	s26 =	simm.s32 $execute0_lowered;
	[smem:$0x3FD2] =	sst s25  }
0xa6: {  	s4 =	sshll.u32 s26, $0x1;
	_ =	strace $0x8000004F;
	[dreg:$0x1] =	wrdreg $0xFFFFFFFF  }
0xa7: {  	s28 =	simm.s32 $_size_execute0_lowered;
	s2 =	sadd.s32 s2, s4;
	[dreg:$0x0] =	wrdreg $0x0  }
0xa8: {  	s4 =	sshll.u32 s28, $0x1;
	[dreg:$0x2] =	wrdreg s2  }
0xa9: {  	[dreg:$0x3] =	wrdreg s4  }
0xaa: {  	[dreg:$0x4] =	wrdreg $0xC0  }
0xab: {  	_ =	task [dreg:s6], $0x5FFFF  }
0xac: {  	[dreg:$0x1] =	wrdreg $0xFFFFFFFF  }
0xad: {  	[dreg:$0x0] =	wrdreg $0x60  }
0xae: {  	[dreg:$0x2] =	wrdreg s24  }
0xaf: {  	[dreg:$0x3] =	wrdreg $0x68000  }
0xb0: {  	[dreg:$0x4] =	wrdreg $0x9  }
0xb1: {  	_ =	task.clear_ibuf [dreg:s6], $0x5FFFF;
	_ =	strace $0x9000004F  }
0xb2: {  	s29 =	simm.s32 $0x9;
	_ =	strace $0x80000051  }
0xb3: {  	_ =	swait.ge [sflag:s29], $0x1  }
0xb4: {  	[sflag:s29] =	ssyncadd.s32 $0xFFFFFFFF  }
0xb5: {  	_ =	strace $0x90000051  }
0xb6: {  	_ =	sfence  }
0xb7: {  	s30 =	sld [smem:$0x0];
	_ =	sdelay $0x2  }
0xb8: {  	s31 =	sshll.u32 s1, $0xD;
	s1 =	sshrl.u32 s1, $0x2  }
0xb9: {  	s3 =	sand.u32 $0x4000, s31;
	s1 =	sadd.s32 s1, s30  }
0xba: {  	s0 =	sor.u32 s3, s0;
	s1 =	sshll.u32 s1, $0x11  }
0xbb: {  	s0 =	sor.u32 s1, s0  }
0xbc: {  	s0 =	sadd.s32 $0x8F2B, s0  }
0xbd: {  	[sflag:s0] =	ssyncadd.remote.s32 $0x1  }
0xbe: {  	_ =	sfence.sel $0xFFFF  }
0xbf: {  	[dreg:$0x0] =	wrdreg $0xFFFFFFFF;
	(pc) =	sbr.abs _section_cstart, $3  }
0xc0: {  	[dreg:$0x1] =	wrdreg $0xFFFFFFFF  }
0xc1: {  	_ =	task.clear_ibuf [dreg:s6], $0x2FFFF;
	_ =	strace $0x9FFFFFFF  }
0xc2: {  	(tm) =	ssettm $0x7FFFFFFF  }
0xc3: {  	_ =	shalt  }
tec
execute0_lowered:
.L_overlay_start_1:
0x0: {  	(tag) =	ssettag $0x1  }
0x1: {  	s10 =	stileid.u32;
	s1 =	rddreg [dreg:$0x0]  }
0x2: {  	s0 =	srdreg.scid;
	s2 =	rddreg [dreg:$0x1]  }
0x3: {  	s3 =	simm.s32 $0x0;
	s12 =	simm.s32 $0x3;
	s13 =	simm.s32 $0x400  }
0x4: {  	s14 =	simm.s32 $0x60;
	s15 =	simm.s32 $0x800;
	s16 =	simm.s32 $0x80  }
0x5: {  	s17 =	simm.s32 $0x3800;
	s18 =	simm.s32 $0x1;
	s19 =	simm.s32 $0x100  }
0x6: {  	s20 =	simm.s32 $0x2;
	s21 =	simm.s32 $0x480;
	s5 =	smul.u32 $0x1A00, s10  }
0x7: {  	s22 =	simm.s32 $0x180;
	s28 =	simm.s32 $0x600;
	s6 =	smul.u32 $0xD000, s10  }
0x8: {  	s29 =	simm.s32 $0x300;
	s30 =	simm.s32 $0x680;
	s7 =	smul.u32 $0x19800, s10  }
0x9: {  	s31 =	simm.s32 $0x380;
	s0 =	sand.u32 $0x1, s0;
	s23 =	smul.u32 $0x66000, s10  }
0xa: {  	[smem:$0x7FF] =	sst s3;
	s26 =	sshll.u32 s10, $0x6;
	s4 =	smul.u32 $0xD0000, s0  }
0xb: {  	_ =	strace $0x80000050;
	s8 =	smul.u32 $0x198000, s0;
	s0 =	ssub.s32 $0x2, s0  }
0xc: {  	s5 =	sadd.s32 s5, s1;
	s9 =	sshrl.u32 s7, $0x3;
	s24 =	sshrl.u32 s0, $0x1  }
0xd: {  	s25 =	sshrl.u32 s23, $0x2;
	s23 =	simm.s32 $0x500;
	s6 =	sadd.s32 s6, s4  }
0xe: {  	s4 =	sadd.s32 $0x153800, s1;
	s7 =	sadd.s32 s7, s8;
	s9 =	sadd.s32 s9, s1  }
0xf: {  	s0 =	ssub.s32 s0, s24;
	s8 =	sor.u32 $0x1C03, s26;
	s10 =	sadd.s32 $0xAC00, s5  }
0x10: {  	s24 =	simm.s32 $0x200;
	s26 =	simm.s32 $0x280;
	s6 =	sshrl.u32 s6, $0x3  }
0x11: {  	s7 =	sshrl.u32 s7, $0x3;
	s9 =	sadd.s32 $0x58C00, s9;
	[dreg:$0x4] =	wrdreg s8  }
0x12: {  	s0 =	smax.u32 s0, $0x1;
	s6 =	sadd.s32 s6, s1;
	[dreg:$0x3] =	wrdreg s9  }
0x13: {  	s1 =	sadd.s32 s7, s1;
	s7 =	sadd.s32 s25, s2;
	[dreg:$0x6] =	wrdreg s0  }
0x14: {  	s25 =	simm.s32 $0x580;
	s0 =	simm.s32 $0x780;
	s1 =	sadd.s32 $0x217000, s1  }
0x15: {  	s9 =	sadd.s32 $0x24C00, s6;
	s6 =	sshrl.u32 s7, $0x3;
	[dreg:$0x5] =	wrdreg s1  }
0x16: {  	s7 =	simm.s32 $0x0;
	s1 =	simm.s32 $0x700;
	[dreg:$0x7] =	wrdreg s6  }
.LBB2_1:
0x17: {  	[dreg:$0x8] =	wrdreg s7  }
0x18: {  	s5 =	rddreg [dreg:$0x3]  }
0x19: {  	[spmem:s6], [sflag:s8] =	dma.local [hbm:s5], $0x3300  }
0x1a: {  	_ =	swait.ge [sflag:s12], $0x3300  }
0x1b: {  	[sflag:s12] =	ssyncset.done $0x0  }
0x1c: {  	[sflag:s12] =	ssyncadd.s32 $0xFFFFCD00  }
0x1d: {  	s8 =	sadd.s32 $0x0, s10;
	[bflag:$0x0] =	sbarrier.arrive $0xFFFF  }
0x1e: {  	[tilespmem:s3], [sflag:$0x3] =	stream.linear.gather [hbm4b:s8+s3], $0x400, $0x38;
	v63 =	vld [tilespmem:$0x0]  }
0x1f: {  	_ =	swait.ge [sflag:s12], $0x400  }
0x20: {  	[sflag:s12] =	ssyncset.done $0x0  }
0x21: {  	s11 =	sadd.s32 $0x0, s9;
	[sflag:s12] =	ssyncadd.s32 $0xFFFFFC00  }
0x22: {  	[tilespmem:s13], [sflag:$0x3] =	stream.linear.gather [hbm4b:s11+s3], $0x400, $0x38;
	v63 =	vld [tilespmem:$0x0]  }
0x23: {  	_ =	swait.ge [sflag:s12], $0x400  }
0x24: {  	[sflag:s12] =	ssyncset.done $0x0  }
0x25: {  	[sflag:s12] =	ssyncadd.s32 $0xFFFFFC00  }
0x26: {  	[tilespmem:s15], [sflag:$0x1] =	stream.indirect.gather [hbm4b:s4+s14], $0x80, s3, s14, $0xb8;
	v63 =	vld [tilespmem:$0x0]  }
0x27: {  	_ = 	snop  }
0x28: {  	[tilespmem:s17], [sflag:$0x2] =	stream.indirect.gather [hbm4b:s4+s14], $0x80, s16, s14, $0xb8;
	v63 =	vld [tilespmem:$0x0]  }
0x29: {  	_ =	swait.ge [sflag:s18], $0x3000  }
0x2a: {  	[sflag:s18] =	ssyncset.done $0x0  }
0x2b: {  	[sflag:s18] =	ssyncadd.s32 $0xFFFFD000  }
0x2c: {  	[spmem:s2] =	stream.indirect.scatter.add.s32 [tilespmem:s15], [sflag:$0x3], $0x80, s13, s14, $0xb8;
	v63 =	vld [tilespmem:$0x0]  }
0x2d: {  	_ =	swait.ge [sflag:s12], $0x3000  }
0x2e: {  	[sflag:s12] =	ssyncset.done $0x0  }
0x2f: {  	[sflag:s12] =	ssyncadd.s32 $0xFFFFD000  }
0x30: {  	[tilespmem:s15], [sflag:$0x1] =	stream.indirect.gather [hbm4b:s4+s14], $0x80, s19, s14, $0xb8;
	v63 =	vld [tilespmem:$0x0]  }
0x31: {  	_ =	swait.ge [sflag:s20], $0x3000  }
0x32: {  	[sflag:s20] =	ssyncset.done $0x0  }
0x33: {  	[sflag:s20] =	ssyncadd.s32 $0xFFFFD000  }
0x34: {  	[spmem:s2] =	stream.indirect.scatter.add.s32 [tilespmem:s17], [sflag:$0x3], $0x80, s21, s14, $0xb8;
	v63 =	vld [tilespmem:$0x0]  }
0x35: {  	_ =	swait.ge [sflag:s12], $0x3000  }
0x36: {  	[sflag:s12] =	ssyncset.done $0x0  }
0x37: {  	[sflag:s12] =	ssyncadd.s32 $0xFFFFD000  }
0x38: {  	[tilespmem:s17], [sflag:$0x2] =	stream.indirect.gather [hbm4b:s4+s14], $0x80, s22, s14, $0xb8;
	v63 =	vld [tilespmem:$0x0]  }
0x39: {  	_ =	swait.ge [sflag:s18], $0x3000  }
0x3a: {  	[sflag:s18] =	ssyncset.done $0x0  }
0x3b: {  	[sflag:s18] =	ssyncadd.s32 $0xFFFFD000  }
0x3c: {  	[spmem:s2] =	stream.indirect.scatter.add.s32 [tilespmem:s15], [sflag:$0x3], $0x80, s23, s14, $0xb8;
	v63 =	vld [tilespmem:$0x0]  }
0x3d: {  	_ =	swait.ge [sflag:s12], $0x3000  }
0x3e: {  	[sflag:s12] =	ssyncset.done $0x0  }
0x3f: {  	[sflag:s12] =	ssyncadd.s32 $0xFFFFD000  }
0x40: {  	[tilespmem:s15], [sflag:$0x1] =	stream.indirect.gather [hbm4b:s4+s14], $0x80, s24, s14, $0xb8;
	v63 =	vld [tilespmem:$0x0]  }
0x41: {  	_ =	swait.ge [sflag:s20], $0x3000  }
0x42: {  	[sflag:s20] =	ssyncset.done $0x0  }
0x43: {  	[sflag:s20] =	ssyncadd.s32 $0xFFFFD000  }
0x44: {  	[spmem:s2] =	stream.indirect.scatter.add.s32 [tilespmem:s17], [sflag:$0x3], $0x80, s25, s14, $0xb8;
	v63 =	vld [tilespmem:$0x0]  }
0x45: {  	_ =	swait.ge [sflag:s12], $0x3000  }
0x46: {  	[sflag:s12] =	ssyncset.done $0x0  }
0x47: {  	[sflag:s12] =	ssyncadd.s32 $0xFFFFD000  }
0x48: {  	[tilespmem:s17], [sflag:$0x2] =	stream.indirect.gather [hbm4b:s4+s14], $0x80, s26, s14, $0xb8;
	v63 =	vld [tilespmem:$0x0]  }
0x49: {  	_ =	swait.ge [sflag:s18], $0x3000  }
0x4a: {  	[sflag:s18] =	ssyncset.done $0x0  }
0x4b: {  	[sflag:s18] =	ssyncadd.s32 $0xFFFFD000  }
0x4c: {  	[spmem:s2] =	stream.indirect.scatter.add.s32 [tilespmem:s15], [sflag:$0x3], $0x80, s28, s14, $0xb8;
	v63 =	vld [tilespmem:$0x0]  }
0x4d: {  	_ =	swait.ge [sflag:s12], $0x3000  }
0x4e: {  	[sflag:s12] =	ssyncset.done $0x0  }
0x4f: {  	[sflag:s12] =	ssyncadd.s32 $0xFFFFD000  }
0x50: {  	[tilespmem:s15], [sflag:$0x1] =	stream.indirect.gather [hbm4b:s4+s14], $0x80, s29, s14, $0xb8;
	v63 =	vld [tilespmem:$0x0]  }
0x51: {  	_ =	swait.ge [sflag:s20], $0x3000  }
0x52: {  	[sflag:s20] =	ssyncset.done $0x0  }
0x53: {  	[sflag:s20] =	ssyncadd.s32 $0xFFFFD000  }
0x54: {  	[spmem:s2] =	stream.indirect.scatter.add.s32 [tilespmem:s17], [sflag:$0x3], $0x80, s30, s14, $0xb8;
	v63 =	vld [tilespmem:$0x0]  }
0x55: {  	_ =	swait.ge [sflag:s12], $0x3000  }
0x56: {  	[sflag:s12] =	ssyncset.done $0x0  }
0x57: {  	[sflag:s12] =	ssyncadd.s32 $0xFFFFD000  }
0x58: {  	[tilespmem:s17], [sflag:$0x2] =	stream.indirect.gather [hbm4b:s4+s14], $0x80, s31, s14, $0xb8;
	v63 =	vld [tilespmem:$0x0]  }
0x59: {  	_ =	swait.ge [sflag:s18], $0x3000  }
0x5a: {  	[sflag:s18] =	ssyncset.done $0x0  }
0x5b: {  	[sflag:s18] =	ssyncadd.s32 $0xFFFFD000  }
0x5c: {  	[spmem:s2] =	stream.indirect.scatter.add.s32 [tilespmem:s15], [sflag:$0x3], $0x80, s1, s14, $0xb8;
	v63 =	vld [tilespmem:$0x0]  }
0x5d: {  	_ =	swait.ge [sflag:s12], $0x3000  }
0x5e: {  	[sflag:s12] =	ssyncset.done $0x0  }
0x5f: {  	[sflag:s12] =	ssyncadd.s32 $0xFFFFD000  }
0x60: {  	_ =	swait.ge [sflag:s20], $0x3000  }
0x61: {  	[sflag:s20] =	ssyncset.done $0x0  }
0x62: {  	[sflag:s20] =	ssyncadd.s32 $0xFFFFD000  }
0x63: {  	[spmem:s2] =	stream.indirect.scatter.add.s32 [tilespmem:s17], [sflag:$0x3], $0x80, s0, s14, $0xb8;
	v63 =	vld [tilespmem:$0x0]  }
0x64: {  	_ =	swait.ge [sflag:s12], $0x3000  }
0x65: {  	s7 =	simm.s32 $0x80;
	s8 =	simm.s32 $0x100;
	[sflag:s12] =	ssyncset.done $0x0  }
.LBB2_2:
0x66: {  	s11 =	sadd.s32 s7, s10  }
0x67: {  	[sflag:s12] =	ssyncadd.s32 $0xFFFFD000;
	s5 =	smov.u32 s8;
	s6 =	sadd.s32 $0x80, s8  }
0x68: {  	[tilespmem:s3], [sflag:$0x3] =	stream.linear.gather [hbm4b:s11+s3], $0x400, $0x38;
	v63 =	vld [tilespmem:$0x0]  }
0x69: {  	p0 =	sne.s32 s8, $0x1980;
	_ =	swait.ge [sflag:s12], $0x400  }
0x6a: {  	[sflag:s12] =	ssyncset.done $0x0  }
0x6b: {  	s8 =	sadd.s32 s7, s9;
	s7 =	smov.u32 s5;
	[sflag:s12] =	ssyncadd.s32 $0xFFFFFC00  }
0x6c: {  	[tilespmem:s13], [sflag:$0x3] =	stream.linear.gather [hbm4b:s8+s3], $0x400, $0x38;
	v63 =	vld [tilespmem:$0x0]  }
0x6d: {  	_ =	swait.ge [sflag:s12], $0x400  }
0x6e: {  	[sflag:s12] =	ssyncset.done $0x0  }
0x6f: {  	[sflag:s12] =	ssyncadd.s32 $0xFFFFFC00  }
0x70: {  	[tilespmem:s15], [sflag:$0x1] =	stream.indirect.gather [hbm4b:s4+s14], $0x80, s3, s14, $0xb8;
	v63 =	vld [tilespmem:$0x0]  }
0x71: {  	_ = 	snop  }
0x72: {  	[tilespmem:s17], [sflag:$0x2] =	stream.indirect.gather [hbm4b:s4+s14], $0x80, s16, s14, $0xb8;
	v63 =	vld [tilespmem:$0x0]  }
0x73: {  	_ =	swait.ge [sflag:s18], $0x3000  }
0x74: {  	[sflag:s18] =	ssyncset.done $0x0  }
0x75: {  	[sflag:s18] =	ssyncadd.s32 $0xFFFFD000  }
0x76: {  	[spmem:s2] =	stream.indirect.scatter.add.s32 [tilespmem:s15], [sflag:$0x3], $0x80, s13, s14, $0xb8;
	v63 =	vld [tilespmem:$0x0]  }
0x77: {  	_ =	swait.ge [sflag:s12], $0x3000  }
0x78: {  	[sflag:s12] =	ssyncset.done $0x0  }
0x79: {  	[sflag:s12] =	ssyncadd.s32 $0xFFFFD000  }
0x7a: {  	[tilespmem:s15], [sflag:$0x1] =	stream.indirect.gather [hbm4b:s4+s14], $0x80, s19, s14, $0xb8;
	v63 =	vld [tilespmem:$0x0]  }
0x7b: {  	_ =	swait.ge [sflag:s20], $0x3000  }
0x7c: {  	[sflag:s20] =	ssyncset.done $0x0  }
0x7d: {  	[sflag:s20] =	ssyncadd.s32 $0xFFFFD000  }
0x7e: {  	[spmem:s2] =	stream.indirect.scatter.add.s32 [tilespmem:s17], [sflag:$0x3], $0x80, s21, s14, $0xb8;
	v63 =	vld [tilespmem:$0x0]  }
0x7f: {  	_ =	swait.ge [sflag:s12], $0x3000  }
0x80: {  	[sflag:s12] =	ssyncset.done $0x0  }
0x81: {  	[sflag:s12] =	ssyncadd.s32 $0xFFFFD000  }
0x82: {  	[tilespmem:s17], [sflag:$0x2] =	stream.indirect.gather [hbm4b:s4+s14], $0x80, s22, s14, $0xb8;
	v63 =	vld [tilespmem:$0x0]  }
0x83: {  	_ =	swait.ge [sflag:s18], $0x3000  }
0x84: {  	[sflag:s18] =	ssyncset.done $0x0  }
0x85: {  	[sflag:s18] =	ssyncadd.s32 $0xFFFFD000  }
0x86: {  	[spmem:s2] =	stream.indirect.scatter.add.s32 [tilespmem:s15], [sflag:$0x3], $0x80, s23, s14, $0xb8;
	v63 =	vld [tilespmem:$0x0]  }
0x87: {  	_ =	swait.ge [sflag:s12], $0x3000  }
0x88: {  	[sflag:s12] =	ssyncset.done $0x0  }
0x89: {  	[sflag:s12] =	ssyncadd.s32 $0xFFFFD000  }
0x8a: {  	[tilespmem:s15], [sflag:$0x1] =	stream.indirect.gather [hbm4b:s4+s14], $0x80, s24, s14, $0xb8;
	v63 =	vld [tilespmem:$0x0]  }
0x8b: {  	_ =	swait.ge [sflag:s20], $0x3000  }
0x8c: {  	[sflag:s20] =	ssyncset.done $0x0  }
0x8d: {  	[sflag:s20] =	ssyncadd.s32 $0xFFFFD000  }
0x8e: {  	[spmem:s2] =	stream.indirect.scatter.add.s32 [tilespmem:s17], [sflag:$0x3], $0x80, s25, s14, $0xb8;
	v63 =	vld [tilespmem:$0x0]  }
0x8f: {  	_ =	swait.ge [sflag:s12], $0x3000  }
0x90: {  	[sflag:s12] =	ssyncset.done $0x0  }
0x91: {  	[sflag:s12] =	ssyncadd.s32 $0xFFFFD000  }
0x92: {  	[tilespmem:s17], [sflag:$0x2] =	stream.indirect.gather [hbm4b:s4+s14], $0x80, s26, s14, $0xb8;
	v63 =	vld [tilespmem:$0x0]  }
0x93: {  	_ =	swait.ge [sflag:s18], $0x3000  }
0x94: {  	[sflag:s18] =	ssyncset.done $0x0  }
0x95: {  	[sflag:s18] =	ssyncadd.s32 $0xFFFFD000  }
0x96: {  	[spmem:s2] =	stream.indirect.scatter.add.s32 [tilespmem:s15], [sflag:$0x3], $0x80, s28, s14, $0xb8;
	v63 =	vld [tilespmem:$0x0]  }
0x97: {  	_ =	swait.ge [sflag:s12], $0x3000  }
0x98: {  	[sflag:s12] =	ssyncset.done $0x0  }
0x99: {  	[sflag:s12] =	ssyncadd.s32 $0xFFFFD000  }
0x9a: {  	[tilespmem:s15], [sflag:$0x1] =	stream.indirect.gather [hbm4b:s4+s14], $0x80, s29, s14, $0xb8;
	v63 =	vld [tilespmem:$0x0]  }
0x9b: {  	_ =	swait.ge [sflag:s20], $0x3000  }
0x9c: {  	[sflag:s20] =	ssyncset.done $0x0  }
0x9d: {  	[sflag:s20] =	ssyncadd.s32 $0xFFFFD000  }
0x9e: {  	[spmem:s2] =	stream.indirect.scatter.add.s32 [tilespmem:s17], [sflag:$0x3], $0x80, s30, s14, $0xb8;
	v63 =	vld [tilespmem:$0x0]  }
0x9f: {  	_ =	swait.ge [sflag:s12], $0x3000  }
0xa0: {  	[sflag:s12] =	ssyncset.done $0x0  }
0xa1: {  	[sflag:s12] =	ssyncadd.s32 $0xFFFFD000  }
0xa2: {  	[tilespmem:s17], [sflag:$0x2] =	stream.indirect.gather [hbm4b:s4+s14], $0x80, s31, s14, $0xb8;
	v63 =	vld [tilespmem:$0x0]  }
0xa3: {  	_ =	swait.ge [sflag:s18], $0x3000  }
0xa4: {  	[sflag:s18] =	ssyncset.done $0x0  }
0xa5: {  	[sflag:s18] =	ssyncadd.s32 $0xFFFFD000  }
0xa6: {  	[spmem:s2] =	stream.indirect.scatter.add.s32 [tilespmem:s15], [sflag:$0x3], $0x80, s1, s14, $0xb8;
	v63 =	vld [tilespmem:$0x0]  }
0xa7: {  	_ =	swait.ge [sflag:s12], $0x3000  }
0xa8: {  	[sflag:s12] =	ssyncset.done $0x0  }
0xa9: {  	[sflag:s12] =	ssyncadd.s32 $0xFFFFD000  }
0xaa: {  	_ =	swait.ge [sflag:s20], $0x3000  }
.Ltmp0:
0xab: {  	[sflag:s20] =	ssyncset.done $0x0;
	(pc) =	sbr.rel @p0 .LBB2_2-.Ltmp0, $4  }
0xac: {  	[sflag:s20] =	ssyncadd.s32 $0xFFFFD000  }
0xad: {  	[spmem:s2] =	stream.indirect.scatter.add.s32 [tilespmem:s17], [sflag:$0x3], $0x80, s0, s14, $0xb8;
	v63 =	vld [tilespmem:$0x0]  }
0xae: {  	_ =	swait.ge [sflag:s12], $0x3000  }
0xaf: {  	s8 =	smov.u32 s6;
	[sflag:s12] =	ssyncset.done $0x0  }
0xb0: {  	s5 =	sadd.s32 s7, s10;
	[sflag:s12] =	ssyncadd.s32 $0xFFFFD000  }
0xb1: {  	[tilespmem:s3], [sflag:$0x3] =	stream.linear.gather [hbm4b:s5+s3], $0x400, $0x38;
	v63 =	vld [tilespmem:$0x0]  }
0xb2: {  	_ =	swait.ge [sflag:s12], $0x400  }
0xb3: {  	[sflag:s12] =	ssyncset.done $0x0  }
0xb4: {  	s8 =	sadd.s32 s7, s9;
	[sflag:s12] =	ssyncadd.s32 $0xFFFFFC00  }
0xb5: {  	[tilespmem:s13], [sflag:$0x3] =	stream.linear.gather [hbm4b:s8+s3], $0x400, $0x38;
	v63 =	vld [tilespmem:$0x0]  }
0xb6: {  	_ =	swait.ge [sflag:s12], $0x400  }
0xb7: {  	[sflag:s12] =	ssyncset.done $0x0  }
0xb8: {  	[sflag:s12] =	ssyncadd.s32 $0xFFFFFC00  }
0xb9: {  	[tilespmem:s15], [sflag:$0x1] =	stream.indirect.gather [hbm4b:s4+s14], $0x80, s3, s14, $0xb8;
	v63 =	vld [tilespmem:$0x0]  }
0xba: {  	_ = 	snop  }
0xbb: {  	[tilespmem:s17], [sflag:$0x2] =	stream.indirect.gather [hbm4b:s4+s14], $0x80, s16, s14, $0xb8;
	v63 =	vld [tilespmem:$0x0]  }
0xbc: {  	_ =	swait.ge [sflag:s18], $0x3000  }
0xbd: {  	[sflag:s18] =	ssyncset.done $0x0  }
0xbe: {  	[sflag:s18] =	ssyncadd.s32 $0xFFFFD000  }
0xbf: {  	[spmem:s2] =	stream.indirect.scatter.add.s32 [tilespmem:s15], [sflag:$0x3], $0x80, s13, s14, $0xb8;
	v63 =	vld [tilespmem:$0x0]  }
0xc0: {  	_ =	swait.ge [sflag:s12], $0x3000  }
0xc1: {  	[sflag:s12] =	ssyncset.done $0x0  }
0xc2: {  	[sflag:s12] =	ssyncadd.s32 $0xFFFFD000  }
0xc3: {  	[tilespmem:s15], [sflag:$0x1] =	stream.indirect.gather [hbm4b:s4+s14], $0x80, s19, s14, $0xb8;
	v63 =	vld [tilespmem:$0x0]  }
0xc4: {  	_ =	swait.ge [sflag:s20], $0x3000  }
0xc5: {  	[sflag:s20] =	ssyncset.done $0x0  }
0xc6: {  	[sflag:s20] =	ssyncadd.s32 $0xFFFFD000  }
0xc7: {  	[spmem:s2] =	stream.indirect.scatter.add.s32 [tilespmem:s17], [sflag:$0x3], $0x80, s21, s14, $0xb8;
	v63 =	vld [tilespmem:$0x0]  }
0xc8: {  	_ =	swait.ge [sflag:s12], $0x3000  }
0xc9: {  	[sflag:s12] =	ssyncset.done $0x0  }
0xca: {  	[sflag:s12] =	ssyncadd.s32 $0xFFFFD000  }
0xcb: {  	[tilespmem:s17], [sflag:$0x2] =	stream.indirect.gather [hbm4b:s4+s14], $0x80, s22, s14, $0xb8;
	v63 =	vld [tilespmem:$0x0]  }
0xcc: {  	_ =	swait.ge [sflag:s18], $0x3000  }
0xcd: {  	[sflag:s18] =	ssyncset.done $0x0  }
0xce: {  	[sflag:s18] =	ssyncadd.s32 $0xFFFFD000  }
0xcf: {  	[spmem:s2] =	stream.indirect.scatter.add.s32 [tilespmem:s15], [sflag:$0x3], $0x80, s23, s14, $0xb8;
	v63 =	vld [tilespmem:$0x0]  }
0xd0: {  	_ =	swait.ge [sflag:s12], $0x3000  }
0xd1: {  	[sflag:s12] =	ssyncset.done $0x0  }
0xd2: {  	[sflag:s12] =	ssyncadd.s32 $0xFFFFD000  }
0xd3: {  	[tilespmem:s15], [sflag:$0x1] =	stream.indirect.gather [hbm4b:s4+s14], $0x80, s24, s14, $0xb8;
	v63 =	vld [tilespmem:$0x0]  }
0xd4: {  	_ =	swait.ge [sflag:s20], $0x3000  }
0xd5: {  	[sflag:s20] =	ssyncset.done $0x0  }
0xd6: {  	[sflag:s20] =	ssyncadd.s32 $0xFFFFD000  }
0xd7: {  	[spmem:s2] =	stream.indirect.scatter.add.s32 [tilespmem:s17], [sflag:$0x3], $0x80, s25, s14, $0xb8;
	v63 =	vld [tilespmem:$0x0]  }
0xd8: {  	_ =	swait.ge [sflag:s12], $0x3000  }
0xd9: {  	[sflag:s12] =	ssyncset.done $0x0  }
0xda: {  	[sflag:s12] =	ssyncadd.s32 $0xFFFFD000  }
0xdb: {  	[tilespmem:s17], [sflag:$0x2] =	stream.indirect.gather [hbm4b:s4+s14], $0x80, s26, s14, $0xb8;
	v63 =	vld [tilespmem:$0x0]  }
0xdc: {  	_ =	swait.ge [sflag:s18], $0x3000  }
0xdd: {  	[sflag:s18] =	ssyncset.done $0x0  }
0xde: {  	[sflag:s18] =	ssyncadd.s32 $0xFFFFD000  }
0xdf: {  	[spmem:s2] =	stream.indirect.scatter.add.s32 [tilespmem:s15], [sflag:$0x3], $0x80, s28, s14, $0xb8;
	v63 =	vld [tilespmem:$0x0]  }
0xe0: {  	_ =	swait.ge [sflag:s12], $0x3000  }
0xe1: {  	[sflag:s12] =	ssyncset.done $0x0  }
0xe2: {  	[sflag:s12] =	ssyncadd.s32 $0xFFFFD000  }
0xe3: {  	[tilespmem:s15], [sflag:$0x1] =	stream.indirect.gather [hbm4b:s4+s14], $0x80, s29, s14, $0xb8;
	v63 =	vld [tilespmem:$0x0]  }
0xe4: {  	_ =	swait.ge [sflag:s20], $0x3000  }
0xe5: {  	[sflag:s20] =	ssyncset.done $0x0  }
0xe6: {  	[sflag:s20] =	ssyncadd.s32 $0xFFFFD000  }
0xe7: {  	[spmem:s2] =	stream.indirect.scatter.add.s32 [tilespmem:s17], [sflag:$0x3], $0x80, s30, s14, $0xb8;
	v63 =	vld [tilespmem:$0x0]  }
0xe8: {  	_ =	swait.ge [sflag:s12], $0x3000  }
0xe9: {  	[sflag:s12] =	ssyncset.done $0x0  }
0xea: {  	[sflag:s12] =	ssyncadd.s32 $0xFFFFD000  }
0xeb: {  	[tilespmem:s17], [sflag:$0x2] =	stream.indirect.gather [hbm4b:s4+s14], $0x80, s31, s14, $0xb8;
	v63 =	vld [tilespmem:$0x0]  }
0xec: {  	_ =	swait.ge [sflag:s18], $0x3000  }
0xed: {  	[sflag:s18] =	ssyncset.done $0x0  }
0xee: {  	[sflag:s18] =	ssyncadd.s32 $0xFFFFD000  }
0xef: {  	[spmem:s2] =	stream.indirect.scatter.add.s32 [tilespmem:s15], [sflag:$0x3], $0x80, s1, s14, $0xb8;
	v63 =	vld [tilespmem:$0x0]  }
0xf0: {  	_ =	swait.ge [sflag:s12], $0x3000  }
0xf1: {  	[sflag:s12] =	ssyncset.done $0x0  }
0xf2: {  	[sflag:s12] =	ssyncadd.s32 $0xFFFFD000  }
0xf3: {  	_ =	swait.ge [sflag:s20], $0x3000  }
0xf4: {  	[sflag:s20] =	ssyncset.done $0x0  }
0xf5: {  	[sflag:s20] =	ssyncadd.s32 $0xFFFFD000  }
0xf6: {  	[spmem:s2] =	stream.indirect.scatter.add.s32 [tilespmem:s17], [sflag:$0x3], $0x80, s0, s14, $0xb8;
	v63 =	vld [tilespmem:$0x0]  }
0xf7: {  	_ =	swait.ge [sflag:s12], $0x3000  }
0xf8: {  	[sflag:s12] =	ssyncset.done $0x0  }
0xf9: {  	[sflag:s12] =	ssyncadd.s32 $0xFFFFD000  }
0xfa: {  	[bflag:$0x0] =	sbarrier.arrive $0xFFFF  }
0xfb: {  	s8 =	rddreg [dreg:$0x4]  }
0xfc: {  	s11 =	rddreg [dreg:$0x5]  }
0xfd: {  	s6 =	rddreg [dreg:$0x7]  }
0xfe: {  	[hbm:s11], [sflag:s8] =	dma.local [spmem:s6], $0x3300  }
0xff: {  	_ =	swait.ge [sflag:s12], $0x3300  }
0x100: {  	s5 =	rddreg [dreg:$0x8]  }
0x101: {  	s11 =	rddreg [dreg:$0x6];
	s7 =	sadd.s32 $0x1, s5  }
0x102: {  	p0 =	sne.s32 s7, s11  }
.Ltmp1:
0x103: {  	_ = 	snop;
	(pc) =	sbr.rel @p0 .LBB2_1-.Ltmp1, $3  }
0x104: {  	_ =	sdelay $0x1  }
0x105: {  	[sflag:s12] =	ssyncset.done $0x0  }
0x106: {  	[sflag:s12] =	ssyncadd.s32 $0xFFFFCD00  }
0x107: {  	_ =	sfence.sel $0x180000  }
0x108: {  	[bflag:$0x0] =	sbarrier.arrive $0xFFFF  }
0x109: {  	_ =	strace $0x90000050  }
0x10a: {  	s0 =	stileid.u32;
	[bflag:$0x2] =	sbarrier.arrive $0xFFFF  }
0x10b: {  	p0 =	sne.s32 s0, $0x0;
	s0 =	rddreg [dreg:$0x2]  }
0x10c: {  	s0 =	sadd.s32 @!p0 $0x100000, s0  }
0x10d: {  	[sflag:s0] =	ssyncadd.tile.s32 @!p0 $0x1;
	_ =	shalt  }
.Lfunc_end2:
_tile_overlayer_lowered:
.L_overlay_start_2:
0x10e: {  	(tag) =	ssettag $0x2  }
0x10f: {  	s0 =	rddreg [dreg:$0x0];
	s2 =	stileid.u32  }
0x110: {  	s1 =	rddreg [dreg:$0x1];
	p0 =	sne.s32 s2, $0x0  }
0x111: {  	s3 =	rddreg [dreg:$0x2];
	[bflag:$0x3] =	sbarrier.arrive $0xFFFF;
	s2 =	simm.s32 @!p0 $0x1C03  }
0x112: {  	[timem:s3], [sflag:s2] =	dma.local @!p0 [hbm:s0], s1  }
0x113: {  	s0 =	simm.s32 @!p0 $0x3  }
0x114: {  	_ =	swait.ge @!p0 [sflag:s0], s1  }
0x115: {  	s1 =	ssub.s32 @!p0 $0x0, s1;
	[sflag:s0] =	ssyncset.done @!p0 $0x0  }
0x116: {  	[sflag:s0] =	ssyncadd.s32 @!p0 s1  }
0x117: {  	[bflag:$0x3] =	sbarrier.arrive $0xFFFF  }
0x118: {  	_ =	shalt  }

// kernel: kernel.28.cloned.1.call-start
scs
__scs_entry_jumppad:
0x0: {  	(pc) =	sbr.rel $0x88, $3  }
0x1: {  	(tag) =	ssettag $0x0;
	lr =	simm.s32 $0x1  }
0x2: {  	[smem:$0x3F79] =	sst lr;
	_ =	strace $0xD0000000  }
0x3: {  	_ = 	snop  }
0x4: {  	_ = 	snop  }
0x5: {  	_ = 	snop  }
0x6: {  	_ = 	snop  }
0x7: {  	_ = 	snop  }
__scs_overlays_trampoline_lowered:
0x8: {  	[smem:$0x3F88] =	sst s0  }
0x9: {  	[smem:$0x3F89] =	sst s1  }
0xa: {  	[smem:$0x3F8A] =	sst s2  }
0xb: {  	[smem:$0x3F8B] =	sst s3  }
0xc: {  	[smem:$0x3F8C] =	sst s4  }
0xd: {  	[smem:$0x3F8D] =	sst s5  }
0xe: {  	[smem:$0x3F8E] =	sst s6  }
0xf: {  	[smem:$0x3F8F] =	sst s7  }
0x10: {  	[smem:$0x3F90] =	sst s8  }
0x11: {  	[smem:$0x3F91] =	sst s9;
	s0 =	simm.s32 @!p0 $0x0  }
0x12: {  	s1 =	sld [smem:$0x3F77];
	s0 =	simm.s32 @p0 $0x1  }
0x13: {  	[smem:$0x3F92] =	sst s0;
	s0 =	simm.s32 @!p1 $0x0  }
0x14: {  	s2 =	sld [smem:$0x3F76];
	s0 =	simm.s32 @p1 $0x1  }
0x15: {  	[smem:$0x3F93] =	sst s0;
	s0 =	simm.s32 @!p2 $0x0  }
0x16: {  	s3 =	sld [smem:$0x3FDB];
	s0 =	simm.s32 @p2 $0x1  }
0x17: {  	s4 =	simm.s32 $0x1BF5;
	[smem:$0x3F95] =	sst s0  }
0x18: {  	s0 =	sld [smem:$0x3F78];
	_ =	swait.ge [sflag:s4], $0x0  }
0x19: {  	s7 =	sld [smem:$0x3F79]  }
0x1a: {  	s8 =	sadd.s32 $0xFFFFE003, lr  }
0x1b: {  	s9 =	sadd.s32 $0xFFFFFEF7, lr;
	s5 =	simm.s32 $0xFFFFFFFF;
	p2 =	slt.u32 s8, $0xFFFFF086  }
0x1c: {  	p1 =	slt.u32 s9, $0xF7A;
	s5 =	simm.s32 @!p2 $0x0  }
0x1d: {  	s5 =	simm.s32 @p1 $0x1;
	p0 =	seq.s32 s7, s2  }
0x1e: {  	s7 =	smul.u32 @!p0 $0xF7A, s2;
	p2 =	seq.s32 @!p0 s5, $0x0  }
0x1f: {  	s9 =	smul.u32 $0xF7A, s1;
	s8 =	simm.s32 @!p0 $0x1BF5;
	p2 =	por !p2, p0  }
0x20: {  	[sflag:s8] =	ssyncset.s32 @!p0 $0xFFFFF086;
	s6 =	sadd.s32 @!p0 s3, s7;
	s7 =	simm.s32 @!p0 $0x108  }
0x21: {  	s3 =	sadd.s32 s3, s9;
	s6 =	sadd.s32 @!p0 $0x88, s6;
	s7 =	simm.s32 @p2 $0x1082  }
0x22: {  	[simem:s7], [sflag:s8] =	dma.local @!p0 [hbm:s6], $0xF7A  }
0x23: {  	s9 =	sor.u32 $0xD0000000, s2;
	s6 =	simm.s32 $0x108;
	_ =	swait.ge @!p0 [sflag:s8], $0x0  }
0x24: {  	s3 =	sadd.s32 $0x88, s3;
	s6 =	simm.s32 @!p1 $0x1082;
	[sflag:s4] =	ssyncset.s32 $0xFFFFF086  }
0x25: {  	[simem:s6], [sflag:s4] =	dma.local [hbm:s3], $0xF7A  }
0x26: {  	[smem:$0x3F79] =	sst s1;
	(tag) =	ssettag s2;
	_ =	strace s9  }
0x27: {  	s1 =	sld [smem:$0x3F89]  }
0x28: {  	s2 =	sld [smem:$0x3F8A]  }
0x29: {  	s4 =	sld [smem:$0x3F8C]  }
0x2a: {  	p0 =	seq.s32 s5, $0x0;
	s5 =	sld [smem:$0x3F8D]  }
0x2b: {  	s6 =	sld [smem:$0x3F8E]  }
0x2c: {  	s7 =	sld [smem:$0x3F8F]  }
0x2d: {  	s3 =	simm.s32 $0x108;
	s8 =	sld [smem:$0x3F90]  }
0x2e: {  	s3 =	simm.s32 @!p0 $0x1082;
	s9 =	sld [smem:$0x3F91]  }
0x2f: {  	lr =	sadd.s32 s0, s3;
	s0 =	sld [smem:$0x3F88]  }
0x30: {  	s3 =	sld [smem:$0x3F8B]  }
0x31: {  	[smem:$0x3F94] =	sst s10  }
0x32: {  	s10 =	sld [smem:$0x3F92];
	_ =	sdelay $0x3  }
0x33: {  	p0 =	seq.s32 s10, $0x1;
	s10 =	sld [smem:$0x3F94];
	_ =	sdelay $0x3  }
0x34: {  	[smem:$0x3F94] =	sst s10  }
0x35: {  	s10 =	sld [smem:$0x3F93];
	_ =	sdelay $0x3  }
0x36: {  	p1 =	seq.s32 s10, $0x1;
	s10 =	sld [smem:$0x3F94];
	_ =	sdelay $0x3  }
0x37: {  	[smem:$0x3F94] =	sst s10  }
0x38: {  	s10 =	sld [smem:$0x3F95]  }
0x39: {  	_ = 	snop;
	(pc) =	sbr.ind lr, $3  }
0x3a: {  	_ = 	snop  }
0x3b: {  	_ = 	snop  }
0x3c: {  	p2 =	seq.s32 s10, $0x1;
	s10 =	sld [smem:$0x3F94]  }
0x3d: {  	_ =	shalt  }
0x3e: {  	_ =	shalt  }
0x3f: {  	_ =	shalt  }
0x40: {  	_ =	shalt  }
0x41: {  	_ =	shalt  }
0x42: {  	_ =	shalt  }
0x43: {  	_ =	shalt  }
0x44: {  	_ =	shalt  }
0x45: {  	_ =	shalt  }
0x46: {  	_ =	shalt  }
0x47: {  	_ =	shalt  }
0x48: {  	_ =	shalt  }
0x49: {  	_ =	shalt  }
0x4a: {  	_ =	shalt  }
0x4b: {  	_ =	shalt  }
0x4c: {  	_ =	shalt  }
0x4d: {  	_ =	shalt  }
0x4e: {  	_ =	shalt  }
0x4f: {  	_ =	shalt  }
0x50: {  	_ =	shalt  }
0x51: {  	_ =	shalt  }
0x52: {  	_ =	shalt  }
0x53: {  	_ =	shalt  }
0x54: {  	_ =	shalt  }
0x55: {  	_ =	shalt  }
0x56: {  	_ =	shalt  }
0x57: {  	_ =	shalt  }
0x58: {  	_ =	shalt  }
0x59: {  	_ =	shalt  }
0x5a: {  	_ =	shalt  }
0x5b: {  	_ =	shalt  }
0x5c: {  	_ =	shalt  }
0x5d: {  	_ =	shalt  }
0x5e: {  	_ =	shalt  }
0x5f: {  	_ =	shalt  }
0x60: {  	_ =	shalt  }
0x61: {  	_ =	shalt  }
0x62: {  	_ =	shalt  }
0x63: {  	_ =	shalt  }
0x64: {  	_ =	shalt  }
0x65: {  	_ =	shalt  }
0x66: {  	_ =	shalt  }
0x67: {  	_ =	shalt  }
0x68: {  	_ =	shalt  }
0x69: {  	_ =	shalt  }
0x6a: {  	_ =	shalt  }
0x6b: {  	_ =	shalt  }
0x6c: {  	_ =	shalt  }
0x6d: {  	_ =	shalt  }
0x6e: {  	_ =	shalt  }
0x6f: {  	_ =	shalt  }
0x70: {  	_ =	shalt  }
0x71: {  	_ =	shalt  }
0x72: {  	_ =	shalt  }
0x73: {  	_ =	shalt  }
0x74: {  	_ =	shalt  }
0x75: {  	_ =	shalt  }
0x76: {  	_ =	shalt  }
0x77: {  	_ =	shalt  }
0x78: {  	_ =	shalt  }
0x79: {  	_ =	shalt  }
0x7a: {  	_ =	shalt  }
0x7b: {  	_ =	shalt  }
0x7c: {  	_ =	shalt  }
0x7d: {  	_ =	shalt  }
0x7e: {  	_ =	shalt  }
0x7f: {  	_ =	shalt  }
0x80: {  	_ =	shalt  }
0x81: {  	_ =	shalt  }
0x82: {  	_ =	shalt  }
0x83: {  	_ =	shalt  }
0x84: {  	_ =	shalt  }
0x85: {  	_ =	shalt  }
0x86: {  	_ =	shalt  }
0x87: {  	_ =	shalt  }
.Lfunc_end0:
.L_simem_size_0:
called_computation.4_lowered:
.L_overlay_start_0:
0x88: {  	s2 =	sld [smem:$0x3FD9]  }
0x89: {  	s3 =	sld [smem:$0x3FFE];
	_ =	sdelay $0x1  }
0x8a: {  	s1 =	srdreg.scid  }
0x8b: {  	s0 =	sand.u32 $0x1, s1  }
0x8c: {  	s16 =	sshll.u32 s0, $0xA;
	s2 =	sadd.s32 s3, s2  }
0x8d: {  	s2 =	sadd.s32 s2, s16  }
0x8e: {  	[smem:$0x3FA0] =	sst s2  }
0x8f: {  	_ = 	snop  }
0x90: {  	(tm) =	ssettm $0x1  }
0x91: {  	s17 =	sld [smem:$0x3FFB];
	_ =	sdelay $0x3  }
0x92: {  	_ =	strace s17  }
0x93: {  	s2 =	sld [smem:$0x3FFC];
	_ =	sdelay $0x3  }
0x94: {  	_ =	strace s2  }
0x95: {  	s2 =	sld [smem:$0x3FFD];
	_ =	sdelay $0x3  }
0x96: {  	_ =	strace s2  }
0x97: {  	_ =	strace $0x8FFFFFFF  }
0x98: {  	s18 =	sld [smem:$0x3FDB];
	_ =	sdelay $0x1  }
0x99: {  	s19 =	simm.s32 $_scs_section_size  }
0x9a: {  	s4 =	simm.s32 $_size__tile_overlayer_lowered;
	s5 =	simm.s32 $_tile_overlayer_lowered  }
0x9b: {  	s22 =	simm.s32 $0x1BFF;
	s21 =	sshll.u32 s5, $0x1;
	s2 =	sadd.s32 s19, s18  }
0x9c: {  	s6 =	simm.s32 $0x0;
	s20 =	sshll.u32 s4, $0x1;
	s4 =	sadd.s32 s21, s2  }
0x9d: {  	[timem:s6], [sflag:s22] =	dma.local [hbm:s4], s20  }
0x9e: {  	_ =	swait.ge [sflag:s22], s20  }
0x9f: {  	s3 =	ssub.s32 $0x0, s20;
	[sflag:s22] =	ssyncset.done $0x0  }
0xa0: {  	[sflag:s22] =	ssyncadd.s32 s3;
	_ =	sdelay $0x1  }
0xa1: {  	s23 =	simm.s32 $0x1B8B  }
0xa2: {  	_ =	swait.ge [sflag:s23], $0x1  }
0xa3: {  	[sflag:s23] =	ssyncset.done $0x0  }
0xa4: {  	s25 =	simm.s32 $0x1B8E;
	s24 =	sld [smem:$0x3FFE];
	[sflag:s23] =	ssyncadd.s32 $0xFFFFFFFF  }
0xa5: {  	s26 =	simm.s32 $execute0_lowered;
	[smem:$0x3FD2] =	sst s25  }
0xa6: {  	s4 =	sshll.u32 s26, $0x1;
	_ =	strace $0x80000052;
	[dreg:$0x1] =	wrdreg $0xFFFFFFFF  }
0xa7: {  	s28 =	simm.s32 $_size_execute0_lowered;
	s2 =	sadd.s32 s2, s4;
	[dreg:$0x0] =	wrdreg $0x0  }
0xa8: {  	s4 =	sshll.u32 s28, $0x1;
	[dreg:$0x2] =	wrdreg s2  }
0xa9: {  	[dreg:$0x3] =	wrdreg s4  }
0xaa: {  	[dreg:$0x4] =	wrdreg $0xC0  }
0xab: {  	_ =	task [dreg:s6], $0x5FFFF  }
0xac: {  	[dreg:$0x1] =	wrdreg $0xFFFFFFFF  }
0xad: {  	[dreg:$0x0] =	wrdreg $0x60  }
0xae: {  	[dreg:$0x2] =	wrdreg s24  }
0xaf: {  	[dreg:$0x3] =	wrdreg $0x68000  }
0xb0: {  	[dreg:$0x4] =	wrdreg $0x9  }
0xb1: {  	_ =	task.clear_ibuf [dreg:s6], $0x5FFFF;
	_ =	strace $0x90000052  }
0xb2: {  	s29 =	simm.s32 $0x9;
	_ =	strace $0x80000054  }
0xb3: {  	_ =	swait.ge [sflag:s29], $0x1  }
0xb4: {  	[sflag:s29] =	ssyncadd.s32 $0xFFFFFFFF  }
0xb5: {  	_ =	strace $0x90000054  }
0xb6: {  	_ =	sfence  }
0xb7: {  	s30 =	sld [smem:$0x0];
	_ =	sdelay $0x2  }
0xb8: {  	s31 =	sshll.u32 s1, $0xD;
	s1 =	sshrl.u32 s1, $0x2  }
0xb9: {  	s3 =	sand.u32 $0x4000, s31;
	s1 =	sadd.s32 s1, s30  }
0xba: {  	s0 =	sor.u32 s3, s0;
	s1 =	sshll.u32 s1, $0x11  }
0xbb: {  	s0 =	sor.u32 s1, s0  }
0xbc: {  	s0 =	sadd.s32 $0x8F2B, s0  }
0xbd: {  	[sflag:s0] =	ssyncadd.remote.s32 $0x1  }
0xbe: {  	_ =	sfence.sel $0xFFFF  }
0xbf: {  	[dreg:$0x0] =	wrdreg $0xFFFFFFFF;
	(pc) =	sbr.abs _section_cstart, $3  }
0xc0: {  	[dreg:$0x1] =	wrdreg $0xFFFFFFFF  }
0xc1: {  	_ =	task.clear_ibuf [dreg:s6], $0x2FFFF;
	_ =	strace $0x9FFFFFFF  }
0xc2: {  	(tm) =	ssettm $0x7FFFFFFF  }
0xc3: {  	_ =	shalt  }
tec
execute0_lowered:
.L_overlay_start_1:
0x0: {  	(tag) =	ssettag $0x1  }
0x1: {  	s10 =	stileid.u32;
	s1 =	rddreg [dreg:$0x0]  }
0x2: {  	s0 =	srdreg.scid;
	s2 =	rddreg [dreg:$0x1]  }
0x3: {  	s3 =	simm.s32 $0x0;
	s12 =	simm.s32 $0x3;
	s13 =	simm.s32 $0x400  }
0x4: {  	s14 =	simm.s32 $0x60;
	s15 =	simm.s32 $0x800;
	s16 =	simm.s32 $0x80  }
0x5: {  	s17 =	simm.s32 $0x3800;
	s18 =	simm.s32 $0x1;
	s19 =	simm.s32 $0x100  }
0x6: {  	s20 =	simm.s32 $0x2;
	s21 =	simm.s32 $0x480;
	s5 =	smul.u32 $0x1A00, s10  }
0x7: {  	s22 =	simm.s32 $0x180;
	s28 =	simm.s32 $0x600;
	s6 =	smul.u32 $0xD000, s10  }
0x8: {  	s29 =	simm.s32 $0x300;
	s30 =	simm.s32 $0x680;
	s7 =	smul.u32 $0x19800, s10  }
0x9: {  	s31 =	simm.s32 $0x380;
	s0 =	sand.u32 $0x1, s0;
	s23 =	smul.u32 $0x66000, s10  }
0xa: {  	[smem:$0x7FF] =	sst s3;
	s26 =	sshll.u32 s10, $0x6;
	s4 =	smul.u32 $0xD0000, s0  }
0xb: {  	_ =	strace $0x80000053;
	s8 =	smul.u32 $0x198000, s0;
	s0 =	ssub.s32 $0x2, s0  }
0xc: {  	s5 =	sadd.s32 s5, s1;
	s9 =	sshrl.u32 s7, $0x3;
	s24 =	sshrl.u32 s0, $0x1  }
0xd: {  	s25 =	sshrl.u32 s23, $0x2;
	s23 =	simm.s32 $0x500;
	s6 =	sadd.s32 s6, s4  }
0xe: {  	s4 =	sadd.s32 $0x153800, s1;
	s7 =	sadd.s32 s7, s8;
	s9 =	sadd.s32 s9, s1  }
0xf: {  	s0 =	ssub.s32 s0, s24;
	s8 =	sor.u32 $0x1C03, s26;
	s10 =	sadd.s32 $0xAC00, s5  }
0x10: {  	s24 =	simm.s32 $0x200;
	s26 =	simm.s32 $0x280;
	s6 =	sshrl.u32 s6, $0x3  }
0x11: {  	s7 =	sshrl.u32 s7, $0x3;
	s9 =	sadd.s32 $0x58C00, s9;
	[dreg:$0x4] =	wrdreg s8  }
0x12: {  	s0 =	smax.u32 s0, $0x1;
	s6 =	sadd.s32 s6, s1;
	[dreg:$0x3] =	wrdreg s9  }
0x13: {  	s1 =	sadd.s32 s7, s1;
	s7 =	sadd.s32 s25, s2;
	[dreg:$0x6] =	wrdreg s0  }
0x14: {  	s25 =	simm.s32 $0x580;
	s0 =	simm.s32 $0x780;
	s1 =	sadd.s32 $0x217000, s1  }
0x15: {  	s9 =	sadd.s32 $0x24C00, s6;
	s6 =	sshrl.u32 s7, $0x3;
	[dreg:$0x5] =	wrdreg s1  }
0x16: {  	s7 =	simm.s32 $0x0;
	s1 =	simm.s32 $0x700;
	[dreg:$0x7] =	wrdreg s6  }
.LBB2_1:
0x17: {  	[dreg:$0x8] =	wrdreg s7  }
0x18: {  	s5 =	rddreg [dreg:$0x3]  }
0x19: {  	[spmem:s6], [sflag:s8] =	dma.local [hbm:s5], $0x3300  }
0x1a: {  	_ =	swait.ge [sflag:s12], $0x3300  }
0x1b: {  	[sflag:s12] =	ssyncset.done $0x0  }
0x1c: {  	[sflag:s12] =	ssyncadd.s32 $0xFFFFCD00  }
0x1d: {  	s8 =	sadd.s32 $0x0, s10;
	[bflag:$0x0] =	sbarrier.arrive $0xFFFF  }
0x1e: {  	[tilespmem:s3], [sflag:$0x3] =	stream.linear.gather [hbm4b:s8+s3], $0x400, $0x38;
	v63 =	vld [tilespmem:$0x0]  }
0x1f: {  	_ =	swait.ge [sflag:s12], $0x400  }
0x20: {  	[sflag:s12] =	ssyncset.done $0x0  }
0x21: {  	s11 =	sadd.s32 $0x0, s9;
	[sflag:s12] =	ssyncadd.s32 $0xFFFFFC00  }
0x22: {  	[tilespmem:s13], [sflag:$0x3] =	stream.linear.gather [hbm4b:s11+s3], $0x400, $0x38;
	v63 =	vld [tilespmem:$0x0]  }
0x23: {  	_ =	swait.ge [sflag:s12], $0x400  }
0x24: {  	[sflag:s12] =	ssyncset.done $0x0  }
0x25: {  	[sflag:s12] =	ssyncadd.s32 $0xFFFFFC00  }
0x26: {  	[tilespmem:s15], [sflag:$0x1] =	stream.indirect.gather [hbm4b:s4+s14], $0x80, s3, s14, $0xb8;
	v63 =	vld [tilespmem:$0x0]  }
0x27: {  	_ = 	snop  }
0x28: {  	[tilespmem:s17], [sflag:$0x2] =	stream.indirect.gather [hbm4b:s4+s14], $0x80, s16, s14, $0xb8;
	v63 =	vld [tilespmem:$0x0]  }
0x29: {  	_ =	swait.ge [sflag:s18], $0x3000  }
0x2a: {  	[sflag:s18] =	ssyncset.done $0x0  }
0x2b: {  	[sflag:s18] =	ssyncadd.s32 $0xFFFFD000  }
0x2c: {  	[spmem:s2] =	stream.indirect.scatter.add.s32 [tilespmem:s15], [sflag:$0x3], $0x80, s13, s14, $0xb8;
	v63 =	vld [tilespmem:$0x0]  }
0x2d: {  	_ =	swait.ge [sflag:s12], $0x3000  }
0x2e: {  	[sflag:s12] =	ssyncset.done $0x0  }
0x2f: {  	[sflag:s12] =	ssyncadd.s32 $0xFFFFD000  }
0x30: {  	[tilespmem:s15], [sflag:$0x1] =	stream.indirect.gather [hbm4b:s4+s14], $0x80, s19, s14, $0xb8;
	v63 =	vld [tilespmem:$0x0]  }
0x31: {  	_ =	swait.ge [sflag:s20], $0x3000  }
0x32: {  	[sflag:s20] =	ssyncset.done $0x0  }
0x33: {  	[sflag:s20] =	ssyncadd.s32 $0xFFFFD000  }
0x34: {  	[spmem:s2] =	stream.indirect.scatter.add.s32 [tilespmem:s17], [sflag:$0x3], $0x80, s21, s14, $0xb8;
	v63 =	vld [tilespmem:$0x0]  }
0x35: {  	_ =	swait.ge [sflag:s12], $0x3000  }
0x36: {  	[sflag:s12] =	ssyncset.done $0x0  }
0x37: {  	[sflag:s12] =	ssyncadd.s32 $0xFFFFD000  }
0x38: {  	[tilespmem:s17], [sflag:$0x2] =	stream.indirect.gather [hbm4b:s4+s14], $0x80, s22, s14, $0xb8;
	v63 =	vld [tilespmem:$0x0]  }
0x39: {  	_ =	swait.ge [sflag:s18], $0x3000  }
0x3a: {  	[sflag:s18] =	ssyncset.done $0x0  }
0x3b: {  	[sflag:s18] =	ssyncadd.s32 $0xFFFFD000  }
0x3c: {  	[spmem:s2] =	stream.indirect.scatter.add.s32 [tilespmem:s15], [sflag:$0x3], $0x80, s23, s14, $0xb8;
	v63 =	vld [tilespmem:$0x0]  }
0x3d: {  	_ =	swait.ge [sflag:s12], $0x3000  }
0x3e: {  	[sflag:s12] =	ssyncset.done $0x0  }
0x3f: {  	[sflag:s12] =	ssyncadd.s32 $0xFFFFD000  }
0x40: {  	[tilespmem:s15], [sflag:$0x1] =	stream.indirect.gather [hbm4b:s4+s14], $0x80, s24, s14, $0xb8;
	v63 =	vld [tilespmem:$0x0]  }
0x41: {  	_ =	swait.ge [sflag:s20], $0x3000  }
0x42: {  	[sflag:s20] =	ssyncset.done $0x0  }
0x43: {  	[sflag:s20] =	ssyncadd.s32 $0xFFFFD000  }
0x44: {  	[spmem:s2] =	stream.indirect.scatter.add.s32 [tilespmem:s17], [sflag:$0x3], $0x80, s25, s14, $0xb8;
	v63 =	vld [tilespmem:$0x0]  }
0x45: {  	_ =	swait.ge [sflag:s12], $0x3000  }
0x46: {  	[sflag:s12] =	ssyncset.done $0x0  }
0x47: {  	[sflag:s12] =	ssyncadd.s32 $0xFFFFD000  }
0x48: {  	[tilespmem:s17], [sflag:$0x2] =	stream.indirect.gather [hbm4b:s4+s14], $0x80, s26, s14, $0xb8;
	v63 =	vld [tilespmem:$0x0]  }
0x49: {  	_ =	swait.ge [sflag:s18], $0x3000  }
0x4a: {  	[sflag:s18] =	ssyncset.done $0x0  }
0x4b: {  	[sflag:s18] =	ssyncadd.s32 $0xFFFFD000  }
0x4c: {  	[spmem:s2] =	stream.indirect.scatter.add.s32 [tilespmem:s15], [sflag:$0x3], $0x80, s28, s14, $0xb8;
	v63 =	vld [tilespmem:$0x0]  }
0x4d: {  	_ =	swait.ge [sflag:s12], $0x3000  }
0x4e: {  	[sflag:s12] =	ssyncset.done $0x0  }
0x4f: {  	[sflag:s12] =	ssyncadd.s32 $0xFFFFD000  }
0x50: {  	[tilespmem:s15], [sflag:$0x1] =	stream.indirect.gather [hbm4b:s4+s14], $0x80, s29, s14, $0xb8;
	v63 =	vld [tilespmem:$0x0]  }
0x51: {  	_ =	swait.ge [sflag:s20], $0x3000  }
0x52: {  	[sflag:s20] =	ssyncset.done $0x0  }
0x53: {  	[sflag:s20] =	ssyncadd.s32 $0xFFFFD000  }
0x54: {  	[spmem:s2] =	stream.indirect.scatter.add.s32 [tilespmem:s17], [sflag:$0x3], $0x80, s30, s14, $0xb8;
	v63 =	vld [tilespmem:$0x0]  }
0x55: {  	_ =	swait.ge [sflag:s12], $0x3000  }
0x56: {  	[sflag:s12] =	ssyncset.done $0x0  }
0x57: {  	[sflag:s12] =	ssyncadd.s32 $0xFFFFD000  }
0x58: {  	[tilespmem:s17], [sflag:$0x2] =	stream.indirect.gather [hbm4b:s4+s14], $0x80, s31, s14, $0xb8;
	v63 =	vld [tilespmem:$0x0]  }
0x59: {  	_ =	swait.ge [sflag:s18], $0x3000  }
0x5a: {  	[sflag:s18] =	ssyncset.done $0x0  }
0x5b: {  	[sflag:s18] =	ssyncadd.s32 $0xFFFFD000  }
0x5c: {  	[spmem:s2] =	stream.indirect.scatter.add.s32 [tilespmem:s15], [sflag:$0x3], $0x80, s1, s14, $0xb8;
	v63 =	vld [tilespmem:$0x0]  }
0x5d: {  	_ =	swait.ge [sflag:s12], $0x3000  }
0x5e: {  	[sflag:s12] =	ssyncset.done $0x0  }
0x5f: {  	[sflag:s12] =	ssyncadd.s32 $0xFFFFD000  }
0x60: {  	_ =	swait.ge [sflag:s20], $0x3000  }
0x61: {  	[sflag:s20] =	ssyncset.done $0x0  }
0x62: {  	[sflag:s20] =	ssyncadd.s32 $0xFFFFD000  }
0x63: {  	[spmem:s2] =	stream.indirect.scatter.add.s32 [tilespmem:s17], [sflag:$0x3], $0x80, s0, s14, $0xb8;
	v63 =	vld [tilespmem:$0x0]  }
0x64: {  	_ =	swait.ge [sflag:s12], $0x3000  }
0x65: {  	s7 =	simm.s32 $0x80;
	s8 =	simm.s32 $0x100;
	[sflag:s12] =	ssyncset.done $0x0  }
.LBB2_2:
0x66: {  	s11 =	sadd.s32 s7, s10  }
0x67: {  	[sflag:s12] =	ssyncadd.s32 $0xFFFFD000;
	s5 =	smov.u32 s8;
	s6 =	sadd.s32 $0x80, s8  }
0x68: {  	[tilespmem:s3], [sflag:$0x3] =	stream.linear.gather [hbm4b:s11+s3], $0x400, $0x38;
	v63 =	vld [tilespmem:$0x0]  }
0x69: {  	p0 =	sne.s32 s8, $0x1980;
	_ =	swait.ge [sflag:s12], $0x400  }
0x6a: {  	[sflag:s12] =	ssyncset.done $0x0  }
0x6b: {  	s8 =	sadd.s32 s7, s9;
	s7 =	smov.u32 s5;
	[sflag:s12] =	ssyncadd.s32 $0xFFFFFC00  }
0x6c: {  	[tilespmem:s13], [sflag:$0x3] =	stream.linear.gather [hbm4b:s8+s3], $0x400, $0x38;
	v63 =	vld [tilespmem:$0x0]  }
0x6d: {  	_ =	swait.ge [sflag:s12], $0x400  }
0x6e: {  	[sflag:s12] =	ssyncset.done $0x0  }
0x6f: {  	[sflag:s12] =	ssyncadd.s32 $0xFFFFFC00  }
0x70: {  	[tilespmem:s15], [sflag:$0x1] =	stream.indirect.gather [hbm4b:s4+s14], $0x80, s3, s14, $0xb8;
	v63 =	vld [tilespmem:$0x0]  }
0x71: {  	_ = 	snop  }
0x72: {  	[tilespmem:s17], [sflag:$0x2] =	stream.indirect.gather [hbm4b:s4+s14], $0x80, s16, s14, $0xb8;
	v63 =	vld [tilespmem:$0x0]  }
0x73: {  	_ =	swait.ge [sflag:s18], $0x3000  }
0x74: {  	[sflag:s18] =	ssyncset.done $0x0  }
0x75: {  	[sflag:s18] =	ssyncadd.s32 $0xFFFFD000  }
0x76: {  	[spmem:s2] =	stream.indirect.scatter.add.s32 [tilespmem:s15], [sflag:$0x3], $0x80, s13, s14, $0xb8;
	v63 =	vld [tilespmem:$0x0]  }
0x77: {  	_ =	swait.ge [sflag:s12], $0x3000  }
0x78: {  	[sflag:s12] =	ssyncset.done $0x0  }
0x79: {  	[sflag:s12] =	ssyncadd.s32 $0xFFFFD000  }
0x7a: {  	[tilespmem:s15], [sflag:$0x1] =	stream.indirect.gather [hbm4b:s4+s14], $0x80, s19, s14, $0xb8;
	v63 =	vld [tilespmem:$0x0]  }
0x7b: {  	_ =	swait.ge [sflag:s20], $0x3000  }
0x7c: {  	[sflag:s20] =	ssyncset.done $0x0  }
0x7d: {  	[sflag:s20] =	ssyncadd.s32 $0xFFFFD000  }
0x7e: {  	[spmem:s2] =	stream.indirect.scatter.add.s32 [tilespmem:s17], [sflag:$0x3], $0x80, s21, s14, $0xb8;
	v63 =	vld [tilespmem:$0x0]  }
0x7f: {  	_ =	swait.ge [sflag:s12], $0x3000  }
0x80: {  	[sflag:s12] =	ssyncset.done $0x0  }
0x81: {  	[sflag:s12] =	ssyncadd.s32 $0xFFFFD000  }
0x82: {  	[tilespmem:s17], [sflag:$0x2] =	stream.indirect.gather [hbm4b:s4+s14], $0x80, s22, s14, $0xb8;
	v63 =	vld [tilespmem:$0x0]  }
0x83: {  	_ =	swait.ge [sflag:s18], $0x3000  }
0x84: {  	[sflag:s18] =	ssyncset.done $0x0  }
0x85: {  	[sflag:s18] =	ssyncadd.s32 $0xFFFFD000  }
0x86: {  	[spmem:s2] =	stream.indirect.scatter.add.s32 [tilespmem:s15], [sflag:$0x3], $0x80, s23, s14, $0xb8;
	v63 =	vld [tilespmem:$0x0]  }
0x87: {  	_ =	swait.ge [sflag:s12], $0x3000  }
0x88: {  	[sflag:s12] =	ssyncset.done $0x0  }
0x89: {  	[sflag:s12] =	ssyncadd.s32 $0xFFFFD000  }
0x8a: {  	[tilespmem:s15], [sflag:$0x1] =	stream.indirect.gather [hbm4b:s4+s14], $0x80, s24, s14, $0xb8;
	v63 =	vld [tilespmem:$0x0]  }
0x8b: {  	_ =	swait.ge [sflag:s20], $0x3000  }
0x8c: {  	[sflag:s20] =	ssyncset.done $0x0  }
0x8d: {  	[sflag:s20] =	ssyncadd.s32 $0xFFFFD000  }
0x8e: {  	[spmem:s2] =	stream.indirect.scatter.add.s32 [tilespmem:s17], [sflag:$0x3], $0x80, s25, s14, $0xb8;
	v63 =	vld [tilespmem:$0x0]  }
0x8f: {  	_ =	swait.ge [sflag:s12], $0x3000  }
0x90: {  	[sflag:s12] =	ssyncset.done $0x0  }
0x91: {  	[sflag:s12] =	ssyncadd.s32 $0xFFFFD000  }
0x92: {  	[tilespmem:s17], [sflag:$0x2] =	stream.indirect.gather [hbm4b:s4+s14], $0x80, s26, s14, $0xb8;
	v63 =	vld [tilespmem:$0x0]  }
0x93: {  	_ =	swait.ge [sflag:s18], $0x3000  }
0x94: {  	[sflag:s18] =	ssyncset.done $0x0  }
0x95: {  	[sflag:s18] =	ssyncadd.s32 $0xFFFFD000  }
0x96: {  	[spmem:s2] =	stream.indirect.scatter.add.s32 [tilespmem:s15], [sflag:$0x3], $0x80, s28, s14, $0xb8;
	v63 =	vld [tilespmem:$0x0]  }
0x97: {  	_ =	swait.ge [sflag:s12], $0x3000  }
0x98: {  	[sflag:s12] =	ssyncset.done $0x0  }
0x99: {  	[sflag:s12] =	ssyncadd.s32 $0xFFFFD000  }
0x9a: {  	[tilespmem:s15], [sflag:$0x1] =	stream.indirect.gather [hbm4b:s4+s14], $0x80, s29, s14, $0xb8;
	v63 =	vld [tilespmem:$0x0]  }
0x9b: {  	_ =	swait.ge [sflag:s20], $0x3000  }
0x9c: {  	[sflag:s20] =	ssyncset.done $0x0  }
0x9d: {  	[sflag:s20] =	ssyncadd.s32 $0xFFFFD000  }
0x9e: {  	[spmem:s2] =	stream.indirect.scatter.add.s32 [tilespmem:s17], [sflag:$0x3], $0x80, s30, s14, $0xb8;
	v63 =	vld [tilespmem:$0x0]  }
0x9f: {  	_ =	swait.ge [sflag:s12], $0x3000  }
0xa0: {  	[sflag:s12] =	ssyncset.done $0x0  }
0xa1: {  	[sflag:s12] =	ssyncadd.s32 $0xFFFFD000  }
0xa2: {  	[tilespmem:s17], [sflag:$0x2] =	stream.indirect.gather [hbm4b:s4+s14], $0x80, s31, s14, $0xb8;
	v63 =	vld [tilespmem:$0x0]  }
0xa3: {  	_ =	swait.ge [sflag:s18], $0x3000  }
0xa4: {  	[sflag:s18] =	ssyncset.done $0x0  }
0xa5: {  	[sflag:s18] =	ssyncadd.s32 $0xFFFFD000  }
0xa6: {  	[spmem:s2] =	stream.indirect.scatter.add.s32 [tilespmem:s15], [sflag:$0x3], $0x80, s1, s14, $0xb8;
	v63 =	vld [tilespmem:$0x0]  }
0xa7: {  	_ =	swait.ge [sflag:s12], $0x3000  }
0xa8: {  	[sflag:s12] =	ssyncset.done $0x0  }
0xa9: {  	[sflag:s12] =	ssyncadd.s32 $0xFFFFD000  }
0xaa: {  	_ =	swait.ge [sflag:s20], $0x3000  }
.Ltmp0:
0xab: {  	[sflag:s20] =	ssyncset.done $0x0;
	(pc) =	sbr.rel @p0 .LBB2_2-.Ltmp0, $4  }
0xac: {  	[sflag:s20] =	ssyncadd.s32 $0xFFFFD000  }
0xad: {  	[spmem:s2] =	stream.indirect.scatter.add.s32 [tilespmem:s17], [sflag:$0x3], $0x80, s0, s14, $0xb8;
	v63 =	vld [tilespmem:$0x0]  }
0xae: {  	_ =	swait.ge [sflag:s12], $0x3000  }
0xaf: {  	s8 =	smov.u32 s6;
	[sflag:s12] =	ssyncset.done $0x0  }
0xb0: {  	s5 =	sadd.s32 s7, s10;
	[sflag:s12] =	ssyncadd.s32 $0xFFFFD000  }
0xb1: {  	[tilespmem:s3], [sflag:$0x3] =	stream.linear.gather [hbm4b:s5+s3], $0x400, $0x38;
	v63 =	vld [tilespmem:$0x0]  }
0xb2: {  	_ =	swait.ge [sflag:s12], $0x400  }
0xb3: {  	[sflag:s12] =	ssyncset.done $0x0  }
0xb4: {  	s8 =	sadd.s32 s7, s9;
	[sflag:s12] =	ssyncadd.s32 $0xFFFFFC00  }
0xb5: {  	[tilespmem:s13], [sflag:$0x3] =	stream.linear.gather [hbm4b:s8+s3], $0x400, $0x38;
	v63 =	vld [tilespmem:$0x0]  }
0xb6: {  	_ =	swait.ge [sflag:s12], $0x400  }
0xb7: {  	[sflag:s12] =	ssyncset.done $0x0  }
0xb8: {  	[sflag:s12] =	ssyncadd.s32 $0xFFFFFC00  }
0xb9: {  	[tilespmem:s15], [sflag:$0x1] =	stream.indirect.gather [hbm4b:s4+s14], $0x80, s3, s14, $0xb8;
	v63 =	vld [tilespmem:$0x0]  }
0xba: {  	_ = 	snop  }
0xbb: {  	[tilespmem:s17], [sflag:$0x2] =	stream.indirect.gather [hbm4b:s4+s14], $0x80, s16, s14, $0xb8;
	v63 =	vld [tilespmem:$0x0]  }
0xbc: {  	_ =	swait.ge [sflag:s18], $0x3000  }
0xbd: {  	[sflag:s18] =	ssyncset.done $0x0  }
0xbe: {  	[sflag:s18] =	ssyncadd.s32 $0xFFFFD000  }
0xbf: {  	[spmem:s2] =	stream.indirect.scatter.add.s32 [tilespmem:s15], [sflag:$0x3], $0x80, s13, s14, $0xb8;
	v63 =	vld [tilespmem:$0x0]  }
0xc0: {  	_ =	swait.ge [sflag:s12], $0x3000  }
0xc1: {  	[sflag:s12] =	ssyncset.done $0x0  }
0xc2: {  	[sflag:s12] =	ssyncadd.s32 $0xFFFFD000  }
0xc3: {  	[tilespmem:s15], [sflag:$0x1] =	stream.indirect.gather [hbm4b:s4+s14], $0x80, s19, s14, $0xb8;
	v63 =	vld [tilespmem:$0x0]  }
0xc4: {  	_ =	swait.ge [sflag:s20], $0x3000  }
0xc5: {  	[sflag:s20] =	ssyncset.done $0x0  }
0xc6: {  	[sflag:s20] =	ssyncadd.s32 $0xFFFFD000  }
0xc7: {  	[spmem:s2] =	stream.indirect.scatter.add.s32 [tilespmem:s17], [sflag:$0x3], $0x80, s21, s14, $0xb8;
	v63 =	vld [tilespmem:$0x0]  }
0xc8: {  	_ =	swait.ge [sflag:s12], $0x3000  }
0xc9: {  	[sflag:s12] =	ssyncset.done $0x0  }
0xca: {  	[sflag:s12] =	ssyncadd.s32 $0xFFFFD000  }
0xcb: {  	[tilespmem:s17], [sflag:$0x2] =	stream.indirect.gather [hbm4b:s4+s14], $0x80, s22, s14, $0xb8;
	v63 =	vld [tilespmem:$0x0]  }
0xcc: {  	_ =	swait.ge [sflag:s18], $0x3000  }
0xcd: {  	[sflag:s18] =	ssyncset.done $0x0  }
0xce: {  	[sflag:s18] =	ssyncadd.s32 $0xFFFFD000  }
0xcf: {  	[spmem:s2] =	stream.indirect.scatter.add.s32 [tilespmem:s15], [sflag:$0x3], $0x80, s23, s14, $0xb8;
	v63 =	vld [tilespmem:$0x0]  }
0xd0: {  	_ =	swait.ge [sflag:s12], $0x3000  }
0xd1: {  	[sflag:s12] =	ssyncset.done $0x0  }
0xd2: {  	[sflag:s12] =	ssyncadd.s32 $0xFFFFD000  }
0xd3: {  	[tilespmem:s15], [sflag:$0x1] =	stream.indirect.gather [hbm4b:s4+s14], $0x80, s24, s14, $0xb8;
	v63 =	vld [tilespmem:$0x0]  }
0xd4: {  	_ =	swait.ge [sflag:s20], $0x3000  }
0xd5: {  	[sflag:s20] =	ssyncset.done $0x0  }
0xd6: {  	[sflag:s20] =	ssyncadd.s32 $0xFFFFD000  }
0xd7: {  	[spmem:s2] =	stream.indirect.scatter.add.s32 [tilespmem:s17], [sflag:$0x3], $0x80, s25, s14, $0xb8;
	v63 =	vld [tilespmem:$0x0]  }
0xd8: {  	_ =	swait.ge [sflag:s12], $0x3000  }
0xd9: {  	[sflag:s12] =	ssyncset.done $0x0  }
0xda: {  	[sflag:s12] =	ssyncadd.s32 $0xFFFFD000  }
0xdb: {  	[tilespmem:s17], [sflag:$0x2] =	stream.indirect.gather [hbm4b:s4+s14], $0x80, s26, s14, $0xb8;
	v63 =	vld [tilespmem:$0x0]  }
0xdc: {  	_ =	swait.ge [sflag:s18], $0x3000  }
0xdd: {  	[sflag:s18] =	ssyncset.done $0x0  }
0xde: {  	[sflag:s18] =	ssyncadd.s32 $0xFFFFD000  }
0xdf: {  	[spmem:s2] =	stream.indirect.scatter.add.s32 [tilespmem:s15], [sflag:$0x3], $0x80, s28, s14, $0xb8;
	v63 =	vld [tilespmem:$0x0]  }
0xe0: {  	_ =	swait.ge [sflag:s12], $0x3000  }
0xe1: {  	[sflag:s12] =	ssyncset.done $0x0  }
0xe2: {  	[sflag:s12] =	ssyncadd.s32 $0xFFFFD000  }
0xe3: {  	[tilespmem:s15], [sflag:$0x1] =	stream.indirect.gather [hbm4b:s4+s14], $0x80, s29, s14, $0xb8;
	v63 =	vld [tilespmem:$0x0]  }
0xe4: {  	_ =	swait.ge [sflag:s20], $0x3000  }
0xe5: {  	[sflag:s20] =	ssyncset.done $0x0  }
0xe6: {  	[sflag:s20] =	ssyncadd.s32 $0xFFFFD000  }
0xe7: {  	[spmem:s2] =	stream.indirect.scatter.add.s32 [tilespmem:s17], [sflag:$0x3], $0x80, s30, s14, $0xb8;
	v63 =	vld [tilespmem:$0x0]  }
0xe8: {  	_ =	swait.ge [sflag:s12], $0x3000  }
0xe9: {  	[sflag:s12] =	ssyncset.done $0x0  }
0xea: {  	[sflag:s12] =	ssyncadd.s32 $0xFFFFD000  }
0xeb: {  	[tilespmem:s17], [sflag:$0x2] =	stream.indirect.gather [hbm4b:s4+s14], $0x80, s31, s14, $0xb8;
	v63 =	vld [tilespmem:$0x0]  }
0xec: {  	_ =	swait.ge [sflag:s18], $0x3000  }
0xed: {  	[sflag:s18] =	ssyncset.done $0x0  }
0xee: {  	[sflag:s18] =	ssyncadd.s32 $0xFFFFD000  }
0xef: {  	[spmem:s2] =	stream.indirect.scatter.add.s32 [tilespmem:s15], [sflag:$0x3], $0x80, s1, s14, $0xb8;
	v63 =	vld [tilespmem:$0x0]  }
0xf0: {  	_ =	swait.ge [sflag:s12], $0x3000  }
0xf1: {  	[sflag:s12] =	ssyncset.done $0x0  }
0xf2: {  	[sflag:s12] =	ssyncadd.s32 $0xFFFFD000  }
0xf3: {  	_ =	swait.ge [sflag:s20], $0x3000  }
0xf4: {  	[sflag:s20] =	ssyncset.done $0x0  }
0xf5: {  	[sflag:s20] =	ssyncadd.s32 $0xFFFFD000  }
0xf6: {  	[spmem:s2] =	stream.indirect.scatter.add.s32 [tilespmem:s17], [sflag:$0x3], $0x80, s0, s14, $0xb8;
	v63 =	vld [tilespmem:$0x0]  }
0xf7: {  	_ =	swait.ge [sflag:s12], $0x3000  }
0xf8: {  	[sflag:s12] =	ssyncset.done $0x0  }
0xf9: {  	[sflag:s12] =	ssyncadd.s32 $0xFFFFD000  }
0xfa: {  	[bflag:$0x0] =	sbarrier.arrive $0xFFFF  }
0xfb: {  	s8 =	rddreg [dreg:$0x4]  }
0xfc: {  	s11 =	rddreg [dreg:$0x5]  }
0xfd: {  	s6 =	rddreg [dreg:$0x7]  }
0xfe: {  	[hbm:s11], [sflag:s8] =	dma.local [spmem:s6], $0x3300  }
0xff: {  	_ =	swait.ge [sflag:s12], $0x3300  }
0x100: {  	s5 =	rddreg [dreg:$0x8]  }
0x101: {  	s11 =	rddreg [dreg:$0x6];
	s7 =	sadd.s32 $0x1, s5  }
0x102: {  	p0 =	sne.s32 s7, s11  }
.Ltmp1:
0x103: {  	_ = 	snop;
	(pc) =	sbr.rel @p0 .LBB2_1-.Ltmp1, $3  }
0x104: {  	_ =	sdelay $0x1  }
0x105: {  	[sflag:s12] =	ssyncset.done $0x0  }
0x106: {  	[sflag:s12] =	ssyncadd.s32 $0xFFFFCD00  }
0x107: {  	_ =	sfence.sel $0x180000  }
0x108: {  	[bflag:$0x0] =	sbarrier.arrive $0xFFFF  }
0x109: {  	_ =	strace $0x90000053  }
0x10a: {  	s0 =	stileid.u32;
	[bflag:$0x2] =	sbarrier.arrive $0xFFFF  }
0x10b: {  	p0 =	sne.s32 s0, $0x0;
	s0 =	rddreg [dreg:$0x2]  }
0x10c: {  	s0 =	sadd.s32 @!p0 $0x100000, s0  }
0x10d: {  	[sflag:s0] =	ssyncadd.tile.s32 @!p0 $0x1;
	_ =	shalt  }
.Lfunc_end2:
_tile_overlayer_lowered:
.L_overlay_start_2:
0x10e: {  	(tag) =	ssettag $0x2  }
0x10f: {  	s0 =	rddreg [dreg:$0x0];
	s2 =	stileid.u32  }
0x110: {  	s1 =	rddreg [dreg:$0x1];
	p0 =	sne.s32 s2, $0x0  }
0x111: {  	s3 =	rddreg [dreg:$0x2];
	[bflag:$0x3] =	sbarrier.arrive $0xFFFF;
	s2 =	simm.s32 @!p0 $0x1C03  }
0x112: {  	[timem:s3], [sflag:s2] =	dma.local @!p0 [hbm:s0], s1  }
0x113: {  	s0 =	simm.s32 @!p0 $0x3  }
0x114: {  	_ =	swait.ge @!p0 [sflag:s0], s1  }
0x115: {  	s1 =	ssub.s32 @!p0 $0x0, s1;
	[sflag:s0] =	ssyncset.done @!p0 $0x0  }
0x116: {  	[sflag:s0] =	ssyncadd.s32 @!p0 s1  }
0x117: {  	[bflag:$0x3] =	sbarrier.arrive $0xFFFF  }
0x118: {  	_ =	shalt  }

</sc_bundles>
